<compile_context>
chip_gen: v7x
topology: tpu7x:2x2x1
jax: 0.10.2.dev20260603
libtpu: 0.0.44.dev20260713+nightly
codegen_flags: <defaults>
</compile_context>

<pallas_src>
import functools

import jax
import jax.numpy as jnp
from jax import lax
from jax.experimental import pallas as pl
from jax.experimental.pallas import tpu as pltpu
from jax.experimental.pallas import tpu_sc as plsc

TOPK = 32
EPS = 1e-7
NC, NS, L = 2, 16, 16
NW = NC * NS
NBINS = 256
HPAD = 17
HSIZE = NBINS * HPAD


@functools.lru_cache(maxsize=None)
def _build(B, T, nsc):
    assert nsc % NW == 0 and T % (L * 8) == 0
    rpw = nsc // NW
    n_vecs = T // L
    mesh = plsc.VectorSubcoreMesh(core_axis_name="c", subcore_axis_name="s")

    @functools.partial(
        pl.kernel,
        out_type=jax.ShapeDtypeStruct((B, T), jnp.float32),
        mesh=mesh,
        compiler_params=pltpu.CompilerParams(
            needs_layout_passes=False, skip_device_barrier=True),
        scratch_types=[
            pltpu.VMEM((2 * T,), jnp.float32),
            pltpu.VMEM((HSIZE,), jnp.int32),
            pltpu.VMEM((NBINS,), jnp.int32),
            pltpu.VMEM((3 * L,), jnp.int32),
            pltpu.SemaphoreType.DMA((2,)),
            pltpu.SemaphoreType.DMA((2,)),
        ],
    )
    def sc_kernel(x_hbm, o_hbm, row2_v, hist_v, tot_v, tmp_v, isem, osem):
        wid = lax.axis_index("s") * NC + lax.axis_index("c")
        base_row = wid * rpw
        lanes = lax.iota(jnp.int32, L)
        ones = jnp.full((L,), 1, jnp.int32)

        pltpu.make_async_copy(x_hbm.at[base_row], row2_v.at[pl.ds(0, T)],
                              isem.at[0]).start()

        def do_row(r, _):
            p = r & 1
            q = 1 - p
            rv = row2_v.at[pl.ds(p * T, T)]
            qv = row2_v.at[pl.ds(q * T, T)]
            pltpu.make_async_copy(x_hbm.at[base_row + r], rv,
                                  isem.at[p]).wait()

            shifts = (23, 15, 7, 0)
            widths = (8, 8, 8, 7)
            path_v = jnp.zeros((L,), jnp.int32)
            kk = jnp.full((L,), TOPK, jnp.int32)
            pmask = 0
            for lvl in range(4):
                shift = shifts[lvl]
                fmask = (1 << widths[lvl]) - 1

                @plsc.parallel_loop(0, HSIZE // L, step=1, unroll=8)
                def _(i):
                    hist_v[pl.ds(i * L, L)] = jnp.zeros((L,), jnp.int32)

                pb = path_v
                pm = pmask

                if lvl == 0:
                    @plsc.parallel_loop(0, n_vecs, step=1, unroll=16)
                    def _(i):
                        b = plsc.bitcast(rv[pl.ds(i * L, L)], jnp.int32)
                        idx = (b >> shift) * HPAD + lanes
                        plsc.addupdate_scatter(hist_v, [idx], ones)
                else:
                    @plsc.parallel_loop(0, n_vecs, step=1, unroll=16)
                    def _(i):
                        b = plsc.bitcast(rv[pl.ds(i * L, L)], jnp.int32)
                        ok = (b & pm) == pb
                        idx = ((b >> shift) & fmask) * HPAD + lanes
                        plsc.addupdate_scatter(hist_v, [idx], ones, mask=ok)

                @plsc.parallel_loop(0, NBINS // L, step=1, unroll=4)
                def _(bv):
                    base = bv * L
                    acc = jnp.zeros((L,), jnp.int32)
                    for lane in range(L):
                        gidx = (base + lanes) * HPAD + lane
                        acc = acc + plsc.load_gather(hist_v, [gidx])
                    tot_v[pl.ds(base, L)] = acc

                g = jnp.zeros((L,), jnp.int32)
                for i in range(L):
                    g = g + plsc.load_gather(tot_v, [lanes * L + i])
                pre_g = plsc.cumsum(g)
                tmp_v[pl.ds(0, L)] = pre_g
                total = plsc.load_gather(
                    tmp_v, [jnp.full((L,), L - 1, jnp.int32)])
                sg = total - pre_g + g
                gsel = plsc.all_reduce_population_count(sg >= kk) - 1
                tmp_v[pl.ds(L, L)] = sg
                tmp_v[pl.ds(2 * L, L)] = g
                sat_g = plsc.load_gather(tmp_v, [gsel + L])
                g_at = plsc.load_gather(tmp_v, [gsel + 2 * L])
                above = sat_g - g_at
                tvec = plsc.load_gather(tot_v, [gsel * L + lanes])
                pre_t = plsc.cumsum(tvec)
                st = above + g_at - pre_t + tvec
                lstar = plsc.all_reduce_population_count(st >= kk) - 1
                bstar = gsel * L + lstar
                tmp_v[pl.ds(0, L)] = st
                s_at = plsc.load_gather(tmp_v, [lstar])
                c_at = plsc.load_gather(tot_v, [bstar])
                kk = kk - (s_at - c_at)
                path_v = path_v | (bstar << shift)
                pmask = pmask | (fmask << shift)

            delta_v = plsc.bitcast(path_v, jnp.float32) + EPS

            @pl.when(r >= 1)
            def _():
                pltpu.make_async_copy(qv,
                                      o_hbm.at[base_row + r - 1],
                                      osem.at[q]).wait()

            @pl.when(r + 1 < rpw)
            def _():
                pltpu.make_async_copy(x_hbm.at[base_row + r + 1],
                                      qv, isem.at[q]).start()

            @plsc.parallel_loop(0, n_vecs, step=1, unroll=16,
                                carry=jnp.zeros((L,), jnp.float32))
            def acc(i, a):
                x = rv[pl.ds(i * L, L)]
                return a + jnp.maximum(x - delta_v, 0.0)

            s_v = jnp.full((L,), jnp.sum(acc) + EPS, jnp.float32)
            rs = jnp.full((L,), 1.0, jnp.float32) / s_v

            @plsc.parallel_loop(0, n_vecs, step=1, unroll=16)
            def _(i):
                x = rv[pl.ds(i * L, L)]
                rv[pl.ds(i * L, L)] = jnp.maximum(x - delta_v, 0.0) * rs

            pltpu.make_async_copy(rv, o_hbm.at[base_row + r],
                                  osem.at[p]).start()
            return 0

        lax.fori_loop(0, rpw, do_row, 0, unroll=False)
        lp = (rpw - 1) & 1
        pltpu.make_async_copy(row2_v.at[pl.ds(lp * T, T)],
                              o_hbm.at[base_row + rpw - 1],
                              osem.at[lp]).wait()

    return sc_kernel


@functools.lru_cache(maxsize=None)
def _build_tc(B, T, row0, nrows):
    bs = 8
    assert nrows % bs == 0

    def body(x_ref, o_ref):
        x = x_ref[...]
        b = lax.bitcast_convert_type(x, jnp.int32)

        def it(i, lo):
            cand = lo | (jnp.int32(1) << (29 - i))
            cnt = jnp.sum(jnp.where(b >= cand, 1, 0), axis=1, keepdims=True)
            return jnp.where(cnt >= TOPK, cand, lo)

        lo = lax.fori_loop(0, 30, it, jnp.zeros((bs, 1), jnp.int32))
        delta = lax.bitcast_convert_type(lo, jnp.float32) + EPS
        w = jnp.maximum(x - delta, 0.0)
        s = jnp.sum(w, axis=1, keepdims=True) + EPS
        o_ref[...] = w / s

    return pl.pallas_call(
        body,
        grid=(nrows // bs,),
        in_specs=[pl.BlockSpec((bs, T), lambda i: (row0 // bs + i, 0))],
        out_specs=pl.BlockSpec((bs, T), lambda i: (i, 0)),
        out_shape=jax.ShapeDtypeStruct((nrows, T), jnp.float32),
    )


SC_ROWS = 96


def kernel(attn_s):
    B, T = attn_s.shape
    if T <= TOPK:
        return attn_s
    nsc = SC_ROWS if B == 128 else B - (B % NW)
    if nsc <= 0:
        return _build_tc(B, T, 0, B)(attn_s)
    sc_out = _build(B, T, nsc)(attn_s)
    if nsc == B:
        return sc_out
    tc_out = _build_tc(B, T, nsc, B - nsc)(attn_s)
    return lax.dynamic_update_slice(sc_out, tc_out, (nsc, 0))

# --- scband reference (transcript-rebuilt; emitter-appended) ---
"""Pipeline reference for scband-sparse-attention-25357486916379 (READ-ONLY COPY).

The authoritative reference and input builder live on the scoring server;
editing this copy changes nothing except your own understanding.
"""

import jax, jax.numpy as jnp
import numpy as np

TOP_K = 32

def setup_inputs(seed: int = 0) -> dict:
    key = jax.random.key(seed)
    attn_s = jax.random.uniform(key, (128, 32768), dtype=jnp.float32)
    return {"attn_s": attn_s}

def reference(attn_s):
    eps = 1e-07
    batch_size, time_step = attn_s.shape
    if time_step <= TOP_K:
        return attn_s
    topk_vals, _ = jax.lax.top_k(attn_s, TOP_K)
    delta = topk_vals[:, -1] + eps
    attn_w = attn_s - jnp.reshape(delta, (batch_size, 1))
    attn_w = jnp.clip(attn_w, 0.0, None)
    attn_w_sum = jnp.sum(attn_w, axis=1) + eps
    attn_w_normalize = attn_w / jnp.reshape(attn_w_sum, (batch_size, 1))
    return attn_w_normalize

if __name__ == "__main__":
    import jax
    _d = setup_inputs()
    print(jax.jit(kernel)(*tuple(_d.values())))

</pallas_src>

<mosaic_0001>
#map = affine_map<(d0, d1) -> (0, 0)>
module attributes {stable_mosaic.version = 14 : i64} {
  func.func @sc_kernel(%arg0: i32, %arg1: i32, %arg2: memref<128x32768xf32, #tpu.memory_space<hbm>>, %arg3: memref<128x32768xf32, #tpu.memory_space<hbm>>, %arg4: memref<65536xf32, #tpu.memory_space<vmem>>, %arg5: memref<4352xi32, #tpu.memory_space<vmem>>, %arg6: memref<256xi32, #tpu.memory_space<vmem>>, %arg7: memref<48xi32, #tpu.memory_space<vmem>>, %arg8: memref<2x!tpu.dma_semaphore, #tpu.memory_space<semaphore_mem>>, %arg9: memref<2x!tpu.dma_semaphore, #tpu.memory_space<semaphore_mem>>) attributes {dimension_semantics = [#tpu.dimension_semantics<core_parallel>, #tpu.dimension_semantics<subcore_parallel>], iteration_bounds = array<i64: 2, 16>, scalar_prefetch = 0 : i64, scratch_operands = 6 : i64, tpu.core_type = #tpu.core_type<sc_vector_subcore>, window_params = [{transform_indices = #map}, {transform_indices = #map}]} {
    %mul3A = arith.constant 2 : i32
    %mul3A_0 = arith.muli %arg1, %mul3A : i32
    %add3A = arith.addi %mul3A_0, %arg0 : i32
    %mul3A_1 = arith.constant 3 : i32
    %mul3A_2 = arith.muli %add3A, %mul3A_1 : i32
    %iota3A = tpu.iota {dimensions = array<i32: 0>} : vector<16xi32>
    %broadcast_in_dim3A = arith.constant 1 : i32
    %broadcast_in_dim3A_3 = vector.broadcast %broadcast_in_dim3A : i32 to vector<16xi32>
    %dma_start3A = arith.constant 0 : i32
    %dma_start3A_4 = arith.constant 0 : i32
    %dma_start3A_5 = tpu.memref_slice %arg4[%dma_start3A_4] : memref<65536xf32, #tpu.memory_space<vmem>> -> memref<32768xf32, #tpu.memory_space<vmem>>
    %dma_start3A_6 = arith.constant 0 : i32
    %dma_start3A_7 = tpu.memref_slice %arg2[%mul3A_2, %dma_start3A_6] : memref<128x32768xf32, #tpu.memory_space<hbm>> -> memref<1x32768xf32, #tpu.memory_space<hbm>>
    %dma_start3A_8 = tpu.memref_squeeze %dma_start3A_7 : memref<1x32768xf32, #tpu.memory_space<hbm>> -> memref<32768xf32, #tpu.memory_space<hbm>>
    %dma_start3A_9 = tpu.memref_slice %arg8[%dma_start3A] : memref<2x!tpu.dma_semaphore, #tpu.memory_space<semaphore_mem>> -> memref<1x!tpu.dma_semaphore, #tpu.memory_space<semaphore_mem>>
    %dma_start3A_10 = tpu.memref_squeeze %dma_start3A_9 : memref<1x!tpu.dma_semaphore, #tpu.memory_space<semaphore_mem>> -> memref<!tpu.dma_semaphore, #tpu.memory_space<semaphore_mem>>
    %dma_start3A_11 = arith.constant 0 : i32
    %dma_start3A_12 = tpu.memref_slice %arg4[%dma_start3A_11] : memref<65536xf32, #tpu.memory_space<vmem>> -> memref<32768xf32, #tpu.memory_space<vmem>>
    %dma_start3A_13 = arith.constant 0 : i32
    %dma_start3A_14 = tpu.memref_slice %arg2[%mul3A_2, %dma_start3A_13] : memref<128x32768xf32, #tpu.memory_space<hbm>> -> memref<1x32768xf32, #tpu.memory_space<hbm>>
    %dma_start3A_15 = tpu.memref_squeeze %dma_start3A_14 : memref<1x32768xf32, #tpu.memory_space<hbm>> -> memref<32768xf32, #tpu.memory_space<hbm>>
    tpu.enqueue_dma source(%dma_start3A_15 : memref<32768xf32, #tpu.memory_space<hbm>>) target(%dma_start3A_12 : memref<32768xf32, #tpu.memory_space<vmem>>) target_semaphore(%dma_start3A_10 : memref<!tpu.dma_semaphore, #tpu.memory_space<semaphore_mem>>)
    %scan3A = arith.constant 0 : i32
    %scan3A_16 = arith.constant 0 : i32
    %scan3A_17 = arith.constant 3 : i32
    %scan3A_18 = arith.addi %scan3A_16, %scan3A_17 : i32
    %scan3A_19 = arith.constant 1 : i32
    %scan3A_20 = scf.for %scan3A_37 = %scan3A_16 to %scan3A_18 step %scan3A_19 iter_args(%scan3A_38 = %scan3A) -> (i32)  : i32 {
      %and3A = arith.constant 1 : i32
      %and3A_39 = arith.andi %scan3A_37, %and3A : i32
      %sub3A_40 = arith.constant 1 : i32
      %sub3A_41 = arith.subi %sub3A_40, %and3A_39 : i32
      %mul3A_42 = arith.constant 32768 : i32
      %mul3A_43 = arith.muli %and3A_39, %mul3A_42 : i32
      %mul3A_44 = arith.constant 32768 : i32
      %mul3A_45 = arith.muli %sub3A_41, %mul3A_44 : i32
      %add3A_46 = arith.addi %mul3A_2, %scan3A_37 : i32
      %dma_wait3A_47 = tpu.memref_slice %arg4[%mul3A_43] : memref<65536xf32, #tpu.memory_space<vmem>> -> memref<32768xf32, #tpu.memory_space<vmem>>
      %dma_wait3A_48 = arith.constant 0 : i32
      %dma_wait3A_49 = tpu.memref_slice %arg2[%add3A_46, %dma_wait3A_48] : memref<128x32768xf32, #tpu.memory_space<hbm>> -> memref<1x32768xf32, #tpu.memory_space<hbm>>
      %dma_wait3A_50 = tpu.memref_squeeze %dma_wait3A_49 : memref<1x32768xf32, #tpu.memory_space<hbm>> -> memref<32768xf32, #tpu.memory_space<hbm>>
      %dma_wait3A_51 = tpu.memref_slice %arg8[%and3A_39] : memref<2x!tpu.dma_semaphore, #tpu.memory_space<semaphore_mem>> -> memref<1x!tpu.dma_semaphore, #tpu.memory_space<semaphore_mem>>
      %dma_wait3A_52 = tpu.memref_squeeze %dma_wait3A_51 : memref<1x!tpu.dma_semaphore, #tpu.memory_space<semaphore_mem>> -> memref<!tpu.dma_semaphore, #tpu.memory_space<semaphore_mem>>
      %dma_wait3A_53 = tpu.memref_slice %arg4[%mul3A_43] : memref<65536xf32, #tpu.memory_space<vmem>> -> memref<32768xf32, #tpu.memory_space<vmem>>
      %dma_wait3A_54 = arith.constant 0 : i32
      %dma_wait3A_55 = tpu.memref_slice %arg2[%add3A_46, %dma_wait3A_54] : memref<128x32768xf32, #tpu.memory_space<hbm>> -> memref<1x32768xf32, #tpu.memory_space<hbm>>
      %dma_wait3A_56 = tpu.memref_squeeze %dma_wait3A_55 : memref<1x32768xf32, #tpu.memory_space<hbm>> -> memref<32768xf32, #tpu.memory_space<hbm>>
      tpu.wait_dma2 semaphore(%dma_wait3A_52 : memref<!tpu.dma_semaphore, #tpu.memory_space<semaphore_mem>>) src(%dma_wait3A_56 : memref<32768xf32, #tpu.memory_space<hbm>>) dst(%dma_wait3A_53 : memref<32768xf32, #tpu.memory_space<vmem>>)
      %broadcast_in_dim3A_57 = arith.constant 0 : i32
      %broadcast_in_dim3A_58 = vector.broadcast %broadcast_in_dim3A_57 : i32 to vector<16xi32>
      %broadcast_in_dim3A_59 = arith.constant 32 : i32
      %broadcast_in_dim3A_60 = vector.broadcast %broadcast_in_dim3A_59 : i32 to vector<16xi32>
      %parallel_loop3A = arith.constant 0 : i32
      %parallel_loop3A_61 = arith.constant 272 : i32
      %parallel_loop3A_62 = arith.constant 1 : i32
      scf.for %parallel_loop3A_882 = %parallel_loop3A to %parallel_loop3A_61 step %parallel_loop3A_62  : i32 {
        %parallel_loop3A_883 = arith.constant 0 : i32
        %parallel_loop3A_884 = vector.broadcast %parallel_loop3A_883 : i32 to vector<16xi32>
        %parallel_loop3A_885 = arith.constant 16 : i32
        %parallel_loop3A_886 = arith.muli %parallel_loop3A_882, %parallel_loop3A_885 : i32
        %parallel_loop3A_887 = arith.index_cast %parallel_loop3A_886 : i32 to index
        %parallel_loop3A_888 = tpu.vector_load %arg5[%parallel_loop3A_887] {strides = array<i32>} : memref<4352xi32, #tpu.memory_space<vmem>>, vector<16xi32>,
        tpu.vector_store %arg5[%parallel_loop3A_887], %parallel_loop3A_884 {strides = array<i32>} : memref<4352xi32, #tpu.memory_space<vmem>>, vector<16xi32>,
      } {sc.loop_unroll_factor = 8 : i64, sc.parallel_access}
      %parallel_loop3A_63 = arith.constant 0 : i32
      %parallel_loop3A_64 = arith.constant 2048 : i32
      %parallel_loop3A_65 = arith.constant 1 : i32
      scf.for %parallel_loop3A_882 = %parallel_loop3A_63 to %parallel_loop3A_64 step %parallel_loop3A_65  : i32 {
        %parallel_loop3A_883 = arith.constant 16 : i32
        %parallel_loop3A_884 = arith.muli %parallel_loop3A_882, %parallel_loop3A_883 : i32
        %parallel_loop3A_885 = tpu.memref_slice %arg4[%mul3A_43] : memref<65536xf32, #tpu.memory_space<vmem>> -> memref<32768xf32, #tpu.memory_space<vmem>>
        %parallel_loop3A_886 = arith.index_cast %parallel_loop3A_884 : i32 to index
        %parallel_loop3A_887 = tpu.vector_load %parallel_loop3A_885[%parallel_loop3A_886] {strides = array<i32>} : memref<32768xf32, #tpu.memory_space<vmem>>, vector<16xf32>,
        %parallel_loop3A_888 = vector.bitcast %parallel_loop3A_887 : vector<16xf32> to vector<16xi32>
        %parallel_loop3A_889 = arith.constant 23 : i32
        %parallel_loop3A_890 = vector.broadcast %parallel_loop3A_889 : i32 to vector<16xi32>
        %parallel_loop3A_891 = arith.shrsi %parallel_loop3A_888, %parallel_loop3A_890 : vector<16xi32>
        %parallel_loop3A_892 = arith.constant 17 : i32
        %parallel_loop3A_893 = vector.broadcast %parallel_loop3A_892 : i32 to vector<16xi32>
        %parallel_loop3A_894 = arith.muli %parallel_loop3A_891, %parallel_loop3A_893 : vector<16xi32>
        %parallel_loop3A_895 = arith.addi %parallel_loop3A_894, %iota3A : vector<16xi32>
        tpu.vector_store_idx %arg5[%parallel_loop3A_895], %broadcast_in_dim3A_3 {add = true} : memref<4352xi32, #tpu.memory_space<vmem>>[vector<16xi32>], vector<16xi32>,
      } {sc.loop_unroll_factor = 16 : i64, sc.parallel_access}
      %parallel_loop3A_66 = arith.constant 0 : i32
      %parallel_loop3A_67 = arith.constant 16 : i32
      %parallel_loop3A_68 = arith.constant 1 : i32
      scf.for %parallel_loop3A_882 = %parallel_loop3A_66 to %parallel_loop3A_67 step %parallel_loop3A_68  : i32 {
        %parallel_loop3A_883 = arith.constant 16 : i32
        %parallel_loop3A_884 = arith.muli %parallel_loop3A_882, %parallel_loop3A_883 : i32
        %parallel_loop3A_885 = arith.constant 0 : i32
        %parallel_loop3A_886 = vector.broadcast %parallel_loop3A_885 : i32 to vector<16xi32>
        %parallel_loop3A_887 = vector.broadcast %parallel_loop3A_884 : i32 to vector<16xi32>
        %parallel_loop3A_888 = arith.addi %parallel_loop3A_887, %iota3A : vector<16xi32>
        %parallel_loop3A_889 = arith.constant 17 : i32
        %parallel_loop3A_890 = vector.broadcast %parallel_loop3A_889 : i32 to vector<16xi32>
        %parallel_loop3A_891 = arith.muli %parallel_loop3A_888, %parallel_loop3A_890 : vector<16xi32>
        %parallel_loop3A_892 = arith.constant 0 : i32
        %parallel_loop3A_893 = vector.broadcast %parallel_loop3A_892 : i32 to vector<16xi32>
        %parallel_loop3A_894 = arith.addi %parallel_loop3A_891, %parallel_loop3A_893 : vector<16xi32>
        %parallel_loop3A_895 = tpu.vector_load_idx %arg5[%parallel_loop3A_894] : memref<4352xi32, #tpu.memory_space<vmem>>[vector<16xi32>], vector<16xi32>,
        %parallel_loop3A_896 = arith.addi %parallel_loop3A_886, %parallel_loop3A_895 : vector<16xi32>
        %parallel_loop3A_897 = vector.broadcast %parallel_loop3A_884 : i32 to vector<16xi32>
        %parallel_loop3A_898 = arith.addi %parallel_loop3A_897, %iota3A : vector<16xi32>
        %parallel_loop3A_899 = arith.constant 17 : i32
        %parallel_loop3A_900 = vector.broadcast %parallel_loop3A_899 : i32 to vector<16xi32>
        %parallel_loop3A_901 = arith.muli %parallel_loop3A_898, %parallel_loop3A_900 : vector<16xi32>
        %parallel_loop3A_902 = arith.constant 1 : i32
        %parallel_loop3A_903 = vector.broadcast %parallel_loop3A_902 : i32 to vector<16xi32>
        %parallel_loop3A_904 = arith.addi %parallel_loop3A_901, %parallel_loop3A_903 : vector<16xi32>
        %parallel_loop3A_905 = tpu.vector_load_idx %arg5[%parallel_loop3A_904] : memref<4352xi32, #tpu.memory_space<vmem>>[vector<16xi32>], vector<16xi32>,
        %parallel_loop3A_906 = arith.addi %parallel_loop3A_896, %parallel_loop3A_905 : vector<16xi32>
        %parallel_loop3A_907 = vector.broadcast %parallel_loop3A_884 : i32 to vector<16xi32>
        %parallel_loop3A_908 = arith.addi %parallel_loop3A_907, %iota3A : vector<16xi32>
        %parallel_loop3A_909 = arith.constant 17 : i32
        %parallel_loop3A_910 = vector.broadcast %parallel_loop3A_909 : i32 to vector<16xi32>
        %parallel_loop3A_911 = arith.muli %parallel_loop3A_908, %parallel_loop3A_910 : vector<16xi32>
        %parallel_loop3A_912 = arith.constant 2 : i32
        %parallel_loop3A_913 = vector.broadcast %parallel_loop3A_912 : i32 to vector<16xi32>
        %parallel_loop3A_914 = arith.addi %parallel_loop3A_911, %parallel_loop3A_913 : vector<16xi32>
        %parallel_loop3A_915 = tpu.vector_load_idx %arg5[%parallel_loop3A_914] : memref<4352xi32, #tpu.memory_space<vmem>>[vector<16xi32>], vector<16xi32>,
        %parallel_loop3A_916 = arith.addi %parallel_loop3A_906, %parallel_loop3A_915 : vector<16xi32>
        %parallel_loop3A_917 = vector.broadcast %parallel_loop3A_884 : i32 to vector<16xi32>
        %parallel_loop3A_918 = arith.addi %parallel_loop3A_917, %iota3A : vector<16xi32>
        %parallel_loop3A_919 = arith.constant 17 : i32
        %parallel_loop3A_920 = vector.broadcast %parallel_loop3A_919 : i32 to vector<16xi32>
        %parallel_loop3A_921 = arith.muli %parallel_loop3A_918, %parallel_loop3A_920 : vector<16xi32>
        %parallel_loop3A_922 = arith.constant 3 : i32
        %parallel_loop3A_923 = vector.broadcast %parallel_loop3A_922 : i32 to vector<16xi32>
        %parallel_loop3A_924 = arith.addi %parallel_loop3A_921, %parallel_loop3A_923 : vector<16xi32>
        %parallel_loop3A_925 = tpu.vector_load_idx %arg5[%parallel_loop3A_924] : memref<4352xi32, #tpu.memory_space<vmem>>[vector<16xi32>], vector<16xi32>,
        %parallel_loop3A_926 = arith.addi %parallel_loop3A_916, %parallel_loop3A_925 : vector<16xi32>
        %parallel_loop3A_927 = vector.broadcast %parallel_loop3A_884 : i32 to vector<16xi32>
        %parallel_loop3A_928 = arith.addi %parallel_loop3A_927, %iota3A : vector<16xi32>
        %parallel_loop3A_929 = arith.constant 17 : i32
        %parallel_loop3A_930 = vector.broadcast %parallel_loop3A_929 : i32 to vector<16xi32>
        %parallel_loop3A_931 = arith.muli %parallel_loop3A_928, %parallel_loop3A_930 : vector<16xi32>
        %parallel_loop3A_932 = arith.constant 4 : i32
        %parallel_loop3A_933 = vector.broadcast %parallel_loop3A_932 : i32 to vector<16xi32>
        %parallel_loop3A_934 = arith.addi %parallel_loop3A_931, %parallel_loop3A_933 : vector<16xi32>
        %parallel_loop3A_935 = tpu.vector_load_idx %arg5[%parallel_loop3A_934] : memref<4352xi32, #tpu.memory_space<vmem>>[vector<16xi32>], vector<16xi32>,
        %parallel_loop3A_936 = arith.addi %parallel_loop3A_926, %parallel_loop3A_935 : vector<16xi32>
        %parallel_loop3A_937 = vector.broadcast %parallel_loop3A_884 : i32 to vector<16xi32>
        %parallel_loop3A_938 = arith.addi %parallel_loop3A_937, %iota3A : vector<16xi32>
        %parallel_loop3A_939 = arith.constant 17 : i32
        %parallel_loop3A_940 = vector.broadcast %parallel_loop3A_939 : i32 to vector<16xi32>
        %parallel_loop3A_941 = arith.muli %parallel_loop3A_938, %parallel_loop3A_940 : vector<16xi32>
        %parallel_loop3A_942 = arith.constant 5 : i32
        %parallel_loop3A_943 = vector.broadcast %parallel_loop3A_942 : i32 to vector<16xi32>
        %parallel_loop3A_944 = arith.addi %parallel_loop3A_941, %parallel_loop3A_943 : vector<16xi32>
        %parallel_loop3A_945 = tpu.vector_load_idx %arg5[%parallel_loop3A_944] : memref<4352xi32, #tpu.memory_space<vmem>>[vector<16xi32>], vector<16xi32>,
        %parallel_loop3A_946 = arith.addi %parallel_loop3A_936, %parallel_loop3A_945 : vector<16xi32>
        %parallel_loop3A_947 = vector.broadcast %parallel_loop3A_884 : i32 to vector<16xi32>
        %parallel_loop3A_948 = arith.addi %parallel_loop3A_947, %iota3A : vector<16xi32>
        %parallel_loop3A_949 = arith.constant 17 : i32
        %parallel_loop3A_950 = vector.broadcast %parallel_loop3A_949 : i32 to vector<16xi32>
        %parallel_loop3A_951 = arith.muli %parallel_loop3A_948, %parallel_loop3A_950 : vector<16xi32>
        %parallel_loop3A_952 = arith.constant 6 : i32
        %parallel_loop3A_953 = vector.broadcast %parallel_loop3A_952 : i32 to vector<16xi32>
        %parallel_loop3A_954 = arith.addi %parallel_loop3A_951, %parallel_loop3A_953 : vector<16xi32>
        %parallel_loop3A_955 = tpu.vector_load_idx %arg5[%parallel_loop3A_954] : memref<4352xi32, #tpu.memory_space<vmem>>[vector<16xi32>], vector<16xi32>,
        %parallel_loop3A_956 = arith.addi %parallel_loop3A_946, %parallel_loop3A_955 : vector<16xi32>
        %parallel_loop3A_957 = vector.broadcast %parallel_loop3A_884 : i32 to vector<16xi32>
        %parallel_loop3A_958 = arith.addi %parallel_loop3A_957, %iota3A : vector<16xi32>
        %parallel_loop3A_959 = arith.constant 17 : i32
        %parallel_loop3A_960 = vector.broadcast %parallel_loop3A_959 : i32 to vector<16xi32>
        %parallel_loop3A_961 = arith.muli %parallel_loop3A_958, %parallel_loop3A_960 : vector<16xi32>
        %parallel_loop3A_962 = arith.constant 7 : i32
        %parallel_loop3A_963 = vector.broadcast %parallel_loop3A_962 : i32 to vector<16xi32>
        %parallel_loop3A_964 = arith.addi %parallel_loop3A_961, %parallel_loop3A_963 : vector<16xi32>
        %parallel_loop3A_965 = tpu.vector_load_idx %arg5[%parallel_loop3A_964] : memref<4352xi32, #tpu.memory_space<vmem>>[vector<16xi32>], vector<16xi32>,
        %parallel_loop3A_966 = arith.addi %parallel_loop3A_956, %parallel_loop3A_965 : vector<16xi32>
        %parallel_loop3A_967 = vector.broadcast %parallel_loop3A_884 : i32 to vector<16xi32>
        %parallel_loop3A_968 = arith.addi %parallel_loop3A_967, %iota3A : vector<16xi32>
        %parallel_loop3A_969 = arith.constant 17 : i32
        %parallel_loop3A_970 = vector.broadcast %parallel_loop3A_969 : i32 to vector<16xi32>
        %parallel_loop3A_971 = arith.muli %parallel_loop3A_968, %parallel_loop3A_970 : vector<16xi32>
        %parallel_loop3A_972 = arith.constant 8 : i32
        %parallel_loop3A_973 = vector.broadcast %parallel_loop3A_972 : i32 to vector<16xi32>
        %parallel_loop3A_974 = arith.addi %parallel_loop3A_971, %parallel_loop3A_973 : vector<16xi32>
        %parallel_loop3A_975 = tpu.vector_load_idx %arg5[%parallel_loop3A_974] : memref<4352xi32, #tpu.memory_space<vmem>>[vector<16xi32>], vector<16xi32>,
        %parallel_loop3A_976 = arith.addi %parallel_loop3A_966, %parallel_loop3A_975 : vector<16xi32>
        %parallel_loop3A_977 = vector.broadcast %parallel_loop3A_884 : i32 to vector<16xi32>
        %parallel_loop3A_978 = arith.addi %parallel_loop3A_977, %iota3A : vector<16xi32>
        %parallel_loop3A_979 = arith.constant 17 : i32
        %parallel_loop3A_980 = vector.broadcast %parallel_loop3A_979 : i32 to vector<16xi32>
        %parallel_loop3A_981 = arith.muli %parallel_loop3A_978, %parallel_loop3A_980 : vector<16xi32>
        %parallel_loop3A_982 = arith.constant 9 : i32
        %parallel_loop3A_983 = vector.broadcast %parallel_loop3A_982 : i32 to vector<16xi32>
        %parallel_loop3A_984 = arith.addi %parallel_loop3A_981, %parallel_loop3A_983 : vector<16xi32>
        %parallel_loop3A_985 = tpu.vector_load_idx %arg5[%parallel_loop3A_984] : memref<4352xi32, #tpu.memory_space<vmem>>[vector<16xi32>], vector<16xi32>,
        %parallel_loop3A_986 = arith.addi %parallel_loop3A_976, %parallel_loop3A_985 : vector<16xi32>
        %parallel_loop3A_987 = vector.broadcast %parallel_loop3A_884 : i32 to vector<16xi32>
        %parallel_loop3A_988 = arith.addi %parallel_loop3A_987, %iota3A : vector<16xi32>
        %parallel_loop3A_989 = arith.constant 17 : i32
        %parallel_loop3A_990 = vector.broadcast %parallel_loop3A_989 : i32 to vector<16xi32>
        %parallel_loop3A_991 = arith.muli %parallel_loop3A_988, %parallel_loop3A_990 : vector<16xi32>
        %parallel_loop3A_992 = arith.constant 10 : i32
        %parallel_loop3A_993 = vector.broadcast %parallel_loop3A_992 : i32 to vector<16xi32>
        %parallel_loop3A_994 = arith.addi %parallel_loop3A_991, %parallel_loop3A_993 : vector<16xi32>
        %parallel_loop3A_995 = tpu.vector_load_idx %arg5[%parallel_loop3A_994] : memref<4352xi32, #tpu.memory_space<vmem>>[vector<16xi32>], vector<16xi32>,
        %parallel_loop3A_996 = arith.addi %parallel_loop3A_986, %parallel_loop3A_995 : vector<16xi32>
        %parallel_loop3A_997 = vector.broadcast %parallel_loop3A_884 : i32 to vector<16xi32>
        %parallel_loop3A_998 = arith.addi %parallel_loop3A_997, %iota3A : vector<16xi32>
        %parallel_loop3A_999 = arith.constant 17 : i32
        %parallel_loop3A_1000 = vector.broadcast %parallel_loop3A_999 : i32 to vector<16xi32>
        %parallel_loop3A_1001 = arith.muli %parallel_loop3A_998, %parallel_loop3A_1000 : vector<16xi32>
        %parallel_loop3A_1002 = arith.constant 11 : i32
        %parallel_loop3A_1003 = vector.broadcast %parallel_loop3A_1002 : i32 to vector<16xi32>
        %parallel_loop3A_1004 = arith.addi %parallel_loop3A_1001, %parallel_loop3A_1003 : vector<16xi32>
        %parallel_loop3A_1005 = tpu.vector_load_idx %arg5[%parallel_loop3A_1004] : memref<4352xi32, #tpu.memory_space<vmem>>[vector<16xi32>], vector<16xi32>,
        %parallel_loop3A_1006 = arith.addi %parallel_loop3A_996, %parallel_loop3A_1005 : vector<16xi32>
        %parallel_loop3A_1007 = vector.broadcast %parallel_loop3A_884 : i32 to vector<16xi32>
        %parallel_loop3A_1008 = arith.addi %parallel_loop3A_1007, %iota3A : vector<16xi32>
        %parallel_loop3A_1009 = arith.constant 17 : i32
        %parallel_loop3A_1010 = vector.broadcast %parallel_loop3A_1009 : i32 to vector<16xi32>
        %parallel_loop3A_1011 = arith.muli %parallel_loop3A_1008, %parallel_loop3A_1010 : vector<16xi32>
        %parallel_loop3A_1012 = arith.constant 12 : i32
        %parallel_loop3A_1013 = vector.broadcast %parallel_loop3A_1012 : i32 to vector<16xi32>
        %parallel_loop3A_1014 = arith.addi %parallel_loop3A_1011, %parallel_loop3A_1013 : vector<16xi32>
        %parallel_loop3A_1015 = tpu.vector_load_idx %arg5[%parallel_loop3A_1014] : memref<4352xi32, #tpu.memory_space<vmem>>[vector<16xi32>], vector<16xi32>,
        %parallel_loop3A_1016 = arith.addi %parallel_loop3A_1006, %parallel_loop3A_1015 : vector<16xi32>
        %parallel_loop3A_1017 = vector.broadcast %parallel_loop3A_884 : i32 to vector<16xi32>
        %parallel_loop3A_1018 = arith.addi %parallel_loop3A_1017, %iota3A : vector<16xi32>
        %parallel_loop3A_1019 = arith.constant 17 : i32
        %parallel_loop3A_1020 = vector.broadcast %parallel_loop3A_1019 : i32 to vector<16xi32>
        %parallel_loop3A_1021 = arith.muli %parallel_loop3A_1018, %parallel_loop3A_1020 : vector<16xi32>
        %parallel_loop3A_1022 = arith.constant 13 : i32
        %parallel_loop3A_1023 = vector.broadcast %parallel_loop3A_1022 : i32 to vector<16xi32>
        %parallel_loop3A_1024 = arith.addi %parallel_loop3A_1021, %parallel_loop3A_1023 : vector<16xi32>
        %parallel_loop3A_1025 = tpu.vector_load_idx %arg5[%parallel_loop3A_1024] : memref<4352xi32, #tpu.memory_space<vmem>>[vector<16xi32>], vector<16xi32>,
        %parallel_loop3A_1026 = arith.addi %parallel_loop3A_1016, %parallel_loop3A_1025 : vector<16xi32>
        %parallel_loop3A_1027 = vector.broadcast %parallel_loop3A_884 : i32 to vector<16xi32>
        %parallel_loop3A_1028 = arith.addi %parallel_loop3A_1027, %iota3A : vector<16xi32>
        %parallel_loop3A_1029 = arith.constant 17 : i32
        %parallel_loop3A_1030 = vector.broadcast %parallel_loop3A_1029 : i32 to vector<16xi32>
        %parallel_loop3A_1031 = arith.muli %parallel_loop3A_1028, %parallel_loop3A_1030 : vector<16xi32>
        %parallel_loop3A_1032 = arith.constant 14 : i32
        %parallel_loop3A_1033 = vector.broadcast %parallel_loop3A_1032 : i32 to vector<16xi32>
        %parallel_loop3A_1034 = arith.addi %parallel_loop3A_1031, %parallel_loop3A_1033 : vector<16xi32>
        %parallel_loop3A_1035 = tpu.vector_load_idx %arg5[%parallel_loop3A_1034] : memref<4352xi32, #tpu.memory_space<vmem>>[vector<16xi32>], vector<16xi32>,
        %parallel_loop3A_1036 = arith.addi %parallel_loop3A_1026, %parallel_loop3A_1035 : vector<16xi32>
        %parallel_loop3A_1037 = vector.broadcast %parallel_loop3A_884 : i32 to vector<16xi32>
        %parallel_loop3A_1038 = arith.addi %parallel_loop3A_1037, %iota3A : vector<16xi32>
        %parallel_loop3A_1039 = arith.constant 17 : i32
        %parallel_loop3A_1040 = vector.broadcast %parallel_loop3A_1039 : i32 to vector<16xi32>
        %parallel_loop3A_1041 = arith.muli %parallel_loop3A_1038, %parallel_loop3A_1040 : vector<16xi32>
        %parallel_loop3A_1042 = arith.constant 15 : i32
        %parallel_loop3A_1043 = vector.broadcast %parallel_loop3A_1042 : i32 to vector<16xi32>
        %parallel_loop3A_1044 = arith.addi %parallel_loop3A_1041, %parallel_loop3A_1043 : vector<16xi32>
        %parallel_loop3A_1045 = tpu.vector_load_idx %arg5[%parallel_loop3A_1044] : memref<4352xi32, #tpu.memory_space<vmem>>[vector<16xi32>], vector<16xi32>,
        %parallel_loop3A_1046 = arith.addi %parallel_loop3A_1036, %parallel_loop3A_1045 : vector<16xi32>
        %parallel_loop3A_1047 = arith.index_cast %parallel_loop3A_884 : i32 to index
        %parallel_loop3A_1048 = tpu.vector_load %arg6[%parallel_loop3A_1047] {strides = array<i32>} : memref<256xi32, #tpu.memory_space<vmem>>, vector<16xi32>,
        tpu.vector_store %arg6[%parallel_loop3A_1047], %parallel_loop3A_1046 {strides = array<i32>} : memref<256xi32, #tpu.memory_space<vmem>>, vector<16xi32>,
      } {sc.loop_unroll_factor = 4 : i64, sc.parallel_access}
      %broadcast_in_dim3A_69 = arith.constant 0 : i32
      %broadcast_in_dim3A_70 = vector.broadcast %broadcast_in_dim3A_69 : i32 to vector<16xi32>
      %mul3A_71 = arith.constant 16 : i32
      %mul3A_72 = vector.broadcast %mul3A_71 : i32 to vector<16xi32>
      %mul3A_73 = arith.muli %iota3A, %mul3A_72 : vector<16xi32>
      %add3A_74 = arith.constant 0 : i32
      %add3A_75 = vector.broadcast %add3A_74 : i32 to vector<16xi32>
      %add3A_76 = arith.addi %mul3A_73, %add3A_75 : vector<16xi32>
      %gather3A = tpu.vector_load_idx %arg6[%add3A_76] : memref<256xi32, #tpu.memory_space<vmem>>[vector<16xi32>], vector<16xi32>,
      %add3A_77 = arith.addi %broadcast_in_dim3A_70, %gather3A : vector<16xi32>
      %mul3A_78 = arith.constant 16 : i32
      %mul3A_79 = vector.broadcast %mul3A_78 : i32 to vector<16xi32>
      %mul3A_80 = arith.muli %iota3A, %mul3A_79 : vector<16xi32>
      %add3A_81 = arith.constant 1 : i32
      %add3A_82 = vector.broadcast %add3A_81 : i32 to vector<16xi32>
      %add3A_83 = arith.addi %mul3A_80, %add3A_82 : vector<16xi32>
      %gather3A_84 = tpu.vector_load_idx %arg6[%add3A_83] : memref<256xi32, #tpu.memory_space<vmem>>[vector<16xi32>], vector<16xi32>,
      %add3A_85 = arith.addi %add3A_77, %gather3A_84 : vector<16xi32>
      %mul3A_86 = arith.constant 16 : i32
      %mul3A_87 = vector.broadcast %mul3A_86 : i32 to vector<16xi32>
      %mul3A_88 = arith.muli %iota3A, %mul3A_87 : vector<16xi32>
      %add3A_89 = arith.constant 2 : i32
      %add3A_90 = vector.broadcast %add3A_89 : i32 to vector<16xi32>
      %add3A_91 = arith.addi %mul3A_88, %add3A_90 : vector<16xi32>
      %gather3A_92 = tpu.vector_load_idx %arg6[%add3A_91] : memref<256xi32, #tpu.memory_space<vmem>>[vector<16xi32>], vector<16xi32>,
      %add3A_93 = arith.addi %add3A_85, %gather3A_92 : vector<16xi32>
      %mul3A_94 = arith.constant 16 : i32
      %mul3A_95 = vector.broadcast %mul3A_94 : i32 to vector<16xi32>
      %mul3A_96 = arith.muli %iota3A, %mul3A_95 : vector<16xi32>
      %add3A_97 = arith.constant 3 : i32
      %add3A_98 = vector.broadcast %add3A_97 : i32 to vector<16xi32>
      %add3A_99 = arith.addi %mul3A_96, %add3A_98 : vector<16xi32>
      %gather3A_100 = tpu.vector_load_idx %arg6[%add3A_99] : memref<256xi32, #tpu.memory_space<vmem>>[vector<16xi32>], vector<16xi32>,
      %add3A_101 = arith.addi %add3A_93, %gather3A_100 : vector<16xi32>
      %mul3A_102 = arith.constant 16 : i32
      %mul3A_103 = vector.broadcast %mul3A_102 : i32 to vector<16xi32>
      %mul3A_104 = arith.muli %iota3A, %mul3A_103 : vector<16xi32>
      %add3A_105 = arith.constant 4 : i32
      %add3A_106 = vector.broadcast %add3A_105 : i32 to vector<16xi32>
      %add3A_107 = arith.addi %mul3A_104, %add3A_106 : vector<16xi32>
      %gather3A_108 = tpu.vector_load_idx %arg6[%add3A_107] : memref<256xi32, #tpu.memory_space<vmem>>[vector<16xi32>], vector<16xi32>,
      %add3A_109 = arith.addi %add3A_101, %gather3A_108 : vector<16xi32>
      %mul3A_110 = arith.constant 16 : i32
      %mul3A_111 = vector.broadcast %mul3A_110 : i32 to vector<16xi32>
      %mul3A_112 = arith.muli %iota3A, %mul3A_111 : vector<16xi32>
      %add3A_113 = arith.constant 5 : i32
      %add3A_114 = vector.broadcast %add3A_113 : i32 to vector<16xi32>
      %add3A_115 = arith.addi %mul3A_112, %add3A_114 : vector<16xi32>
      %gather3A_116 = tpu.vector_load_idx %arg6[%add3A_115] : memref<256xi32, #tpu.memory_space<vmem>>[vector<16xi32>], vector<16xi32>,
      %add3A_117 = arith.addi %add3A_109, %gather3A_116 : vector<16xi32>
      %mul3A_118 = arith.constant 16 : i32
      %mul3A_119 = vector.broadcast %mul3A_118 : i32 to vector<16xi32>
      %mul3A_120 = arith.muli %iota3A, %mul3A_119 : vector<16xi32>
      %add3A_121 = arith.constant 6 : i32
      %add3A_122 = vector.broadcast %add3A_121 : i32 to vector<16xi32>
      %add3A_123 = arith.addi %mul3A_120, %add3A_122 : vector<16xi32>
      %gather3A_124 = tpu.vector_load_idx %arg6[%add3A_123] : memref<256xi32, #tpu.memory_space<vmem>>[vector<16xi32>], vector<16xi32>,
      %add3A_125 = arith.addi %add3A_117, %gather3A_124 : vector<16xi32>
      %mul3A_126 = arith.constant 16 : i32
      %mul3A_127 = vector.broadcast %mul3A_126 : i32 to vector<16xi32>
      %mul3A_128 = arith.muli %iota3A, %mul3A_127 : vector<16xi32>
      %add3A_129 = arith.constant 7 : i32
      %add3A_130 = vector.broadcast %add3A_129 : i32 to vector<16xi32>
      %add3A_131 = arith.addi %mul3A_128, %add3A_130 : vector<16xi32>
      %gather3A_132 = tpu.vector_load_idx %arg6[%add3A_131] : memref<256xi32, #tpu.memory_space<vmem>>[vector<16xi32>], vector<16xi32>,
      %add3A_133 = arith.addi %add3A_125, %gather3A_132 : vector<16xi32>
      %mul3A_134 = arith.constant 16 : i32
      %mul3A_135 = vector.broadcast %mul3A_134 : i32 to vector<16xi32>
      %mul3A_136 = arith.muli %iota3A, %mul3A_135 : vector<16xi32>
      %add3A_137 = arith.constant 8 : i32
      %add3A_138 = vector.broadcast %add3A_137 : i32 to vector<16xi32>
      %add3A_139 = arith.addi %mul3A_136, %add3A_138 : vector<16xi32>
      %gather3A_140 = tpu.vector_load_idx %arg6[%add3A_139] : memref<256xi32, #tpu.memory_space<vmem>>[vector<16xi32>], vector<16xi32>,
      %add3A_141 = arith.addi %add3A_133, %gather3A_140 : vector<16xi32>
      %mul3A_142 = arith.constant 16 : i32
      %mul3A_143 = vector.broadcast %mul3A_142 : i32 to vector<16xi32>
      %mul3A_144 = arith.muli %iota3A, %mul3A_143 : vector<16xi32>
      %add3A_145 = arith.constant 9 : i32
      %add3A_146 = vector.broadcast %add3A_145 : i32 to vector<16xi32>
      %add3A_147 = arith.addi %mul3A_144, %add3A_146 : vector<16xi32>
      %gather3A_148 = tpu.vector_load_idx %arg6[%add3A_147] : memref<256xi32, #tpu.memory_space<vmem>>[vector<16xi32>], vector<16xi32>,
      %add3A_149 = arith.addi %add3A_141, %gather3A_148 : vector<16xi32>
      %mul3A_150 = arith.constant 16 : i32
      %mul3A_151 = vector.broadcast %mul3A_150 : i32 to vector<16xi32>
      %mul3A_152 = arith.muli %iota3A, %mul3A_151 : vector<16xi32>
      %add3A_153 = arith.constant 10 : i32
      %add3A_154 = vector.broadcast %add3A_153 : i32 to vector<16xi32>
      %add3A_155 = arith.addi %mul3A_152, %add3A_154 : vector<16xi32>
      %gather3A_156 = tpu.vector_load_idx %arg6[%add3A_155] : memref<256xi32, #tpu.memory_space<vmem>>[vector<16xi32>], vector<16xi32>,
      %add3A_157 = arith.addi %add3A_149, %gather3A_156 : vector<16xi32>
      %mul3A_158 = arith.constant 16 : i32
      %mul3A_159 = vector.broadcast %mul3A_158 : i32 to vector<16xi32>
      %mul3A_160 = arith.muli %iota3A, %mul3A_159 : vector<16xi32>
      %add3A_161 = arith.constant 11 : i32
      %add3A_162 = vector.broadcast %add3A_161 : i32 to vector<16xi32>
      %add3A_163 = arith.addi %mul3A_160, %add3A_162 : vector<16xi32>
      %gather3A_164 = tpu.vector_load_idx %arg6[%add3A_163] : memref<256xi32, #tpu.memory_space<vmem>>[vector<16xi32>], vector<16xi32>,
      %add3A_165 = arith.addi %add3A_157, %gather3A_164 : vector<16xi32>
      %mul3A_166 = arith.constant 16 : i32
      %mul3A_167 = vector.broadcast %mul3A_166 : i32 to vector<16xi32>
      %mul3A_168 = arith.muli %iota3A, %mul3A_167 : vector<16xi32>
      %add3A_169 = arith.constant 12 : i32
      %add3A_170 = vector.broadcast %add3A_169 : i32 to vector<16xi32>
      %add3A_171 = arith.addi %mul3A_168, %add3A_170 : vector<16xi32>
      %gather3A_172 = tpu.vector_load_idx %arg6[%add3A_171] : memref<256xi32, #tpu.memory_space<vmem>>[vector<16xi32>], vector<16xi32>,
      %add3A_173 = arith.addi %add3A_165, %gather3A_172 : vector<16xi32>
      %mul3A_174 = arith.constant 16 : i32
      %mul3A_175 = vector.broadcast %mul3A_174 : i32 to vector<16xi32>
      %mul3A_176 = arith.muli %iota3A, %mul3A_175 : vector<16xi32>
      %add3A_177 = arith.constant 13 : i32
      %add3A_178 = vector.broadcast %add3A_177 : i32 to vector<16xi32>
      %add3A_179 = arith.addi %mul3A_176, %add3A_178 : vector<16xi32>
      %gather3A_180 = tpu.vector_load_idx %arg6[%add3A_179] : memref<256xi32, #tpu.memory_space<vmem>>[vector<16xi32>], vector<16xi32>,
      %add3A_181 = arith.addi %add3A_173, %gather3A_180 : vector<16xi32>
      %mul3A_182 = arith.constant 16 : i32
      %mul3A_183 = vector.broadcast %mul3A_182 : i32 to vector<16xi32>
      %mul3A_184 = arith.muli %iota3A, %mul3A_183 : vector<16xi32>
      %add3A_185 = arith.constant 14 : i32
      %add3A_186 = vector.broadcast %add3A_185 : i32 to vector<16xi32>
      %add3A_187 = arith.addi %mul3A_184, %add3A_186 : vector<16xi32>
      %gather3A_188 = tpu.vector_load_idx %arg6[%add3A_187] : memref<256xi32, #tpu.memory_space<vmem>>[vector<16xi32>], vector<16xi32>,
      %add3A_189 = arith.addi %add3A_181, %gather3A_188 : vector<16xi32>
      %mul3A_190 = arith.constant 16 : i32
      %mul3A_191 = vector.broadcast %mul3A_190 : i32 to vector<16xi32>
      %mul3A_192 = arith.muli %iota3A, %mul3A_191 : vector<16xi32>
      %add3A_193 = arith.constant 15 : i32
      %add3A_194 = vector.broadcast %add3A_193 : i32 to vector<16xi32>
      %add3A_195 = arith.addi %mul3A_192, %add3A_194 : vector<16xi32>
      %gather3A_196 = tpu.vector_load_idx %arg6[%add3A_195] : memref<256xi32, #tpu.memory_space<vmem>>[vector<16xi32>], vector<16xi32>,
      %add3A_197 = arith.addi %add3A_189, %gather3A_196 : vector<16xi32>
      %broadcast_in_dim3A_198 = arith.constant true
      %broadcast_in_dim3A_199 = vector.broadcast %broadcast_in_dim3A_198 : i1 to vector<16xi1>
      %masked_cumsum3A = tpu.scan <sum>, %add3A_197 masked %broadcast_in_dim3A_199 : vector<16xi32>, vector<16xi1> -> vector<16xi32>
      %swap3A = arith.constant 0 : index
      %swap3A_200 = tpu.vector_load %arg7[%swap3A] {strides = array<i32>} : memref<48xi32, #tpu.memory_space<vmem>>, vector<16xi32>,
      tpu.vector_store %arg7[%swap3A], %masked_cumsum3A {strides = array<i32>} : memref<48xi32, #tpu.memory_space<vmem>>, vector<16xi32>,
      %broadcast_in_dim3A_201 = arith.constant 15 : i32
      %broadcast_in_dim3A_202 = vector.broadcast %broadcast_in_dim3A_201 : i32 to vector<16xi32>
      %gather3A_203 = tpu.vector_load_idx %arg7[%broadcast_in_dim3A_202] : memref<48xi32, #tpu.memory_space<vmem>>[vector<16xi32>], vector<16xi32>,
      %sub3A_204 = arith.subi %gather3A_203, %masked_cumsum3A : vector<16xi32>
      %add3A_205 = arith.addi %sub3A_204, %add3A_197 : vector<16xi32>
      %ge3A = arith.cmpi sge, %add3A_205, %broadcast_in_dim3A_60 : vector<16xi32>
      %all_reduce_population_count3A = tpu.all_reduce %ge3A {dim = 0 : i64, kind = #tpu.reduction_kind<sum>} : vector<16xi1> -> vector<16xi32>
      %sub3A_206 = arith.constant 1 : i32
      %sub3A_207 = vector.broadcast %sub3A_206 : i32 to vector<16xi32>
      %sub3A_208 = arith.subi %all_reduce_population_count3A, %sub3A_207 : vector<16xi32>
      %swap3A_209 = arith.constant 16 : index
      %swap3A_210 = tpu.vector_load %arg7[%swap3A_209] {strides = array<i32>} : memref<48xi32, #tpu.memory_space<vmem>>, vector<16xi32>,
      tpu.vector_store %arg7[%swap3A_209], %add3A_205 {strides = array<i32>} : memref<48xi32, #tpu.memory_space<vmem>>, vector<16xi32>,
      %swap3A_211 = arith.constant 32 : index
      %swap3A_212 = tpu.vector_load %arg7[%swap3A_211] {strides = array<i32>} : memref<48xi32, #tpu.memory_space<vmem>>, vector<16xi32>,
      tpu.vector_store %arg7[%swap3A_211], %add3A_197 {strides = array<i32>} : memref<48xi32, #tpu.memory_space<vmem>>, vector<16xi32>,
      %add3A_213 = arith.constant 16 : i32
      %add3A_214 = vector.broadcast %add3A_213 : i32 to vector<16xi32>
      %add3A_215 = arith.addi %sub3A_208, %add3A_214 : vector<16xi32>
      %gather3A_216 = tpu.vector_load_idx %arg7[%add3A_215] : memref<48xi32, #tpu.memory_space<vmem>>[vector<16xi32>], vector<16xi32>,
      %add3A_217 = arith.constant 32 : i32
      %add3A_218 = vector.broadcast %add3A_217 : i32 to vector<16xi32>
      %add3A_219 = arith.addi %sub3A_208, %add3A_218 : vector<16xi32>
      %gather3A_220 = tpu.vector_load_idx %arg7[%add3A_219] : memref<48xi32, #tpu.memory_space<vmem>>[vector<16xi32>], vector<16xi32>,
      %sub3A_221 = arith.subi %gather3A_216, %gather3A_220 : vector<16xi32>
      %mul3A_222 = arith.constant 16 : i32
      %mul3A_223 = vector.broadcast %mul3A_222 : i32 to vector<16xi32>
      %mul3A_224 = arith.muli %sub3A_208, %mul3A_223 : vector<16xi32>
      %add3A_225 = arith.addi %mul3A_224, %iota3A : vector<16xi32>
      %gather3A_226 = tpu.vector_load_idx %arg6[%add3A_225] : memref<256xi32, #tpu.memory_space<vmem>>[vector<16xi32>], vector<16xi32>,
      %broadcast_in_dim3A_227 = arith.constant true
      %broadcast_in_dim3A_228 = vector.broadcast %broadcast_in_dim3A_227 : i1 to vector<16xi1>
      %masked_cumsum3A_229 = tpu.scan <sum>, %gather3A_226 masked %broadcast_in_dim3A_228 : vector<16xi32>, vector<16xi1> -> vector<16xi32>
      %add3A_230 = arith.addi %sub3A_221, %gather3A_220 : vector<16xi32>
      %sub3A_231 = arith.subi %add3A_230, %masked_cumsum3A_229 : vector<16xi32>
      %add3A_232 = arith.addi %sub3A_231, %gather3A_226 : vector<16xi32>
      %ge3A_233 = arith.cmpi sge, %add3A_232, %broadcast_in_dim3A_60 : vector<16xi32>
      %all_reduce_population_count3A_234 = tpu.all_reduce %ge3A_233 {dim = 0 : i64, kind = #tpu.reduction_kind<sum>} : vector<16xi1> -> vector<16xi32>
      %sub3A_235 = arith.constant 1 : i32
      %sub3A_236 = vector.broadcast %sub3A_235 : i32 to vector<16xi32>
      %sub3A_237 = arith.subi %all_reduce_population_count3A_234, %sub3A_236 : vector<16xi32>
      %mul3A_238 = arith.constant 16 : i32
      %mul3A_239 = vector.broadcast %mul3A_238 : i32 to vector<16xi32>
      %mul3A_240 = arith.muli %sub3A_208, %mul3A_239 : vector<16xi32>
      %add3A_241 = arith.addi %mul3A_240, %sub3A_237 : vector<16xi32>
      %swap3A_242 = arith.constant 0 : index
      %swap3A_243 = tpu.vector_load %arg7[%swap3A_242] {strides = array<i32>} : memref<48xi32, #tpu.memory_space<vmem>>, vector<16xi32>,
      tpu.vector_store %arg7[%swap3A_242], %add3A_232 {strides = array<i32>} : memref<48xi32, #tpu.memory_space<vmem>>, vector<16xi32>,
      %gather3A_244 = tpu.vector_load_idx %arg7[%sub3A_237] : memref<48xi32, #tpu.memory_space<vmem>>[vector<16xi32>], vector<16xi32>,
      %gather3A_245 = tpu.vector_load_idx %arg6[%add3A_241] : memref<256xi32, #tpu.memory_space<vmem>>[vector<16xi32>], vector<16xi32>,
      %sub3A_246 = arith.subi %gather3A_244, %gather3A_245 : vector<16xi32>
      %sub3A_247 = arith.subi %broadcast_in_dim3A_60, %sub3A_246 : vector<16xi32>
      %shift_left3A = arith.constant 23 : i32
      %shift_left3A_248 = vector.broadcast %shift_left3A : i32 to vector<16xi32>
      %shift_left3A_249 = arith.shli %add3A_241, %shift_left3A_248 : vector<16xi32>
      %or3A = arith.ori %broadcast_in_dim3A_58, %shift_left3A_249 : vector<16xi32>
      %parallel_loop3A_250 = arith.constant 0 : i32
      %parallel_loop3A_251 = arith.constant 272 : i32
      %parallel_loop3A_252 = arith.constant 1 : i32
      scf.for %parallel_loop3A_882 = %parallel_loop3A_250 to %parallel_loop3A_251 step %parallel_loop3A_252  : i32 {
        %parallel_loop3A_883 = arith.constant 0 : i32
        %parallel_loop3A_884 = vector.broadcast %parallel_loop3A_883 : i32 to vector<16xi32>
        %parallel_loop3A_885 = arith.constant 16 : i32
        %parallel_loop3A_886 = arith.muli %parallel_loop3A_882, %parallel_loop3A_885 : i32
        %parallel_loop3A_887 = arith.index_cast %parallel_loop3A_886 : i32 to index
        %parallel_loop3A_888 = tpu.vector_load %arg5[%parallel_loop3A_887] {strides = array<i32>} : memref<4352xi32, #tpu.memory_space<vmem>>, vector<16xi32>,
        tpu.vector_store %arg5[%parallel_loop3A_887], %parallel_loop3A_884 {strides = array<i32>} : memref<4352xi32, #tpu.memory_space<vmem>>, vector<16xi32>,
      } {sc.loop_unroll_factor = 8 : i64, sc.parallel_access}
      %parallel_loop3A_253 = arith.constant 0 : i32
      %parallel_loop3A_254 = arith.constant 2048 : i32
      %parallel_loop3A_255 = arith.constant 1 : i32
      scf.for %parallel_loop3A_882 = %parallel_loop3A_253 to %parallel_loop3A_254 step %parallel_loop3A_255  : i32 {
        %parallel_loop3A_883 = arith.constant 16 : i32
        %parallel_loop3A_884 = arith.muli %parallel_loop3A_882, %parallel_loop3A_883 : i32
        %parallel_loop3A_885 = tpu.memref_slice %arg4[%mul3A_43] : memref<65536xf32, #tpu.memory_space<vmem>> -> memref<32768xf32, #tpu.memory_space<vmem>>
        %parallel_loop3A_886 = arith.index_cast %parallel_loop3A_884 : i32 to index
        %parallel_loop3A_887 = tpu.vector_load %parallel_loop3A_885[%parallel_loop3A_886] {strides = array<i32>} : memref<32768xf32, #tpu.memory_space<vmem>>, vector<16xf32>,
        %parallel_loop3A_888 = vector.bitcast %parallel_loop3A_887 : vector<16xf32> to vector<16xi32>
        %parallel_loop3A_889 = arith.constant 2139095040 : i32
        %parallel_loop3A_890 = vector.broadcast %parallel_loop3A_889 : i32 to vector<16xi32>
        %parallel_loop3A_891 = arith.andi %parallel_loop3A_888, %parallel_loop3A_890 : vector<16xi32>
        %parallel_loop3A_892 = arith.cmpi eq, %parallel_loop3A_891, %or3A : vector<16xi32>
        %parallel_loop3A_893 = arith.constant 15 : i32
        %parallel_loop3A_894 = vector.broadcast %parallel_loop3A_893 : i32 to vector<16xi32>
        %parallel_loop3A_895 = arith.shrsi %parallel_loop3A_888, %parallel_loop3A_894 : vector<16xi32>
        %parallel_loop3A_896 = arith.constant 255 : i32
        %parallel_loop3A_897 = vector.broadcast %parallel_loop3A_896 : i32 to vector<16xi32>
        %parallel_loop3A_898 = arith.andi %parallel_loop3A_895, %parallel_loop3A_897 : vector<16xi32>
        %parallel_loop3A_899 = arith.constant 17 : i32
        %parallel_loop3A_900 = vector.broadcast %parallel_loop3A_899 : i32 to vector<16xi32>
        %parallel_loop3A_901 = arith.muli %parallel_loop3A_898, %parallel_loop3A_900 : vector<16xi32>
        %parallel_loop3A_902 = arith.addi %parallel_loop3A_901, %iota3A : vector<16xi32>
        tpu.vector_store_idx %arg5[%parallel_loop3A_902], %broadcast_in_dim3A_3 masked %parallel_loop3A_892 {add = true} : memref<4352xi32, #tpu.memory_space<vmem>>[vector<16xi32>], vector<16xi32>, vector<16xi1>
      } {sc.loop_unroll_factor = 16 : i64, sc.parallel_access}
      %parallel_loop3A_256 = arith.constant 0 : i32
      %parallel_loop3A_257 = arith.constant 16 : i32
      %parallel_loop3A_258 = arith.constant 1 : i32
      scf.for %parallel_loop3A_882 = %parallel_loop3A_256 to %parallel_loop3A_257 step %parallel_loop3A_258  : i32 {
        %parallel_loop3A_883 = arith.constant 16 : i32
        %parallel_loop3A_884 = arith.muli %parallel_loop3A_882, %parallel_loop3A_883 : i32
        %parallel_loop3A_885 = arith.constant 0 : i32
        %parallel_loop3A_886 = vector.broadcast %parallel_loop3A_885 : i32 to vector<16xi32>
        %parallel_loop3A_887 = vector.broadcast %parallel_loop3A_884 : i32 to vector<16xi32>
        %parallel_loop3A_888 = arith.addi %parallel_loop3A_887, %iota3A : vector<16xi32>
        %parallel_loop3A_889 = arith.constant 17 : i32
        %parallel_loop3A_890 = vector.broadcast %parallel_loop3A_889 : i32 to vector<16xi32>
        %parallel_loop3A_891 = arith.muli %parallel_loop3A_888, %parallel_loop3A_890 : vector<16xi32>
        %parallel_loop3A_892 = arith.constant 0 : i32
        %parallel_loop3A_893 = vector.broadcast %parallel_loop3A_892 : i32 to vector<16xi32>
        %parallel_loop3A_894 = arith.addi %parallel_loop3A_891, %parallel_loop3A_893 : vector<16xi32>
        %parallel_loop3A_895 = tpu.vector_load_idx %arg5[%parallel_loop3A_894] : memref<4352xi32, #tpu.memory_space<vmem>>[vector<16xi32>], vector<16xi32>,
        %parallel_loop3A_896 = arith.addi %parallel_loop3A_886, %parallel_loop3A_895 : vector<16xi32>
        %parallel_loop3A_897 = vector.broadcast %parallel_loop3A_884 : i32 to vector<16xi32>
        %parallel_loop3A_898 = arith.addi %parallel_loop3A_897, %iota3A : vector<16xi32>
        %parallel_loop3A_899 = arith.constant 17 : i32
        %parallel_loop3A_900 = vector.broadcast %parallel_loop3A_899 : i32 to vector<16xi32>
        %parallel_loop3A_901 = arith.muli %parallel_loop3A_898, %parallel_loop3A_900 : vector<16xi32>
        %parallel_loop3A_902 = arith.constant 1 : i32
        %parallel_loop3A_903 = vector.broadcast %parallel_loop3A_902 : i32 to vector<16xi32>
        %parallel_loop3A_904 = arith.addi %parallel_loop3A_901, %parallel_loop3A_903 : vector<16xi32>
        %parallel_loop3A_905 = tpu.vector_load_idx %arg5[%parallel_loop3A_904] : memref<4352xi32, #tpu.memory_space<vmem>>[vector<16xi32>], vector<16xi32>,
        %parallel_loop3A_906 = arith.addi %parallel_loop3A_896, %parallel_loop3A_905 : vector<16xi32>
        %parallel_loop3A_907 = vector.broadcast %parallel_loop3A_884 : i32 to vector<16xi32>
        %parallel_loop3A_908 = arith.addi %parallel_loop3A_907, %iota3A : vector<16xi32>
        %parallel_loop3A_909 = arith.constant 17 : i32
        %parallel_loop3A_910 = vector.broadcast %parallel_loop3A_909 : i32 to vector<16xi32>
        %parallel_loop3A_911 = arith.muli %parallel_loop3A_908, %parallel_loop3A_910 : vector<16xi32>
        %parallel_loop3A_912 = arith.constant 2 : i32
        %parallel_loop3A_913 = vector.broadcast %parallel_loop3A_912 : i32 to vector<16xi32>
        %parallel_loop3A_914 = arith.addi %parallel_loop3A_911, %parallel_loop3A_913 : vector<16xi32>
        %parallel_loop3A_915 = tpu.vector_load_idx %arg5[%parallel_loop3A_914] : memref<4352xi32, #tpu.memory_space<vmem>>[vector<16xi32>], vector<16xi32>,
        %parallel_loop3A_916 = arith.addi %parallel_loop3A_906, %parallel_loop3A_915 : vector<16xi32>
        %parallel_loop3A_917 = vector.broadcast %parallel_loop3A_884 : i32 to vector<16xi32>
        %parallel_loop3A_918 = arith.addi %parallel_loop3A_917, %iota3A : vector<16xi32>
        %parallel_loop3A_919 = arith.constant 17 : i32
        %parallel_loop3A_920 = vector.broadcast %parallel_loop3A_919 : i32 to vector<16xi32>
        %parallel_loop3A_921 = arith.muli %parallel_loop3A_918, %parallel_loop3A_920 : vector<16xi32>
        %parallel_loop3A_922 = arith.constant 3 : i32
        %parallel_loop3A_923 = vector.broadcast %parallel_loop3A_922 : i32 to vector<16xi32>
        %parallel_loop3A_924 = arith.addi %parallel_loop3A_921, %parallel_loop3A_923 : vector<16xi32>
        %parallel_loop3A_925 = tpu.vector_load_idx %arg5[%parallel_loop3A_924] : memref<4352xi32, #tpu.memory_space<vmem>>[vector<16xi32>], vector<16xi32>,
        %parallel_loop3A_926 = arith.addi %parallel_loop3A_916, %parallel_loop3A_925 : vector<16xi32>
        %parallel_loop3A_927 = vector.broadcast %parallel_loop3A_884 : i32 to vector<16xi32>
        %parallel_loop3A_928 = arith.addi %parallel_loop3A_927, %iota3A : vector<16xi32>
        %parallel_loop3A_929 = arith.constant 17 : i32
        %parallel_loop3A_930 = vector.broadcast %parallel_loop3A_929 : i32 to vector<16xi32>
        %parallel_loop3A_931 = arith.muli %parallel_loop3A_928, %parallel_loop3A_930 : vector<16xi32>
        %parallel_loop3A_932 = arith.constant 4 : i32
        %parallel_loop3A_933 = vector.broadcast %parallel_loop3A_932 : i32 to vector<16xi32>
        %parallel_loop3A_934 = arith.addi %parallel_loop3A_931, %parallel_loop3A_933 : vector<16xi32>
        %parallel_loop3A_935 = tpu.vector_load_idx %arg5[%parallel_loop3A_934] : memref<4352xi32, #tpu.memory_space<vmem>>[vector<16xi32>], vector<16xi32>,
        %parallel_loop3A_936 = arith.addi %parallel_loop3A_926, %parallel_loop3A_935 : vector<16xi32>
        %parallel_loop3A_937 = vector.broadcast %parallel_loop3A_884 : i32 to vector<16xi32>
        %parallel_loop3A_938 = arith.addi %parallel_loop3A_937, %iota3A : vector<16xi32>
        %parallel_loop3A_939 = arith.constant 17 : i32
        %parallel_loop3A_940 = vector.broadcast %parallel_loop3A_939 : i32 to vector<16xi32>
        %parallel_loop3A_941 = arith.muli %parallel_loop3A_938, %parallel_loop3A_940 : vector<16xi32>
        %parallel_loop3A_942 = arith.constant 5 : i32
        %parallel_loop3A_943 = vector.broadcast %parallel_loop3A_942 : i32 to vector<16xi32>
        %parallel_loop3A_944 = arith.addi %parallel_loop3A_941, %parallel_loop3A_943 : vector<16xi32>
        %parallel_loop3A_945 = tpu.vector_load_idx %arg5[%parallel_loop3A_944] : memref<4352xi32, #tpu.memory_space<vmem>>[vector<16xi32>], vector<16xi32>,
        %parallel_loop3A_946 = arith.addi %parallel_loop3A_936, %parallel_loop3A_945 : vector<16xi32>
        %parallel_loop3A_947 = vector.broadcast %parallel_loop3A_884 : i32 to vector<16xi32>
        %parallel_loop3A_948 = arith.addi %parallel_loop3A_947, %iota3A : vector<16xi32>
        %parallel_loop3A_949 = arith.constant 17 : i32
        %parallel_loop3A_950 = vector.broadcast %parallel_loop3A_949 : i32 to vector<16xi32>
        %parallel_loop3A_951 = arith.muli %parallel_loop3A_948, %parallel_loop3A_950 : vector<16xi32>
        %parallel_loop3A_952 = arith.constant 6 : i32
        %parallel_loop3A_953 = vector.broadcast %parallel_loop3A_952 : i32 to vector<16xi32>
        %parallel_loop3A_954 = arith.addi %parallel_loop3A_951, %parallel_loop3A_953 : vector<16xi32>
        %parallel_loop3A_955 = tpu.vector_load_idx %arg5[%parallel_loop3A_954] : memref<4352xi32, #tpu.memory_space<vmem>>[vector<16xi32>], vector<16xi32>,
        %parallel_loop3A_956 = arith.addi %parallel_loop3A_946, %parallel_loop3A_955 : vector<16xi32>
        %parallel_loop3A_957 = vector.broadcast %parallel_loop3A_884 : i32 to vector<16xi32>
        %parallel_loop3A_958 = arith.addi %parallel_loop3A_957, %iota3A : vector<16xi32>
        %parallel_loop3A_959 = arith.constant 17 : i32
        %parallel_loop3A_960 = vector.broadcast %parallel_loop3A_959 : i32 to vector<16xi32>
        %parallel_loop3A_961 = arith.muli %parallel_loop3A_958, %parallel_loop3A_960 : vector<16xi32>
        %parallel_loop3A_962 = arith.constant 7 : i32
        %parallel_loop3A_963 = vector.broadcast %parallel_loop3A_962 : i32 to vector<16xi32>
        %parallel_loop3A_964 = arith.addi %parallel_loop3A_961, %parallel_loop3A_963 : vector<16xi32>
        %parallel_loop3A_965 = tpu.vector_load_idx %arg5[%parallel_loop3A_964] : memref<4352xi32, #tpu.memory_space<vmem>>[vector<16xi32>], vector<16xi32>,
        %parallel_loop3A_966 = arith.addi %parallel_loop3A_956, %parallel_loop3A_965 : vector<16xi32>
        %parallel_loop3A_967 = vector.broadcast %parallel_loop3A_884 : i32 to vector<16xi32>
        %parallel_loop3A_968 = arith.addi %parallel_loop3A_967, %iota3A : vector<16xi32>
        %parallel_loop3A_969 = arith.constant 17 : i32
        %parallel_loop3A_970 = vector.broadcast %parallel_loop3A_969 : i32 to vector<16xi32>
        %parallel_loop3A_971 = arith.muli %parallel_loop3A_968, %parallel_loop3A_970 : vector<16xi32>
        %parallel_loop3A_972 = arith.constant 8 : i32
        %parallel_loop3A_973 = vector.broadcast %parallel_loop3A_972 : i32 to vector<16xi32>
        %parallel_loop3A_974 = arith.addi %parallel_loop3A_971, %parallel_loop3A_973 : vector<16xi32>
        %parallel_loop3A_975 = tpu.vector_load_idx %arg5[%parallel_loop3A_974] : memref<4352xi32, #tpu.memory_space<vmem>>[vector<16xi32>], vector<16xi32>,
        %parallel_loop3A_976 = arith.addi %parallel_loop3A_966, %parallel_loop3A_975 : vector<16xi32>
        %parallel_loop3A_977 = vector.broadcast %parallel_loop3A_884 : i32 to vector<16xi32>
        %parallel_loop3A_978 = arith.addi %parallel_loop3A_977, %iota3A : vector<16xi32>
        %parallel_loop3A_979 = arith.constant 17 : i32
        %parallel_loop3A_980 = vector.broadcast %parallel_loop3A_979 : i32 to vector<16xi32>
        %parallel_loop3A_981 = arith.muli %parallel_loop3A_978, %parallel_loop3A_980 : vector<16xi32>
        %parallel_loop3A_982 = arith.constant 9 : i32
        %parallel_loop3A_983 = vector.broadcast %parallel_loop3A_982 : i32 to vector<16xi32>
        %parallel_loop3A_984 = arith.addi %parallel_loop3A_981, %parallel_loop3A_983 : vector<16xi32>
        %parallel_loop3A_985 = tpu.vector_load_idx %arg5[%parallel_loop3A_984] : memref<4352xi32, #tpu.memory_space<vmem>>[vector<16xi32>], vector<16xi32>,
        %parallel_loop3A_986 = arith.addi %parallel_loop3A_976, %parallel_loop3A_985 : vector<16xi32>
        %parallel_loop3A_987 = vector.broadcast %parallel_loop3A_884 : i32 to vector<16xi32>
        %parallel_loop3A_988 = arith.addi %parallel_loop3A_987, %iota3A : vector<16xi32>
        %parallel_loop3A_989 = arith.constant 17 : i32
        %parallel_loop3A_990 = vector.broadcast %parallel_loop3A_989 : i32 to vector<16xi32>
        %parallel_loop3A_991 = arith.muli %parallel_loop3A_988, %parallel_loop3A_990 : vector<16xi32>
        %parallel_loop3A_992 = arith.constant 10 : i32
        %parallel_loop3A_993 = vector.broadcast %parallel_loop3A_992 : i32 to vector<16xi32>
        %parallel_loop3A_994 = arith.addi %parallel_loop3A_991, %parallel_loop3A_993 : vector<16xi32>
        %parallel_loop3A_995 = tpu.vector_load_idx %arg5[%parallel_loop3A_994] : memref<4352xi32, #tpu.memory_space<vmem>>[vector<16xi32>], vector<16xi32>,
        %parallel_loop3A_996 = arith.addi %parallel_loop3A_986, %parallel_loop3A_995 : vector<16xi32>
        %parallel_loop3A_997 = vector.broadcast %parallel_loop3A_884 : i32 to vector<16xi32>
        %parallel_loop3A_998 = arith.addi %parallel_loop3A_997, %iota3A : vector<16xi32>
        %parallel_loop3A_999 = arith.constant 17 : i32
        %parallel_loop3A_1000 = vector.broadcast %parallel_loop3A_999 : i32 to vector<16xi32>
        %parallel_loop3A_1001 = arith.muli %parallel_loop3A_998, %parallel_loop3A_1000 : vector<16xi32>
        %parallel_loop3A_1002 = arith.constant 11 : i32
        %parallel_loop3A_1003 = vector.broadcast %parallel_loop3A_1002 : i32 to vector<16xi32>
        %parallel_loop3A_1004 = arith.addi %parallel_loop3A_1001, %parallel_loop3A_1003 : vector<16xi32>
        %parallel_loop3A_1005 = tpu.vector_load_idx %arg5[%parallel_loop3A_1004] : memref<4352xi32, #tpu.memory_space<vmem>>[vector<16xi32>], vector<16xi32>,
        %parallel_loop3A_1006 = arith.addi %parallel_loop3A_996, %parallel_loop3A_1005 : vector<16xi32>
        %parallel_loop3A_1007 = vector.broadcast %parallel_loop3A_884 : i32 to vector<16xi32>
        %parallel_loop3A_1008 = arith.addi %parallel_loop3A_1007, %iota3A : vector<16xi32>
        %parallel_loop3A_1009 = arith.constant 17 : i32
        %parallel_loop3A_1010 = vector.broadcast %parallel_loop3A_1009 : i32 to vector<16xi32>
        %parallel_loop3A_1011 = arith.muli %parallel_loop3A_1008, %parallel_loop3A_1010 : vector<16xi32>
        %parallel_loop3A_1012 = arith.constant 12 : i32
        %parallel_loop3A_1013 = vector.broadcast %parallel_loop3A_1012 : i32 to vector<16xi32>
        %parallel_loop3A_1014 = arith.addi %parallel_loop3A_1011, %parallel_loop3A_1013 : vector<16xi32>
        %parallel_loop3A_1015 = tpu.vector_load_idx %arg5[%parallel_loop3A_1014] : memref<4352xi32, #tpu.memory_space<vmem>>[vector<16xi32>], vector<16xi32>,
        %parallel_loop3A_1016 = arith.addi %parallel_loop3A_1006, %parallel_loop3A_1015 : vector<16xi32>
        %parallel_loop3A_1017 = vector.broadcast %parallel_loop3A_884 : i32 to vector<16xi32>
        %parallel_loop3A_1018 = arith.addi %parallel_loop3A_1017, %iota3A : vector<16xi32>
        %parallel_loop3A_1019 = arith.constant 17 : i32
        %parallel_loop3A_1020 = vector.broadcast %parallel_loop3A_1019 : i32 to vector<16xi32>
        %parallel_loop3A_1021 = arith.muli %parallel_loop3A_1018, %parallel_loop3A_1020 : vector<16xi32>
        %parallel_loop3A_1022 = arith.constant 13 : i32
        %parallel_loop3A_1023 = vector.broadcast %parallel_loop3A_1022 : i32 to vector<16xi32>
        %parallel_loop3A_1024 = arith.addi %parallel_loop3A_1021, %parallel_loop3A_1023 : vector<16xi32>
        %parallel_loop3A_1025 = tpu.vector_load_idx %arg5[%parallel_loop3A_1024] : memref<4352xi32, #tpu.memory_space<vmem>>[vector<16xi32>], vector<16xi32>,
        %parallel_loop3A_1026 = arith.addi %parallel_loop3A_1016, %parallel_loop3A_1025 : vector<16xi32>
        %parallel_loop3A_1027 = vector.broadcast %parallel_loop3A_884 : i32 to vector<16xi32>
        %parallel_loop3A_1028 = arith.addi %parallel_loop3A_1027, %iota3A : vector<16xi32>
        %parallel_loop3A_1029 = arith.constant 17 : i32
        %parallel_loop3A_1030 = vector.broadcast %parallel_loop3A_1029 : i32 to vector<16xi32>
        %parallel_loop3A_1031 = arith.muli %parallel_loop3A_1028, %parallel_loop3A_1030 : vector<16xi32>
        %parallel_loop3A_1032 = arith.constant 14 : i32
        %parallel_loop3A_1033 = vector.broadcast %parallel_loop3A_1032 : i32 to vector<16xi32>
        %parallel_loop3A_1034 = arith.addi %parallel_loop3A_1031, %parallel_loop3A_1033 : vector<16xi32>
        %parallel_loop3A_1035 = tpu.vector_load_idx %arg5[%parallel_loop3A_1034] : memref<4352xi32, #tpu.memory_space<vmem>>[vector<16xi32>], vector<16xi32>,
        %parallel_loop3A_1036 = arith.addi %parallel_loop3A_1026, %parallel_loop3A_1035 : vector<16xi32>
        %parallel_loop3A_1037 = vector.broadcast %parallel_loop3A_884 : i32 to vector<16xi32>
        %parallel_loop3A_1038 = arith.addi %parallel_loop3A_1037, %iota3A : vector<16xi32>
        %parallel_loop3A_1039 = arith.constant 17 : i32
        %parallel_loop3A_1040 = vector.broadcast %parallel_loop3A_1039 : i32 to vector<16xi32>
        %parallel_loop3A_1041 = arith.muli %parallel_loop3A_1038, %parallel_loop3A_1040 : vector<16xi32>
        %parallel_loop3A_1042 = arith.constant 15 : i32
        %parallel_loop3A_1043 = vector.broadcast %parallel_loop3A_1042 : i32 to vector<16xi32>
        %parallel_loop3A_1044 = arith.addi %parallel_loop3A_1041, %parallel_loop3A_1043 : vector<16xi32>
        %parallel_loop3A_1045 = tpu.vector_load_idx %arg5[%parallel_loop3A_1044] : memref<4352xi32, #tpu.memory_space<vmem>>[vector<16xi32>], vector<16xi32>,
        %parallel_loop3A_1046 = arith.addi %parallel_loop3A_1036, %parallel_loop3A_1045 : vector<16xi32>
        %parallel_loop3A_1047 = arith.index_cast %parallel_loop3A_884 : i32 to index
        %parallel_loop3A_1048 = tpu.vector_load %arg6[%parallel_loop3A_1047] {strides = array<i32>} : memref<256xi32, #tpu.memory_space<vmem>>, vector<16xi32>,
        tpu.vector_store %arg6[%parallel_loop3A_1047], %parallel_loop3A_1046 {strides = array<i32>} : memref<256xi32, #tpu.memory_space<vmem>>, vector<16xi32>,
      } {sc.loop_unroll_factor = 4 : i64, sc.parallel_access}
      %broadcast_in_dim3A_259 = arith.constant 0 : i32
      %broadcast_in_dim3A_260 = vector.broadcast %broadcast_in_dim3A_259 : i32 to vector<16xi32>
      %mul3A_261 = arith.constant 16 : i32
      %mul3A_262 = vector.broadcast %mul3A_261 : i32 to vector<16xi32>
      %mul3A_263 = arith.muli %iota3A, %mul3A_262 : vector<16xi32>
      %add3A_264 = arith.constant 0 : i32
      %add3A_265 = vector.broadcast %add3A_264 : i32 to vector<16xi32>
      %add3A_266 = arith.addi %mul3A_263, %add3A_265 : vector<16xi32>
      %gather3A_267 = tpu.vector_load_idx %arg6[%add3A_266] : memref<256xi32, #tpu.memory_space<vmem>>[vector<16xi32>], vector<16xi32>,
      %add3A_268 = arith.addi %broadcast_in_dim3A_260, %gather3A_267 : vector<16xi32>
      %mul3A_269 = arith.constant 16 : i32
      %mul3A_270 = vector.broadcast %mul3A_269 : i32 to vector<16xi32>
      %mul3A_271 = arith.muli %iota3A, %mul3A_270 : vector<16xi32>
      %add3A_272 = arith.constant 1 : i32
      %add3A_273 = vector.broadcast %add3A_272 : i32 to vector<16xi32>
      %add3A_274 = arith.addi %mul3A_271, %add3A_273 : vector<16xi32>
      %gather3A_275 = tpu.vector_load_idx %arg6[%add3A_274] : memref<256xi32, #tpu.memory_space<vmem>>[vector<16xi32>], vector<16xi32>,
      %add3A_276 = arith.addi %add3A_268, %gather3A_275 : vector<16xi32>
      %mul3A_277 = arith.constant 16 : i32
      %mul3A_278 = vector.broadcast %mul3A_277 : i32 to vector<16xi32>
      %mul3A_279 = arith.muli %iota3A, %mul3A_278 : vector<16xi32>
      %add3A_280 = arith.constant 2 : i32
      %add3A_281 = vector.broadcast %add3A_280 : i32 to vector<16xi32>
      %add3A_282 = arith.addi %mul3A_279, %add3A_281 : vector<16xi32>
      %gather3A_283 = tpu.vector_load_idx %arg6[%add3A_282] : memref<256xi32, #tpu.memory_space<vmem>>[vector<16xi32>], vector<16xi32>,
      %add3A_284 = arith.addi %add3A_276, %gather3A_283 : vector<16xi32>
      %mul3A_285 = arith.constant 16 : i32
      %mul3A_286 = vector.broadcast %mul3A_285 : i32 to vector<16xi32>
      %mul3A_287 = arith.muli %iota3A, %mul3A_286 : vector<16xi32>
      %add3A_288 = arith.constant 3 : i32
      %add3A_289 = vector.broadcast %add3A_288 : i32 to vector<16xi32>
      %add3A_290 = arith.addi %mul3A_287, %add3A_289 : vector<16xi32>
      %gather3A_291 = tpu.vector_load_idx %arg6[%add3A_290] : memref<256xi32, #tpu.memory_space<vmem>>[vector<16xi32>], vector<16xi32>,
      %add3A_292 = arith.addi %add3A_284, %gather3A_291 : vector<16xi32>
      %mul3A_293 = arith.constant 16 : i32
      %mul3A_294 = vector.broadcast %mul3A_293 : i32 to vector<16xi32>
      %mul3A_295 = arith.muli %iota3A, %mul3A_294 : vector<16xi32>
      %add3A_296 = arith.constant 4 : i32
      %add3A_297 = vector.broadcast %add3A_296 : i32 to vector<16xi32>
      %add3A_298 = arith.addi %mul3A_295, %add3A_297 : vector<16xi32>
      %gather3A_299 = tpu.vector_load_idx %arg6[%add3A_298] : memref<256xi32, #tpu.memory_space<vmem>>[vector<16xi32>], vector<16xi32>,
      %add3A_300 = arith.addi %add3A_292, %gather3A_299 : vector<16xi32>
      %mul3A_301 = arith.constant 16 : i32
      %mul3A_302 = vector.broadcast %mul3A_301 : i32 to vector<16xi32>
      %mul3A_303 = arith.muli %iota3A, %mul3A_302 : vector<16xi32>
      %add3A_304 = arith.constant 5 : i32
      %add3A_305 = vector.broadcast %add3A_304 : i32 to vector<16xi32>
      %add3A_306 = arith.addi %mul3A_303, %add3A_305 : vector<16xi32>
      %gather3A_307 = tpu.vector_load_idx %arg6[%add3A_306] : memref<256xi32, #tpu.memory_space<vmem>>[vector<16xi32>], vector<16xi32>,
      %add3A_308 = arith.addi %add3A_300, %gather3A_307 : vector<16xi32>
      %mul3A_309 = arith.constant 16 : i32
      %mul3A_310 = vector.broadcast %mul3A_309 : i32 to vector<16xi32>
      %mul3A_311 = arith.muli %iota3A, %mul3A_310 : vector<16xi32>
      %add3A_312 = arith.constant 6 : i32
      %add3A_313 = vector.broadcast %add3A_312 : i32 to vector<16xi32>
      %add3A_314 = arith.addi %mul3A_311, %add3A_313 : vector<16xi32>
      %gather3A_315 = tpu.vector_load_idx %arg6[%add3A_314] : memref<256xi32, #tpu.memory_space<vmem>>[vector<16xi32>], vector<16xi32>,
      %add3A_316 = arith.addi %add3A_308, %gather3A_315 : vector<16xi32>
      %mul3A_317 = arith.constant 16 : i32
      %mul3A_318 = vector.broadcast %mul3A_317 : i32 to vector<16xi32>
      %mul3A_319 = arith.muli %iota3A, %mul3A_318 : vector<16xi32>
      %add3A_320 = arith.constant 7 : i32
      %add3A_321 = vector.broadcast %add3A_320 : i32 to vector<16xi32>
      %add3A_322 = arith.addi %mul3A_319, %add3A_321 : vector<16xi32>
      %gather3A_323 = tpu.vector_load_idx %arg6[%add3A_322] : memref<256xi32, #tpu.memory_space<vmem>>[vector<16xi32>], vector<16xi32>,
      %add3A_324 = arith.addi %add3A_316, %gather3A_323 : vector<16xi32>
      %mul3A_325 = arith.constant 16 : i32
      %mul3A_326 = vector.broadcast %mul3A_325 : i32 to vector<16xi32>
      %mul3A_327 = arith.muli %iota3A, %mul3A_326 : vector<16xi32>
      %add3A_328 = arith.constant 8 : i32
      %add3A_329 = vector.broadcast %add3A_328 : i32 to vector<16xi32>
      %add3A_330 = arith.addi %mul3A_327, %add3A_329 : vector<16xi32>
      %gather3A_331 = tpu.vector_load_idx %arg6[%add3A_330] : memref<256xi32, #tpu.memory_space<vmem>>[vector<16xi32>], vector<16xi32>,
      %add3A_332 = arith.addi %add3A_324, %gather3A_331 : vector<16xi32>
      %mul3A_333 = arith.constant 16 : i32
      %mul3A_334 = vector.broadcast %mul3A_333 : i32 to vector<16xi32>
      %mul3A_335 = arith.muli %iota3A, %mul3A_334 : vector<16xi32>
      %add3A_336 = arith.constant 9 : i32
      %add3A_337 = vector.broadcast %add3A_336 : i32 to vector<16xi32>
      %add3A_338 = arith.addi %mul3A_335, %add3A_337 : vector<16xi32>
      %gather3A_339 = tpu.vector_load_idx %arg6[%add3A_338] : memref<256xi32, #tpu.memory_space<vmem>>[vector<16xi32>], vector<16xi32>,
      %add3A_340 = arith.addi %add3A_332, %gather3A_339 : vector<16xi32>
      %mul3A_341 = arith.constant 16 : i32
      %mul3A_342 = vector.broadcast %mul3A_341 : i32 to vector<16xi32>
      %mul3A_343 = arith.muli %iota3A, %mul3A_342 : vector<16xi32>
      %add3A_344 = arith.constant 10 : i32
      %add3A_345 = vector.broadcast %add3A_344 : i32 to vector<16xi32>
      %add3A_346 = arith.addi %mul3A_343, %add3A_345 : vector<16xi32>
      %gather3A_347 = tpu.vector_load_idx %arg6[%add3A_346] : memref<256xi32, #tpu.memory_space<vmem>>[vector<16xi32>], vector<16xi32>,
      %add3A_348 = arith.addi %add3A_340, %gather3A_347 : vector<16xi32>
      %mul3A_349 = arith.constant 16 : i32
      %mul3A_350 = vector.broadcast %mul3A_349 : i32 to vector<16xi32>
      %mul3A_351 = arith.muli %iota3A, %mul3A_350 : vector<16xi32>
      %add3A_352 = arith.constant 11 : i32
      %add3A_353 = vector.broadcast %add3A_352 : i32 to vector<16xi32>
      %add3A_354 = arith.addi %mul3A_351, %add3A_353 : vector<16xi32>
      %gather3A_355 = tpu.vector_load_idx %arg6[%add3A_354] : memref<256xi32, #tpu.memory_space<vmem>>[vector<16xi32>], vector<16xi32>,
      %add3A_356 = arith.addi %add3A_348, %gather3A_355 : vector<16xi32>
      %mul3A_357 = arith.constant 16 : i32
      %mul3A_358 = vector.broadcast %mul3A_357 : i32 to vector<16xi32>
      %mul3A_359 = arith.muli %iota3A, %mul3A_358 : vector<16xi32>
      %add3A_360 = arith.constant 12 : i32
      %add3A_361 = vector.broadcast %add3A_360 : i32 to vector<16xi32>
      %add3A_362 = arith.addi %mul3A_359, %add3A_361 : vector<16xi32>
      %gather3A_363 = tpu.vector_load_idx %arg6[%add3A_362] : memref<256xi32, #tpu.memory_space<vmem>>[vector<16xi32>], vector<16xi32>,
      %add3A_364 = arith.addi %add3A_356, %gather3A_363 : vector<16xi32>
      %mul3A_365 = arith.constant 16 : i32
      %mul3A_366 = vector.broadcast %mul3A_365 : i32 to vector<16xi32>
      %mul3A_367 = arith.muli %iota3A, %mul3A_366 : vector<16xi32>
      %add3A_368 = arith.constant 13 : i32
      %add3A_369 = vector.broadcast %add3A_368 : i32 to vector<16xi32>
      %add3A_370 = arith.addi %mul3A_367, %add3A_369 : vector<16xi32>
      %gather3A_371 = tpu.vector_load_idx %arg6[%add3A_370] : memref<256xi32, #tpu.memory_space<vmem>>[vector<16xi32>], vector<16xi32>,
      %add3A_372 = arith.addi %add3A_364, %gather3A_371 : vector<16xi32>
      %mul3A_373 = arith.constant 16 : i32
      %mul3A_374 = vector.broadcast %mul3A_373 : i32 to vector<16xi32>
      %mul3A_375 = arith.muli %iota3A, %mul3A_374 : vector<16xi32>
      %add3A_376 = arith.constant 14 : i32
      %add3A_377 = vector.broadcast %add3A_376 : i32 to vector<16xi32>
      %add3A_378 = arith.addi %mul3A_375, %add3A_377 : vector<16xi32>
      %gather3A_379 = tpu.vector_load_idx %arg6[%add3A_378] : memref<256xi32, #tpu.memory_space<vmem>>[vector<16xi32>], vector<16xi32>,
      %add3A_380 = arith.addi %add3A_372, %gather3A_379 : vector<16xi32>
      %mul3A_381 = arith.constant 16 : i32
      %mul3A_382 = vector.broadcast %mul3A_381 : i32 to vector<16xi32>
      %mul3A_383 = arith.muli %iota3A, %mul3A_382 : vector<16xi32>
      %add3A_384 = arith.constant 15 : i32
      %add3A_385 = vector.broadcast %add3A_384 : i32 to vector<16xi32>
      %add3A_386 = arith.addi %mul3A_383, %add3A_385 : vector<16xi32>
      %gather3A_387 = tpu.vector_load_idx %arg6[%add3A_386] : memref<256xi32, #tpu.memory_space<vmem>>[vector<16xi32>], vector<16xi32>,
      %add3A_388 = arith.addi %add3A_380, %gather3A_387 : vector<16xi32>
      %broadcast_in_dim3A_389 = arith.constant true
      %broadcast_in_dim3A_390 = vector.broadcast %broadcast_in_dim3A_389 : i1 to vector<16xi1>
      %masked_cumsum3A_391 = tpu.scan <sum>, %add3A_388 masked %broadcast_in_dim3A_390 : vector<16xi32>, vector<16xi1> -> vector<16xi32>
      %swap3A_392 = arith.constant 0 : index
      %swap3A_393 = tpu.vector_load %arg7[%swap3A_392] {strides = array<i32>} : memref<48xi32, #tpu.memory_space<vmem>>, vector<16xi32>,
      tpu.vector_store %arg7[%swap3A_392], %masked_cumsum3A_391 {strides = array<i32>} : memref<48xi32, #tpu.memory_space<vmem>>, vector<16xi32>,
      %broadcast_in_dim3A_394 = arith.constant 15 : i32
      %broadcast_in_dim3A_395 = vector.broadcast %broadcast_in_dim3A_394 : i32 to vector<16xi32>
      %gather3A_396 = tpu.vector_load_idx %arg7[%broadcast_in_dim3A_395] : memref<48xi32, #tpu.memory_space<vmem>>[vector<16xi32>], vector<16xi32>,
      %sub3A_397 = arith.subi %gather3A_396, %masked_cumsum3A_391 : vector<16xi32>
      %add3A_398 = arith.addi %sub3A_397, %add3A_388 : vector<16xi32>
      %ge3A_399 = arith.cmpi sge, %add3A_398, %sub3A_247 : vector<16xi32>
      %all_reduce_population_count3A_400 = tpu.all_reduce %ge3A_399 {dim = 0 : i64, kind = #tpu.reduction_kind<sum>} : vector<16xi1> -> vector<16xi32>
      %sub3A_401 = arith.constant 1 : i32
      %sub3A_402 = vector.broadcast %sub3A_401 : i32 to vector<16xi32>
      %sub3A_403 = arith.subi %all_reduce_population_count3A_400, %sub3A_402 : vector<16xi32>
      %swap3A_404 = arith.constant 16 : index
      %swap3A_405 = tpu.vector_load %arg7[%swap3A_404] {strides = array<i32>} : memref<48xi32, #tpu.memory_space<vmem>>, vector<16xi32>,
      tpu.vector_store %arg7[%swap3A_404], %add3A_398 {strides = array<i32>} : memref<48xi32, #tpu.memory_space<vmem>>, vector<16xi32>,
      %swap3A_406 = arith.constant 32 : index
      %swap3A_407 = tpu.vector_load %arg7[%swap3A_406] {strides = array<i32>} : memref<48xi32, #tpu.memory_space<vmem>>, vector<16xi32>,
      tpu.vector_store %arg7[%swap3A_406], %add3A_388 {strides = array<i32>} : memref<48xi32, #tpu.memory_space<vmem>>, vector<16xi32>,
      %add3A_408 = arith.constant 16 : i32
      %add3A_409 = vector.broadcast %add3A_408 : i32 to vector<16xi32>
      %add3A_410 = arith.addi %sub3A_403, %add3A_409 : vector<16xi32>
      %gather3A_411 = tpu.vector_load_idx %arg7[%add3A_410] : memref<48xi32, #tpu.memory_space<vmem>>[vector<16xi32>], vector<16xi32>,
      %add3A_412 = arith.constant 32 : i32
      %add3A_413 = vector.broadcast %add3A_412 : i32 to vector<16xi32>
      %add3A_414 = arith.addi %sub3A_403, %add3A_413 : vector<16xi32>
      %gather3A_415 = tpu.vector_load_idx %arg7[%add3A_414] : memref<48xi32, #tpu.memory_space<vmem>>[vector<16xi32>], vector<16xi32>,
      %sub3A_416 = arith.subi %gather3A_411, %gather3A_415 : vector<16xi32>
      %mul3A_417 = arith.constant 16 : i32
      %mul3A_418 = vector.broadcast %mul3A_417 : i32 to vector<16xi32>
      %mul3A_419 = arith.muli %sub3A_403, %mul3A_418 : vector<16xi32>
      %add3A_420 = arith.addi %mul3A_419, %iota3A : vector<16xi32>
      %gather3A_421 = tpu.vector_load_idx %arg6[%add3A_420] : memref<256xi32, #tpu.memory_space<vmem>>[vector<16xi32>], vector<16xi32>,
      %broadcast_in_dim3A_422 = arith.constant true
      %broadcast_in_dim3A_423 = vector.broadcast %broadcast_in_dim3A_422 : i1 to vector<16xi1>
      %masked_cumsum3A_424 = tpu.scan <sum>, %gather3A_421 masked %broadcast_in_dim3A_423 : vector<16xi32>, vector<16xi1> -> vector<16xi32>
      %add3A_425 = arith.addi %sub3A_416, %gather3A_415 : vector<16xi32>
      %sub3A_426 = arith.subi %add3A_425, %masked_cumsum3A_424 : vector<16xi32>
      %add3A_427 = arith.addi %sub3A_426, %gather3A_421 : vector<16xi32>
      %ge3A_428 = arith.cmpi sge, %add3A_427, %sub3A_247 : vector<16xi32>
      %all_reduce_population_count3A_429 = tpu.all_reduce %ge3A_428 {dim = 0 : i64, kind = #tpu.reduction_kind<sum>} : vector<16xi1> -> vector<16xi32>
      %sub3A_430 = arith.constant 1 : i32
      %sub3A_431 = vector.broadcast %sub3A_430 : i32 to vector<16xi32>
      %sub3A_432 = arith.subi %all_reduce_population_count3A_429, %sub3A_431 : vector<16xi32>
      %mul3A_433 = arith.constant 16 : i32
      %mul3A_434 = vector.broadcast %mul3A_433 : i32 to vector<16xi32>
      %mul3A_435 = arith.muli %sub3A_403, %mul3A_434 : vector<16xi32>
      %add3A_436 = arith.addi %mul3A_435, %sub3A_432 : vector<16xi32>
      %swap3A_437 = arith.constant 0 : index
      %swap3A_438 = tpu.vector_load %arg7[%swap3A_437] {strides = array<i32>} : memref<48xi32, #tpu.memory_space<vmem>>, vector<16xi32>,
      tpu.vector_store %arg7[%swap3A_437], %add3A_427 {strides = array<i32>} : memref<48xi32, #tpu.memory_space<vmem>>, vector<16xi32>,
      %gather3A_439 = tpu.vector_load_idx %arg7[%sub3A_432] : memref<48xi32, #tpu.memory_space<vmem>>[vector<16xi32>], vector<16xi32>,
      %gather3A_440 = tpu.vector_load_idx %arg6[%add3A_436] : memref<256xi32, #tpu.memory_space<vmem>>[vector<16xi32>], vector<16xi32>,
      %sub3A_441 = arith.subi %gather3A_439, %gather3A_440 : vector<16xi32>
      %sub3A_442 = arith.subi %sub3A_247, %sub3A_441 : vector<16xi32>
      %shift_left3A_443 = arith.constant 15 : i32
      %shift_left3A_444 = vector.broadcast %shift_left3A_443 : i32 to vector<16xi32>
      %shift_left3A_445 = arith.shli %add3A_436, %shift_left3A_444 : vector<16xi32>
      %or3A_446 = arith.ori %or3A, %shift_left3A_445 : vector<16xi32>
      %parallel_loop3A_447 = arith.constant 0 : i32
      %parallel_loop3A_448 = arith.constant 272 : i32
      %parallel_loop3A_449 = arith.constant 1 : i32
      scf.for %parallel_loop3A_882 = %parallel_loop3A_447 to %parallel_loop3A_448 step %parallel_loop3A_449  : i32 {
        %parallel_loop3A_883 = arith.constant 0 : i32
        %parallel_loop3A_884 = vector.broadcast %parallel_loop3A_883 : i32 to vector<16xi32>
        %parallel_loop3A_885 = arith.constant 16 : i32
        %parallel_loop3A_886 = arith.muli %parallel_loop3A_882, %parallel_loop3A_885 : i32
        %parallel_loop3A_887 = arith.index_cast %parallel_loop3A_886 : i32 to index
        %parallel_loop3A_888 = tpu.vector_load %arg5[%parallel_loop3A_887] {strides = array<i32>} : memref<4352xi32, #tpu.memory_space<vmem>>, vector<16xi32>,
        tpu.vector_store %arg5[%parallel_loop3A_887], %parallel_loop3A_884 {strides = array<i32>} : memref<4352xi32, #tpu.memory_space<vmem>>, vector<16xi32>,
      } {sc.loop_unroll_factor = 8 : i64, sc.parallel_access}
      %parallel_loop3A_450 = arith.constant 0 : i32
      %parallel_loop3A_451 = arith.constant 2048 : i32
      %parallel_loop3A_452 = arith.constant 1 : i32
      scf.for %parallel_loop3A_882 = %parallel_loop3A_450 to %parallel_loop3A_451 step %parallel_loop3A_452  : i32 {
        %parallel_loop3A_883 = arith.constant 16 : i32
        %parallel_loop3A_884 = arith.muli %parallel_loop3A_882, %parallel_loop3A_883 : i32
        %parallel_loop3A_885 = tpu.memref_slice %arg4[%mul3A_43] : memref<65536xf32, #tpu.memory_space<vmem>> -> memref<32768xf32, #tpu.memory_space<vmem>>
        %parallel_loop3A_886 = arith.index_cast %parallel_loop3A_884 : i32 to index
        %parallel_loop3A_887 = tpu.vector_load %parallel_loop3A_885[%parallel_loop3A_886] {strides = array<i32>} : memref<32768xf32, #tpu.memory_space<vmem>>, vector<16xf32>,
        %parallel_loop3A_888 = vector.bitcast %parallel_loop3A_887 : vector<16xf32> to vector<16xi32>
        %parallel_loop3A_889 = arith.constant 2147450880 : i32
        %parallel_loop3A_890 = vector.broadcast %parallel_loop3A_889 : i32 to vector<16xi32>
        %parallel_loop3A_891 = arith.andi %parallel_loop3A_888, %parallel_loop3A_890 : vector<16xi32>
        %parallel_loop3A_892 = arith.cmpi eq, %parallel_loop3A_891, %or3A_446 : vector<16xi32>
        %parallel_loop3A_893 = arith.constant 7 : i32
        %parallel_loop3A_894 = vector.broadcast %parallel_loop3A_893 : i32 to vector<16xi32>
        %parallel_loop3A_895 = arith.shrsi %parallel_loop3A_888, %parallel_loop3A_894 : vector<16xi32>
        %parallel_loop3A_896 = arith.constant 255 : i32
        %parallel_loop3A_897 = vector.broadcast %parallel_loop3A_896 : i32 to vector<16xi32>
        %parallel_loop3A_898 = arith.andi %parallel_loop3A_895, %parallel_loop3A_897 : vector<16xi32>
        %parallel_loop3A_899 = arith.constant 17 : i32
        %parallel_loop3A_900 = vector.broadcast %parallel_loop3A_899 : i32 to vector<16xi32>
        %parallel_loop3A_901 = arith.muli %parallel_loop3A_898, %parallel_loop3A_900 : vector<16xi32>
        %parallel_loop3A_902 = arith.addi %parallel_loop3A_901, %iota3A : vector<16xi32>
        tpu.vector_store_idx %arg5[%parallel_loop3A_902], %broadcast_in_dim3A_3 masked %parallel_loop3A_892 {add = true} : memref<4352xi32, #tpu.memory_space<vmem>>[vector<16xi32>], vector<16xi32>, vector<16xi1>
      } {sc.loop_unroll_factor = 16 : i64, sc.parallel_access}
      %parallel_loop3A_453 = arith.constant 0 : i32
      %parallel_loop3A_454 = arith.constant 16 : i32
      %parallel_loop3A_455 = arith.constant 1 : i32
      scf.for %parallel_loop3A_882 = %parallel_loop3A_453 to %parallel_loop3A_454 step %parallel_loop3A_455  : i32 {
        %parallel_loop3A_883 = arith.constant 16 : i32
        %parallel_loop3A_884 = arith.muli %parallel_loop3A_882, %parallel_loop3A_883 : i32
        %parallel_loop3A_885 = arith.constant 0 : i32
        %parallel_loop3A_886 = vector.broadcast %parallel_loop3A_885 : i32 to vector<16xi32>
        %parallel_loop3A_887 = vector.broadcast %parallel_loop3A_884 : i32 to vector<16xi32>
        %parallel_loop3A_888 = arith.addi %parallel_loop3A_887, %iota3A : vector<16xi32>
        %parallel_loop3A_889 = arith.constant 17 : i32
        %parallel_loop3A_890 = vector.broadcast %parallel_loop3A_889 : i32 to vector<16xi32>
        %parallel_loop3A_891 = arith.muli %parallel_loop3A_888, %parallel_loop3A_890 : vector<16xi32>
        %parallel_loop3A_892 = arith.constant 0 : i32
        %parallel_loop3A_893 = vector.broadcast %parallel_loop3A_892 : i32 to vector<16xi32>
        %parallel_loop3A_894 = arith.addi %parallel_loop3A_891, %parallel_loop3A_893 : vector<16xi32>
        %parallel_loop3A_895 = tpu.vector_load_idx %arg5[%parallel_loop3A_894] : memref<4352xi32, #tpu.memory_space<vmem>>[vector<16xi32>], vector<16xi32>,
        %parallel_loop3A_896 = arith.addi %parallel_loop3A_886, %parallel_loop3A_895 : vector<16xi32>
        %parallel_loop3A_897 = vector.broadcast %parallel_loop3A_884 : i32 to vector<16xi32>
        %parallel_loop3A_898 = arith.addi %parallel_loop3A_897, %iota3A : vector<16xi32>
        %parallel_loop3A_899 = arith.constant 17 : i32
        %parallel_loop3A_900 = vector.broadcast %parallel_loop3A_899 : i32 to vector<16xi32>
        %parallel_loop3A_901 = arith.muli %parallel_loop3A_898, %parallel_loop3A_900 : vector<16xi32>
        %parallel_loop3A_902 = arith.constant 1 : i32
        %parallel_loop3A_903 = vector.broadcast %parallel_loop3A_902 : i32 to vector<16xi32>
        %parallel_loop3A_904 = arith.addi %parallel_loop3A_901, %parallel_loop3A_903 : vector<16xi32>
        %parallel_loop3A_905 = tpu.vector_load_idx %arg5[%parallel_loop3A_904] : memref<4352xi32, #tpu.memory_space<vmem>>[vector<16xi32>], vector<16xi32>,
        %parallel_loop3A_906 = arith.addi %parallel_loop3A_896, %parallel_loop3A_905 : vector<16xi32>
        %parallel_loop3A_907 = vector.broadcast %parallel_loop3A_884 : i32 to vector<16xi32>
        %parallel_loop3A_908 = arith.addi %parallel_loop3A_907, %iota3A : vector<16xi32>
        %parallel_loop3A_909 = arith.constant 17 : i32
        %parallel_loop3A_910 = vector.broadcast %parallel_loop3A_909 : i32 to vector<16xi32>
        %parallel_loop3A_911 = arith.muli %parallel_loop3A_908, %parallel_loop3A_910 : vector<16xi32>
        %parallel_loop3A_912 = arith.constant 2 : i32
        %parallel_loop3A_913 = vector.broadcast %parallel_loop3A_912 : i32 to vector<16xi32>
        %parallel_loop3A_914 = arith.addi %parallel_loop3A_911, %parallel_loop3A_913 : vector<16xi32>
        %parallel_loop3A_915 = tpu.vector_load_idx %arg5[%parallel_loop3A_914] : memref<4352xi32, #tpu.memory_space<vmem>>[vector<16xi32>], vector<16xi32>,
        %parallel_loop3A_916 = arith.addi %parallel_loop3A_906, %parallel_loop3A_915 : vector<16xi32>
        %parallel_loop3A_917 = vector.broadcast %parallel_loop3A_884 : i32 to vector<16xi32>
        %parallel_loop3A_918 = arith.addi %parallel_loop3A_917, %iota3A : vector<16xi32>
        %parallel_loop3A_919 = arith.constant 17 : i32
        %parallel_loop3A_920 = vector.broadcast %parallel_loop3A_919 : i32 to vector<16xi32>
        %parallel_loop3A_921 = arith.muli %parallel_loop3A_918, %parallel_loop3A_920 : vector<16xi32>
        %parallel_loop3A_922 = arith.constant 3 : i32
        %parallel_loop3A_923 = vector.broadcast %parallel_loop3A_922 : i32 to vector<16xi32>
        %parallel_loop3A_924 = arith.addi %parallel_loop3A_921, %parallel_loop3A_923 : vector<16xi32>
        %parallel_loop3A_925 = tpu.vector_load_idx %arg5[%parallel_loop3A_924] : memref<4352xi32, #tpu.memory_space<vmem>>[vector<16xi32>], vector<16xi32>,
        %parallel_loop3A_926 = arith.addi %parallel_loop3A_916, %parallel_loop3A_925 : vector<16xi32>
        %parallel_loop3A_927 = vector.broadcast %parallel_loop3A_884 : i32 to vector<16xi32>
        %parallel_loop3A_928 = arith.addi %parallel_loop3A_927, %iota3A : vector<16xi32>
        %parallel_loop3A_929 = arith.constant 17 : i32
        %parallel_loop3A_930 = vector.broadcast %parallel_loop3A_929 : i32 to vector<16xi32>
        %parallel_loop3A_931 = arith.muli %parallel_loop3A_928, %parallel_loop3A_930 : vector<16xi32>
        %parallel_loop3A_932 = arith.constant 4 : i32
        %parallel_loop3A_933 = vector.broadcast %parallel_loop3A_932 : i32 to vector<16xi32>
        %parallel_loop3A_934 = arith.addi %parallel_loop3A_931, %parallel_loop3A_933 : vector<16xi32>
        %parallel_loop3A_935 = tpu.vector_load_idx %arg5[%parallel_loop3A_934] : memref<4352xi32, #tpu.memory_space<vmem>>[vector<16xi32>], vector<16xi32>,
        %parallel_loop3A_936 = arith.addi %parallel_loop3A_926, %parallel_loop3A_935 : vector<16xi32>
        %parallel_loop3A_937 = vector.broadcast %parallel_loop3A_884 : i32 to vector<16xi32>
        %parallel_loop3A_938 = arith.addi %parallel_loop3A_937, %iota3A : vector<16xi32>
        %parallel_loop3A_939 = arith.constant 17 : i32
        %parallel_loop3A_940 = vector.broadcast %parallel_loop3A_939 : i32 to vector<16xi32>
        %parallel_loop3A_941 = arith.muli %parallel_loop3A_938, %parallel_loop3A_940 : vector<16xi32>
        %parallel_loop3A_942 = arith.constant 5 : i32
        %parallel_loop3A_943 = vector.broadcast %parallel_loop3A_942 : i32 to vector<16xi32>
        %parallel_loop3A_944 = arith.addi %parallel_loop3A_941, %parallel_loop3A_943 : vector<16xi32>
        %parallel_loop3A_945 = tpu.vector_load_idx %arg5[%parallel_loop3A_944] : memref<4352xi32, #tpu.memory_space<vmem>>[vector<16xi32>], vector<16xi32>,
        %parallel_loop3A_946 = arith.addi %parallel_loop3A_936, %parallel_loop3A_945 : vector<16xi32>
        %parallel_loop3A_947 = vector.broadcast %parallel_loop3A_884 : i32 to vector<16xi32>
        %parallel_loop3A_948 = arith.addi %parallel_loop3A_947, %iota3A : vector<16xi32>
        %parallel_loop3A_949 = arith.constant 17 : i32
        %parallel_loop3A_950 = vector.broadcast %parallel_loop3A_949 : i32 to vector<16xi32>
        %parallel_loop3A_951 = arith.muli %parallel_loop3A_948, %parallel_loop3A_950 : vector<16xi32>
        %parallel_loop3A_952 = arith.constant 6 : i32
        %parallel_loop3A_953 = vector.broadcast %parallel_loop3A_952 : i32 to vector<16xi32>
        %parallel_loop3A_954 = arith.addi %parallel_loop3A_951, %parallel_loop3A_953 : vector<16xi32>
        %parallel_loop3A_955 = tpu.vector_load_idx %arg5[%parallel_loop3A_954] : memref<4352xi32, #tpu.memory_space<vmem>>[vector<16xi32>], vector<16xi32>,
        %parallel_loop3A_956 = arith.addi %parallel_loop3A_946, %parallel_loop3A_955 : vector<16xi32>
        %parallel_loop3A_957 = vector.broadcast %parallel_loop3A_884 : i32 to vector<16xi32>
        %parallel_loop3A_958 = arith.addi %parallel_loop3A_957, %iota3A : vector<16xi32>
        %parallel_loop3A_959 = arith.constant 17 : i32
        %parallel_loop3A_960 = vector.broadcast %parallel_loop3A_959 : i32 to vector<16xi32>
        %parallel_loop3A_961 = arith.muli %parallel_loop3A_958, %parallel_loop3A_960 : vector<16xi32>
        %parallel_loop3A_962 = arith.constant 7 : i32
        %parallel_loop3A_963 = vector.broadcast %parallel_loop3A_962 : i32 to vector<16xi32>
        %parallel_loop3A_964 = arith.addi %parallel_loop3A_961, %parallel_loop3A_963 : vector<16xi32>
        %parallel_loop3A_965 = tpu.vector_load_idx %arg5[%parallel_loop3A_964] : memref<4352xi32, #tpu.memory_space<vmem>>[vector<16xi32>], vector<16xi32>,
        %parallel_loop3A_966 = arith.addi %parallel_loop3A_956, %parallel_loop3A_965 : vector<16xi32>
        %parallel_loop3A_967 = vector.broadcast %parallel_loop3A_884 : i32 to vector<16xi32>
        %parallel_loop3A_968 = arith.addi %parallel_loop3A_967, %iota3A : vector<16xi32>
        %parallel_loop3A_969 = arith.constant 17 : i32
        %parallel_loop3A_970 = vector.broadcast %parallel_loop3A_969 : i32 to vector<16xi32>
        %parallel_loop3A_971 = arith.muli %parallel_loop3A_968, %parallel_loop3A_970 : vector<16xi32>
        %parallel_loop3A_972 = arith.constant 8 : i32
        %parallel_loop3A_973 = vector.broadcast %parallel_loop3A_972 : i32 to vector<16xi32>
        %parallel_loop3A_974 = arith.addi %parallel_loop3A_971, %parallel_loop3A_973 : vector<16xi32>
        %parallel_loop3A_975 = tpu.vector_load_idx %arg5[%parallel_loop3A_974] : memref<4352xi32, #tpu.memory_space<vmem>>[vector<16xi32>], vector<16xi32>,
        %parallel_loop3A_976 = arith.addi %parallel_loop3A_966, %parallel_loop3A_975 : vector<16xi32>
        %parallel_loop3A_977 = vector.broadcast %parallel_loop3A_884 : i32 to vector<16xi32>
        %parallel_loop3A_978 = arith.addi %parallel_loop3A_977, %iota3A : vector<16xi32>
        %parallel_loop3A_979 = arith.constant 17 : i32
        %parallel_loop3A_980 = vector.broadcast %parallel_loop3A_979 : i32 to vector<16xi32>
        %parallel_loop3A_981 = arith.muli %parallel_loop3A_978, %parallel_loop3A_980 : vector<16xi32>
        %parallel_loop3A_982 = arith.constant 9 : i32
        %parallel_loop3A_983 = vector.broadcast %parallel_loop3A_982 : i32 to vector<16xi32>
        %parallel_loop3A_984 = arith.addi %parallel_loop3A_981, %parallel_loop3A_983 : vector<16xi32>
        %parallel_loop3A_985 = tpu.vector_load_idx %arg5[%parallel_loop3A_984] : memref<4352xi32, #tpu.memory_space<vmem>>[vector<16xi32>], vector<16xi32>,
        %parallel_loop3A_986 = arith.addi %parallel_loop3A_976, %parallel_loop3A_985 : vector<16xi32>
        %parallel_loop3A_987 = vector.broadcast %parallel_loop3A_884 : i32 to vector<16xi32>
        %parallel_loop3A_988 = arith.addi %parallel_loop3A_987, %iota3A : vector<16xi32>
        %parallel_loop3A_989 = arith.constant 17 : i32
        %parallel_loop3A_990 = vector.broadcast %parallel_loop3A_989 : i32 to vector<16xi32>
        %parallel_loop3A_991 = arith.muli %parallel_loop3A_988, %parallel_loop3A_990 : vector<16xi32>
        %parallel_loop3A_992 = arith.constant 10 : i32
        %parallel_loop3A_993 = vector.broadcast %parallel_loop3A_992 : i32 to vector<16xi32>
        %parallel_loop3A_994 = arith.addi %parallel_loop3A_991, %parallel_loop3A_993 : vector<16xi32>
        %parallel_loop3A_995 = tpu.vector_load_idx %arg5[%parallel_loop3A_994] : memref<4352xi32, #tpu.memory_space<vmem>>[vector<16xi32>], vector<16xi32>,
        %parallel_loop3A_996 = arith.addi %parallel_loop3A_986, %parallel_loop3A_995 : vector<16xi32>
        %parallel_loop3A_997 = vector.broadcast %parallel_loop3A_884 : i32 to vector<16xi32>
        %parallel_loop3A_998 = arith.addi %parallel_loop3A_997, %iota3A : vector<16xi32>
        %parallel_loop3A_999 = arith.constant 17 : i32
        %parallel_loop3A_1000 = vector.broadcast %parallel_loop3A_999 : i32 to vector<16xi32>
        %parallel_loop3A_1001 = arith.muli %parallel_loop3A_998, %parallel_loop3A_1000 : vector<16xi32>
        %parallel_loop3A_1002 = arith.constant 11 : i32
        %parallel_loop3A_1003 = vector.broadcast %parallel_loop3A_1002 : i32 to vector<16xi32>
        %parallel_loop3A_1004 = arith.addi %parallel_loop3A_1001, %parallel_loop3A_1003 : vector<16xi32>
        %parallel_loop3A_1005 = tpu.vector_load_idx %arg5[%parallel_loop3A_1004] : memref<4352xi32, #tpu.memory_space<vmem>>[vector<16xi32>], vector<16xi32>,
        %parallel_loop3A_1006 = arith.addi %parallel_loop3A_996, %parallel_loop3A_1005 : vector<16xi32>
        %parallel_loop3A_1007 = vector.broadcast %parallel_loop3A_884 : i32 to vector<16xi32>
        %parallel_loop3A_1008 = arith.addi %parallel_loop3A_1007, %iota3A : vector<16xi32>
        %parallel_loop3A_1009 = arith.constant 17 : i32
        %parallel_loop3A_1010 = vector.broadcast %parallel_loop3A_1009 : i32 to vector<16xi32>
        %parallel_loop3A_1011 = arith.muli %parallel_loop3A_1008, %parallel_loop3A_1010 : vector<16xi32>
        %parallel_loop3A_1012 = arith.constant 12 : i32
        %parallel_loop3A_1013 = vector.broadcast %parallel_loop3A_1012 : i32 to vector<16xi32>
        %parallel_loop3A_1014 = arith.addi %parallel_loop3A_1011, %parallel_loop3A_1013 : vector<16xi32>
        %parallel_loop3A_1015 = tpu.vector_load_idx %arg5[%parallel_loop3A_1014] : memref<4352xi32, #tpu.memory_space<vmem>>[vector<16xi32>], vector<16xi32>,
        %parallel_loop3A_1016 = arith.addi %parallel_loop3A_1006, %parallel_loop3A_1015 : vector<16xi32>
        %parallel_loop3A_1017 = vector.broadcast %parallel_loop3A_884 : i32 to vector<16xi32>
        %parallel_loop3A_1018 = arith.addi %parallel_loop3A_1017, %iota3A : vector<16xi32>
        %parallel_loop3A_1019 = arith.constant 17 : i32
        %parallel_loop3A_1020 = vector.broadcast %parallel_loop3A_1019 : i32 to vector<16xi32>
        %parallel_loop3A_1021 = arith.muli %parallel_loop3A_1018, %parallel_loop3A_1020 : vector<16xi32>
        %parallel_loop3A_1022 = arith.constant 13 : i32
        %parallel_loop3A_1023 = vector.broadcast %parallel_loop3A_1022 : i32 to vector<16xi32>
        %parallel_loop3A_1024 = arith.addi %parallel_loop3A_1021, %parallel_loop3A_1023 : vector<16xi32>
        %parallel_loop3A_1025 = tpu.vector_load_idx %arg5[%parallel_loop3A_1024] : memref<4352xi32, #tpu.memory_space<vmem>>[vector<16xi32>], vector<16xi32>,
        %parallel_loop3A_1026 = arith.addi %parallel_loop3A_1016, %parallel_loop3A_1025 : vector<16xi32>
        %parallel_loop3A_1027 = vector.broadcast %parallel_loop3A_884 : i32 to vector<16xi32>
        %parallel_loop3A_1028 = arith.addi %parallel_loop3A_1027, %iota3A : vector<16xi32>
        %parallel_loop3A_1029 = arith.constant 17 : i32
        %parallel_loop3A_1030 = vector.broadcast %parallel_loop3A_1029 : i32 to vector<16xi32>
        %parallel_loop3A_1031 = arith.muli %parallel_loop3A_1028, %parallel_loop3A_1030 : vector<16xi32>
        %parallel_loop3A_1032 = arith.constant 14 : i32
        %parallel_loop3A_1033 = vector.broadcast %parallel_loop3A_1032 : i32 to vector<16xi32>
        %parallel_loop3A_1034 = arith.addi %parallel_loop3A_1031, %parallel_loop3A_1033 : vector<16xi32>
        %parallel_loop3A_1035 = tpu.vector_load_idx %arg5[%parallel_loop3A_1034] : memref<4352xi32, #tpu.memory_space<vmem>>[vector<16xi32>], vector<16xi32>,
        %parallel_loop3A_1036 = arith.addi %parallel_loop3A_1026, %parallel_loop3A_1035 : vector<16xi32>
        %parallel_loop3A_1037 = vector.broadcast %parallel_loop3A_884 : i32 to vector<16xi32>
        %parallel_loop3A_1038 = arith.addi %parallel_loop3A_1037, %iota3A : vector<16xi32>
        %parallel_loop3A_1039 = arith.constant 17 : i32
        %parallel_loop3A_1040 = vector.broadcast %parallel_loop3A_1039 : i32 to vector<16xi32>
        %parallel_loop3A_1041 = arith.muli %parallel_loop3A_1038, %parallel_loop3A_1040 : vector<16xi32>
        %parallel_loop3A_1042 = arith.constant 15 : i32
        %parallel_loop3A_1043 = vector.broadcast %parallel_loop3A_1042 : i32 to vector<16xi32>
        %parallel_loop3A_1044 = arith.addi %parallel_loop3A_1041, %parallel_loop3A_1043 : vector<16xi32>
        %parallel_loop3A_1045 = tpu.vector_load_idx %arg5[%parallel_loop3A_1044] : memref<4352xi32, #tpu.memory_space<vmem>>[vector<16xi32>], vector<16xi32>,
        %parallel_loop3A_1046 = arith.addi %parallel_loop3A_1036, %parallel_loop3A_1045 : vector<16xi32>
        %parallel_loop3A_1047 = arith.index_cast %parallel_loop3A_884 : i32 to index
        %parallel_loop3A_1048 = tpu.vector_load %arg6[%parallel_loop3A_1047] {strides = array<i32>} : memref<256xi32, #tpu.memory_space<vmem>>, vector<16xi32>,
        tpu.vector_store %arg6[%parallel_loop3A_1047], %parallel_loop3A_1046 {strides = array<i32>} : memref<256xi32, #tpu.memory_space<vmem>>, vector<16xi32>,
      } {sc.loop_unroll_factor = 4 : i64, sc.parallel_access}
      %broadcast_in_dim3A_456 = arith.constant 0 : i32
      %broadcast_in_dim3A_457 = vector.broadcast %broadcast_in_dim3A_456 : i32 to vector<16xi32>
      %mul3A_458 = arith.constant 16 : i32
      %mul3A_459 = vector.broadcast %mul3A_458 : i32 to vector<16xi32>
      %mul3A_460 = arith.muli %iota3A, %mul3A_459 : vector<16xi32>
      %add3A_461 = arith.constant 0 : i32
      %add3A_462 = vector.broadcast %add3A_461 : i32 to vector<16xi32>
      %add3A_463 = arith.addi %mul3A_460, %add3A_462 : vector<16xi32>
      %gather3A_464 = tpu.vector_load_idx %arg6[%add3A_463] : memref<256xi32, #tpu.memory_space<vmem>>[vector<16xi32>], vector<16xi32>,
      %add3A_465 = arith.addi %broadcast_in_dim3A_457, %gather3A_464 : vector<16xi32>
      %mul3A_466 = arith.constant 16 : i32
      %mul3A_467 = vector.broadcast %mul3A_466 : i32 to vector<16xi32>
      %mul3A_468 = arith.muli %iota3A, %mul3A_467 : vector<16xi32>
      %add3A_469 = arith.constant 1 : i32
      %add3A_470 = vector.broadcast %add3A_469 : i32 to vector<16xi32>
      %add3A_471 = arith.addi %mul3A_468, %add3A_470 : vector<16xi32>
      %gather3A_472 = tpu.vector_load_idx %arg6[%add3A_471] : memref<256xi32, #tpu.memory_space<vmem>>[vector<16xi32>], vector<16xi32>,
      %add3A_473 = arith.addi %add3A_465, %gather3A_472 : vector<16xi32>
      %mul3A_474 = arith.constant 16 : i32
      %mul3A_475 = vector.broadcast %mul3A_474 : i32 to vector<16xi32>
      %mul3A_476 = arith.muli %iota3A, %mul3A_475 : vector<16xi32>
      %add3A_477 = arith.constant 2 : i32
      %add3A_478 = vector.broadcast %add3A_477 : i32 to vector<16xi32>
      %add3A_479 = arith.addi %mul3A_476, %add3A_478 : vector<16xi32>
      %gather3A_480 = tpu.vector_load_idx %arg6[%add3A_479] : memref<256xi32, #tpu.memory_space<vmem>>[vector<16xi32>], vector<16xi32>,
      %add3A_481 = arith.addi %add3A_473, %gather3A_480 : vector<16xi32>
      %mul3A_482 = arith.constant 16 : i32
      %mul3A_483 = vector.broadcast %mul3A_482 : i32 to vector<16xi32>
      %mul3A_484 = arith.muli %iota3A, %mul3A_483 : vector<16xi32>
      %add3A_485 = arith.constant 3 : i32
      %add3A_486 = vector.broadcast %add3A_485 : i32 to vector<16xi32>
      %add3A_487 = arith.addi %mul3A_484, %add3A_486 : vector<16xi32>
      %gather3A_488 = tpu.vector_load_idx %arg6[%add3A_487] : memref<256xi32, #tpu.memory_space<vmem>>[vector<16xi32>], vector<16xi32>,
      %add3A_489 = arith.addi %add3A_481, %gather3A_488 : vector<16xi32>
      %mul3A_490 = arith.constant 16 : i32
      %mul3A_491 = vector.broadcast %mul3A_490 : i32 to vector<16xi32>
      %mul3A_492 = arith.muli %iota3A, %mul3A_491 : vector<16xi32>
      %add3A_493 = arith.constant 4 : i32
      %add3A_494 = vector.broadcast %add3A_493 : i32 to vector<16xi32>
      %add3A_495 = arith.addi %mul3A_492, %add3A_494 : vector<16xi32>
      %gather3A_496 = tpu.vector_load_idx %arg6[%add3A_495] : memref<256xi32, #tpu.memory_space<vmem>>[vector<16xi32>], vector<16xi32>,
      %add3A_497 = arith.addi %add3A_489, %gather3A_496 : vector<16xi32>
      %mul3A_498 = arith.constant 16 : i32
      %mul3A_499 = vector.broadcast %mul3A_498 : i32 to vector<16xi32>
      %mul3A_500 = arith.muli %iota3A, %mul3A_499 : vector<16xi32>
      %add3A_501 = arith.constant 5 : i32
      %add3A_502 = vector.broadcast %add3A_501 : i32 to vector<16xi32>
      %add3A_503 = arith.addi %mul3A_500, %add3A_502 : vector<16xi32>
      %gather3A_504 = tpu.vector_load_idx %arg6[%add3A_503] : memref<256xi32, #tpu.memory_space<vmem>>[vector<16xi32>], vector<16xi32>,
      %add3A_505 = arith.addi %add3A_497, %gather3A_504 : vector<16xi32>
      %mul3A_506 = arith.constant 16 : i32
      %mul3A_507 = vector.broadcast %mul3A_506 : i32 to vector<16xi32>
      %mul3A_508 = arith.muli %iota3A, %mul3A_507 : vector<16xi32>
      %add3A_509 = arith.constant 6 : i32
      %add3A_510 = vector.broadcast %add3A_509 : i32 to vector<16xi32>
      %add3A_511 = arith.addi %mul3A_508, %add3A_510 : vector<16xi32>
      %gather3A_512 = tpu.vector_load_idx %arg6[%add3A_511] : memref<256xi32, #tpu.memory_space<vmem>>[vector<16xi32>], vector<16xi32>,
      %add3A_513 = arith.addi %add3A_505, %gather3A_512 : vector<16xi32>
      %mul3A_514 = arith.constant 16 : i32
      %mul3A_515 = vector.broadcast %mul3A_514 : i32 to vector<16xi32>
      %mul3A_516 = arith.muli %iota3A, %mul3A_515 : vector<16xi32>
      %add3A_517 = arith.constant 7 : i32
      %add3A_518 = vector.broadcast %add3A_517 : i32 to vector<16xi32>
      %add3A_519 = arith.addi %mul3A_516, %add3A_518 : vector<16xi32>
      %gather3A_520 = tpu.vector_load_idx %arg6[%add3A_519] : memref<256xi32, #tpu.memory_space<vmem>>[vector<16xi32>], vector<16xi32>,
      %add3A_521 = arith.addi %add3A_513, %gather3A_520 : vector<16xi32>
      %mul3A_522 = arith.constant 16 : i32
      %mul3A_523 = vector.broadcast %mul3A_522 : i32 to vector<16xi32>
      %mul3A_524 = arith.muli %iota3A, %mul3A_523 : vector<16xi32>
      %add3A_525 = arith.constant 8 : i32
      %add3A_526 = vector.broadcast %add3A_525 : i32 to vector<16xi32>
      %add3A_527 = arith.addi %mul3A_524, %add3A_526 : vector<16xi32>
      %gather3A_528 = tpu.vector_load_idx %arg6[%add3A_527] : memref<256xi32, #tpu.memory_space<vmem>>[vector<16xi32>], vector<16xi32>,
      %add3A_529 = arith.addi %add3A_521, %gather3A_528 : vector<16xi32>
      %mul3A_530 = arith.constant 16 : i32
      %mul3A_531 = vector.broadcast %mul3A_530 : i32 to vector<16xi32>
      %mul3A_532 = arith.muli %iota3A, %mul3A_531 : vector<16xi32>
      %add3A_533 = arith.constant 9 : i32
      %add3A_534 = vector.broadcast %add3A_533 : i32 to vector<16xi32>
      %add3A_535 = arith.addi %mul3A_532, %add3A_534 : vector<16xi32>
      %gather3A_536 = tpu.vector_load_idx %arg6[%add3A_535] : memref<256xi32, #tpu.memory_space<vmem>>[vector<16xi32>], vector<16xi32>,
      %add3A_537 = arith.addi %add3A_529, %gather3A_536 : vector<16xi32>
      %mul3A_538 = arith.constant 16 : i32
      %mul3A_539 = vector.broadcast %mul3A_538 : i32 to vector<16xi32>
      %mul3A_540 = arith.muli %iota3A, %mul3A_539 : vector<16xi32>
      %add3A_541 = arith.constant 10 : i32
      %add3A_542 = vector.broadcast %add3A_541 : i32 to vector<16xi32>
      %add3A_543 = arith.addi %mul3A_540, %add3A_542 : vector<16xi32>
      %gather3A_544 = tpu.vector_load_idx %arg6[%add3A_543] : memref<256xi32, #tpu.memory_space<vmem>>[vector<16xi32>], vector<16xi32>,
      %add3A_545 = arith.addi %add3A_537, %gather3A_544 : vector<16xi32>
      %mul3A_546 = arith.constant 16 : i32
      %mul3A_547 = vector.broadcast %mul3A_546 : i32 to vector<16xi32>
      %mul3A_548 = arith.muli %iota3A, %mul3A_547 : vector<16xi32>
      %add3A_549 = arith.constant 11 : i32
      %add3A_550 = vector.broadcast %add3A_549 : i32 to vector<16xi32>
      %add3A_551 = arith.addi %mul3A_548, %add3A_550 : vector<16xi32>
      %gather3A_552 = tpu.vector_load_idx %arg6[%add3A_551] : memref<256xi32, #tpu.memory_space<vmem>>[vector<16xi32>], vector<16xi32>,
      %add3A_553 = arith.addi %add3A_545, %gather3A_552 : vector<16xi32>
      %mul3A_554 = arith.constant 16 : i32
      %mul3A_555 = vector.broadcast %mul3A_554 : i32 to vector<16xi32>
      %mul3A_556 = arith.muli %iota3A, %mul3A_555 : vector<16xi32>
      %add3A_557 = arith.constant 12 : i32
      %add3A_558 = vector.broadcast %add3A_557 : i32 to vector<16xi32>
      %add3A_559 = arith.addi %mul3A_556, %add3A_558 : vector<16xi32>
      %gather3A_560 = tpu.vector_load_idx %arg6[%add3A_559] : memref<256xi32, #tpu.memory_space<vmem>>[vector<16xi32>], vector<16xi32>,
      %add3A_561 = arith.addi %add3A_553, %gather3A_560 : vector<16xi32>
      %mul3A_562 = arith.constant 16 : i32
      %mul3A_563 = vector.broadcast %mul3A_562 : i32 to vector<16xi32>
      %mul3A_564 = arith.muli %iota3A, %mul3A_563 : vector<16xi32>
      %add3A_565 = arith.constant 13 : i32
      %add3A_566 = vector.broadcast %add3A_565 : i32 to vector<16xi32>
      %add3A_567 = arith.addi %mul3A_564, %add3A_566 : vector<16xi32>
      %gather3A_568 = tpu.vector_load_idx %arg6[%add3A_567] : memref<256xi32, #tpu.memory_space<vmem>>[vector<16xi32>], vector<16xi32>,
      %add3A_569 = arith.addi %add3A_561, %gather3A_568 : vector<16xi32>
      %mul3A_570 = arith.constant 16 : i32
      %mul3A_571 = vector.broadcast %mul3A_570 : i32 to vector<16xi32>
      %mul3A_572 = arith.muli %iota3A, %mul3A_571 : vector<16xi32>
      %add3A_573 = arith.constant 14 : i32
      %add3A_574 = vector.broadcast %add3A_573 : i32 to vector<16xi32>
      %add3A_575 = arith.addi %mul3A_572, %add3A_574 : vector<16xi32>
      %gather3A_576 = tpu.vector_load_idx %arg6[%add3A_575] : memref<256xi32, #tpu.memory_space<vmem>>[vector<16xi32>], vector<16xi32>,
      %add3A_577 = arith.addi %add3A_569, %gather3A_576 : vector<16xi32>
      %mul3A_578 = arith.constant 16 : i32
      %mul3A_579 = vector.broadcast %mul3A_578 : i32 to vector<16xi32>
      %mul3A_580 = arith.muli %iota3A, %mul3A_579 : vector<16xi32>
      %add3A_581 = arith.constant 15 : i32
      %add3A_582 = vector.broadcast %add3A_581 : i32 to vector<16xi32>
      %add3A_583 = arith.addi %mul3A_580, %add3A_582 : vector<16xi32>
      %gather3A_584 = tpu.vector_load_idx %arg6[%add3A_583] : memref<256xi32, #tpu.memory_space<vmem>>[vector<16xi32>], vector<16xi32>,
      %add3A_585 = arith.addi %add3A_577, %gather3A_584 : vector<16xi32>
      %broadcast_in_dim3A_586 = arith.constant true
      %broadcast_in_dim3A_587 = vector.broadcast %broadcast_in_dim3A_586 : i1 to vector<16xi1>
      %masked_cumsum3A_588 = tpu.scan <sum>, %add3A_585 masked %broadcast_in_dim3A_587 : vector<16xi32>, vector<16xi1> -> vector<16xi32>
      %swap3A_589 = arith.constant 0 : index
      %swap3A_590 = tpu.vector_load %arg7[%swap3A_589] {strides = array<i32>} : memref<48xi32, #tpu.memory_space<vmem>>, vector<16xi32>,
      tpu.vector_store %arg7[%swap3A_589], %masked_cumsum3A_588 {strides = array<i32>} : memref<48xi32, #tpu.memory_space<vmem>>, vector<16xi32>,
      %broadcast_in_dim3A_591 = arith.constant 15 : i32
      %broadcast_in_dim3A_592 = vector.broadcast %broadcast_in_dim3A_591 : i32 to vector<16xi32>
      %gather3A_593 = tpu.vector_load_idx %arg7[%broadcast_in_dim3A_592] : memref<48xi32, #tpu.memory_space<vmem>>[vector<16xi32>], vector<16xi32>,
      %sub3A_594 = arith.subi %gather3A_593, %masked_cumsum3A_588 : vector<16xi32>
      %add3A_595 = arith.addi %sub3A_594, %add3A_585 : vector<16xi32>
      %ge3A_596 = arith.cmpi sge, %add3A_595, %sub3A_442 : vector<16xi32>
      %all_reduce_population_count3A_597 = tpu.all_reduce %ge3A_596 {dim = 0 : i64, kind = #tpu.reduction_kind<sum>} : vector<16xi1> -> vector<16xi32>
      %sub3A_598 = arith.constant 1 : i32
      %sub3A_599 = vector.broadcast %sub3A_598 : i32 to vector<16xi32>
      %sub3A_600 = arith.subi %all_reduce_population_count3A_597, %sub3A_599 : vector<16xi32>
      %swap3A_601 = arith.constant 16 : index
      %swap3A_602 = tpu.vector_load %arg7[%swap3A_601] {strides = array<i32>} : memref<48xi32, #tpu.memory_space<vmem>>, vector<16xi32>,
      tpu.vector_store %arg7[%swap3A_601], %add3A_595 {strides = array<i32>} : memref<48xi32, #tpu.memory_space<vmem>>, vector<16xi32>,
      %swap3A_603 = arith.constant 32 : index
      %swap3A_604 = tpu.vector_load %arg7[%swap3A_603] {strides = array<i32>} : memref<48xi32, #tpu.memory_space<vmem>>, vector<16xi32>,
      tpu.vector_store %arg7[%swap3A_603], %add3A_585 {strides = array<i32>} : memref<48xi32, #tpu.memory_space<vmem>>, vector<16xi32>,
      %add3A_605 = arith.constant 16 : i32
      %add3A_606 = vector.broadcast %add3A_605 : i32 to vector<16xi32>
      %add3A_607 = arith.addi %sub3A_600, %add3A_606 : vector<16xi32>
      %gather3A_608 = tpu.vector_load_idx %arg7[%add3A_607] : memref<48xi32, #tpu.memory_space<vmem>>[vector<16xi32>], vector<16xi32>,
      %add3A_609 = arith.constant 32 : i32
      %add3A_610 = vector.broadcast %add3A_609 : i32 to vector<16xi32>
      %add3A_611 = arith.addi %sub3A_600, %add3A_610 : vector<16xi32>
      %gather3A_612 = tpu.vector_load_idx %arg7[%add3A_611] : memref<48xi32, #tpu.memory_space<vmem>>[vector<16xi32>], vector<16xi32>,
      %sub3A_613 = arith.subi %gather3A_608, %gather3A_612 : vector<16xi32>
      %mul3A_614 = arith.constant 16 : i32
      %mul3A_615 = vector.broadcast %mul3A_614 : i32 to vector<16xi32>
      %mul3A_616 = arith.muli %sub3A_600, %mul3A_615 : vector<16xi32>
      %add3A_617 = arith.addi %mul3A_616, %iota3A : vector<16xi32>
      %gather3A_618 = tpu.vector_load_idx %arg6[%add3A_617] : memref<256xi32, #tpu.memory_space<vmem>>[vector<16xi32>], vector<16xi32>,
      %broadcast_in_dim3A_619 = arith.constant true
      %broadcast_in_dim3A_620 = vector.broadcast %broadcast_in_dim3A_619 : i1 to vector<16xi1>
      %masked_cumsum3A_621 = tpu.scan <sum>, %gather3A_618 masked %broadcast_in_dim3A_620 : vector<16xi32>, vector<16xi1> -> vector<16xi32>
      %add3A_622 = arith.addi %sub3A_613, %gather3A_612 : vector<16xi32>
      %sub3A_623 = arith.subi %add3A_622, %masked_cumsum3A_621 : vector<16xi32>
      %add3A_624 = arith.addi %sub3A_623, %gather3A_618 : vector<16xi32>
      %ge3A_625 = arith.cmpi sge, %add3A_624, %sub3A_442 : vector<16xi32>
      %all_reduce_population_count3A_626 = tpu.all_reduce %ge3A_625 {dim = 0 : i64, kind = #tpu.reduction_kind<sum>} : vector<16xi1> -> vector<16xi32>
      %sub3A_627 = arith.constant 1 : i32
      %sub3A_628 = vector.broadcast %sub3A_627 : i32 to vector<16xi32>
      %sub3A_629 = arith.subi %all_reduce_population_count3A_626, %sub3A_628 : vector<16xi32>
      %mul3A_630 = arith.constant 16 : i32
      %mul3A_631 = vector.broadcast %mul3A_630 : i32 to vector<16xi32>
      %mul3A_632 = arith.muli %sub3A_600, %mul3A_631 : vector<16xi32>
      %add3A_633 = arith.addi %mul3A_632, %sub3A_629 : vector<16xi32>
      %swap3A_634 = arith.constant 0 : index
      %swap3A_635 = tpu.vector_load %arg7[%swap3A_634] {strides = array<i32>} : memref<48xi32, #tpu.memory_space<vmem>>, vector<16xi32>,
      tpu.vector_store %arg7[%swap3A_634], %add3A_624 {strides = array<i32>} : memref<48xi32, #tpu.memory_space<vmem>>, vector<16xi32>,
      %gather3A_636 = tpu.vector_load_idx %arg7[%sub3A_629] : memref<48xi32, #tpu.memory_space<vmem>>[vector<16xi32>], vector<16xi32>,
      %gather3A_637 = tpu.vector_load_idx %arg6[%add3A_633] : memref<256xi32, #tpu.memory_space<vmem>>[vector<16xi32>], vector<16xi32>,
      %sub3A_638 = arith.subi %gather3A_636, %gather3A_637 : vector<16xi32>
      %sub3A_639 = arith.subi %sub3A_442, %sub3A_638 : vector<16xi32>
      %shift_left3A_640 = arith.constant 7 : i32
      %shift_left3A_641 = vector.broadcast %shift_left3A_640 : i32 to vector<16xi32>
      %shift_left3A_642 = arith.shli %add3A_633, %shift_left3A_641 : vector<16xi32>
      %or3A_643 = arith.ori %or3A_446, %shift_left3A_642 : vector<16xi32>
      %parallel_loop3A_644 = arith.constant 0 : i32
      %parallel_loop3A_645 = arith.constant 272 : i32
      %parallel_loop3A_646 = arith.constant 1 : i32
      scf.for %parallel_loop3A_882 = %parallel_loop3A_644 to %parallel_loop3A_645 step %parallel_loop3A_646  : i32 {
        %parallel_loop3A_883 = arith.constant 0 : i32
        %parallel_loop3A_884 = vector.broadcast %parallel_loop3A_883 : i32 to vector<16xi32>
        %parallel_loop3A_885 = arith.constant 16 : i32
        %parallel_loop3A_886 = arith.muli %parallel_loop3A_882, %parallel_loop3A_885 : i32
        %parallel_loop3A_887 = arith.index_cast %parallel_loop3A_886 : i32 to index
        %parallel_loop3A_888 = tpu.vector_load %arg5[%parallel_loop3A_887] {strides = array<i32>} : memref<4352xi32, #tpu.memory_space<vmem>>, vector<16xi32>,
        tpu.vector_store %arg5[%parallel_loop3A_887], %parallel_loop3A_884 {strides = array<i32>} : memref<4352xi32, #tpu.memory_space<vmem>>, vector<16xi32>,
      } {sc.loop_unroll_factor = 8 : i64, sc.parallel_access}
      %parallel_loop3A_647 = arith.constant 0 : i32
      %parallel_loop3A_648 = arith.constant 2048 : i32
      %parallel_loop3A_649 = arith.constant 1 : i32
      scf.for %parallel_loop3A_882 = %parallel_loop3A_647 to %parallel_loop3A_648 step %parallel_loop3A_649  : i32 {
        %parallel_loop3A_883 = arith.constant 16 : i32
        %parallel_loop3A_884 = arith.muli %parallel_loop3A_882, %parallel_loop3A_883 : i32
        %parallel_loop3A_885 = tpu.memref_slice %arg4[%mul3A_43] : memref<65536xf32, #tpu.memory_space<vmem>> -> memref<32768xf32, #tpu.memory_space<vmem>>
        %parallel_loop3A_886 = arith.index_cast %parallel_loop3A_884 : i32 to index
        %parallel_loop3A_887 = tpu.vector_load %parallel_loop3A_885[%parallel_loop3A_886] {strides = array<i32>} : memref<32768xf32, #tpu.memory_space<vmem>>, vector<16xf32>,
        %parallel_loop3A_888 = vector.bitcast %parallel_loop3A_887 : vector<16xf32> to vector<16xi32>
        %parallel_loop3A_889 = arith.constant 2147483520 : i32
        %parallel_loop3A_890 = vector.broadcast %parallel_loop3A_889 : i32 to vector<16xi32>
        %parallel_loop3A_891 = arith.andi %parallel_loop3A_888, %parallel_loop3A_890 : vector<16xi32>
        %parallel_loop3A_892 = arith.cmpi eq, %parallel_loop3A_891, %or3A_643 : vector<16xi32>
        %parallel_loop3A_893 = arith.constant 0 : i32
        %parallel_loop3A_894 = vector.broadcast %parallel_loop3A_893 : i32 to vector<16xi32>
        %parallel_loop3A_895 = arith.shrsi %parallel_loop3A_888, %parallel_loop3A_894 : vector<16xi32>
        %parallel_loop3A_896 = arith.constant 127 : i32
        %parallel_loop3A_897 = vector.broadcast %parallel_loop3A_896 : i32 to vector<16xi32>
        %parallel_loop3A_898 = arith.andi %parallel_loop3A_895, %parallel_loop3A_897 : vector<16xi32>
        %parallel_loop3A_899 = arith.constant 17 : i32
        %parallel_loop3A_900 = vector.broadcast %parallel_loop3A_899 : i32 to vector<16xi32>
        %parallel_loop3A_901 = arith.muli %parallel_loop3A_898, %parallel_loop3A_900 : vector<16xi32>
        %parallel_loop3A_902 = arith.addi %parallel_loop3A_901, %iota3A : vector<16xi32>
        tpu.vector_store_idx %arg5[%parallel_loop3A_902], %broadcast_in_dim3A_3 masked %parallel_loop3A_892 {add = true} : memref<4352xi32, #tpu.memory_space<vmem>>[vector<16xi32>], vector<16xi32>, vector<16xi1>
      } {sc.loop_unroll_factor = 16 : i64, sc.parallel_access}
      %parallel_loop3A_650 = arith.constant 0 : i32
      %parallel_loop3A_651 = arith.constant 16 : i32
      %parallel_loop3A_652 = arith.constant 1 : i32
      scf.for %parallel_loop3A_882 = %parallel_loop3A_650 to %parallel_loop3A_651 step %parallel_loop3A_652  : i32 {
        %parallel_loop3A_883 = arith.constant 16 : i32
        %parallel_loop3A_884 = arith.muli %parallel_loop3A_882, %parallel_loop3A_883 : i32
        %parallel_loop3A_885 = arith.constant 0 : i32
        %parallel_loop3A_886 = vector.broadcast %parallel_loop3A_885 : i32 to vector<16xi32>
        %parallel_loop3A_887 = vector.broadcast %parallel_loop3A_884 : i32 to vector<16xi32>
        %parallel_loop3A_888 = arith.addi %parallel_loop3A_887, %iota3A : vector<16xi32>
        %parallel_loop3A_889 = arith.constant 17 : i32
        %parallel_loop3A_890 = vector.broadcast %parallel_loop3A_889 : i32 to vector<16xi32>
        %parallel_loop3A_891 = arith.muli %parallel_loop3A_888, %parallel_loop3A_890 : vector<16xi32>
        %parallel_loop3A_892 = arith.constant 0 : i32
        %parallel_loop3A_893 = vector.broadcast %parallel_loop3A_892 : i32 to vector<16xi32>
        %parallel_loop3A_894 = arith.addi %parallel_loop3A_891, %parallel_loop3A_893 : vector<16xi32>
        %parallel_loop3A_895 = tpu.vector_load_idx %arg5[%parallel_loop3A_894] : memref<4352xi32, #tpu.memory_space<vmem>>[vector<16xi32>], vector<16xi32>,
        %parallel_loop3A_896 = arith.addi %parallel_loop3A_886, %parallel_loop3A_895 : vector<16xi32>
        %parallel_loop3A_897 = vector.broadcast %parallel_loop3A_884 : i32 to vector<16xi32>
        %parallel_loop3A_898 = arith.addi %parallel_loop3A_897, %iota3A : vector<16xi32>
        %parallel_loop3A_899 = arith.constant 17 : i32
        %parallel_loop3A_900 = vector.broadcast %parallel_loop3A_899 : i32 to vector<16xi32>
        %parallel_loop3A_901 = arith.muli %parallel_loop3A_898, %parallel_loop3A_900 : vector<16xi32>
        %parallel_loop3A_902 = arith.constant 1 : i32
        %parallel_loop3A_903 = vector.broadcast %parallel_loop3A_902 : i32 to vector<16xi32>
        %parallel_loop3A_904 = arith.addi %parallel_loop3A_901, %parallel_loop3A_903 : vector<16xi32>
        %parallel_loop3A_905 = tpu.vector_load_idx %arg5[%parallel_loop3A_904] : memref<4352xi32, #tpu.memory_space<vmem>>[vector<16xi32>], vector<16xi32>,
        %parallel_loop3A_906 = arith.addi %parallel_loop3A_896, %parallel_loop3A_905 : vector<16xi32>
        %parallel_loop3A_907 = vector.broadcast %parallel_loop3A_884 : i32 to vector<16xi32>
        %parallel_loop3A_908 = arith.addi %parallel_loop3A_907, %iota3A : vector<16xi32>
        %parallel_loop3A_909 = arith.constant 17 : i32
        %parallel_loop3A_910 = vector.broadcast %parallel_loop3A_909 : i32 to vector<16xi32>
        %parallel_loop3A_911 = arith.muli %parallel_loop3A_908, %parallel_loop3A_910 : vector<16xi32>
        %parallel_loop3A_912 = arith.constant 2 : i32
        %parallel_loop3A_913 = vector.broadcast %parallel_loop3A_912 : i32 to vector<16xi32>
        %parallel_loop3A_914 = arith.addi %parallel_loop3A_911, %parallel_loop3A_913 : vector<16xi32>
        %parallel_loop3A_915 = tpu.vector_load_idx %arg5[%parallel_loop3A_914] : memref<4352xi32, #tpu.memory_space<vmem>>[vector<16xi32>], vector<16xi32>,
        %parallel_loop3A_916 = arith.addi %parallel_loop3A_906, %parallel_loop3A_915 : vector<16xi32>
        %parallel_loop3A_917 = vector.broadcast %parallel_loop3A_884 : i32 to vector<16xi32>
        %parallel_loop3A_918 = arith.addi %parallel_loop3A_917, %iota3A : vector<16xi32>
        %parallel_loop3A_919 = arith.constant 17 : i32
        %parallel_loop3A_920 = vector.broadcast %parallel_loop3A_919 : i32 to vector<16xi32>
        %parallel_loop3A_921 = arith.muli %parallel_loop3A_918, %parallel_loop3A_920 : vector<16xi32>
        %parallel_loop3A_922 = arith.constant 3 : i32
        %parallel_loop3A_923 = vector.broadcast %parallel_loop3A_922 : i32 to vector<16xi32>
        %parallel_loop3A_924 = arith.addi %parallel_loop3A_921, %parallel_loop3A_923 : vector<16xi32>
        %parallel_loop3A_925 = tpu.vector_load_idx %arg5[%parallel_loop3A_924] : memref<4352xi32, #tpu.memory_space<vmem>>[vector<16xi32>], vector<16xi32>,
        %parallel_loop3A_926 = arith.addi %parallel_loop3A_916, %parallel_loop3A_925 : vector<16xi32>
        %parallel_loop3A_927 = vector.broadcast %parallel_loop3A_884 : i32 to vector<16xi32>
        %parallel_loop3A_928 = arith.addi %parallel_loop3A_927, %iota3A : vector<16xi32>
        %parallel_loop3A_929 = arith.constant 17 : i32
        %parallel_loop3A_930 = vector.broadcast %parallel_loop3A_929 : i32 to vector<16xi32>
        %parallel_loop3A_931 = arith.muli %parallel_loop3A_928, %parallel_loop3A_930 : vector<16xi32>
        %parallel_loop3A_932 = arith.constant 4 : i32
        %parallel_loop3A_933 = vector.broadcast %parallel_loop3A_932 : i32 to vector<16xi32>
        %parallel_loop3A_934 = arith.addi %parallel_loop3A_931, %parallel_loop3A_933 : vector<16xi32>
        %parallel_loop3A_935 = tpu.vector_load_idx %arg5[%parallel_loop3A_934] : memref<4352xi32, #tpu.memory_space<vmem>>[vector<16xi32>], vector<16xi32>,
        %parallel_loop3A_936 = arith.addi %parallel_loop3A_926, %parallel_loop3A_935 : vector<16xi32>
        %parallel_loop3A_937 = vector.broadcast %parallel_loop3A_884 : i32 to vector<16xi32>
        %parallel_loop3A_938 = arith.addi %parallel_loop3A_937, %iota3A : vector<16xi32>
        %parallel_loop3A_939 = arith.constant 17 : i32
        %parallel_loop3A_940 = vector.broadcast %parallel_loop3A_939 : i32 to vector<16xi32>
        %parallel_loop3A_941 = arith.muli %parallel_loop3A_938, %parallel_loop3A_940 : vector<16xi32>
        %parallel_loop3A_942 = arith.constant 5 : i32
        %parallel_loop3A_943 = vector.broadcast %parallel_loop3A_942 : i32 to vector<16xi32>
        %parallel_loop3A_944 = arith.addi %parallel_loop3A_941, %parallel_loop3A_943 : vector<16xi32>
        %parallel_loop3A_945 = tpu.vector_load_idx %arg5[%parallel_loop3A_944] : memref<4352xi32, #tpu.memory_space<vmem>>[vector<16xi32>], vector<16xi32>,
        %parallel_loop3A_946 = arith.addi %parallel_loop3A_936, %parallel_loop3A_945 : vector<16xi32>
        %parallel_loop3A_947 = vector.broadcast %parallel_loop3A_884 : i32 to vector<16xi32>
        %parallel_loop3A_948 = arith.addi %parallel_loop3A_947, %iota3A : vector<16xi32>
        %parallel_loop3A_949 = arith.constant 17 : i32
        %parallel_loop3A_950 = vector.broadcast %parallel_loop3A_949 : i32 to vector<16xi32>
        %parallel_loop3A_951 = arith.muli %parallel_loop3A_948, %parallel_loop3A_950 : vector<16xi32>
        %parallel_loop3A_952 = arith.constant 6 : i32
        %parallel_loop3A_953 = vector.broadcast %parallel_loop3A_952 : i32 to vector<16xi32>
        %parallel_loop3A_954 = arith.addi %parallel_loop3A_951, %parallel_loop3A_953 : vector<16xi32>
        %parallel_loop3A_955 = tpu.vector_load_idx %arg5[%parallel_loop3A_954] : memref<4352xi32, #tpu.memory_space<vmem>>[vector<16xi32>], vector<16xi32>,
        %parallel_loop3A_956 = arith.addi %parallel_loop3A_946, %parallel_loop3A_955 : vector<16xi32>
        %parallel_loop3A_957 = vector.broadcast %parallel_loop3A_884 : i32 to vector<16xi32>
        %parallel_loop3A_958 = arith.addi %parallel_loop3A_957, %iota3A : vector<16xi32>
        %parallel_loop3A_959 = arith.constant 17 : i32
        %parallel_loop3A_960 = vector.broadcast %parallel_loop3A_959 : i32 to vector<16xi32>
        %parallel_loop3A_961 = arith.muli %parallel_loop3A_958, %parallel_loop3A_960 : vector<16xi32>
        %parallel_loop3A_962 = arith.constant 7 : i32
        %parallel_loop3A_963 = vector.broadcast %parallel_loop3A_962 : i32 to vector<16xi32>
        %parallel_loop3A_964 = arith.addi %parallel_loop3A_961, %parallel_loop3A_963 : vector<16xi32>
        %parallel_loop3A_965 = tpu.vector_load_idx %arg5[%parallel_loop3A_964] : memref<4352xi32, #tpu.memory_space<vmem>>[vector<16xi32>], vector<16xi32>,
        %parallel_loop3A_966 = arith.addi %parallel_loop3A_956, %parallel_loop3A_965 : vector<16xi32>
        %parallel_loop3A_967 = vector.broadcast %parallel_loop3A_884 : i32 to vector<16xi32>
        %parallel_loop3A_968 = arith.addi %parallel_loop3A_967, %iota3A : vector<16xi32>
        %parallel_loop3A_969 = arith.constant 17 : i32
        %parallel_loop3A_970 = vector.broadcast %parallel_loop3A_969 : i32 to vector<16xi32>
        %parallel_loop3A_971 = arith.muli %parallel_loop3A_968, %parallel_loop3A_970 : vector<16xi32>
        %parallel_loop3A_972 = arith.constant 8 : i32
        %parallel_loop3A_973 = vector.broadcast %parallel_loop3A_972 : i32 to vector<16xi32>
        %parallel_loop3A_974 = arith.addi %parallel_loop3A_971, %parallel_loop3A_973 : vector<16xi32>
        %parallel_loop3A_975 = tpu.vector_load_idx %arg5[%parallel_loop3A_974] : memref<4352xi32, #tpu.memory_space<vmem>>[vector<16xi32>], vector<16xi32>,
        %parallel_loop3A_976 = arith.addi %parallel_loop3A_966, %parallel_loop3A_975 : vector<16xi32>
        %parallel_loop3A_977 = vector.broadcast %parallel_loop3A_884 : i32 to vector<16xi32>
        %parallel_loop3A_978 = arith.addi %parallel_loop3A_977, %iota3A : vector<16xi32>
        %parallel_loop3A_979 = arith.constant 17 : i32
        %parallel_loop3A_980 = vector.broadcast %parallel_loop3A_979 : i32 to vector<16xi32>
        %parallel_loop3A_981 = arith.muli %parallel_loop3A_978, %parallel_loop3A_980 : vector<16xi32>
        %parallel_loop3A_982 = arith.constant 9 : i32
        %parallel_loop3A_983 = vector.broadcast %parallel_loop3A_982 : i32 to vector<16xi32>
        %parallel_loop3A_984 = arith.addi %parallel_loop3A_981, %parallel_loop3A_983 : vector<16xi32>
        %parallel_loop3A_985 = tpu.vector_load_idx %arg5[%parallel_loop3A_984] : memref<4352xi32, #tpu.memory_space<vmem>>[vector<16xi32>], vector<16xi32>,
        %parallel_loop3A_986 = arith.addi %parallel_loop3A_976, %parallel_loop3A_985 : vector<16xi32>
        %parallel_loop3A_987 = vector.broadcast %parallel_loop3A_884 : i32 to vector<16xi32>
        %parallel_loop3A_988 = arith.addi %parallel_loop3A_987, %iota3A : vector<16xi32>
        %parallel_loop3A_989 = arith.constant 17 : i32
        %parallel_loop3A_990 = vector.broadcast %parallel_loop3A_989 : i32 to vector<16xi32>
        %parallel_loop3A_991 = arith.muli %parallel_loop3A_988, %parallel_loop3A_990 : vector<16xi32>
        %parallel_loop3A_992 = arith.constant 10 : i32
        %parallel_loop3A_993 = vector.broadcast %parallel_loop3A_992 : i32 to vector<16xi32>
        %parallel_loop3A_994 = arith.addi %parallel_loop3A_991, %parallel_loop3A_993 : vector<16xi32>
        %parallel_loop3A_995 = tpu.vector_load_idx %arg5[%parallel_loop3A_994] : memref<4352xi32, #tpu.memory_space<vmem>>[vector<16xi32>], vector<16xi32>,
        %parallel_loop3A_996 = arith.addi %parallel_loop3A_986, %parallel_loop3A_995 : vector<16xi32>
        %parallel_loop3A_997 = vector.broadcast %parallel_loop3A_884 : i32 to vector<16xi32>
        %parallel_loop3A_998 = arith.addi %parallel_loop3A_997, %iota3A : vector<16xi32>
        %parallel_loop3A_999 = arith.constant 17 : i32
        %parallel_loop3A_1000 = vector.broadcast %parallel_loop3A_999 : i32 to vector<16xi32>
        %parallel_loop3A_1001 = arith.muli %parallel_loop3A_998, %parallel_loop3A_1000 : vector<16xi32>
        %parallel_loop3A_1002 = arith.constant 11 : i32
        %parallel_loop3A_1003 = vector.broadcast %parallel_loop3A_1002 : i32 to vector<16xi32>
        %parallel_loop3A_1004 = arith.addi %parallel_loop3A_1001, %parallel_loop3A_1003 : vector<16xi32>
        %parallel_loop3A_1005 = tpu.vector_load_idx %arg5[%parallel_loop3A_1004] : memref<4352xi32, #tpu.memory_space<vmem>>[vector<16xi32>], vector<16xi32>,
        %parallel_loop3A_1006 = arith.addi %parallel_loop3A_996, %parallel_loop3A_1005 : vector<16xi32>
        %parallel_loop3A_1007 = vector.broadcast %parallel_loop3A_884 : i32 to vector<16xi32>
        %parallel_loop3A_1008 = arith.addi %parallel_loop3A_1007, %iota3A : vector<16xi32>
        %parallel_loop3A_1009 = arith.constant 17 : i32
        %parallel_loop3A_1010 = vector.broadcast %parallel_loop3A_1009 : i32 to vector<16xi32>
        %parallel_loop3A_1011 = arith.muli %parallel_loop3A_1008, %parallel_loop3A_1010 : vector<16xi32>
        %parallel_loop3A_1012 = arith.constant 12 : i32
        %parallel_loop3A_1013 = vector.broadcast %parallel_loop3A_1012 : i32 to vector<16xi32>
        %parallel_loop3A_1014 = arith.addi %parallel_loop3A_1011, %parallel_loop3A_1013 : vector<16xi32>
        %parallel_loop3A_1015 = tpu.vector_load_idx %arg5[%parallel_loop3A_1014] : memref<4352xi32, #tpu.memory_space<vmem>>[vector<16xi32>], vector<16xi32>,
        %parallel_loop3A_1016 = arith.addi %parallel_loop3A_1006, %parallel_loop3A_1015 : vector<16xi32>
        %parallel_loop3A_1017 = vector.broadcast %parallel_loop3A_884 : i32 to vector<16xi32>
        %parallel_loop3A_1018 = arith.addi %parallel_loop3A_1017, %iota3A : vector<16xi32>
        %parallel_loop3A_1019 = arith.constant 17 : i32
        %parallel_loop3A_1020 = vector.broadcast %parallel_loop3A_1019 : i32 to vector<16xi32>
        %parallel_loop3A_1021 = arith.muli %parallel_loop3A_1018, %parallel_loop3A_1020 : vector<16xi32>
        %parallel_loop3A_1022 = arith.constant 13 : i32
        %parallel_loop3A_1023 = vector.broadcast %parallel_loop3A_1022 : i32 to vector<16xi32>
        %parallel_loop3A_1024 = arith.addi %parallel_loop3A_1021, %parallel_loop3A_1023 : vector<16xi32>
        %parallel_loop3A_1025 = tpu.vector_load_idx %arg5[%parallel_loop3A_1024] : memref<4352xi32, #tpu.memory_space<vmem>>[vector<16xi32>], vector<16xi32>,
        %parallel_loop3A_1026 = arith.addi %parallel_loop3A_1016, %parallel_loop3A_1025 : vector<16xi32>
        %parallel_loop3A_1027 = vector.broadcast %parallel_loop3A_884 : i32 to vector<16xi32>
        %parallel_loop3A_1028 = arith.addi %parallel_loop3A_1027, %iota3A : vector<16xi32>
        %parallel_loop3A_1029 = arith.constant 17 : i32
        %parallel_loop3A_1030 = vector.broadcast %parallel_loop3A_1029 : i32 to vector<16xi32>
        %parallel_loop3A_1031 = arith.muli %parallel_loop3A_1028, %parallel_loop3A_1030 : vector<16xi32>
        %parallel_loop3A_1032 = arith.constant 14 : i32
        %parallel_loop3A_1033 = vector.broadcast %parallel_loop3A_1032 : i32 to vector<16xi32>
        %parallel_loop3A_1034 = arith.addi %parallel_loop3A_1031, %parallel_loop3A_1033 : vector<16xi32>
        %parallel_loop3A_1035 = tpu.vector_load_idx %arg5[%parallel_loop3A_1034] : memref<4352xi32, #tpu.memory_space<vmem>>[vector<16xi32>], vector<16xi32>,
        %parallel_loop3A_1036 = arith.addi %parallel_loop3A_1026, %parallel_loop3A_1035 : vector<16xi32>
        %parallel_loop3A_1037 = vector.broadcast %parallel_loop3A_884 : i32 to vector<16xi32>
        %parallel_loop3A_1038 = arith.addi %parallel_loop3A_1037, %iota3A : vector<16xi32>
        %parallel_loop3A_1039 = arith.constant 17 : i32
        %parallel_loop3A_1040 = vector.broadcast %parallel_loop3A_1039 : i32 to vector<16xi32>
        %parallel_loop3A_1041 = arith.muli %parallel_loop3A_1038, %parallel_loop3A_1040 : vector<16xi32>
        %parallel_loop3A_1042 = arith.constant 15 : i32
        %parallel_loop3A_1043 = vector.broadcast %parallel_loop3A_1042 : i32 to vector<16xi32>
        %parallel_loop3A_1044 = arith.addi %parallel_loop3A_1041, %parallel_loop3A_1043 : vector<16xi32>
        %parallel_loop3A_1045 = tpu.vector_load_idx %arg5[%parallel_loop3A_1044] : memref<4352xi32, #tpu.memory_space<vmem>>[vector<16xi32>], vector<16xi32>,
        %parallel_loop3A_1046 = arith.addi %parallel_loop3A_1036, %parallel_loop3A_1045 : vector<16xi32>
        %parallel_loop3A_1047 = arith.index_cast %parallel_loop3A_884 : i32 to index
        %parallel_loop3A_1048 = tpu.vector_load %arg6[%parallel_loop3A_1047] {strides = array<i32>} : memref<256xi32, #tpu.memory_space<vmem>>, vector<16xi32>,
        tpu.vector_store %arg6[%parallel_loop3A_1047], %parallel_loop3A_1046 {strides = array<i32>} : memref<256xi32, #tpu.memory_space<vmem>>, vector<16xi32>,
      } {sc.loop_unroll_factor = 4 : i64, sc.parallel_access}
      %broadcast_in_dim3A_653 = arith.constant 0 : i32
      %broadcast_in_dim3A_654 = vector.broadcast %broadcast_in_dim3A_653 : i32 to vector<16xi32>
      %mul3A_655 = arith.constant 16 : i32
      %mul3A_656 = vector.broadcast %mul3A_655 : i32 to vector<16xi32>
      %mul3A_657 = arith.muli %iota3A, %mul3A_656 : vector<16xi32>
      %add3A_658 = arith.constant 0 : i32
      %add3A_659 = vector.broadcast %add3A_658 : i32 to vector<16xi32>
      %add3A_660 = arith.addi %mul3A_657, %add3A_659 : vector<16xi32>
      %gather3A_661 = tpu.vector_load_idx %arg6[%add3A_660] : memref<256xi32, #tpu.memory_space<vmem>>[vector<16xi32>], vector<16xi32>,
      %add3A_662 = arith.addi %broadcast_in_dim3A_654, %gather3A_661 : vector<16xi32>
      %mul3A_663 = arith.constant 16 : i32
      %mul3A_664 = vector.broadcast %mul3A_663 : i32 to vector<16xi32>
      %mul3A_665 = arith.muli %iota3A, %mul3A_664 : vector<16xi32>
      %add3A_666 = arith.constant 1 : i32
      %add3A_667 = vector.broadcast %add3A_666 : i32 to vector<16xi32>
      %add3A_668 = arith.addi %mul3A_665, %add3A_667 : vector<16xi32>
      %gather3A_669 = tpu.vector_load_idx %arg6[%add3A_668] : memref<256xi32, #tpu.memory_space<vmem>>[vector<16xi32>], vector<16xi32>,
      %add3A_670 = arith.addi %add3A_662, %gather3A_669 : vector<16xi32>
      %mul3A_671 = arith.constant 16 : i32
      %mul3A_672 = vector.broadcast %mul3A_671 : i32 to vector<16xi32>
      %mul3A_673 = arith.muli %iota3A, %mul3A_672 : vector<16xi32>
      %add3A_674 = arith.constant 2 : i32
      %add3A_675 = vector.broadcast %add3A_674 : i32 to vector<16xi32>
      %add3A_676 = arith.addi %mul3A_673, %add3A_675 : vector<16xi32>
      %gather3A_677 = tpu.vector_load_idx %arg6[%add3A_676] : memref<256xi32, #tpu.memory_space<vmem>>[vector<16xi32>], vector<16xi32>,
      %add3A_678 = arith.addi %add3A_670, %gather3A_677 : vector<16xi32>
      %mul3A_679 = arith.constant 16 : i32
      %mul3A_680 = vector.broadcast %mul3A_679 : i32 to vector<16xi32>
      %mul3A_681 = arith.muli %iota3A, %mul3A_680 : vector<16xi32>
      %add3A_682 = arith.constant 3 : i32
      %add3A_683 = vector.broadcast %add3A_682 : i32 to vector<16xi32>
      %add3A_684 = arith.addi %mul3A_681, %add3A_683 : vector<16xi32>
      %gather3A_685 = tpu.vector_load_idx %arg6[%add3A_684] : memref<256xi32, #tpu.memory_space<vmem>>[vector<16xi32>], vector<16xi32>,
      %add3A_686 = arith.addi %add3A_678, %gather3A_685 : vector<16xi32>
      %mul3A_687 = arith.constant 16 : i32
      %mul3A_688 = vector.broadcast %mul3A_687 : i32 to vector<16xi32>
      %mul3A_689 = arith.muli %iota3A, %mul3A_688 : vector<16xi32>
      %add3A_690 = arith.constant 4 : i32
      %add3A_691 = vector.broadcast %add3A_690 : i32 to vector<16xi32>
      %add3A_692 = arith.addi %mul3A_689, %add3A_691 : vector<16xi32>
      %gather3A_693 = tpu.vector_load_idx %arg6[%add3A_692] : memref<256xi32, #tpu.memory_space<vmem>>[vector<16xi32>], vector<16xi32>,
      %add3A_694 = arith.addi %add3A_686, %gather3A_693 : vector<16xi32>
      %mul3A_695 = arith.constant 16 : i32
      %mul3A_696 = vector.broadcast %mul3A_695 : i32 to vector<16xi32>
      %mul3A_697 = arith.muli %iota3A, %mul3A_696 : vector<16xi32>
      %add3A_698 = arith.constant 5 : i32
      %add3A_699 = vector.broadcast %add3A_698 : i32 to vector<16xi32>
      %add3A_700 = arith.addi %mul3A_697, %add3A_699 : vector<16xi32>
      %gather3A_701 = tpu.vector_load_idx %arg6[%add3A_700] : memref<256xi32, #tpu.memory_space<vmem>>[vector<16xi32>], vector<16xi32>,
      %add3A_702 = arith.addi %add3A_694, %gather3A_701 : vector<16xi32>
      %mul3A_703 = arith.constant 16 : i32
      %mul3A_704 = vector.broadcast %mul3A_703 : i32 to vector<16xi32>
      %mul3A_705 = arith.muli %iota3A, %mul3A_704 : vector<16xi32>
      %add3A_706 = arith.constant 6 : i32
      %add3A_707 = vector.broadcast %add3A_706 : i32 to vector<16xi32>
      %add3A_708 = arith.addi %mul3A_705, %add3A_707 : vector<16xi32>
      %gather3A_709 = tpu.vector_load_idx %arg6[%add3A_708] : memref<256xi32, #tpu.memory_space<vmem>>[vector<16xi32>], vector<16xi32>,
      %add3A_710 = arith.addi %add3A_702, %gather3A_709 : vector<16xi32>
      %mul3A_711 = arith.constant 16 : i32
      %mul3A_712 = vector.broadcast %mul3A_711 : i32 to vector<16xi32>
      %mul3A_713 = arith.muli %iota3A, %mul3A_712 : vector<16xi32>
      %add3A_714 = arith.constant 7 : i32
      %add3A_715 = vector.broadcast %add3A_714 : i32 to vector<16xi32>
      %add3A_716 = arith.addi %mul3A_713, %add3A_715 : vector<16xi32>
      %gather3A_717 = tpu.vector_load_idx %arg6[%add3A_716] : memref<256xi32, #tpu.memory_space<vmem>>[vector<16xi32>], vector<16xi32>,
      %add3A_718 = arith.addi %add3A_710, %gather3A_717 : vector<16xi32>
      %mul3A_719 = arith.constant 16 : i32
      %mul3A_720 = vector.broadcast %mul3A_719 : i32 to vector<16xi32>
      %mul3A_721 = arith.muli %iota3A, %mul3A_720 : vector<16xi32>
      %add3A_722 = arith.constant 8 : i32
      %add3A_723 = vector.broadcast %add3A_722 : i32 to vector<16xi32>
      %add3A_724 = arith.addi %mul3A_721, %add3A_723 : vector<16xi32>
      %gather3A_725 = tpu.vector_load_idx %arg6[%add3A_724] : memref<256xi32, #tpu.memory_space<vmem>>[vector<16xi32>], vector<16xi32>,
      %add3A_726 = arith.addi %add3A_718, %gather3A_725 : vector<16xi32>
      %mul3A_727 = arith.constant 16 : i32
      %mul3A_728 = vector.broadcast %mul3A_727 : i32 to vector<16xi32>
      %mul3A_729 = arith.muli %iota3A, %mul3A_728 : vector<16xi32>
      %add3A_730 = arith.constant 9 : i32
      %add3A_731 = vector.broadcast %add3A_730 : i32 to vector<16xi32>
      %add3A_732 = arith.addi %mul3A_729, %add3A_731 : vector<16xi32>
      %gather3A_733 = tpu.vector_load_idx %arg6[%add3A_732] : memref<256xi32, #tpu.memory_space<vmem>>[vector<16xi32>], vector<16xi32>,
      %add3A_734 = arith.addi %add3A_726, %gather3A_733 : vector<16xi32>
      %mul3A_735 = arith.constant 16 : i32
      %mul3A_736 = vector.broadcast %mul3A_735 : i32 to vector<16xi32>
      %mul3A_737 = arith.muli %iota3A, %mul3A_736 : vector<16xi32>
      %add3A_738 = arith.constant 10 : i32
      %add3A_739 = vector.broadcast %add3A_738 : i32 to vector<16xi32>
      %add3A_740 = arith.addi %mul3A_737, %add3A_739 : vector<16xi32>
      %gather3A_741 = tpu.vector_load_idx %arg6[%add3A_740] : memref<256xi32, #tpu.memory_space<vmem>>[vector<16xi32>], vector<16xi32>,
      %add3A_742 = arith.addi %add3A_734, %gather3A_741 : vector<16xi32>
      %mul3A_743 = arith.constant 16 : i32
      %mul3A_744 = vector.broadcast %mul3A_743 : i32 to vector<16xi32>
      %mul3A_745 = arith.muli %iota3A, %mul3A_744 : vector<16xi32>
      %add3A_746 = arith.constant 11 : i32
      %add3A_747 = vector.broadcast %add3A_746 : i32 to vector<16xi32>
      %add3A_748 = arith.addi %mul3A_745, %add3A_747 : vector<16xi32>
      %gather3A_749 = tpu.vector_load_idx %arg6[%add3A_748] : memref<256xi32, #tpu.memory_space<vmem>>[vector<16xi32>], vector<16xi32>,
      %add3A_750 = arith.addi %add3A_742, %gather3A_749 : vector<16xi32>
      %mul3A_751 = arith.constant 16 : i32
      %mul3A_752 = vector.broadcast %mul3A_751 : i32 to vector<16xi32>
      %mul3A_753 = arith.muli %iota3A, %mul3A_752 : vector<16xi32>
      %add3A_754 = arith.constant 12 : i32
      %add3A_755 = vector.broadcast %add3A_754 : i32 to vector<16xi32>
      %add3A_756 = arith.addi %mul3A_753, %add3A_755 : vector<16xi32>
      %gather3A_757 = tpu.vector_load_idx %arg6[%add3A_756] : memref<256xi32, #tpu.memory_space<vmem>>[vector<16xi32>], vector<16xi32>,
      %add3A_758 = arith.addi %add3A_750, %gather3A_757 : vector<16xi32>
      %mul3A_759 = arith.constant 16 : i32
      %mul3A_760 = vector.broadcast %mul3A_759 : i32 to vector<16xi32>
      %mul3A_761 = arith.muli %iota3A, %mul3A_760 : vector<16xi32>
      %add3A_762 = arith.constant 13 : i32
      %add3A_763 = vector.broadcast %add3A_762 : i32 to vector<16xi32>
      %add3A_764 = arith.addi %mul3A_761, %add3A_763 : vector<16xi32>
      %gather3A_765 = tpu.vector_load_idx %arg6[%add3A_764] : memref<256xi32, #tpu.memory_space<vmem>>[vector<16xi32>], vector<16xi32>,
      %add3A_766 = arith.addi %add3A_758, %gather3A_765 : vector<16xi32>
      %mul3A_767 = arith.constant 16 : i32
      %mul3A_768 = vector.broadcast %mul3A_767 : i32 to vector<16xi32>
      %mul3A_769 = arith.muli %iota3A, %mul3A_768 : vector<16xi32>
      %add3A_770 = arith.constant 14 : i32
      %add3A_771 = vector.broadcast %add3A_770 : i32 to vector<16xi32>
      %add3A_772 = arith.addi %mul3A_769, %add3A_771 : vector<16xi32>
      %gather3A_773 = tpu.vector_load_idx %arg6[%add3A_772] : memref<256xi32, #tpu.memory_space<vmem>>[vector<16xi32>], vector<16xi32>,
      %add3A_774 = arith.addi %add3A_766, %gather3A_773 : vector<16xi32>
      %mul3A_775 = arith.constant 16 : i32
      %mul3A_776 = vector.broadcast %mul3A_775 : i32 to vector<16xi32>
      %mul3A_777 = arith.muli %iota3A, %mul3A_776 : vector<16xi32>
      %add3A_778 = arith.constant 15 : i32
      %add3A_779 = vector.broadcast %add3A_778 : i32 to vector<16xi32>
      %add3A_780 = arith.addi %mul3A_777, %add3A_779 : vector<16xi32>
      %gather3A_781 = tpu.vector_load_idx %arg6[%add3A_780] : memref<256xi32, #tpu.memory_space<vmem>>[vector<16xi32>], vector<16xi32>,
      %add3A_782 = arith.addi %add3A_774, %gather3A_781 : vector<16xi32>
      %broadcast_in_dim3A_783 = arith.constant true
      %broadcast_in_dim3A_784 = vector.broadcast %broadcast_in_dim3A_783 : i1 to vector<16xi1>
      %masked_cumsum3A_785 = tpu.scan <sum>, %add3A_782 masked %broadcast_in_dim3A_784 : vector<16xi32>, vector<16xi1> -> vector<16xi32>
      %swap3A_786 = arith.constant 0 : index
      %swap3A_787 = tpu.vector_load %arg7[%swap3A_786] {strides = array<i32>} : memref<48xi32, #tpu.memory_space<vmem>>, vector<16xi32>,
      tpu.vector_store %arg7[%swap3A_786], %masked_cumsum3A_785 {strides = array<i32>} : memref<48xi32, #tpu.memory_space<vmem>>, vector<16xi32>,
      %broadcast_in_dim3A_788 = arith.constant 15 : i32
      %broadcast_in_dim3A_789 = vector.broadcast %broadcast_in_dim3A_788 : i32 to vector<16xi32>
      %gather3A_790 = tpu.vector_load_idx %arg7[%broadcast_in_dim3A_789] : memref<48xi32, #tpu.memory_space<vmem>>[vector<16xi32>], vector<16xi32>,
      %sub3A_791 = arith.subi %gather3A_790, %masked_cumsum3A_785 : vector<16xi32>
      %add3A_792 = arith.addi %sub3A_791, %add3A_782 : vector<16xi32>
      %ge3A_793 = arith.cmpi sge, %add3A_792, %sub3A_639 : vector<16xi32>
      %all_reduce_population_count3A_794 = tpu.all_reduce %ge3A_793 {dim = 0 : i64, kind = #tpu.reduction_kind<sum>} : vector<16xi1> -> vector<16xi32>
      %sub3A_795 = arith.constant 1 : i32
      %sub3A_796 = vector.broadcast %sub3A_795 : i32 to vector<16xi32>
      %sub3A_797 = arith.subi %all_reduce_population_count3A_794, %sub3A_796 : vector<16xi32>
      %swap3A_798 = arith.constant 16 : index
      %swap3A_799 = tpu.vector_load %arg7[%swap3A_798] {strides = array<i32>} : memref<48xi32, #tpu.memory_space<vmem>>, vector<16xi32>,
      tpu.vector_store %arg7[%swap3A_798], %add3A_792 {strides = array<i32>} : memref<48xi32, #tpu.memory_space<vmem>>, vector<16xi32>,
      %swap3A_800 = arith.constant 32 : index
      %swap3A_801 = tpu.vector_load %arg7[%swap3A_800] {strides = array<i32>} : memref<48xi32, #tpu.memory_space<vmem>>, vector<16xi32>,
      tpu.vector_store %arg7[%swap3A_800], %add3A_782 {strides = array<i32>} : memref<48xi32, #tpu.memory_space<vmem>>, vector<16xi32>,
      %add3A_802 = arith.constant 16 : i32
      %add3A_803 = vector.broadcast %add3A_802 : i32 to vector<16xi32>
      %add3A_804 = arith.addi %sub3A_797, %add3A_803 : vector<16xi32>
      %gather3A_805 = tpu.vector_load_idx %arg7[%add3A_804] : memref<48xi32, #tpu.memory_space<vmem>>[vector<16xi32>], vector<16xi32>,
      %add3A_806 = arith.constant 32 : i32
      %add3A_807 = vector.broadcast %add3A_806 : i32 to vector<16xi32>
      %add3A_808 = arith.addi %sub3A_797, %add3A_807 : vector<16xi32>
      %gather3A_809 = tpu.vector_load_idx %arg7[%add3A_808] : memref<48xi32, #tpu.memory_space<vmem>>[vector<16xi32>], vector<16xi32>,
      %sub3A_810 = arith.subi %gather3A_805, %gather3A_809 : vector<16xi32>
      %mul3A_811 = arith.constant 16 : i32
      %mul3A_812 = vector.broadcast %mul3A_811 : i32 to vector<16xi32>
      %mul3A_813 = arith.muli %sub3A_797, %mul3A_812 : vector<16xi32>
      %add3A_814 = arith.addi %mul3A_813, %iota3A : vector<16xi32>
      %gather3A_815 = tpu.vector_load_idx %arg6[%add3A_814] : memref<256xi32, #tpu.memory_space<vmem>>[vector<16xi32>], vector<16xi32>,
      %broadcast_in_dim3A_816 = arith.constant true
      %broadcast_in_dim3A_817 = vector.broadcast %broadcast_in_dim3A_816 : i1 to vector<16xi1>
      %masked_cumsum3A_818 = tpu.scan <sum>, %gather3A_815 masked %broadcast_in_dim3A_817 : vector<16xi32>, vector<16xi1> -> vector<16xi32>
      %add3A_819 = arith.addi %sub3A_810, %gather3A_809 : vector<16xi32>
      %sub3A_820 = arith.subi %add3A_819, %masked_cumsum3A_818 : vector<16xi32>
      %add3A_821 = arith.addi %sub3A_820, %gather3A_815 : vector<16xi32>
      %ge3A_822 = arith.cmpi sge, %add3A_821, %sub3A_639 : vector<16xi32>
      %all_reduce_population_count3A_823 = tpu.all_reduce %ge3A_822 {dim = 0 : i64, kind = #tpu.reduction_kind<sum>} : vector<16xi1> -> vector<16xi32>
      %sub3A_824 = arith.constant 1 : i32
      %sub3A_825 = vector.broadcast %sub3A_824 : i32 to vector<16xi32>
      %sub3A_826 = arith.subi %all_reduce_population_count3A_823, %sub3A_825 : vector<16xi32>
      %mul3A_827 = arith.constant 16 : i32
      %mul3A_828 = vector.broadcast %mul3A_827 : i32 to vector<16xi32>
      %mul3A_829 = arith.muli %sub3A_797, %mul3A_828 : vector<16xi32>
      %add3A_830 = arith.addi %mul3A_829, %sub3A_826 : vector<16xi32>
      %swap3A_831 = arith.constant 0 : index
      %swap3A_832 = tpu.vector_load %arg7[%swap3A_831] {strides = array<i32>} : memref<48xi32, #tpu.memory_space<vmem>>, vector<16xi32>,
      tpu.vector_store %arg7[%swap3A_831], %add3A_821 {strides = array<i32>} : memref<48xi32, #tpu.memory_space<vmem>>, vector<16xi32>,
      %gather3A_833 = tpu.vector_load_idx %arg7[%sub3A_826] : memref<48xi32, #tpu.memory_space<vmem>>[vector<16xi32>], vector<16xi32>,
      %gather3A_834 = tpu.vector_load_idx %arg6[%add3A_830] : memref<256xi32, #tpu.memory_space<vmem>>[vector<16xi32>], vector<16xi32>,
      %sub3A_835 = arith.subi %gather3A_833, %gather3A_834 : vector<16xi32>
      %sub3A_836 = arith.subi %sub3A_639, %sub3A_835 : vector<16xi32>
      %shift_left3A_837 = arith.constant 0 : i32
      %shift_left3A_838 = vector.broadcast %shift_left3A_837 : i32 to vector<16xi32>
      %shift_left3A_839 = arith.shli %add3A_830, %shift_left3A_838 : vector<16xi32>
      %or3A_840 = arith.ori %or3A_643, %shift_left3A_839 : vector<16xi32>
      %bitcast3A = vector.bitcast %or3A_840 : vector<16xi32> to vector<16xf32>
      %add3A_841 = arith.constant 1.000000e-07 : f32
      %add3A_842 = vector.broadcast %add3A_841 : f32 to vector<16xf32>
      %add3A_843 = arith.addf %bitcast3A, %add3A_842 : vector<16xf32>
      %ge3A_844 = arith.constant 1 : i32
      %ge3A_845 = arith.cmpi sge, %scan3A_37, %ge3A_844 : i32
      %convert_element_type3A = arith.extui %ge3A_845 : i1 to i32
      %cond3A = arith.constant 0 : i32
      %cond3A_846 = arith.cmpi ne, %convert_element_type3A, %cond3A : i32
      scf.if %cond3A_846 {
        %add3A_882 = arith.addi %mul3A_2, %scan3A_37 : i32
        %sub3A_883 = arith.constant 1 : i32
        %sub3A_884 = arith.subi %add3A_882, %sub3A_883 : i32
        %dma_wait3A_885 = tpu.memref_slice %arg4[%mul3A_45] : memref<65536xf32, #tpu.memory_space<vmem>> -> memref<32768xf32, #tpu.memory_space<vmem>>
        %dma_wait3A_886 = arith.constant 0 : i32
        %dma_wait3A_887 = tpu.memref_slice %arg3[%sub3A_884, %dma_wait3A_886] : memref<128x32768xf32, #tpu.memory_space<hbm>> -> memref<1x32768xf32, #tpu.memory_space<hbm>>
        %dma_wait3A_888 = tpu.memref_squeeze %dma_wait3A_887 : memref<1x32768xf32, #tpu.memory_space<hbm>> -> memref<32768xf32, #tpu.memory_space<hbm>>
        %dma_wait3A_889 = tpu.memref_slice %arg9[%sub3A_41] : memref<2x!tpu.dma_semaphore, #tpu.memory_space<semaphore_mem>> -> memref<1x!tpu.dma_semaphore, #tpu.memory_space<semaphore_mem>>
        %dma_wait3A_890 = tpu.memref_squeeze %dma_wait3A_889 : memref<1x!tpu.dma_semaphore, #tpu.memory_space<semaphore_mem>> -> memref<!tpu.dma_semaphore, #tpu.memory_space<semaphore_mem>>
        %dma_wait3A_891 = arith.constant 0 : i32
        %dma_wait3A_892 = tpu.memref_slice %arg3[%sub3A_884, %dma_wait3A_891] : memref<128x32768xf32, #tpu.memory_space<hbm>> -> memref<1x32768xf32, #tpu.memory_space<hbm>>
        %dma_wait3A_893 = tpu.memref_squeeze %dma_wait3A_892 : memref<1x32768xf32, #tpu.memory_space<hbm>> -> memref<32768xf32, #tpu.memory_space<hbm>>
        %dma_wait3A_894 = tpu.memref_slice %arg4[%mul3A_45] : memref<65536xf32, #tpu.memory_space<vmem>> -> memref<32768xf32, #tpu.memory_space<vmem>>
        tpu.wait_dma2 semaphore(%dma_wait3A_890 : memref<!tpu.dma_semaphore, #tpu.memory_space<semaphore_mem>>) src(%dma_wait3A_894 : memref<32768xf32, #tpu.memory_space<vmem>>) dst(%dma_wait3A_893 : memref<32768xf32, #tpu.memory_space<hbm>>)
      } else {
      }
      %add3A_847 = arith.constant 1 : i32
      %add3A_848 = arith.addi %scan3A_37, %add3A_847 : i32
      %lt3A = arith.constant 3 : i32
      %lt3A_849 = arith.cmpi slt, %add3A_848, %lt3A : i32
      %convert_element_type3A_850 = arith.extui %lt3A_849 : i1 to i32
      %cond3A_851 = arith.constant 0 : i32
      %cond3A_852 = arith.cmpi ne, %convert_element_type3A_850, %cond3A_851 : i32
      scf.if %cond3A_852 {
        %add3A_882 = arith.addi %mul3A_2, %scan3A_37 : i32
        %add3A_883 = arith.constant 1 : i32
        %add3A_884 = arith.addi %add3A_882, %add3A_883 : i32
        %dma_start3A_885 = tpu.memref_slice %arg4[%mul3A_45] : memref<65536xf32, #tpu.memory_space<vmem>> -> memref<32768xf32, #tpu.memory_space<vmem>>
        %dma_start3A_886 = arith.constant 0 : i32
        %dma_start3A_887 = tpu.memref_slice %arg2[%add3A_884, %dma_start3A_886] : memref<128x32768xf32, #tpu.memory_space<hbm>> -> memref<1x32768xf32, #tpu.memory_space<hbm>>
        %dma_start3A_888 = tpu.memref_squeeze %dma_start3A_887 : memref<1x32768xf32, #tpu.memory_space<hbm>> -> memref<32768xf32, #tpu.memory_space<hbm>>
        %dma_start3A_889 = tpu.memref_slice %arg8[%sub3A_41] : memref<2x!tpu.dma_semaphore, #tpu.memory_space<semaphore_mem>> -> memref<1x!tpu.dma_semaphore, #tpu.memory_space<semaphore_mem>>
        %dma_start3A_890 = tpu.memref_squeeze %dma_start3A_889 : memref<1x!tpu.dma_semaphore, #tpu.memory_space<semaphore_mem>> -> memref<!tpu.dma_semaphore, #tpu.memory_space<semaphore_mem>>
        %dma_start3A_891 = tpu.memref_slice %arg4[%mul3A_45] : memref<65536xf32, #tpu.memory_space<vmem>> -> memref<32768xf32, #tpu.memory_space<vmem>>
        %dma_start3A_892 = arith.constant 0 : i32
        %dma_start3A_893 = tpu.memref_slice %arg2[%add3A_884, %dma_start3A_892] : memref<128x32768xf32, #tpu.memory_space<hbm>> -> memref<1x32768xf32, #tpu.memory_space<hbm>>
        %dma_start3A_894 = tpu.memref_squeeze %dma_start3A_893 : memref<1x32768xf32, #tpu.memory_space<hbm>> -> memref<32768xf32, #tpu.memory_space<hbm>>
        tpu.enqueue_dma source(%dma_start3A_894 : memref<32768xf32, #tpu.memory_space<hbm>>) target(%dma_start3A_891 : memref<32768xf32, #tpu.memory_space<vmem>>) target_semaphore(%dma_start3A_890 : memref<!tpu.dma_semaphore, #tpu.memory_space<semaphore_mem>>)
      } else {
      }
      %broadcast_in_dim3A_853 = arith.constant 0.000000e+00 : f32
      %broadcast_in_dim3A_854 = vector.broadcast %broadcast_in_dim3A_853 : f32 to vector<16xf32>
      %parallel_loop3A_855 = arith.constant 0 : i32
      %parallel_loop3A_856 = arith.constant 2048 : i32
      %parallel_loop3A_857 = arith.constant 1 : i32
      %parallel_loop3A_858 = scf.for %parallel_loop3A_882 = %parallel_loop3A_855 to %parallel_loop3A_856 step %parallel_loop3A_857 iter_args(%parallel_loop3A_883 = %broadcast_in_dim3A_854) -> (vector<16xf32>)  : i32 {
        %parallel_loop3A_884 = arith.constant 16 : i32
        %parallel_loop3A_885 = arith.muli %parallel_loop3A_882, %parallel_loop3A_884 : i32
        %parallel_loop3A_886 = tpu.memref_slice %arg4[%mul3A_43] : memref<65536xf32, #tpu.memory_space<vmem>> -> memref<32768xf32, #tpu.memory_space<vmem>>
        %parallel_loop3A_887 = arith.index_cast %parallel_loop3A_885 : i32 to index
        %parallel_loop3A_888 = tpu.vector_load %parallel_loop3A_886[%parallel_loop3A_887] {strides = array<i32>} : memref<32768xf32, #tpu.memory_space<vmem>>, vector<16xf32>,
        %parallel_loop3A_889 = arith.subf %parallel_loop3A_888, %add3A_843 : vector<16xf32>
        %parallel_loop3A_890 = arith.constant 0.000000e+00 : f32
        %parallel_loop3A_891 = vector.broadcast %parallel_loop3A_890 : f32 to vector<16xf32>
        %parallel_loop3A_892 = arith.maximumf %parallel_loop3A_889, %parallel_loop3A_891 : vector<16xf32>
        %parallel_loop3A_893 = arith.addf %parallel_loop3A_883, %parallel_loop3A_892 : vector<16xf32>
        scf.yield %parallel_loop3A_893 : vector<16xf32>
      } {sc.loop_unroll_factor = 16 : i64, sc.parallel_access}
      %reduce_sum3A = arith.constant true
      %reduce_sum3A_859 = vector.broadcast %reduce_sum3A : i1 to vector<16xi1>
      %reduce_sum3A_860 = tpu.scan <sum>, %parallel_loop3A_858 masked %reduce_sum3A_859 : vector<16xf32>, vector<16xi1> -> vector<16xf32>
      %reduce_sum3A_861 = vector.extract %reduce_sum3A_860[15] : f32 from vector<16xf32>
      %add3A_862 = arith.constant 1.000000e-07 : f32
      %add3A_863 = arith.addf %reduce_sum3A_861, %add3A_862 : f32
      %broadcast_in_dim3A_864 = vector.broadcast %add3A_863 : f32 to vector<16xf32>
      %broadcast_in_dim3A_865 = arith.constant 1.000000e+00 : f32
      %broadcast_in_dim3A_866 = vector.broadcast %broadcast_in_dim3A_865 : f32 to vector<16xf32>
      %div3A = arith.divf %broadcast_in_dim3A_866, %broadcast_in_dim3A_864 : vector<16xf32>
      %parallel_loop3A_867 = arith.constant 0 : i32
      %parallel_loop3A_868 = arith.constant 2048 : i32
      %parallel_loop3A_869 = arith.constant 1 : i32
      scf.for %parallel_loop3A_882 = %parallel_loop3A_867 to %parallel_loop3A_868 step %parallel_loop3A_869  : i32 {
        %parallel_loop3A_883 = arith.constant 16 : i32
        %parallel_loop3A_884 = arith.muli %parallel_loop3A_882, %parallel_loop3A_883 : i32
        %parallel_loop3A_885 = tpu.memref_slice %arg4[%mul3A_43] : memref<65536xf32, #tpu.memory_space<vmem>> -> memref<32768xf32, #tpu.memory_space<vmem>>
        %parallel_loop3A_886 = arith.index_cast %parallel_loop3A_884 : i32 to index
        %parallel_loop3A_887 = tpu.vector_load %parallel_loop3A_885[%parallel_loop3A_886] {strides = array<i32>} : memref<32768xf32, #tpu.memory_space<vmem>>, vector<16xf32>,
        %parallel_loop3A_888 = arith.subf %parallel_loop3A_887, %add3A_843 : vector<16xf32>
        %parallel_loop3A_889 = arith.constant 0.000000e+00 : f32
        %parallel_loop3A_890 = vector.broadcast %parallel_loop3A_889 : f32 to vector<16xf32>
        %parallel_loop3A_891 = arith.maximumf %parallel_loop3A_888, %parallel_loop3A_890 : vector<16xf32>
        %parallel_loop3A_892 = arith.mulf %parallel_loop3A_891, %div3A : vector<16xf32>
        %parallel_loop3A_893 = arith.constant 16 : i32
        %parallel_loop3A_894 = arith.muli %parallel_loop3A_882, %parallel_loop3A_893 : i32
        %parallel_loop3A_895 = tpu.memref_slice %arg4[%mul3A_43] : memref<65536xf32, #tpu.memory_space<vmem>> -> memref<32768xf32, #tpu.memory_space<vmem>>
        %parallel_loop3A_896 = arith.index_cast %parallel_loop3A_894 : i32 to index
        %parallel_loop3A_897 = tpu.vector_load %parallel_loop3A_895[%parallel_loop3A_896] {strides = array<i32>} : memref<32768xf32, #tpu.memory_space<vmem>>, vector<16xf32>,
        tpu.vector_store %parallel_loop3A_895[%parallel_loop3A_896], %parallel_loop3A_892 {strides = array<i32>} : memref<32768xf32, #tpu.memory_space<vmem>>, vector<16xf32>,
      } {sc.loop_unroll_factor = 16 : i64, sc.parallel_access}
      %add3A_870 = arith.addi %mul3A_2, %scan3A_37 : i32
      %dma_start3A_871 = tpu.memref_slice %arg4[%mul3A_43] : memref<65536xf32, #tpu.memory_space<vmem>> -> memref<32768xf32, #tpu.memory_space<vmem>>
      %dma_start3A_872 = arith.constant 0 : i32
      %dma_start3A_873 = tpu.memref_slice %arg3[%add3A_870, %dma_start3A_872] : memref<128x32768xf32, #tpu.memory_space<hbm>> -> memref<1x32768xf32, #tpu.memory_space<hbm>>
      %dma_start3A_874 = tpu.memref_squeeze %dma_start3A_873 : memref<1x32768xf32, #tpu.memory_space<hbm>> -> memref<32768xf32, #tpu.memory_space<hbm>>
      %dma_start3A_875 = tpu.memref_slice %arg9[%and3A_39] : memref<2x!tpu.dma_semaphore, #tpu.memory_space<semaphore_mem>> -> memref<1x!tpu.dma_semaphore, #tpu.memory_space<semaphore_mem>>
      %dma_start3A_876 = tpu.memref_squeeze %dma_start3A_875 : memref<1x!tpu.dma_semaphore, #tpu.memory_space<semaphore_mem>> -> memref<!tpu.dma_semaphore, #tpu.memory_space<semaphore_mem>>
      %dma_start3A_877 = arith.constant 0 : i32
      %dma_start3A_878 = tpu.memref_slice %arg3[%add3A_870, %dma_start3A_877] : memref<128x32768xf32, #tpu.memory_space<hbm>> -> memref<1x32768xf32, #tpu.memory_space<hbm>>
      %dma_start3A_879 = tpu.memref_squeeze %dma_start3A_878 : memref<1x32768xf32, #tpu.memory_space<hbm>> -> memref<32768xf32, #tpu.memory_space<hbm>>
      %dma_start3A_880 = tpu.memref_slice %arg4[%mul3A_43] : memref<65536xf32, #tpu.memory_space<vmem>> -> memref<32768xf32, #tpu.memory_space<vmem>>
      tpu.enqueue_dma source(%dma_start3A_880 : memref<32768xf32, #tpu.memory_space<vmem>>) target(%dma_start3A_879 : memref<32768xf32, #tpu.memory_space<hbm>>) target_semaphore(%dma_start3A_876 : memref<!tpu.dma_semaphore, #tpu.memory_space<semaphore_mem>>)
      %scan3A_881 = arith.constant 0 : i32
      scf.yield %scan3A_881 : i32
    }
    %scan3A_21 = arith.constant 3 : i32
    %add3A_22 = arith.constant 3 : i32
    %add3A_23 = arith.addi %mul3A_2, %add3A_22 : i32
    %sub3A = arith.constant 1 : i32
    %sub3A_24 = arith.subi %add3A_23, %sub3A : i32
    %dma_wait3A = arith.constant 0 : i32
    %dma_wait3A_25 = arith.constant 0 : i32
    %dma_wait3A_26 = tpu.memref_slice %arg4[%dma_wait3A_25] : memref<65536xf32, #tpu.memory_space<vmem>> -> memref<32768xf32, #tpu.memory_space<vmem>>
    %dma_wait3A_27 = arith.constant 0 : i32
    %dma_wait3A_28 = tpu.memref_slice %arg3[%sub3A_24, %dma_wait3A_27] : memref<128x32768xf32, #tpu.memory_space<hbm>> -> memref<1x32768xf32, #tpu.memory_space<hbm>>
    %dma_wait3A_29 = tpu.memref_squeeze %dma_wait3A_28 : memref<1x32768xf32, #tpu.memory_space<hbm>> -> memref<32768xf32, #tpu.memory_space<hbm>>
    %dma_wait3A_30 = tpu.memref_slice %arg9[%dma_wait3A] : memref<2x!tpu.dma_semaphore, #tpu.memory_space<semaphore_mem>> -> memref<1x!tpu.dma_semaphore, #tpu.memory_space<semaphore_mem>>
    %dma_wait3A_31 = tpu.memref_squeeze %dma_wait3A_30 : memref<1x!tpu.dma_semaphore, #tpu.memory_space<semaphore_mem>> -> memref<!tpu.dma_semaphore, #tpu.memory_space<semaphore_mem>>
    %dma_wait3A_32 = arith.constant 0 : i32
    %dma_wait3A_33 = tpu.memref_slice %arg3[%sub3A_24, %dma_wait3A_32] : memref<128x32768xf32, #tpu.memory_space<hbm>> -> memref<1x32768xf32, #tpu.memory_space<hbm>>
    %dma_wait3A_34 = tpu.memref_squeeze %dma_wait3A_33 : memref<1x32768xf32, #tpu.memory_space<hbm>> -> memref<32768xf32, #tpu.memory_space<hbm>>
    %dma_wait3A_35 = arith.constant 0 : i32
    %dma_wait3A_36 = tpu.memref_slice %arg4[%dma_wait3A_35] : memref<65536xf32, #tpu.memory_space<vmem>> -> memref<32768xf32, #tpu.memory_space<vmem>>
    tpu.wait_dma2 semaphore(%dma_wait3A_31 : memref<!tpu.dma_semaphore, #tpu.memory_space<semaphore_mem>>) src(%dma_wait3A_36 : memref<32768xf32, #tpu.memory_space<vmem>>) dst(%dma_wait3A_34 : memref<32768xf32, #tpu.memory_space<hbm>>)
    return
  }
}

module attributes {stable_mosaic.version = 14 : i64} {
  func.func @body(%arg0: i32, %arg1: memref<8x32768xf32, #tpu.memory_space<vmem>>, %arg2: memref<8x32768xf32, #tpu.memory_space<vmem>>) attributes {dimension_semantics = [#tpu.dimension_semantics<arbitrary>], iteration_bounds = array<i64: 4>, scalar_prefetch = 0 : i64, scratch_operands = 0 : i64, tpu.core_type = #tpu.core_type<tc>, window_params = [{transform_indices = @transform_0, window_bounds = array<i64: 8, 32768>}, {transform_indices = @transform_1, window_bounds = array<i64: 8, 32768>}]} {
    %get3A = arith.constant 0 : index
    %get3A_0 = arith.constant 0 : index
    %get3A_1 = vector.load %arg1[%get3A, %get3A_0] : memref<8x32768xf32, #tpu.memory_space<vmem>>, vector<8x32768xf32>
    %bitcast_convert_type3A = tpu.bitcast %get3A_1 : vector<8x32768xf32> -> vector<8x32768xi32>
    %broadcast_in_dim3A = arith.constant 0 : i32
    %broadcast_in_dim3A_2 = vector.broadcast %broadcast_in_dim3A : i32 to vector<8x1xi32>
    %scan3A = arith.constant 0 : i32
    %scan3A_3 = arith.constant 30 : i32
    %scan3A_4 = arith.addi %scan3A, %scan3A_3 : i32
    %scan3A_5 = arith.constant 1 : i32
    %scan3A_6 = scf.for %scan3A_22 = %scan3A to %scan3A_4 step %scan3A_5 iter_args(%scan3A_23 = %broadcast_in_dim3A_2) -> (vector<8x1xi32>)  : i32 {
      %sub3A_24 = arith.constant 29 : i32
      %sub3A_25 = arith.subi %sub3A_24, %scan3A_22 : i32
      %shift_left3A = arith.constant 1 : i32
      %shift_left3A_26 = arith.shli %shift_left3A, %sub3A_25 : i32
      %or3A = vector.broadcast %shift_left3A_26 : i32 to vector<8x1xi32>
      %or3A_27 = arith.ori %scan3A_23, %or3A : vector<8x1xi32>
      %ge3A = vector.broadcast %or3A_27 : vector<8x1xi32> to vector<8x32768xi32>
      %ge3A_28 = arith.cmpi sge, %bitcast_convert_type3A, %ge3A : vector<8x32768xi32>
      %jit3A = arith.constant 1 : i32
      %jit3A_29 = arith.constant 0 : i32
      %broadcast_in_dim3A_30 = vector.broadcast %jit3A : i32 to vector<8x32768xi32>
      %broadcast_in_dim3A_31 = vector.broadcast %jit3A_29 : i32 to vector<8x32768xi32>
      %select_n3A = arith.select %ge3A_28, %broadcast_in_dim3A_30, %broadcast_in_dim3A_31 : vector<8x32768xi1>, vector<8x32768xi32>
      %reduce_sum3A_32 = arith.constant dense<0> : vector<8xi32>
      %reduce_sum3A_33 = vector.multi_reduction <add>, %select_n3A, %reduce_sum3A_32 [1] : vector<8x32768xi32> to vector<8xi32>
      %broadcast_in_dim3A_34 = vector.shape_cast %reduce_sum3A_33 : vector<8xi32> to vector<8x1xi32>
      %ge3A_35 = arith.constant 32 : i32
      %ge3A_36 = vector.broadcast %ge3A_35 : i32 to vector<8x1xi32>
      %ge3A_37 = arith.cmpi sge, %broadcast_in_dim3A_34, %ge3A_36 : vector<8x1xi32>
      %select_n3A_38 = arith.select %ge3A_37, %or3A_27, %scan3A_23 : vector<8x1xi1>, vector<8x1xi32>
      scf.yield %select_n3A_38 : vector<8x1xi32>
    }
    %scan3A_7 = arith.constant 30 : i32
    %bitcast_convert_type3A_8 = tpu.bitcast %scan3A_6 : vector<8x1xi32> -> vector<8x1xf32>
    %add3A = arith.constant 1.000000e-07 : f32
    %add3A_9 = vector.broadcast %add3A : f32 to vector<8x1xf32>
    %add3A_10 = arith.addf %bitcast_convert_type3A_8, %add3A_9 : vector<8x1xf32>
    %sub3A = vector.broadcast %add3A_10 : vector<8x1xf32> to vector<8x32768xf32>
    %sub3A_11 = arith.subf %get3A_1, %sub3A : vector<8x32768xf32>
    %max3A = arith.constant 0.000000e+00 : f32
    %max3A_12 = vector.broadcast %max3A : f32 to vector<8x32768xf32>
    %max3A_13 = arith.maximumf %sub3A_11, %max3A_12 : vector<8x32768xf32>
    %reduce_sum3A = arith.constant dense<0.000000e+00> : vector<8xf32>
    %reduce_sum3A_14 = vector.multi_reduction <add>, %max3A_13, %reduce_sum3A [1] : vector<8x32768xf32> to vector<8xf32>
    %broadcast_in_dim3A_15 = vector.shape_cast %reduce_sum3A_14 : vector<8xf32> to vector<8x1xf32>
    %add3A_16 = arith.constant 1.000000e-07 : f32
    %add3A_17 = vector.broadcast %add3A_16 : f32 to vector<8x1xf32>
    %add3A_18 = arith.addf %broadcast_in_dim3A_15, %add3A_17 : vector<8x1xf32>
    %div3A = vector.broadcast %add3A_18 : vector<8x1xf32> to vector<8x32768xf32>
    %div3A_19 = arith.divf %max3A_13, %div3A : vector<8x32768xf32>
    %swap3A = arith.constant 0 : index
    %swap3A_20 = arith.constant 0 : index
    %swap3A_21 = vector.load %arg2[%swap3A, %swap3A_20] : memref<8x32768xf32, #tpu.memory_space<vmem>>, vector<8x32768xf32>
    tpu.vector_store %arg2[%swap3A, %swap3A_20], %div3A_19 {strides = array<i32>} : memref<8x32768xf32, #tpu.memory_space<vmem>>, vector<8x32768xf32>,
    return
  }
  func.func @transform_0(%arg0: i32) -> (i32, i32) {
    %add3A = arith.constant 12 : i32
    %add3A_0 = arith.addi %add3A, %arg0 : i32
    %c0_i32 = arith.constant 0 : i32
    %c0_i32_1 = arith.constant 0 : i32
    return %add3A_0, %c0_i32 : i32, i32
  }
  func.func @transform_1(%arg0: i32) -> (i32, i32) {
    %c0_i32 = arith.constant 0 : i32
    %c0_i32_0 = arith.constant 0 : i32
    return %arg0, %c0_i32 : i32, i32
  }
}

</mosaic_0001>

<sc_bundles>
// kernel: kernel.4.cloned.1.call-start
scs
__scs_entry_jumppad:
0x0: {  	(pc) =	sbr.rel $0x88, $3  }
0x1: {  	(tag) =	ssettag $0x0;
	lr =	simm.s32 $0x1  }
0x2: {  	[smem:$0x3FA0] =	sst lr;
	_ =	strace $0xD0000000  }
0x3: {  	_ = 	snop  }
0x4: {  	_ = 	snop  }
0x5: {  	_ = 	snop  }
0x6: {  	_ = 	snop  }
0x7: {  	_ = 	snop  }
__scs_overlays_trampoline_lowered:
0x8: {  	[smem:$0x3FAF] =	sst s0  }
0x9: {  	[smem:$0x3FB0] =	sst s1  }
0xa: {  	[smem:$0x3FB1] =	sst s2  }
0xb: {  	[smem:$0x3FB2] =	sst s3  }
0xc: {  	[smem:$0x3FB3] =	sst s4  }
0xd: {  	[smem:$0x3FB4] =	sst s5  }
0xe: {  	[smem:$0x3FB5] =	sst s6  }
0xf: {  	[smem:$0x3FB6] =	sst s7  }
0x10: {  	[smem:$0x3FB7] =	sst s8  }
0x11: {  	[smem:$0x3FB8] =	sst s9;
	s0 =	simm.s32 @!p0 $0x0  }
0x12: {  	s1 =	sld [smem:$0x3F9E];
	s0 =	simm.s32 @p0 $0x1  }
0x13: {  	[smem:$0x3FB9] =	sst s0;
	s0 =	simm.s32 @!p1 $0x0  }
0x14: {  	s2 =	sld [smem:$0x3F9D];
	s0 =	simm.s32 @p1 $0x1  }
0x15: {  	[smem:$0x3FBA] =	sst s0;
	s0 =	simm.s32 @!p2 $0x0  }
0x16: {  	s3 =	sld [smem:$0x3FDB];
	s0 =	simm.s32 @p2 $0x1  }
0x17: {  	s4 =	simm.s32 $0x1BF5;
	[smem:$0x3FBC] =	sst s0  }
0x18: {  	s0 =	sld [smem:$0x3F9F];
	_ =	swait.ge [sflag:s4], $0x0  }
0x19: {  	s7 =	sld [smem:$0x3FA0]  }
0x1a: {  	s8 =	sadd.s32 $0xFFFFE003, lr  }
0x1b: {  	s9 =	sadd.s32 $0xFFFFFEF7, lr;
	s5 =	simm.s32 $0xFFFFFFFF;
	p2 =	slt.u32 s8, $0xFFFFF086  }
0x1c: {  	p1 =	slt.u32 s9, $0xF7A;
	s5 =	simm.s32 @!p2 $0x0  }
0x1d: {  	s5 =	simm.s32 @p1 $0x1;
	p0 =	seq.s32 s7, s2  }
0x1e: {  	s7 =	smul.u32 @!p0 $0xF7A, s2;
	p2 =	seq.s32 @!p0 s5, $0x0  }
0x1f: {  	s9 =	smul.u32 $0xF7A, s1;
	s8 =	simm.s32 @!p0 $0x1BF5;
	p2 =	por !p2, p0  }
0x20: {  	[sflag:s8] =	ssyncset.s32 @!p0 $0xFFFFF086;
	s6 =	sadd.s32 @!p0 s3, s7;
	s7 =	simm.s32 @!p0 $0x108  }
0x21: {  	s3 =	sadd.s32 s3, s9;
	s6 =	sadd.s32 @!p0 $0x88, s6;
	s7 =	simm.s32 @p2 $0x1082  }
0x22: {  	[simem:s7], [sflag:s8] =	dma.local @!p0 [hbm:s6], $0xF7A  }
0x23: {  	s9 =	sor.u32 $0xD0000000, s2;
	s6 =	simm.s32 $0x108;
	_ =	swait.ge @!p0 [sflag:s8], $0x0  }
0x24: {  	s3 =	sadd.s32 $0x88, s3;
	s6 =	simm.s32 @!p1 $0x1082;
	[sflag:s4] =	ssyncset.s32 $0xFFFFF086  }
0x25: {  	[simem:s6], [sflag:s4] =	dma.local [hbm:s3], $0xF7A  }
0x26: {  	[smem:$0x3FA0] =	sst s1;
	(tag) =	ssettag s2;
	_ =	strace s9  }
0x27: {  	s1 =	sld [smem:$0x3FB0]  }
0x28: {  	s2 =	sld [smem:$0x3FB1]  }
0x29: {  	s4 =	sld [smem:$0x3FB3]  }
0x2a: {  	p0 =	seq.s32 s5, $0x0;
	s5 =	sld [smem:$0x3FB4]  }
0x2b: {  	s6 =	sld [smem:$0x3FB5]  }
0x2c: {  	s7 =	sld [smem:$0x3FB6]  }
0x2d: {  	s3 =	simm.s32 $0x108;
	s8 =	sld [smem:$0x3FB7]  }
0x2e: {  	s3 =	simm.s32 @!p0 $0x1082;
	s9 =	sld [smem:$0x3FB8]  }
0x2f: {  	lr =	sadd.s32 s0, s3;
	s0 =	sld [smem:$0x3FAF]  }
0x30: {  	s3 =	sld [smem:$0x3FB2]  }
0x31: {  	[smem:$0x3FBB] =	sst s10  }
0x32: {  	s10 =	sld [smem:$0x3FB9];
	_ =	sdelay $0x3  }
0x33: {  	p0 =	seq.s32 s10, $0x1;
	s10 =	sld [smem:$0x3FBB];
	_ =	sdelay $0x3  }
0x34: {  	[smem:$0x3FBB] =	sst s10  }
0x35: {  	s10 =	sld [smem:$0x3FBA];
	_ =	sdelay $0x3  }
0x36: {  	p1 =	seq.s32 s10, $0x1;
	s10 =	sld [smem:$0x3FBB];
	_ =	sdelay $0x3  }
0x37: {  	[smem:$0x3FBB] =	sst s10  }
0x38: {  	s10 =	sld [smem:$0x3FBC]  }
0x39: {  	_ = 	snop;
	(pc) =	sbr.ind lr, $3  }
0x3a: {  	_ = 	snop  }
0x3b: {  	_ = 	snop  }
0x3c: {  	p2 =	seq.s32 s10, $0x1;
	s10 =	sld [smem:$0x3FBB]  }
0x3d: {  	_ =	shalt  }
0x3e: {  	_ =	shalt  }
0x3f: {  	_ =	shalt  }
0x40: {  	_ =	shalt  }
0x41: {  	_ =	shalt  }
0x42: {  	_ =	shalt  }
0x43: {  	_ =	shalt  }
0x44: {  	_ =	shalt  }
0x45: {  	_ =	shalt  }
0x46: {  	_ =	shalt  }
0x47: {  	_ =	shalt  }
0x48: {  	_ =	shalt  }
0x49: {  	_ =	shalt  }
0x4a: {  	_ =	shalt  }
0x4b: {  	_ =	shalt  }
0x4c: {  	_ =	shalt  }
0x4d: {  	_ =	shalt  }
0x4e: {  	_ =	shalt  }
0x4f: {  	_ =	shalt  }
0x50: {  	_ =	shalt  }
0x51: {  	_ =	shalt  }
0x52: {  	_ =	shalt  }
0x53: {  	_ =	shalt  }
0x54: {  	_ =	shalt  }
0x55: {  	_ =	shalt  }
0x56: {  	_ =	shalt  }
0x57: {  	_ =	shalt  }
0x58: {  	_ =	shalt  }
0x59: {  	_ =	shalt  }
0x5a: {  	_ =	shalt  }
0x5b: {  	_ =	shalt  }
0x5c: {  	_ =	shalt  }
0x5d: {  	_ =	shalt  }
0x5e: {  	_ =	shalt  }
0x5f: {  	_ =	shalt  }
0x60: {  	_ =	shalt  }
0x61: {  	_ =	shalt  }
0x62: {  	_ =	shalt  }
0x63: {  	_ =	shalt  }
0x64: {  	_ =	shalt  }
0x65: {  	_ =	shalt  }
0x66: {  	_ =	shalt  }
0x67: {  	_ =	shalt  }
0x68: {  	_ =	shalt  }
0x69: {  	_ =	shalt  }
0x6a: {  	_ =	shalt  }
0x6b: {  	_ =	shalt  }
0x6c: {  	_ =	shalt  }
0x6d: {  	_ =	shalt  }
0x6e: {  	_ =	shalt  }
0x6f: {  	_ =	shalt  }
0x70: {  	_ =	shalt  }
0x71: {  	_ =	shalt  }
0x72: {  	_ =	shalt  }
0x73: {  	_ =	shalt  }
0x74: {  	_ =	shalt  }
0x75: {  	_ =	shalt  }
0x76: {  	_ =	shalt  }
0x77: {  	_ =	shalt  }
0x78: {  	_ =	shalt  }
0x79: {  	_ =	shalt  }
0x7a: {  	_ =	shalt  }
0x7b: {  	_ =	shalt  }
0x7c: {  	_ =	shalt  }
0x7d: {  	_ =	shalt  }
0x7e: {  	_ =	shalt  }
0x7f: {  	_ =	shalt  }
0x80: {  	_ =	shalt  }
0x81: {  	_ =	shalt  }
0x82: {  	_ =	shalt  }
0x83: {  	_ =	shalt  }
0x84: {  	_ =	shalt  }
0x85: {  	_ =	shalt  }
0x86: {  	_ =	shalt  }
0x87: {  	_ =	shalt  }
.Lfunc_end0:
.L_simem_size_0:
called_computation_lowered:
.L_overlay_start_0:
0x88: {  	s2 =	sld [smem:$0x3FD9]  }
0x89: {  	s3 =	sld [smem:$0x3FFE];
	_ =	sdelay $0x1  }
0x8a: {  	s1 =	srdreg.scid  }
0x8b: {  	s0 =	sand.u32 $0x1, s1  }
0x8c: {  	s18 =	sshll.u32 s0, $0xA;
	s2 =	sadd.s32 s3, s2  }
0x8d: {  	s2 =	sadd.s32 s2, s18  }
0x8e: {  	[smem:$0x3FC7] =	sst s2  }
0x8f: {  	_ = 	snop  }
0x90: {  	s2 =	sld [smem:$0x3FC9]  }
0x91: {  	s19 =	sld [smem:$0x3FD0];
	(tm) =	ssettm $0x1  }
0x92: {  	s4 =	sld [smem:$0x3FFB];
	_ =	sdelay $0x3  }
0x93: {  	_ =	strace s4  }
0x94: {  	s4 =	sld [smem:$0x3FFC];
	_ =	sdelay $0x3  }
0x95: {  	_ =	strace s4  }
0x96: {  	s4 =	sld [smem:$0x3FFD];
	_ =	sdelay $0x3  }
0x97: {  	_ =	strace s4  }
0x98: {  	_ =	strace $0x8FFFFFFF  }
0x99: {  	s20 =	sld [smem:$0x3FDB];
	_ =	sdelay $0x1  }
0x9a: {  	s5 =	simm.s32 $_scs_section_size  }
0x9b: {  	s6 =	simm.s32 $_size__tile_overlayer_lowered;
	s7 =	simm.s32 $_tile_overlayer_lowered  }
0x9c: {  	s23 =	simm.s32 $0x1BFF;
	s22 =	sshll.u32 s7, $0x1;
	s4 =	sadd.s32 s5, s20  }
0x9d: {  	s8 =	simm.s32 $0x0;
	s21 =	sshll.u32 s6, $0x1;
	s6 =	sadd.s32 s22, s4  }
0x9e: {  	[timem:s8], [sflag:s23] =	dma.local [hbm:s6], s21  }
0x9f: {  	_ =	swait.ge [sflag:s23], s21  }
0xa0: {  	s5 =	ssub.s32 $0x0, s21;
	[sflag:s23] =	ssyncset.done $0x0  }
0xa1: {  	[sflag:s23] =	ssyncadd.s32 s5;
	_ =	sdelay $0x1  }
0xa2: {  	s24 =	simm.s32 $0x1B8B  }
0xa3: {  	_ =	swait.ge [sflag:s24], $0x1  }
0xa4: {  	[sflag:s24] =	ssyncset.done $0x0  }
0xa5: {  	s25 =	simm.s32 $0x1B8E;
	[sflag:s24] =	ssyncadd.s32 $0xFFFFFFFF  }
0xa6: {  	s26 =	simm.s32 $execute0_lowered;
	[smem:$0x3FD2] =	sst s25  }
0xa7: {  	s5 =	sshll.u32 s26, $0x1;
	_ =	strace $0x80000046;
	[dreg:$0x1] =	wrdreg $0xFFFFFFFF  }
0xa8: {  	s28 =	simm.s32 $_size_execute0_lowered;
	s4 =	sadd.s32 s4, s5;
	[dreg:$0x0] =	wrdreg $0x0  }
0xa9: {  	s5 =	sshll.u32 s28, $0x1;
	[dreg:$0x2] =	wrdreg s4  }
0xaa: {  	[dreg:$0x3] =	wrdreg s5  }
0xab: {  	[dreg:$0x4] =	wrdreg $0xC0  }
0xac: {  	_ =	task [dreg:s8], $0x5FFFF  }
0xad: {  	[dreg:$0x1] =	wrdreg $0xFFFFFFFF  }
0xae: {  	[dreg:$0x0] =	wrdreg $0x60  }
0xaf: {  	[dreg:$0x2] =	wrdreg s2  }
0xb0: {  	[dreg:$0x3] =	wrdreg s19  }
0xb1: {  	[dreg:$0x4] =	wrdreg $0x9  }
0xb2: {  	_ =	task.clear_ibuf [dreg:s8], $0x5FFFF;
	_ =	strace $0x90000046  }
0xb3: {  	s29 =	simm.s32 $0x9;
	_ =	strace $0x80000048  }
0xb4: {  	_ =	swait.ge [sflag:s29], $0x1  }
0xb5: {  	[sflag:s29] =	ssyncadd.s32 $0xFFFFFFFF  }
0xb6: {  	_ =	strace $0x90000048  }
0xb7: {  	_ =	sfence  }
0xb8: {  	s30 =	sld [smem:$0x0];
	_ =	sdelay $0x2  }
0xb9: {  	s31 =	sshll.u32 s1, $0xD;
	s1 =	sshrl.u32 s1, $0x2  }
0xba: {  	s3 =	sand.u32 $0x4000, s31;
	s1 =	sadd.s32 s1, s30  }
0xbb: {  	s0 =	sor.u32 s3, s0;
	s1 =	sshll.u32 s1, $0x11  }
0xbc: {  	s0 =	sor.u32 s1, s0  }
0xbd: {  	s0 =	sadd.s32 $0x8F2B, s0  }
0xbe: {  	[sflag:s0] =	ssyncadd.remote.s32 $0x1  }
0xbf: {  	_ =	sfence.sel $0xFFFF  }
0xc0: {  	[dreg:$0x0] =	wrdreg $0xFFFFFFFF;
	(pc) =	sbr.abs _section_cstart, $3  }
0xc1: {  	[dreg:$0x1] =	wrdreg $0xFFFFFFFF  }
0xc2: {  	_ =	task.clear_ibuf [dreg:s8], $0x2FFFF;
	_ =	strace $0x9FFFFFFF  }
0xc3: {  	(tm) =	ssettm $0x7FFFFFFF  }
tec
execute0_lowered:
.L_overlay_start_1:
0x0: {  	(tag) =	ssettag $0x1  }
0x1: {  	v16 =	vlaneseq.u32  }
0x2: {  	v34 =	vmul.u32 $0x11, v16;
	_ =	sdelay $0x1  }
0x3: {  	v1 =	vadd.s32 $0x4, v34  }
0x4: {  	[tilespmem:$0x1FDF0] =	vst v1;
	v1 =	vmul.u32 $0x10, v16  }
0x5: {  	v2 =	vadd.s32 $0xF, v34  }
0x6: {  	s3 =	rddreg [dreg:$0x1];
	[tilespmem:$0x1FE00] =	vst v2;
	v2 =	vor.u32 $0x1, v1  }
0x7: {  	s2 =	rddreg [dreg:$0x2];
	s4 =	simm.s32 $0x0;
	[tilespmem:$0x1FE10] =	vst v2;
	v2 =	vor.u32 $0x2, v1  }
0x8: {  	s1 =	srdreg.scid;
	[smem:$0x7FF] =	sst s4;
	[tilespmem:$0x1FE20] =	vst v2;
	v2 =	vor.u32 $0x3, v1  }
0x9: {  	s5 =	sand.u32 $0x1, s1;
	s1 =	rddreg [dreg:$0x0];
	_ =	strace $0x80000047;
	[tilespmem:$0x1FE30] =	vst v2  }
0xa: {  	[tilespmem:$0x1FEF0] =	vst v1  }
0xb: {  	v35 =	vadd.s32 $0x1, v34;
	[tilespmem:$0x1FF20] =	vst v34  }
0xc: {  	v36 =	vadd.s32 $0x2, v34;
	[tilespmem:$0x1FF30] =	vst v35  }
0xd: {  	v62 =	vadd.s32 $0x3, v34;
	[tilespmem:$0x1FF40] =	vst v36  }
0xe: {  	v38 =	vadd.s32 $0x5, v34;
	[tilespmem:$0x1FF50] =	vst v62  }
0xf: {  	v55 =	vadd.s32 $0x6, v34;
	[tilespmem:$0x1FF60] =	vst v38  }
0x10: {  	v54 =	vadd.s32 $0x7, v34;
	[tilespmem:$0x1FF70] =	vst v55  }
0x11: {  	v42 =	vadd.s32 $0x8, v34;
	[tilespmem:$0x1FF80] =	vst v54  }
0x12: {  	v57 =	vadd.s32 $0x9, v34;
	[tilespmem:$0x1FF90] =	vst v42  }
0x13: {  	v58 =	vadd.s32 $0xA, v34;
	[tilespmem:$0x1FFA0] =	vst v57  }
0x14: {  	v59 =	vadd.s32 $0xB, v34;
	[tilespmem:$0x1FFB0] =	vst v58  }
0x15: {  	v60 =	vadd.s32 $0xC, v34;
	[tilespmem:$0x1FFC0] =	vst v59  }
0x16: {  	v61 =	vadd.s32 $0xD, v34;
	[tilespmem:$0x1FFD0] =	vst v60  }
0x17: {  	v49 =	vadd.s32 $0xE, v34;
	[tilespmem:$0x1FFE0] =	vst v61  }
0x18: {  	v2 =	vor.u32 $0x4, v1;
	[tilespmem:$0x1FFF0] =	vst v49  }
0x19: {  	[tilespmem:$0x1FE40] =	vst v2;
	v2 =	vor.u32 $0x5, v1  }
0x1a: {  	[tilespmem:$0x1FE50] =	vst v2;
	v2 =	vor.u32 $0x6, v1  }
0x1b: {  	[tilespmem:$0x1FE60] =	vst v2;
	v2 =	vor.u32 $0x7, v1  }
0x1c: {  	s0 =	stileid.u32;
	[tilespmem:$0x1FE70] =	vst v2;
	v2 =	vor.u32 $0x8, v1  }
0x1d: {  	s29 =	sshll.u32 s0, $0x1;
	[tilespmem:$0x1FE80] =	vst v2;
	v2 =	vor.u32 $0x9, v1  }
0x1e: {  	s6 =	sor.u32 s5, s29;
	[tilespmem:$0x1FE90] =	vst v2;
	v2 =	vor.u32 $0xA, v1  }
0x1f: {  	s7 =	smul.u32 $0x18000, s6;
	[tilespmem:$0x1FEA0] =	vst v2;
	v2 =	vor.u32 $0xB, v1  }
0x20: {  	s9 =	simm.s32 $0x400;
	s8 =	smul.u32 $0x180, s6;
	[tilespmem:$0x1FEB0] =	vst v2;
	v2 =	vor.u32 $0xC, v1  }
0x21: {  	s10 =	simm.s32 $0x10000;
	s11 =	simm.s32 $0x11100;
	s12 =	simm.s32 $0x11200;
	[tilespmem:$0x1FEC0] =	vst v2;
	v2 =	vor.u32 $0xD, v1  }
0x22: {  	s13 =	simm.s32 $0x3;
	s5 =	ssub.s32 $0x2, s5;
	s7 =	sor.u32 s8, s7;
	[tilespmem:$0x1FED0] =	vst v2;
	v2 =	vor.u32 $0xE, v1  }
0x23: {  	s14 =	simm.s32 $0x0;
	s30 =	sshrl.u32 s5, $0x1;
	s7 =	sand.u32 $0x3C0380, s7;
	v1 =	vor.u32 $0xF, v1;
	[tilespmem:$0x1FEE0] =	vst v2  }
0x24: {  	s8 =	ssub.s32 s5, s30;
	s5 =	smul.u32 $0x3, s6;
	s31 =	sshrl.u32 s7, $0x3;
	[tilespmem:$0x1FF00] =	vst v1;
	v1 =	vor.u32 $0xFFFFFFF0, v16  }
0x25: {  	v0 =	vimm.s32 $0x0;
	v17 =	vimm.s32 $0x1;
	s7 =	smax.u32 s8, $0x1;
	s8 =	simm.s32 $0x80;
	s6 =	sadd.s32 s1, s31;
	[tilespmem:$0x1FF10] =	vst v1  }
.LBB2_1:
0x26: {  	[tilespmem:s4], [sflag:$0x1] =	stream.strided.gather [hbm4b:s6+s8], $0x8000, s9, s8, $0x38;
	[tilespmem:$0x11280] =	vst v63  }
0x27: {  	s18 =	simm.s32 $0x0  }
.LBB2_2:
0x28: {  	s15 =	sand.u32 $0x1, s18  }
0x29: {  	s16 =	sadd.s32 $0x1, s15  }
0x2a: {  	_ =	swait.ge [sflag:s16], $0x8000  }
0x2b: {  	[sflag:s16] =	ssyncset.done $0x0  }
0x2c: {  	s17 =	simm.s32 $0x10040;
	[sflag:s16] =	ssyncadd.s32 $0xFFFF8000  }
0x2d: {  	[tilespmem:s17+$0xFFFFFFC0] =	vst v0  }
0x2e: {  	[tilespmem:s17+$0x30] =	vst v0  }
0x2f: {  	[tilespmem:s17+$0x20] =	vst v0  }
0x30: {  	[tilespmem:s17+$0x10] =	vst v0  }
0x31: {  	[tilespmem:s17+$0x0] =	vst v0  }
0x32: {  	[tilespmem:s17+$0xFFFFFFF0] =	vst v0  }
0x33: {  	s16 =	simm.s32 $0x0;
	[tilespmem:s17+$0xFFFFFFE0] =	vst v0  }
.LBB2_3:
0x34: {  	s16 =	sadd.s32 $0x8, s16;
	[tilespmem:s17+$0xFFFFFFD0] =	vst v0;
	s17 =	sadd.s32 $0x80, s17  }
0x35: {  	[tilespmem:s17+$0xFFFFFFC0] =	vst v0;
	p0 =	slt.u32 s16, $0x108  }
0x36: {  	[tilespmem:s17+$0x30] =	vst v0  }
.Ltmp0:
0x37: {  	[tilespmem:s17+$0x20] =	vst v0;
	(pc) =	sbr.rel @p0 .LBB2_3-.Ltmp0, $4  }
0x38: {  	[tilespmem:s17+$0x10] =	vst v0  }
0x39: {  	[tilespmem:s17+$0x0] =	vst v0  }
0x3a: {  	[tilespmem:s17+$0xFFFFFFF0] =	vst v0  }
0x3b: {  	[tilespmem:s17+$0xFFFFFFE0] =	vst v0  }
0x3c: {  	s16 =	sshll.u32 s15, $0xF  }
0x3d: {  	[tilespmem:s17+$0xFFFFFFD0] =	vst v0;
	s17 =	sor.u32 $0x80, s16  }
0x3e: {  	v1 =	vld [tilespmem:s17+$0xFFFFFF90]  }
0x3f: {  	v2 =	vld [tilespmem:s17+$0xFFFFFFA0]  }
0x40: {  	v5 =	vld [tilespmem:s17+$0xFFFFFF80]  }
0x41: {  	v6 =	vld [tilespmem:s17+$0x70]  }
0x42: {  	v7 =	vld [tilespmem:s17+$0x60]  }
0x43: {  	v8 =	vld [tilespmem:s17+$0x50]  }
0x44: {  	v9 =	vld [tilespmem:s17+$0x40]  }
0x45: {  	v10 =	vld [tilespmem:s17+$0x30]  }
0x46: {  	v11 =	vld [tilespmem:s17+$0x20];
	v5 =	vshra.s32 v5, $0x17  }
0x47: {  	v12 =	vld [tilespmem:s17+$0x10];
	v6 =	vshra.s32 v6, $0x17;
	v5 =	vmul.u32 $0x11, v5  }
0x48: {  	v13 =	vld [tilespmem:s17+$0x0];
	v7 =	vshra.s32 v7, $0x17;
	v8 =	vshra.s32 v8, $0x17;
	v6 =	vmul.u32 $0x11, v6  }
0x49: {  	v14 =	vld [tilespmem:s17+$0xFFFFFFF0];
	v9 =	vshra.s32 v9, $0x17;
	v7 =	vmul.u32 $0x11, v7;
	v5 =	vadd.s32 v16, v5  }
0x4a: {  	v4 =	vld [tilespmem:s17+$0xFFFFFFB0];
	v10 =	vshra.s32 v10, $0x17;
	v8 =	vmul.u32 $0x11, v8;
	v6 =	vadd.s32 v16, v6  }
0x4b: {  	v15 =	vld [tilespmem:s17+$0xFFFFFFE0];
	v11 =	vshra.s32 v11, $0x17;
	v9 =	vmul.u32 $0x11, v9;
	v7 =	vadd.s32 v16, v7  }
0x4c: {  	v20 =	vld [tilespmem:s17+$0xFFFFFFD0];
	v12 =	vshra.s32 v12, $0x17;
	v10 =	vmul.u32 $0x11, v10;
	v8 =	vadd.s32 v16, v8  }
0x4d: {  	v21 =	vld [tilespmem:s17+$0xFFFFFFC0];
	v51 =	vshra.s32 v13, $0x17;
	v11 =	vmul.u32 $0x11, v11;
	v9 =	vadd.s32 v16, v9  }
0x4e: {  	v52 =	vshra.s32 v14, $0x17;
	v12 =	vmul.u32 $0x11, v12;
	v10 =	vadd.s32 v16, v10;
	[tilespmem:v5+s10+$0x0] =	vst.idx.add.s32.msk $0xffff, v17  }
0x4f: {  	v4 =	vshra.s32 v4, $0x17;
	v13 =	vmul.u32 $0x11, v52;
	v11 =	vadd.s32 v16, v11;
	[tilespmem:v6+s10+$0x0] =	vst.idx.add.s32.msk $0xffff, v17  }
0x50: {  	v2 =	vshra.s32 v2, $0x17;
	v4 =	vmul.u32 $0x11, v4;
	v12 =	vadd.s32 v16, v12;
	[tilespmem:v7+s10+$0x0] =	vst.idx.add.s32.msk $0xffff, v17  }
0x51: {  	v2 =	vmul.u32 $0x11, v2;
	v13 =	vadd.s32 v16, v13;
	[tilespmem:v8+s10+$0x0] =	vst.idx.add.s32.msk $0xffff, v17  }
0x52: {  	v53 =	vshra.s32 v15, $0x17;
	v4 =	vadd.s32 v16, v4;
	v5 =	vmul.u32 $0x11, v51;
	[tilespmem:v9+s10+$0x0] =	vst.idx.add.s32.msk $0xffff, v17  }
0x53: {  	v56 =	vshra.s32 v20, $0x17;
	v2 =	vadd.s32 v16, v2;
	v6 =	vmul.u32 $0x11, v53;
	[tilespmem:v10+s10+$0x0] =	vst.idx.add.s32.msk $0xffff, v17  }
0x54: {  	v63 =	vshra.s32 v21, $0x17;
	v7 =	vmul.u32 $0x11, v56;
	[tilespmem:v11+s10+$0x0] =	vst.idx.add.s32.msk $0xffff, v17;
	v5 =	vadd.s32 v16, v5  }
0x55: {  	v1 =	vshra.s32 v1, $0x17;
	v8 =	vmul.u32 $0x11, v63;
	[tilespmem:v12+s10+$0x0] =	vst.idx.add.s32.msk $0xffff, v17;
	v6 =	vadd.s32 v16, v6  }
0x56: {  	v1 =	vmul.u32 $0x11, v1;
	[tilespmem:v13+s10+$0x0] =	vst.idx.add.s32.msk $0xffff, v17;
	v7 =	vadd.s32 v16, v7  }
0x57: {  	[tilespmem:v4+s10+$0x0] =	vst.idx.add.s32.msk $0xffff, v17;
	v8 =	vadd.s32 v16, v8  }
0x58: {  	v1 =	vadd.s32 v16, v1;
	[tilespmem:v2+s10+$0x0] =	vst.idx.add.s32.msk $0xffff, v17  }
0x59: {  	[tilespmem:v5+s10+$0x0] =	vst.idx.add.s32.msk $0xffff, v17  }
0x5a: {  	[tilespmem:v6+s10+$0x0] =	vst.idx.add.s32.msk $0xffff, v17  }
0x5b: {  	[tilespmem:v7+s10+$0x0] =	vst.idx.add.s32.msk $0xffff, v17  }
0x5c: {  	s20 =	simm.s32 $0x0;
	s19 =	simm.s32 $0x11120;
	s21 =	smov.u32 s17;
	[tilespmem:v8+s10+$0x0] =	vst.idx.add.s32.msk $0xffff, v17  }
.LBB2_5:
0x5d: {  	s20 =	sadd.s32 $0x10, s20;
	[tilespmem:v1+s10+$0x0] =	vst.idx.add.s32.msk $0xffff, v17;
	s21 =	sadd.s32 $0x100, s21  }
0x5e: {  	v1 =	vld [tilespmem:s21+$0xFFFFFF90];
	p0 =	slt.u32 s20, $0x7F0  }
0x5f: {  	v2 =	vld [tilespmem:s21+$0xFFFFFFA0]  }
0x60: {  	v4 =	vld [tilespmem:s21+$0xFFFFFFB0]  }
0x61: {  	v5 =	vld [tilespmem:s21+$0xFFFFFF80]  }
0x62: {  	v6 =	vld [tilespmem:s21+$0x70]  }
0x63: {  	v7 =	vld [tilespmem:s21+$0x60]  }
0x64: {  	v8 =	vld [tilespmem:s21+$0x50]  }
0x65: {  	v9 =	vld [tilespmem:s21+$0x40]  }
0x66: {  	v5 =	vshra.s32 v5, $0x17;
	v10 =	vld [tilespmem:s21+$0x30]  }
0x67: {  	v5 =	vmul.u32 $0x11, v5;
	v11 =	vld [tilespmem:s21+$0x20];
	v6 =	vshra.s32 v6, $0x17  }
0x68: {  	v12 =	vld [tilespmem:s21+$0x10];
	v7 =	vshra.s32 v7, $0x17;
	v6 =	vmul.u32 $0x11, v6  }
0x69: {  	v5 =	vadd.s32 v16, v5;
	v13 =	vld [tilespmem:s21+$0x0];
	v8 =	vshra.s32 v8, $0x17;
	v7 =	vmul.u32 $0x11, v7  }
0x6a: {  	v14 =	vld [tilespmem:s21+$0xFFFFFFF0];
	v9 =	vshra.s32 v9, $0x17;
	v8 =	vmul.u32 $0x11, v8;
	v6 =	vadd.s32 v16, v6  }
0x6b: {  	v15 =	vld [tilespmem:s21+$0xFFFFFFE0];
	v10 =	vshra.s32 v10, $0x17;
	v9 =	vmul.u32 $0x11, v9;
	v7 =	vadd.s32 v16, v7  }
0x6c: {  	v20 =	vld [tilespmem:s21+$0xFFFFFFD0];
	v11 =	vshra.s32 v11, $0x17;
	v10 =	vmul.u32 $0x11, v10;
	v8 =	vadd.s32 v16, v8  }
0x6d: {  	v21 =	vld [tilespmem:s21+$0xFFFFFFC0];
	v12 =	vshra.s32 v12, $0x17;
	v11 =	vmul.u32 $0x11, v11;
	v9 =	vadd.s32 v16, v9  }
0x6e: {  	[tilespmem:v5+s10+$0x0] =	vst.idx.add.s32.msk $0xffff, v17;
	v5 =	vshra.s32 v13, $0x17;
	v12 =	vmul.u32 $0x11, v12;
	v10 =	vadd.s32 v16, v10  }
0x6f: {  	v13 =	vshra.s32 v14, $0x17;
	v5 =	vmul.u32 $0x11, v5;
	v11 =	vadd.s32 v16, v11;
	[tilespmem:v6+s10+$0x0] =	vst.idx.add.s32.msk $0xffff, v17  }
0x70: {  	v6 =	vshra.s32 v15, $0x17;
	v13 =	vmul.u32 $0x11, v13;
	v12 =	vadd.s32 v16, v12;
	[tilespmem:v7+s10+$0x0] =	vst.idx.add.s32.msk $0xffff, v17  }
0x71: {  	v7 =	vshra.s32 v20, $0x17;
	v6 =	vmul.u32 $0x11, v6;
	v5 =	vadd.s32 v16, v5;
	[tilespmem:v8+s10+$0x0] =	vst.idx.add.s32.msk $0xffff, v17  }
0x72: {  	v8 =	vshra.s32 v21, $0x17;
	v7 =	vmul.u32 $0x11, v7;
	v13 =	vadd.s32 v16, v13;
	[tilespmem:v9+s10+$0x0] =	vst.idx.add.s32.msk $0xffff, v17  }
0x73: {  	v4 =	vshra.s32 v4, $0x17;
	v8 =	vmul.u32 $0x11, v8;
	v6 =	vadd.s32 v16, v6;
	[tilespmem:v10+s10+$0x0] =	vst.idx.add.s32.msk $0xffff, v17  }
0x74: {  	v2 =	vshra.s32 v2, $0x17;
	v4 =	vmul.u32 $0x11, v4;
	v7 =	vadd.s32 v16, v7;
	[tilespmem:v11+s10+$0x0] =	vst.idx.add.s32.msk $0xffff, v17  }
0x75: {  	v1 =	vshra.s32 v1, $0x17;
	v2 =	vmul.u32 $0x11, v2;
	v8 =	vadd.s32 v16, v8;
	[tilespmem:v12+s10+$0x0] =	vst.idx.add.s32.msk $0xffff, v17  }
0x76: {  	v1 =	vmul.u32 $0x11, v1;
	v4 =	vadd.s32 v16, v4;
	[tilespmem:v5+s10+$0x0] =	vst.idx.add.s32.msk $0xffff, v17  }
0x77: {  	v2 =	vadd.s32 v16, v2;
	[tilespmem:v13+s10+$0x0] =	vst.idx.add.s32.msk $0xffff, v17  }
.Ltmp1:
0x78: {  	v1 =	vadd.s32 v16, v1;
	[tilespmem:v6+s10+$0x0] =	vst.idx.add.s32.msk $0xffff, v17;
	(pc) =	sbr.rel @p0 .LBB2_5-.Ltmp1, $4  }
0x79: {  	[tilespmem:v7+s10+$0x0] =	vst.idx.add.s32.msk $0xffff, v17  }
0x7a: {  	[tilespmem:v8+s10+$0x0] =	vst.idx.add.s32.msk $0xffff, v17  }
0x7b: {  	[tilespmem:v4+s10+$0x0] =	vst.idx.add.s32.msk $0xffff, v17  }
0x7c: {  	s22 =	simm.s32 $0x0;
	[tilespmem:v2+s10+$0x0] =	vst.idx.add.s32.msk $0xffff, v17  }
0x7d: {  	s20 =	simm.s32 $0x30  }
0x7e: {  	v2 =	vmov s20  }
0x7f: {  	v2 =	vmul.u32 $0x11, v2;
	_ =	sdelay $0x1  }
0x80: {  	[tilespmem:v1+s10+$0x0] =	vst.idx.add.s32.msk $0xffff, v17;
	v2 =	vbroadcast v2, $0x0  }
0x81: {  	v16 =	vld [tilespmem:$0x1FDF0]  }
0x82: {  	v4 =	vadd.s32 v34, v2  }
0x83: {  	v5 =	vadd.s32 v35, v2  }
0x84: {  	v6 =	vadd.s32 v36, v2  }
0x85: {  	v7 =	vadd.s32 v62, v2  }
0x86: {  	v17 =	vld [tilespmem:$0x1FE00];
	v32 =	vadd.s32 v16, v2  }
0x87: {  	v8 =	vadd.s32 v38, v2;
	v4 =	vld.idx.msk [tilespmem:v4+s10+$0x0], $0xffff  }
0x88: {  	v9 =	vadd.s32 v55, v2;
	v5 =	vld.idx.msk [tilespmem:v5+s10+$0x0], $0xffff  }
0x89: {  	v10 =	vadd.s32 v54, v2;
	v6 =	vld.idx.msk [tilespmem:v6+s10+$0x0], $0xffff  }
0x8a: {  	v11 =	vadd.s32 v42, v2;
	v7 =	vld.idx.msk [tilespmem:v7+s10+$0x0], $0xffff  }
0x8b: {  	v33 =	vadd.s32 v57, v2;
	v12 =	vld.idx.msk [tilespmem:v32+s10+$0x0], $0xffff  }
0x8c: {  	s30 =	simm.s32 $0x10;
	v13 =	vadd.s32 v58, v2;
	v8 =	vld.idx.msk [tilespmem:v8+s10+$0x0], $0xffff  }
0x8d: {  	v14 =	vmov s30;
	v20 =	vadd.s32 v59, v2;
	v9 =	vld.idx.msk [tilespmem:v9+s10+$0x0], $0xffff  }
0x8e: {  	s31 =	simm.s32 $0x20;
	v14 =	vmul.u32 $0x11, v14;
	v21 =	vadd.s32 v60, v2;
	v10 =	vld.idx.msk [tilespmem:v10+s10+$0x0], $0xffff  }
0x8f: {  	v15 =	vmov s31;
	v22 =	vadd.s32 v61, v2;
	v11 =	vld.idx.msk [tilespmem:v11+s10+$0x0], $0xffff  }
0x90: {  	v23 =	vmul.u32 $0x11, v15;
	v15 =	vbroadcast v14, $0x0;
	v24 =	vadd.s32 v49, v2;
	v37 =	vld.idx.msk [tilespmem:v33+s10+$0x0], $0xffff  }
0x91: {  	v25 =	vadd.s32 v17, v2;
	v13 =	vld.idx.msk [tilespmem:v13+s10+$0x0], $0xffff  }
0x92: {  	v39 =	vmov s22;
	v1 =	vbroadcast v23, $0x0;
	v41 =	vadd.s32 v34, v15;
	v20 =	vld.idx.msk [tilespmem:v20+s10+$0x0], $0xffff  }
0x93: {  	v40 =	vmul.u32 $0x11, v39;
	v26 =	vadd.s32 v35, v15;
	v21 =	vld.idx.msk [tilespmem:v21+s10+$0x0], $0xffff  }
0x94: {  	v27 =	vadd.s32 v34, v1;
	v22 =	vld.idx.msk [tilespmem:v22+s10+$0x0], $0xffff  }
0x95: {  	v2 =	vbroadcast v40, $0x0;
	v28 =	vadd.s32 v35, v1;
	v24 =	vld.idx.msk [tilespmem:v24+s10+$0x0], $0xffff  }
0x96: {  	v31 =	vadd.s32 v36, v15;
	v25 =	vld.idx.msk [tilespmem:v25+s10+$0x0], $0xffff  }
0x97: {  	v29 =	vadd.s32 v34, v2;
	v23 =	vld.idx.msk [tilespmem:v41+s10+$0x0], $0xffff  }
0x98: {  	v30 =	vadd.s32 v35, v2;
	v26 =	vld.idx.msk [tilespmem:v26+s10+$0x0], $0xffff  }
0x99: {  	v44 =	vadd.s32 v38, v2;
	v27 =	vld.idx.msk [tilespmem:v27+s10+$0x0], $0xffff  }
0x9a: {  	v32 =	vadd.s32 v36, v1;
	v28 =	vld.idx.msk [tilespmem:v28+s10+$0x0], $0xffff  }
0x9b: {  	v33 =	vadd.s32 v36, v2;
	v31 =	vld.idx.msk [tilespmem:v31+s10+$0x0], $0xffff  }
0x9c: {  	v0 =	vadd.s32 v57, v15;
	v29 =	vld.idx.msk [tilespmem:v29+s10+$0x0], $0xffff  }
0x9d: {  	v43 =	vadd.s32 v16, v15;
	v30 =	vld.idx.msk [tilespmem:v30+s10+$0x0], $0xffff;
	v4 =	vadd.s32 v4, v5  }
0x9e: {  	v14 =	vld.idx.msk [tilespmem:v44+s10+$0x0], $0xffff;
	v5 =	vadd.s32 v62, v15;
	v4 =	vadd.s32 v6, v4  }
0x9f: {  	v32 =	vld.idx.msk [tilespmem:v32+s10+$0x0], $0xffff;
	v6 =	vadd.s32 v62, v1;
	v4 =	vadd.s32 v7, v4  }
0xa0: {  	v33 =	vld.idx.msk [tilespmem:v33+s10+$0x0], $0xffff;
	v23 =	vadd.s32 v23, v26;
	v7 =	vadd.s32 v62, v2;
	v4 =	vadd.s32 v12, v4  }
0xa1: {  	v23 =	vadd.s32 v31, v23;
	v31 =	vld.idx.msk [tilespmem:v0+s10+$0x0], $0xffff;
	v4 =	vadd.s32 v8, v4;
	v8 =	vadd.s32 v16, v1  }
0xa2: {  	v45 =	vadd.s32 v55, v15;
	v12 =	vld.idx.msk [tilespmem:v43+s10+$0x0], $0xffff  }
0xa3: {  	v4 =	vadd.s32 v9, v4;
	v9 =	vadd.s32 v16, v2;
	v5 =	vld.idx.msk [tilespmem:v5+s10+$0x0], $0xffff  }
0xa4: {  	v46 =	vadd.s32 v55, v1;
	v52 =	vadd.s32 v27, v28;
	v4 =	vadd.s32 v10, v4;
	v6 =	vld.idx.msk [tilespmem:v6+s10+$0x0], $0xffff  }
0xa5: {  	v56 =	vadd.s32 v29, v30;
	v16 =	vadd.s32 v57, v1;
	v4 =	vadd.s32 v11, v4;
	v7 =	vld.idx.msk [tilespmem:v7+s10+$0x0], $0xffff  }
0xa6: {  	v28 =	vadd.s32 v33, v56;
	v56 =	vadd.s32 v60, v15;
	v4 =	vadd.s32 v37, v4;
	v8 =	vld.idx.msk [tilespmem:v8+s10+$0x0], $0xffff  }
0xa7: {  	v10 =	vadd.s32 v38, v15;
	v4 =	vadd.s32 v13, v4;
	v13 =	vld.idx.msk [tilespmem:v45+s10+$0x0], $0xffff  }
0xa8: {  	v47 =	vadd.s32 v55, v2;
	v9 =	vld.idx.msk [tilespmem:v9+s10+$0x0], $0xffff  }
0xa9: {  	v11 =	vadd.s32 v38, v1;
	v4 =	vadd.s32 v20, v4;
	v20 =	vld.idx.msk [tilespmem:v46+s10+$0x0], $0xffff  }
0xaa: {  	v48 =	vadd.s32 v54, v15;
	v50 =	vadd.s32 v54, v1;
	v33 =	vld.idx.msk [tilespmem:v16+s10+$0x0], $0xffff  }
0xab: {  	v53 =	vadd.s32 v42, v1;
	v26 =	vadd.s32 v32, v52;
	v52 =	vld.idx.msk [tilespmem:v56+s10+$0x0], $0xffff;
	v4 =	vadd.s32 v21, v4  }
0xac: {  	v39 =	vadd.s32 v17, v15;
	v51 =	vadd.s32 v54, v2;
	v10 =	vld.idx.msk [tilespmem:v10+s10+$0x0], $0xffff;
	v4 =	vadd.s32 v22, v4  }
0xad: {  	v40 =	vadd.s32 v17, v1;
	v63 =	vadd.s32 v42, v2;
	v21 =	vld.idx.msk [tilespmem:v47+s10+$0x0], $0xffff;
	v4 =	vadd.s32 v24, v4  }
0xae: {  	v41 =	vadd.s32 v61, v2;
	v44 =	vadd.s32 v49, v15;
	v11 =	vld.idx.msk [tilespmem:v11+s10+$0x0], $0xffff;
	v4 =	vadd.s32 v25, v4  }
0xaf: {  	v5 =	vadd.s32 v5, v23;
	v22 =	vld.idx.msk [tilespmem:v48+s10+$0x0], $0xffff;
	[tilespmem:s19+$0x10] =	vst v4;
	v4 =	vadd.s32 v42, v15  }
0xb0: {  	v6 =	vadd.s32 v6, v26;
	v7 =	vadd.s32 v7, v28;
	v28 =	vadd.s32 v57, v2;
	v24 =	vld.idx.msk [tilespmem:v50+s10+$0x0], $0xffff  }
0xb1: {  	v5 =	vadd.s32 v12, v5;
	v25 =	vld.idx.msk [tilespmem:v51+s10+$0x0], $0xffff;
	v6 =	vadd.s32 v8, v6;
	v8 =	vadd.s32 v58, v15  }
0xb2: {  	v7 =	vadd.s32 v9, v7;
	v9 =	vld.idx.msk [tilespmem:v53+s10+$0x0], $0xffff;
	v5 =	vadd.s32 v10, v5;
	v10 =	vadd.s32 v58, v1  }
0xb3: {  	v29 =	vadd.s32 v58, v2;
	v32 =	vadd.s32 v59, v15;
	v6 =	vadd.s32 v11, v6;
	v11 =	vld.idx.msk [tilespmem:v63+s10+$0x0], $0xffff  }
0xb4: {  	v43 =	vadd.s32 v49, v1;
	v37 =	vadd.s32 v59, v2;
	v45 =	vadd.s32 v61, v15;
	v4 =	vld.idx.msk [tilespmem:v4+s10+$0x0], $0xffff  }
0xb5: {  	v46 =	vadd.s32 v60, v2;
	v47 =	vadd.s32 v60, v1;
	v7 =	vadd.s32 v14, v7;
	v12 =	vld.idx.msk [tilespmem:v28+s10+$0x0], $0xffff  }
0xb6: {  	v53 =	vadd.s32 v59, v1;
	v7 =	vadd.s32 v21, v7;
	v6 =	vadd.s32 v20, v6;
	v63 =	vld.idx.msk [tilespmem:v8+s10+$0x0], $0xffff  }
0xb7: {  	v5 =	vadd.s32 v13, v5;
	v6 =	vadd.s32 v24, v6;
	v7 =	vadd.s32 v25, v7;
	v8 =	vld.idx.msk [tilespmem:v10+s10+$0x0], $0xffff  }
0xb8: {  	v5 =	vadd.s32 v22, v5;
	v6 =	vadd.s32 v9, v6;
	v9 =	vadd.s32 v11, v7;
	v7 =	vld.idx.msk [tilespmem:v32+s10+$0x0], $0xffff  }
0xb9: {  	v48 =	vadd.s32 v61, v1;
	v11 =	vadd.s32 v33, v6;
	v6 =	vld.idx.msk [tilespmem:v37+s10+$0x0], $0xffff;
	v5 =	vadd.s32 v4, v5  }
0xba: {  	v37 =	vadd.s32 v17, v2;
	v9 =	vadd.s32 v12, v9;
	v4 =	vld.idx.msk [tilespmem:v29+s10+$0x0], $0xffff;
	v10 =	vadd.s32 v31, v5  }
0xbb: {  	s21 =	simm.s32 $0x0;
	s22 =	simm.s32 $0x40;
	s20 =	simm.s32 $0x11120;
	v5 =	vld.idx.msk [tilespmem:v53+s10+$0x0], $0xffff;
	v53 =	vmov v42;
	v42 =	vadd.s32 v49, v2;
	v10 =	vadd.s32 v63, v10  }
.LBB2_7:
0xbc: {  	v3 =	vld [tilespmem:$0x1FDF0]  }
0xbd: {  	v1 =	vmov s22;
	s24 =	sadd.s32 $0x20, s22;
	v2 =	vadd.s32 v8, v11;
	v8 =	vld.idx.msk [tilespmem:v47+s10+$0x0], $0xffff  }
0xbe: {  	v13 =	vld.idx.msk [tilespmem:v46+s10+$0x0], $0xffff;
	v1 =	vmul.u32 $0x11, v1;
	v11 =	vmov s24  }
0xbf: {  	v30 =	vld.idx.msk [tilespmem:v45+s10+$0x0], $0xffff;
	v7 =	vadd.s32 v7, v10;
	v11 =	vmul.u32 $0x11, v11  }
0xc0: {  	s25 =	sadd.s32 $0x30, s22;
	v4 =	vadd.s32 v4, v9;
	v9 =	vbroadcast v1, $0x0;
	[tilespmem:$0x1FD00] =	vst v7;
	v7 =	vld.idx.msk [tilespmem:v48+s10+$0x0], $0xffff  }
0xc1: {  	s23 =	sadd.s32 $0x10, s22;
	v31 =	vld.idx.msk [tilespmem:v44+s10+$0x0], $0xffff;
	v12 =	vmov s25;
	v11 =	vbroadcast v11, $0x0  }
0xc2: {  	v33 =	vld.idx.msk [tilespmem:v43+s10+$0x0], $0xffff;
	v0 =	vmovc v62;
	v62 =	vadd.s32 v6, v4;
	v6 =	vadd.s32 v36, v9;
	[tilespmem:$0x1FD10] =	vst v8;
	v8 =	vmov s23  }
0xc3: {  	v26 =	vld.idx.msk [tilespmem:v42+s10+$0x0], $0xffff;
	v12 =	vmul.u32 $0x11, v12;
	v43 =	vadd.s32 v34, v11;
	v8 =	vmul.u32 $0x11, v8  }
0xc4: {  	v50 =	vld.idx.msk [tilespmem:v39+s10+$0x0], $0xffff;
	[tilespmem:$0x1FD20] =	vst v13;
	v24 =	vadd.s32 v5, v2;
	v5 =	vadd.s32 v36, v11  }
0xc5: {  	[tilespmem:$0x1FD50] =	vst v7;
	v7 =	vld.idx.msk [tilespmem:v41+s10+$0x0], $0xffff;
	v10 =	vbroadcast v8, $0x0;
	v8 =	vbroadcast v12, $0x0  }
0xc6: {  	v22 =	vld.idx.msk [tilespmem:v40+s10+$0x0], $0xffff;
	[tilespmem:$0x1FD30] =	vst v30  }
0xc7: {  	v30 =	vadd.s32 v3, v9;
	v29 =	vadd.s32 v3, v11;
	v6 =	vld.idx.msk [tilespmem:v6+s10+$0x0], $0xffff;
	v32 =	vadd.s32 v34, v8  }
0xc8: {  	v4 =	vadd.s32 v35, v8;
	v25 =	vadd.s32 v3, v8;
	v15 =	vadd.s32 v3, v10;
	v3 =	vld.idx.msk [tilespmem:v43+s10+$0x0], $0xffff  }
0xc9: {  	[tilespmem:$0x1FD60] =	vst v31;
	v20 =	vadd.s32 v36, v8;
	v5 =	vld.idx.msk [tilespmem:v5+s10+$0x0], $0xffff  }
0xca: {  	v21 =	vadd.s32 v0, v8;
	v56 =	vadd.s32 v53, v10;
	[tilespmem:$0x1FD40] =	vst v7;
	v7 =	vld.idx.msk [tilespmem:v37+s10+$0x0], $0xffff  }
0xcb: {  	[tilespmem:$0x1FDD0] =	vst v56;
	v56 =	vld [tilespmem:$0x1FE00]  }
0xcc: {  	[tilespmem:$0x1FD70] =	vst v33;
	v17 =	vadd.s32 v34, v9;
	v27 =	vadd.s32 v38, v8;
	v1 =	vld.idx.msk [tilespmem:v32+s10+$0x0], $0xffff  }
0xcd: {  	v18 =	vadd.s32 v35, v9;
	v23 =	vadd.s32 v0, v9;
	v28 =	vadd.s32 v55, v8;
	v4 =	vld.idx.msk [tilespmem:v4+s10+$0x0], $0xffff  }
0xce: {  	v45 =	vadd.s32 v55, v9;
	v16 =	vadd.s32 v35, v11;
	v33 =	vadd.s32 v54, v8;
	v31 =	vld.idx.msk [tilespmem:v20+s10+$0x0], $0xffff  }
0xcf: {  	v48 =	vadd.s32 v34, v10;
	v44 =	vadd.s32 v35, v10;
	v35 =	vadd.s32 v53, v8;
	v34 =	vld.idx.msk [tilespmem:v21+s10+$0x0], $0xffff  }
0xd0: {  	v47 =	vadd.s32 v54, v9;
	v19 =	vadd.s32 v36, v10;
	v36 =	vadd.s32 v57, v8;
	v37 =	vld.idx.msk [tilespmem:v25+s10+$0x0], $0xffff  }
0xd1: {  	[tilespmem:$0x1FDA0] =	vst v45;
	v42 =	vadd.s32 v55, v11;
	v40 =	vadd.s32 v59, v8;
	v27 =	vld.idx.msk [tilespmem:v27+s10+$0x0], $0xffff  }
0xd2: {  	v41 =	vadd.s32 v38, v9;
	[tilespmem:$0x1FD90] =	vst v42;
	v39 =	vadd.s32 v58, v8;
	v28 =	vld.idx.msk [tilespmem:v28+s10+$0x0], $0xffff  }
0xd3: {  	[tilespmem:$0x1FD80] =	vst v41;
	v42 =	vadd.s32 v60, v8;
	v41 =	vld.idx.msk [tilespmem:v33+s10+$0x0], $0xffff;
	v1 =	vadd.s32 v1, v4  }
0xd4: {  	[tilespmem:$0x1FDC0] =	vst v47;
	v46 =	vadd.s32 v54, v10;
	v45 =	vld.idx.msk [tilespmem:v35+s10+$0x0], $0xffff;
	v1 =	vadd.s32 v31, v1  }
0xd5: {  	v13 =	vadd.s32 v0, v11;
	[tilespmem:$0x1FDB0] =	vst v46;
	v46 =	vld.idx.msk [tilespmem:v36+s10+$0x0], $0xffff;
	v1 =	vadd.s32 v34, v1  }
0xd6: {  	v63 =	vadd.s32 v54, v11;
	v20 =	vadd.s32 v61, v8;
	v40 =	vld.idx.msk [tilespmem:v40+s10+$0x0], $0xffff;
	v1 =	vadd.s32 v37, v1  }
0xd7: {  	v14 =	vadd.s32 v53, v11;
	v47 =	vadd.s32 v49, v8;
	v37 =	vld.idx.msk [tilespmem:v39+s10+$0x0], $0xffff;
	v1 =	vadd.s32 v27, v1  }
0xd8: {  	[tilespmem:$0x1FDE0] =	vst v14;
	v12 =	vadd.s32 v0, v10;
	v42 =	vld.idx.msk [tilespmem:v42+s10+$0x0], $0xffff;
	v1 =	vadd.s32 v28, v1  }
0xd9: {  	v51 =	vadd.s32 v38, v10;
	v43 =	vadd.s32 v49, v11;
	v2 =	vld.idx.msk [tilespmem:v48+s10+$0x0], $0xffff;
	v28 =	vadd.s32 v41, v1  }
0xda: {  	v32 =	vadd.s32 v38, v11;
	v33 =	vadd.s32 v58, v11;
	v38 =	vld.idx.msk [tilespmem:v44+s10+$0x0], $0xffff;
	v41 =	vadd.s32 v45, v28  }
0xdb: {  	v48 =	vadd.s32 v61, v11;
	v14 =	vadd.s32 v56, v8;
	v0 =	vld.idx.msk [tilespmem:v20+s10+$0x0], $0xffff;
	v41 =	vadd.s32 v46, v41  }
0xdc: {  	v8 =	vadd.s32 v57, v11;
	v20 =	vadd.s32 v59, v11;
	v1 =	vld.idx.msk [tilespmem:v47+s10+$0x0], $0xffff;
	v37 =	vadd.s32 v37, v41  }
0xdd: {  	v47 =	vadd.s32 v60, v11;
	v37 =	vadd.s32 v40, v37;
	v40 =	vadd.s32 v56, v11;
	v11 =	vld [tilespmem:$0x1FD10]  }
0xde: {  	v25 =	vadd.s32 v53, v9;
	v35 =	vadd.s32 v59, v9;
	v12 =	vld.idx.msk [tilespmem:v12+s10+$0x0], $0xffff  }
0xdf: {  	v2 =	vadd.s32 v2, v38;
	v38 =	vld [tilespmem:$0x1FF60];
	v31 =	vadd.s32 v57, v9;
	v34 =	vadd.s32 v58, v9  }
0xe0: {  	v14 =	vld.idx.msk [tilespmem:v14+s10+$0x0], $0xffff;
	v46 =	vadd.s32 v60, v9;
	v41 =	vadd.s32 v61, v9;
	v37 =	vadd.s32 v42, v37  }
0xe1: {  	v42 =	vadd.s32 v49, v9;
	v0 =	vadd.s32 v0, v37;
	v37 =	vadd.s32 v56, v9;
	v9 =	vld [tilespmem:$0x1FD00]  }
0xe2: {  	v21 =	vadd.s32 v55, v10;
	v36 =	vadd.s32 v57, v10;
	v11 =	vadd.s32 v11, v24;
	v24 =	vld [tilespmem:$0x1FD20]  }
0xe3: {  	v44 =	vadd.s32 v49, v10;
	v4 =	vadd.s32 v58, v10;
	v39 =	vadd.s32 v56, v10;
	v56 =	vld [tilespmem:$0x1FD40]  }
0xe4: {  	v27 =	vadd.s32 v59, v10;
	v28 =	vadd.s32 v60, v10;
	v45 =	vadd.s32 v61, v10;
	v10 =	vld.idx.msk [tilespmem:v16+s10+$0x0], $0xffff  }
0xe5: {  	v16 =	vld.idx.msk [tilespmem:v17+s10+$0x0], $0xffff;
	v0 =	vadd.s32 v1, v0  }
0xe6: {  	s19 =	sadd.s32 $0x40, s19;
	v1 =	vld.idx.msk [tilespmem:v18+s10+$0x0], $0xffff;
	v0 =	vadd.s32 v14, v0  }
0xe7: {  	[tilespmem:s19+$0x10] =	vst v0;
	v9 =	vadd.s32 v52, v9;
	v52 =	vld [tilespmem:$0x1FD30];
	v0 =	vadd.s32 v24, v62  }
0xe8: {  	v62 =	vld [tilespmem:$0x1FD50];
	v0 =	vadd.s32 v56, v0  }
0xe9: {  	v0 =	vadd.s32 v26, v0;
	v26 =	vld [tilespmem:$0x1FD70]  }
0xea: {  	v24 =	vld [tilespmem:$0x1FD60]  }
0xeb: {  	v14 =	vld.idx.msk [tilespmem:v19+s10+$0x0], $0xffff;
	v0 =	vadd.s32 v7, v0  }
0xec: {  	v3 =	vadd.s32 v3, v10;
	v7 =	vld.idx.msk [tilespmem:v23+s10+$0x0], $0xffff;
	[tilespmem:s20+$0xFFFFFFE0] =	vst v0  }
0xed: {  	v9 =	vadd.s32 v52, v9;
	v52 =	vadd.s32 v5, v3;
	v11 =	vadd.s32 v62, v11;
	v5 =	vld.idx.msk [tilespmem:v30+s10+$0x0], $0xffff  }
0xee: {  	v62 =	vld [tilespmem:$0x1FF50];
	v11 =	vadd.s32 v26, v11  }
0xef: {  	v9 =	vadd.s32 v24, v9;
	v56 =	vld.idx.msk [tilespmem:v31+s10+$0x0], $0xffff;
	v10 =	vadd.s32 v22, v11  }
0xf0: {  	v9 =	vadd.s32 v50, v9;
	v11 =	vld.idx.msk [tilespmem:v13+s10+$0x0], $0xffff;
	[tilespmem:s20+$0x0] =	vst v10  }
0xf1: {  	v1 =	vadd.s32 v16, v1;
	[tilespmem:s20+$0xFFFFFFF0] =	vst v9;
	v3 =	vld.idx.msk [tilespmem:v29+s10+$0x0], $0xffff  }
0xf2: {  	v1 =	vadd.s32 v6, v1;
	v9 =	vld.idx.msk [tilespmem:v15+s10+$0x0], $0xffff  }
0xf3: {  	v1 =	vadd.s32 v7, v1;
	v7 =	vld [tilespmem:$0x1FD80]  }
0xf4: {  	v6 =	vld.idx.msk [tilespmem:v51+s10+$0x0], $0xffff  }
0xf5: {  	v10 =	vld.idx.msk [tilespmem:v32+s10+$0x0], $0xffff;
	v0 =	vadd.s32 v11, v52  }
0xf6: {  	v2 =	vadd.s32 v14, v2;
	v0 =	vadd.s32 v3, v0;
	v3 =	vld [tilespmem:$0x1FD90]  }
0xf7: {  	v2 =	vadd.s32 v12, v2;
	v1 =	vadd.s32 v5, v1;
	v5 =	vld [tilespmem:$0x1FDA0]  }
0xf8: {  	v2 =	vadd.s32 v9, v2;
	v9 =	vld.idx.msk [tilespmem:v21+s10+$0x0], $0xffff  }
0xf9: {  	v52 =	vld.idx.msk [tilespmem:v28+s10+$0x0], $0xffff  }
0xfa: {  	v2 =	vadd.s32 v6, v2;
	v6 =	vld [tilespmem:$0x1FDB0]  }
0xfb: {  	v7 =	vld.idx.msk [tilespmem:v7+s10+$0x0], $0xffff  }
0xfc: {  	v0 =	vadd.s32 v10, v0;
	v10 =	vld.idx.msk [tilespmem:v63+s10+$0x0], $0xffff  }
0xfd: {  	v63 =	vld.idx.msk [tilespmem:v4+s10+$0x0], $0xffff  }
0xfe: {  	v3 =	vld.idx.msk [tilespmem:v3+s10+$0x0], $0xffff  }
0xff: {  	v2 =	vadd.s32 v9, v2;
	v9 =	vld [tilespmem:$0x1FDD0]  }
0x100: {  	v5 =	vld.idx.msk [tilespmem:v5+s10+$0x0], $0xffff  }
0x101: {  	v1 =	vadd.s32 v7, v1;
	v7 =	vld [tilespmem:$0x1FDC0]  }
0x102: {  	v6 =	vld.idx.msk [tilespmem:v6+s10+$0x0], $0xffff  }
0x103: {  	v0 =	vadd.s32 v3, v0;
	v3 =	vld [tilespmem:$0x1FDE0]  }
0x104: {  	v4 =	vld.idx.msk [tilespmem:v34+s10+$0x0], $0xffff  }
0x105: {  	v34 =	vld [tilespmem:$0x1FF20]  }
0x106: {  	v1 =	vadd.s32 v5, v1;
	v5 =	vld.idx.msk [tilespmem:v25+s10+$0x0], $0xffff  }
0x107: {  	v9 =	vld.idx.msk [tilespmem:v9+s10+$0x0], $0xffff  }
0x108: {  	v2 =	vadd.s32 v6, v2;
	v6 =	vld.idx.msk [tilespmem:v36+s10+$0x0], $0xffff  }
0x109: {  	v36 =	vld [tilespmem:$0x1FF40]  }
0x10a: {  	v7 =	vld.idx.msk [tilespmem:v7+s10+$0x0], $0xffff  }
0x10b: {  	s21 =	sadd.s32 $0x4, s21;
	v3 =	vld.idx.msk [tilespmem:v3+s10+$0x0], $0xffff  }
0x10c: {  	p0 =	slt.u32 s21, $0xC;
	v0 =	vadd.s32 v10, v0;
	v10 =	vld.idx.msk [tilespmem:v8+s10+$0x0], $0xffff  }
.Ltmp2:
0x10d: {  	v8 =	vld.idx.msk [tilespmem:v33+s10+$0x0], $0xffff;
	v2 =	vadd.s32 v9, v2;
	(pc) =	sbr.rel @p0 .LBB2_7-.Ltmp2, $4  }
0x10e: {  	v2 =	vadd.s32 v6, v2;
	v6 =	vld.idx.msk [tilespmem:v35+s10+$0x0], $0xffff  }
0x10f: {  	v35 =	vld [tilespmem:$0x1FF30];
	v1 =	vadd.s32 v7, v1  }
0x110: {  	v7 =	vld.idx.msk [tilespmem:v27+s10+$0x0], $0xffff;
	v1 =	vadd.s32 v5, v1;
	v0 =	vadd.s32 v3, v0  }
0x111: {  	s22 =	sadd.s32 $0x40, s22;
	s20 =	smov.u32 s19;
	v5 =	vld.idx.msk [tilespmem:v20+s10+$0x0], $0xffff;
	v9 =	vadd.s32 v56, v1;
	v11 =	vadd.s32 v10, v0;
	v10 =	vadd.s32 v63, v2  }
0x112: {  	_ =	sdelay $0x3  }
0x113: {  	v0 =	vld.idx.msk [tilespmem:v47+s10+$0x0], $0xffff  }
0x114: {  	v1 =	vld.idx.msk [tilespmem:v46+s10+$0x0], $0xffff  }
0x115: {  	v2 =	vld.idx.msk [tilespmem:v45+s10+$0x0], $0xffff  }
0x116: {  	v3 =	vld.idx.msk [tilespmem:v48+s10+$0x0], $0xffff  }
0x117: {  	v12 =	vld.idx.msk [tilespmem:v41+s10+$0x0], $0xffff  }
0x118: {  	v13 =	vld.idx.msk [tilespmem:v44+s10+$0x0], $0xffff  }
0x119: {  	v14 =	vld.idx.msk [tilespmem:v43+s10+$0x0], $0xffff  }
0x11a: {  	v15 =	vld.idx.msk [tilespmem:v42+s10+$0x0], $0xffff  }
0x11b: {  	v16 =	vld.idx.msk [tilespmem:v39+s10+$0x0], $0xffff  }
0x11c: {  	v8 =	vadd.s32 v8, v11;
	v54 =	vld.idx.msk [tilespmem:v40+s10+$0x0], $0xffff;
	v7 =	vadd.s32 v7, v10  }
0x11d: {  	v4 =	vadd.s32 v4, v9;
	v55 =	vld.idx.msk [tilespmem:v37+s10+$0x0], $0xffff;
	v5 =	vadd.s32 v5, v8;
	v7 =	vadd.s32 v52, v7  }
0x11e: {  	v4 =	vadd.s32 v6, v4;
	v0 =	vadd.s32 v0, v5;
	v2 =	vadd.s32 v2, v7  }
0x11f: {  	v1 =	vadd.s32 v1, v4;
	v0 =	vadd.s32 v3, v0;
	v2 =	vadd.s32 v13, v2  }
0x120: {  	v1 =	vadd.s32 v12, v1;
	v0 =	vadd.s32 v14, v0;
	v2 =	vadd.s32 v16, v2  }
0x121: {  	v1 =	vadd.s32 v15, v1;
	v0 =	vadd.s32 v54, v0;
	[tilespmem:s20+$0xFFFFFFF0] =	vst v2  }
0x122: {  	v1 =	vadd.s32 v55, v1;
	[tilespmem:s20+$0x0] =	vst v0  }
0x123: {  	[tilespmem:s20+$0xFFFFFFE0] =	vst v1  }
0x124: {  	v0 =	vld [tilespmem:$0x1FEF0]  }
0x125: {  	v1 =	vld [tilespmem:$0x1FE10]  }
0x126: {  	v2 =	vld [tilespmem:$0x1FE20]  }
0x127: {  	v3 =	vld [tilespmem:$0x1FE30];
	_ =	sdelay $0x4  }
0x128: {  	v0 =	vld.idx.msk [tilespmem:v0+s11+$0x0], $0xffff  }
0x129: {  	v1 =	vld.idx.msk [tilespmem:v1+s11+$0x0], $0xffff  }
0x12a: {  	v2 =	vld.idx.msk [tilespmem:v2+s11+$0x0], $0xffff  }
0x12b: {  	v3 =	vld.idx.msk [tilespmem:v3+s11+$0x0], $0xffff  }
0x12c: {  	v56 =	vld [tilespmem:$0x1FE40]  }
0x12d: {  	v57 =	vld [tilespmem:$0x1FE50]  }
0x12e: {  	v0 =	vadd.s32 v0, v1;
	v1 =	vld [tilespmem:$0x1FE60]  }
0x12f: {  	v0 =	vadd.s32 v2, v0;
	v2 =	vld [tilespmem:$0x1FE70]  }
0x130: {  	v0 =	vadd.s32 v3, v0;
	v3 =	vld [tilespmem:$0x1FE80];
	_ =	sdelay $0x3  }
0x131: {  	v4 =	vld.idx.msk [tilespmem:v56+s11+$0x0], $0xffff  }
0x132: {  	v5 =	vld.idx.msk [tilespmem:v57+s11+$0x0], $0xffff  }
0x133: {  	v1 =	vld.idx.msk [tilespmem:v1+s11+$0x0], $0xffff  }
0x134: {  	v2 =	vld.idx.msk [tilespmem:v2+s11+$0x0], $0xffff  }
0x135: {  	v3 =	vld.idx.msk [tilespmem:v3+s11+$0x0], $0xffff  }
0x136: {  	v58 =	vld [tilespmem:$0x1FE90];
	v0 =	vadd.s32 v4, v0  }
0x137: {  	v59 =	vld [tilespmem:$0x1FEA0];
	v0 =	vadd.s32 v5, v0  }
0x138: {  	v0 =	vadd.s32 v1, v0;
	v1 =	vld [tilespmem:$0x1FEB0]  }
0x139: {  	v0 =	vadd.s32 v2, v0;
	v2 =	vld [tilespmem:$0x1FEC0]  }
0x13a: {  	v0 =	vadd.s32 v3, v0;
	v3 =	vld [tilespmem:$0x1FED0]  }
0x13b: {  	v60 =	vld [tilespmem:$0x1FEE0]  }
0x13c: {  	v61 =	vld [tilespmem:$0x1FF00];
	_ =	sdelay $0x1  }
0x13d: {  	v4 =	vld.idx.msk [tilespmem:v58+s11+$0x0], $0xffff  }
0x13e: {  	v5 =	vld.idx.msk [tilespmem:v59+s11+$0x0], $0xffff  }
0x13f: {  	v1 =	vld.idx.msk [tilespmem:v1+s11+$0x0], $0xffff  }
0x140: {  	v2 =	vld.idx.msk [tilespmem:v2+s11+$0x0], $0xffff  }
0x141: {  	v3 =	vld.idx.msk [tilespmem:v3+s11+$0x0], $0xffff  }
0x142: {  	v0 =	vadd.s32 v4, v0;
	v4 =	vld.idx.msk [tilespmem:v60+s11+$0x0], $0xffff  }
0x143: {  	v0 =	vadd.s32 v5, v0;
	v5 =	vld.idx.msk [tilespmem:v61+s11+$0x0], $0xffff  }
0x144: {  	v0 =	vadd.s32 v1, v0  }
0x145: {  	v0 =	vadd.s32 v2, v0  }
0x146: {  	v0 =	vadd.s32 v3, v0  }
0x147: {  	v0 =	vadd.s32 v4, v0  }
0x148: {  	v0 =	vadd.s32 v5, v0  }
0x149: {  	(xrf0) =	vadd.scan.msk.s32 $0xffff, v0;
	_ =	sdelay $0x2  }
0x14a: {  	v2 =	vimm.s32 $0xF;
	_ =	sdelay $0x2  }
0x14b: {  	v1, _, _ =	vpop (xrf0)  }
0x14c: {  	[tilespmem:$0x11200] =	vst v1  }
0x14d: {  	v2 =	vld.idx.msk [tilespmem:v2+s12+$0x0], $0xffff;
	_ =	sdelay $0x4  }
0x14e: {  	v1 =	vsub.s32 v2, v1  }
0x14f: {  	v63 =	vld [tilespmem:$0x1FF10];
	v1 =	vadd.s32 v0, v1  }
0x150: {  	vm0 =	vgt.s32 v1, $0x1F  }
0x151: {  	v2 =	vmpcnt.ones.xlane vm0;
	_ =	sdelay $0x1  }
0x152: {  	v3 =	vshll.u32 v2, $0x4  }
0x153: {  	v4 =	vadd.s32 v63, v3;
	_ =	sdelay $0x2  }
0x154: {  	[tilespmem:$0x11220] =	vst v0  }
0x155: {  	[tilespmem:$0x11210] =	vst v1  }
0x156: {  	v0 =	vld.idx.msk [tilespmem:v4+s11+$0x0], $0xffff;
	_ =	sdelay $0x1  }
0x157: {  	v1 =	vadd.s32 $0xF, v2;
	_ =	sdelay $0x2  }
0x158: {  	(xrf0) =	vadd.scan.msk.s32 $0xffff, v0;
	_ =	sdelay $0x1  }
0x159: {  	v1 =	vld.idx.msk [tilespmem:v1+s12+$0x0], $0xffff;
	_ =	sdelay $0x3  }
0x15a: {  	v2, _, _ =	vpop (xrf0)  }
0x15b: {  	v1 =	vsub.s32 v1, v2  }
0x15c: {  	v0 =	vadd.s32 v0, v1  }
0x15d: {  	vm15 =	vgt.s32 v0, $0x1F  }
0x15e: {  	v1 =	vmpcnt.ones.xlane vm15;
	_ =	sdelay $0x1  }
0x15f: {  	v2 =	vadd.s32 $0xFFFFFFFF, v1;
	_ =	sdelay $0x3  }
0x160: {  	[tilespmem:$0x11200] =	vst v0;
	v1 =	vadd.s32 v2, v3  }
0x161: {  	v1 =	vadd.s32 $0xFFFFFFF0, v1;
	v0 =	vld.idx.msk [tilespmem:v2+s12+$0x0], $0xffff;
	_ =	sdelay $0x4  }
0x162: {  	[tilespmem:$0x1FCE0] =	vst v0;
	v0 =	vld.idx.msk [tilespmem:v1+s11+$0x0], $0xffff;
	_ =	sdelay $0x4  }
0x163: {  	s19 =	simm.s32 $0x10040;
	[tilespmem:$0x1FCF0] =	vst v0;
	v0 =	vimm.s32 $0x0  }
0x164: {  	[tilespmem:s19+$0xFFFFFFC0] =	vst v0  }
0x165: {  	[tilespmem:s19+$0x30] =	vst v0  }
0x166: {  	[tilespmem:s19+$0x20] =	vst v0  }
0x167: {  	[tilespmem:s19+$0x10] =	vst v0  }
0x168: {  	[tilespmem:s19+$0x0] =	vst v0  }
0x169: {  	[tilespmem:s19+$0xFFFFFFF0] =	vst v0  }
0x16a: {  	v24 =	vlaneseq.u32;
	s20 =	simm.s32 $0x0;
	[tilespmem:s19+$0xFFFFFFE0] =	vst v0  }
.LBB2_9:
0x16b: {  	s20 =	sadd.s32 $0x8, s20;
	[tilespmem:s19+$0xFFFFFFD0] =	vst v0;
	s19 =	sadd.s32 $0x80, s19  }
0x16c: {  	[tilespmem:s19+$0xFFFFFFC0] =	vst v0;
	p0 =	slt.u32 s20, $0x108  }
0x16d: {  	[tilespmem:s19+$0x30] =	vst v0  }
.Ltmp3:
0x16e: {  	[tilespmem:s19+$0x20] =	vst v0;
	(pc) =	sbr.rel @p0 .LBB2_9-.Ltmp3, $4  }
0x16f: {  	[tilespmem:s19+$0x10] =	vst v0  }
0x170: {  	[tilespmem:s19+$0x0] =	vst v0  }
0x171: {  	[tilespmem:s19+$0xFFFFFFF0] =	vst v0  }
0x172: {  	[tilespmem:s19+$0xFFFFFFE0] =	vst v0  }
0x173: {  	[tilespmem:s19+$0xFFFFFFD0] =	vst v0  }
0x174: {  	v0 =	vld [tilespmem:s17+$0x40]  }
0x175: {  	v2 =	vld [tilespmem:s17+$0x60]  }
0x176: {  	v3 =	vld [tilespmem:s17+$0xFFFFFFE0]  }
0x177: {  	v6 =	vld [tilespmem:s17+$0x20]  }
0x178: {  	v45 =	vld [tilespmem:s17+$0x0]  }
0x179: {  	v7 =	vld [tilespmem:s17+$0xFFFFFFC0]  }
0x17a: {  	v9 =	vld [tilespmem:s17+$0xFFFFFFD0]  }
0x17b: {  	v56 =	vshll.u32 v1, $0x17;
	v4 =	vshrl.u32 v0, $0xF  }
0x17c: {  	v5 =	vld [tilespmem:s17+$0xFFFFFFF0];
	v0 =	vand.u32 $0x7F800000, v0;
	v40 =	vand.u32 $0x7F800000, v2;
	v41 =	vand.u32 $0x7F800000, v6  }
0x17d: {  	v48 =	vshrl.u32 v6, $0xF;
	v6 =	vshrl.u32 v45, $0xF;
	v4 =	vand.u32 $0xFF, v4  }
0x17e: {  	v1 =	vld [tilespmem:s17+$0x10];
	v44 =	vand.u32 $0x7F800000, v3;
	v12 =	vshrl.u32 v7, $0xF;
	v4 =	vmul.u32 $0x11, v4  }
0x17f: {  	v13 =	vshrl.u32 v9, $0xF;
	v14 =	vand.u32 $0x7F800000, v7;
	vm1 =	veq.s32 v0, v56  }
0x180: {  	v6 =	vand.u32 $0xFF, v6;
	v8 =	vadd.s32 v24, v4;
	v4 =	vshrl.u32 v2, $0xF  }
0x181: {  	v10 =	vld [tilespmem:s17+$0xFFFFFFB0];
	v7 =	vmul.u32 $0x11, v6;
	v0 =	vand.u32 $0xFF, v4;
	v4 =	vand.u32 $0x7F800000, v5  }
0x182: {  	v11 =	vld [tilespmem:s17+$0xFFFFFF90];
	v46 =	vmul.u32 $0x11, v0;
	v0 =	vshrl.u32 v3, $0xF;
	vm0 =	veq.s32 v4, v56  }
0x183: {  	v2 =	vld [tilespmem:s17+$0xFFFFFFA0];
	v3 =	vshrl.u32 v1, $0xF;
	v4 =	vand.u32 $0x7F800000, v1;
	v1 =	vand.u32 $0xFF, v12  }
0x184: {  	v25 =	vimm.s32 $0x1;
	v13 =	vand.u32 $0xFF, v13;
	v1 =	vmul.u32 $0x11, v1  }
0x185: {  	v20 =	vld [tilespmem:s17+$0x70];
	vm3 =	veq.s32 v14, v56;
	v43 =	vadd.s32 v24, v7;
	v5 =	vshrl.u32 v5, $0xF  }
0x186: {  	v12 =	vand.u32 $0x7F800000, v10;
	v42 =	vadd.s32 v24, v1;
	v1 =	vand.u32 $0x7F800000, v9;
	[tilespmem:v8+s10+$0x0] =	vst.idx.add.s32.msk vm1, v25  }
0x187: {  	v9 =	vshrl.u32 v10, $0xF;
	v10 =	vand.u32 $0x7F800000, v11;
	vm1 =	veq.s32 v12, v56;
	v12 =	vld [tilespmem:s17+$0x30]  }
0x188: {  	v5 =	vand.u32 $0xFF, v5;
	v6 =	vand.u32 $0x7F800000, v2;
	vm2 =	veq.s32 v10, v56;
	v10 =	vld [tilespmem:s17+$0xFFFFFF80]  }
0x189: {  	vm4 =	veq.s32 v6, v56;
	v6 =	vmul.u32 $0x11, v5;
	v5 =	vshrl.u32 v11, $0xF;
	v11 =	vld [tilespmem:s17+$0x50]  }
0x18a: {  	v3 =	vand.u32 $0xFF, v3;
	v0 =	vand.u32 $0xFF, v0;
	v2 =	vshrl.u32 v2, $0xF;
	v55 =	vld [tilespmem:$0x1FF70]  }
0x18b: {  	v3 =	vmul.u32 $0x11, v3;
	v2 =	vand.u32 $0xFF, v2;
	v37 =	vld [tilespmem:$0x1FF80];
	v5 =	vand.u32 $0xFF, v5  }
0x18c: {  	v8 =	vand.u32 $0xFF, v9;
	v61 =	vld [tilespmem:$0x1FFD0];
	v2 =	vmul.u32 $0x11, v2;
	v5 =	vmul.u32 $0x11, v5  }
0x18d: {  	v7 =	vmul.u32 $0x11, v0;
	v59 =	vld [tilespmem:$0x1FFF0];
	v47 =	vmul.u32 $0x11, v8;
	v8 =	vadd.s32 v24, v3  }
0x18e: {  	s20 =	simm.s32 $0x0;
	s21 =	sadd.s32 $0x100, s17;
	v60 =	vld [tilespmem:$0x1FE00];
	v9 =	vadd.s32 v24, v2;
	v15 =	vadd.s32 v24, v5;
	v5 =	vmul.u32 $0x11, v13  }
.LBB2_11:
0x18f: {  	v0 =	vld [tilespmem:s21+$0x40];
	s20 =	sadd.s32 $0x10, s20;
	v3 =	vadd.s32 v24, v6;
	v6 =	vand.u32 $0x7F800000, v45;
	vm7 =	veq.s32 v4, v56  }
0x190: {  	v7 =	vadd.s32 v24, v7;
	v4 =	vand.u32 $0xFF, v48;
	v13 =	vadd.s32 v24, v46;
	v2 =	vld [tilespmem:s21+$0xFFFFFF90];
	p0 =	slt.u32 s20, $0x7F0  }
0x191: {  	v5 =	vadd.s32 v24, v5;
	vm6 =	veq.s32 v44, v56;
	v14 =	vld [tilespmem:s21+$0xFFFFFFA0];
	v16 =	vshrl.u32 v10, $0xF  }
0x192: {  	vm5 =	veq.s32 v1, v56;
	v10 =	vand.u32 $0x7F800000, v10;
	v17 =	vld [tilespmem:s21+$0xFFFFFFB0];
	v1 =	vshrl.u32 v11, $0xF  }
0x193: {  	v11 =	vand.u32 $0x7F800000, v11;
	v18 =	vld [tilespmem:s21+$0xFFFFFFC0];
	v19 =	vand.u32 $0x7F800000, v12;
	v12 =	vshrl.u32 v12, $0xF  }
0x194: {  	v1 =	vand.u32 $0xFF, v1;
	v21 =	vand.u32 $0x7F800000, v0;
	v0 =	vshrl.u32 v0, $0xF;
	[tilespmem:v9+s10+$0x0] =	vst.idx.add.s32.msk vm4, v25  }
0x195: {  	v9 =	vand.u32 $0xFF, v16;
	v0 =	vand.u32 $0xFF, v0;
	[tilespmem:v8+s10+$0x0] =	vst.idx.add.s32.msk vm7, v25;
	v8 =	vand.u32 $0xFF, v12  }
0x196: {  	vm4 =	veq.s32 v11, v56;
	v9 =	vmul.u32 $0x11, v9;
	vm7 =	veq.s32 v19, v56;
	v12 =	vld [tilespmem:s21+$0x60]  }
0x197: {  	vm9 =	veq.s32 v10, v56;
	v0 =	vmul.u32 $0x11, v0;
	v8 =	vmul.u32 $0x11, v8;
	v11 =	vld [tilespmem:s21+$0xFFFFFFD0]  }
0x198: {  	v4 =	vmul.u32 $0x11, v4;
	v1 =	vmul.u32 $0x11, v1;
	v9 =	vadd.s32 v24, v9;
	v10 =	vld [tilespmem:s21+$0xFFFFFFE0]  }
0x199: {  	vm11 =	veq.s32 v41, v56;
	v0 =	vadd.s32 v24, v0;
	v8 =	vadd.s32 v24, v8;
	v16 =	vld [tilespmem:s21+$0xFFFFFFF0]  }
0x19a: {  	v22 =	vshrl.u32 v20, $0xF;
	v4 =	vadd.s32 v24, v4;
	v1 =	vadd.s32 v24, v1;
	v19 =	vld [tilespmem:s21+$0x20]  }
0x19b: {  	vm10 =	veq.s32 v6, v56;
	v45 =	vld [tilespmem:s21+$0x0];
	v23 =	vand.u32 $0x7F800000, v12;
	v12 =	vshrl.u32 v12, $0xF  }
0x19c: {  	vm12 =	veq.s32 v40, v56;
	vm8 =	veq.s32 v21, v56;
	v6 =	vld [tilespmem:s21+$0x10];
	v12 =	vand.u32 $0xFF, v12;
	v40 =	vmovc v23  }
0x19d: {  	v46 =	vmul.u32 $0x11, v12;
	[tilespmem:v3+s10+$0x0] =	vst.idx.add.s32.msk vm0, v25;
	v3 =	vand.u32 $0x7F800000, v20;
	v12 =	vand.u32 $0xFF, v22  }
0x19e: {  	[tilespmem:v15+s10+$0x0] =	vst.idx.add.s32.msk vm2, v25;
	v15 =	vadd.s32 v24, v47;
	vm2 =	veq.s32 v3, v56;
	v3 =	vmul.u32 $0x11, v12  }
0x19f: {  	v12 =	vshrl.u32 v10, $0xF;
	v41 =	vand.u32 $0x7F800000, v19;
	v48 =	vshrl.u32 v19, $0xF;
	[tilespmem:v4+s10+$0x0] =	vst.idx.add.s32.msk vm11, v25  }
0x1a0: {  	v4 =	vand.u32 $0x7F800000, v16;
	v19 =	vshrl.u32 v45, $0xF;
	[tilespmem:v42+s10+$0x0] =	vst.idx.add.s32.msk vm3, v25;
	v3 =	vadd.s32 v24, v3  }
0x1a1: {  	v44 =	vand.u32 $0x7F800000, v10;
	vm0 =	veq.s32 v4, v56;
	v4 =	vshrl.u32 v6, $0xF;
	[tilespmem:v9+s10+$0x0] =	vst.idx.add.s32.msk vm9, v25  }
0x1a2: {  	v9 =	vshrl.u32 v16, $0xF;
	v10 =	vand.u32 $0xFF, v19;
	v16 =	vand.u32 $0xFF, v4;
	[tilespmem:v13+s10+$0x0] =	vst.idx.add.s32.msk vm12, v25  }
0x1a3: {  	v19 =	vshrl.u32 v11, $0xF;
	v13 =	vshrl.u32 v18, $0xF;
	v4 =	vand.u32 $0x7F800000, v6;
	[tilespmem:v43+s10+$0x0] =	vst.idx.add.s32.msk vm10, v25  }
0x1a4: {  	v18 =	vand.u32 $0x7F800000, v18;
	v10 =	vmul.u32 $0x11, v10;
	v6 =	vand.u32 $0xFF, v13;
	[tilespmem:v1+s10+$0x0] =	vst.idx.add.s32.msk vm4, v25  }
0x1a5: {  	v1 =	vand.u32 $0x7F800000, v14;
	v13 =	vmul.u32 $0x11, v6;
	v6 =	vand.u32 $0xFF, v9;
	[tilespmem:v3+s10+$0x0] =	vst.idx.add.s32.msk vm2, v25  }
0x1a6: {  	vm4 =	veq.s32 v1, v56;
	v3 =	vand.u32 $0x7F800000, v17;
	v6 =	vmul.u32 $0x11, v6;
	[tilespmem:v8+s10+$0x0] =	vst.idx.add.s32.msk vm7, v25  }
0x1a7: {  	v8 =	vshrl.u32 v14, $0xF;
	v42 =	vadd.s32 v24, v13;
	v13 =	vmul.u32 $0x11, v16;
	[tilespmem:v7+s10+$0x0] =	vst.idx.add.s32.msk vm6, v25  }
0x1a8: {  	v9 =	vand.u32 $0xFF, v12;
	v1 =	vand.u32 $0x7F800000, v11;
	v7 =	vshrl.u32 v2, $0xF;
	[tilespmem:v15+s10+$0x0] =	vst.idx.add.s32.msk vm1, v25  }
0x1a9: {  	v12 =	vand.u32 $0xFF, v19;
	v11 =	vshrl.u32 v17, $0xF;
	v7 =	vand.u32 $0xFF, v7;
	[tilespmem:v5+s10+$0x0] =	vst.idx.add.s32.msk vm5, v25  }
.Ltmp4:
0x1aa: {  	v2 =	vand.u32 $0x7F800000, v2;
	v5 =	vmul.u32 $0x11, v7;
	v7 =	vand.u32 $0xFF, v8;
	[tilespmem:v0+s10+$0x0] =	vst.idx.add.s32.msk vm8, v25;
	(pc) =	sbr.rel @p0 .LBB2_11-.Ltmp4, $4  }
0x1ab: {  	v43 =	vadd.s32 v24, v10;
	vm2 =	veq.s32 v2, v56;
	v0 =	vand.u32 $0xFF, v11;
	v20 =	vld [tilespmem:s21+$0x70]  }
0x1ac: {  	vm1 =	veq.s32 v3, v56;
	v2 =	vmul.u32 $0x11, v7;
	v15 =	vadd.s32 v24, v5;
	v10 =	vld [tilespmem:s21+$0xFFFFFF80]  }
0x1ad: {  	v7 =	vmul.u32 $0x11, v9;
	v47 =	vmul.u32 $0x11, v0;
	v5 =	vmul.u32 $0x11, v12;
	v11 =	vld [tilespmem:s21+$0x50]  }
0x1ae: {  	s19 =	simm.s32 $0x11120;
	vm3 =	veq.s32 v18, v56;
	v8 =	vadd.s32 v24, v13;
	v9 =	vadd.s32 v24, v2;
	v12 =	vld [tilespmem:s21+$0x30];
	s21 =	sadd.s32 $0x100, s21  }
0x1af: {  	v0 =	vadd.s32 v24, v6;
	v2 =	vand.u32 $0x7F800000, v45  }
0x1b0: {  	vm5 =	veq.s32 v4, v56;
	v3 =	vand.u32 $0xFF, v48;
	v4 =	vadd.s32 v24, v46  }
0x1b1: {  	vm6 =	veq.s32 v41, v56;
	vm10 =	veq.s32 v40, v56;
	vm15 =	veq.s32 v1, v56  }
0x1b2: {  	s20 =	simm.s32 $0x30;
	v23 =	vadd.s32 v24, v47;
	v3 =	vmul.u32 $0x11, v3;
	vm7 =	veq.s32 v2, v56  }
0x1b3: {  	v21 =	vand.u32 $0x7F800000, v20;
	v22 =	vmov s20;
	v6 =	vshrl.u32 v10, $0xF  }
0x1b4: {  	[tilespmem:v9+s10+$0x0] =	vst.idx.add.s32.msk vm4, v25;
	v10 =	vand.u32 $0x7F800000, v10;
	v13 =	vshrl.u32 v11, $0xF;
	v6 =	vand.u32 $0xFF, v6  }
0x1b5: {  	[tilespmem:v15+s10+$0x0] =	vst.idx.add.s32.msk vm2, v25;
	v11 =	vand.u32 $0x7F800000, v11;
	v3 =	vadd.s32 v24, v3;
	vm9 =	veq.s32 v10, v56  }
0x1b6: {  	[tilespmem:v42+s10+$0x0] =	vst.idx.add.s32.msk vm3, v25;
	v14 =	vand.u32 $0x7F800000, v12;
	v18 =	vshrl.u32 v12, $0xF;
	v6 =	vmul.u32 $0x11, v6  }
0x1b7: {  	v9 =	vand.u32 $0xFF, v13;
	vm11 =	veq.s32 v11, v56;
	v12 =	vand.u32 $0xFF, v18;
	[tilespmem:v0+s10+$0x0] =	vst.idx.add.s32.msk vm0, v25  }
0x1b8: {  	v9 =	vmul.u32 $0x11, v9;
	[tilespmem:v8+s10+$0x0] =	vst.idx.add.s32.msk vm5, v25;
	v6 =	vadd.s32 v24, v6;
	v8 =	vshrl.u32 v20, $0xF  }
0x1b9: {  	[tilespmem:v4+s10+$0x0] =	vst.idx.add.s32.msk vm10, v25;
	v4 =	vadd.s32 v24, v5;
	v19 =	vand.u32 $0xFF, v8;
	v8 =	vmul.u32 $0x11, v12  }
0x1ba: {  	vm13 =	veq.s32 v14, v56;
	[tilespmem:v23+s10+$0x0] =	vst.idx.add.s32.msk vm1, v25;
	v9 =	vadd.s32 v24, v9;
	v0 =	vmul.u32 $0x11, v19  }
0x1bb: {  	vm12 =	veq.s32 v21, v56;
	v2 =	vmul.u32 $0x11, v22;
	[tilespmem:v3+s10+$0x0] =	vst.idx.add.s32.msk vm6, v25;
	v3 =	vadd.s32 v24, v8  }
0x1bc: {  	vm14 =	veq.s32 v44, v56;
	[tilespmem:v43+s10+$0x0] =	vst.idx.add.s32.msk vm7, v25;
	v0 =	vadd.s32 v24, v0  }
0x1bd: {  	v2 =	vbroadcast v2, $0x0;
	[tilespmem:v6+s10+$0x0] =	vst.idx.add.s32.msk vm9, v25;
	v6 =	vadd.s32 v24, v7  }
0x1be: {  	[tilespmem:v4+s10+$0x0] =	vst.idx.add.s32.msk vm15, v25  }
0x1bf: {  	v24 =	vadd.s32 v34, v2;
	[tilespmem:v9+s10+$0x0] =	vst.idx.add.s32.msk vm11, v25  }
0x1c0: {  	v5 =	vadd.s32 v36, v2;
	[tilespmem:v3+s10+$0x0] =	vst.idx.add.s32.msk vm13, v25  }
0x1c1: {  	v26 =	vadd.s32 v62, v2;
	[tilespmem:v0+s10+$0x0] =	vst.idx.add.s32.msk vm12, v25  }
0x1c2: {  	[tilespmem:v6+s10+$0x0] =	vst.idx.add.s32.msk vm14, v25  }
0x1c3: {  	v32 =	vld [tilespmem:$0x1FDF0]  }
0x1c4: {  	v0 =	vld.idx.msk [tilespmem:v24+s10+$0x0], $0xffff  }
0x1c5: {  	v7 =	vadd.s32 v55, v2;
	v5 =	vld.idx.msk [tilespmem:v5+s10+$0x0], $0xffff  }
0x1c6: {  	s29 =	simm.s32 $0x10;
	v9 =	vld.idx.msk [tilespmem:v26+s10+$0x0], $0xffff  }
0x1c7: {  	v28 =	vmov s29;
	v8 =	vadd.s32 v37, v2;
	v33 =	vld [tilespmem:$0x1FF90]  }
0x1c8: {  	s30 =	simm.s32 $0x20;
	v12 =	vmul.u32 $0x11, v28;
	v39 =	vld [tilespmem:$0x1FFA0]  }
0x1c9: {  	v31 =	vmov s30;
	v30 =	vadd.s32 v61, v2;
	v40 =	vld [tilespmem:$0x1FFB0]  }
0x1ca: {  	v44 =	vadd.s32 v59, v2;
	v43 =	vmul.u32 $0x11, v31;
	v15 =	vbroadcast v12, $0x0;
	v7 =	vld.idx.msk [tilespmem:v7+s10+$0x0], $0xffff  }
0x1cb: {  	v19 =	vadd.s32 v60, v2;
	v41 =	vld [tilespmem:$0x1FFC0]  }
0x1cc: {  	v1 =	vbroadcast v43, $0x0;
	v46 =	vadd.s32 v34, v15;
	v8 =	vld.idx.msk [tilespmem:v8+s10+$0x0], $0xffff  }
0x1cd: {  	v47 =	vadd.s32 v35, v15;
	v42 =	vld [tilespmem:$0x1FFE0]  }
0x1ce: {  	v21 =	vadd.s32 v34, v1;
	v14 =	vld.idx.msk [tilespmem:v30+s10+$0x0], $0xffff  }
0x1cf: {  	s31 =	simm.s32 $0x0;
	v22 =	vadd.s32 v35, v1;
	v12 =	vld.idx.msk [tilespmem:v44+s10+$0x0], $0xffff  }
0x1d0: {  	v18 =	vmov s31;
	v49 =	vadd.s32 v36, v15;
	v19 =	vld.idx.msk [tilespmem:v19+s10+$0x0], $0xffff  }
0x1d1: {  	v45 =	vmul.u32 $0x11, v18;
	v3 =	vadd.s32 v35, v2;
	v18 =	vld.idx.msk [tilespmem:v46+s10+$0x0], $0xffff  }
0x1d2: {  	v6 =	vadd.s32 v38, v2;
	v20 =	vld.idx.msk [tilespmem:v47+s10+$0x0], $0xffff  }
0x1d3: {  	v26 =	vadd.s32 v36, v1;
	v21 =	vld.idx.msk [tilespmem:v21+s10+$0x0], $0xffff  }
0x1d4: {  	v22 =	vld.idx.msk [tilespmem:v22+s10+$0x0], $0xffff;
	v4 =	vadd.s32 v32, v2  }
0x1d5: {  	v25 =	vld.idx.msk [tilespmem:v49+s10+$0x0], $0xffff;
	v27 =	vadd.s32 v33, v2  }
0x1d6: {  	v3 =	vld.idx.msk [tilespmem:v3+s10+$0x0], $0xffff;
	v10 =	vadd.s32 v39, v2  }
0x1d7: {  	v6 =	vld.idx.msk [tilespmem:v6+s10+$0x0], $0xffff;
	v11 =	vadd.s32 v40, v2  }
0x1d8: {  	v29 =	vadd.s32 v41, v2;
	v17 =	vadd.s32 v42, v2;
	v2 =	vbroadcast v45, $0x0;
	v26 =	vld.idx.msk [tilespmem:v26+s10+$0x0], $0xffff  }
0x1d9: {  	v4 =	vld.idx.msk [tilespmem:v4+s10+$0x0], $0xffff  }
0x1da: {  	v23 =	vadd.s32 v34, v2;
	v16 =	vld.idx.msk [tilespmem:v27+s10+$0x0], $0xffff  }
0x1db: {  	v48 =	vadd.s32 v35, v2;
	v10 =	vld.idx.msk [tilespmem:v10+s10+$0x0], $0xffff  }
0x1dc: {  	v0 =	vadd.s32 v0, v3;
	v3 =	vadd.s32 v62, v15;
	v11 =	vld.idx.msk [tilespmem:v11+s10+$0x0], $0xffff  }
0x1dd: {  	v30 =	vadd.s32 v33, v2;
	v13 =	vld.idx.msk [tilespmem:v29+s10+$0x0], $0xffff  }
0x1de: {  	v0 =	vadd.s32 v5, v0;
	v5 =	vadd.s32 v62, v1;
	v17 =	vld.idx.msk [tilespmem:v17+s10+$0x0], $0xffff  }
0x1df: {  	v0 =	vadd.s32 v9, v0;
	v9 =	vadd.s32 v62, v2;
	v23 =	vld.idx.msk [tilespmem:v23+s10+$0x0], $0xffff  }
0x1e0: {  	v27 =	vadd.s32 v36, v2;
	v24 =	vld.idx.msk [tilespmem:v48+s10+$0x0], $0xffff  }
0x1e1: {  	v50 =	vadd.s32 v38, v1;
	v58 =	vadd.s32 v33, v15;
	v3 =	vld.idx.msk [tilespmem:v3+s10+$0x0], $0xffff  }
0x1e2: {  	v28 =	vadd.s32 v33, v1;
	v33 =	vld.idx.msk [tilespmem:v30+s10+$0x0], $0xffff;
	v0 =	vadd.s32 v4, v0;
	v4 =	vadd.s32 v32, v15  }
0x1e3: {  	v5 =	vld.idx.msk [tilespmem:v5+s10+$0x0], $0xffff;
	v0 =	vadd.s32 v6, v0;
	v6 =	vadd.s32 v32, v1  }
0x1e4: {  	v9 =	vld.idx.msk [tilespmem:v9+s10+$0x0], $0xffff;
	v0 =	vadd.s32 v7, v0;
	v7 =	vadd.s32 v32, v2  }
0x1e5: {  	v51 =	vadd.s32 v55, v1;
	v27 =	vld.idx.msk [tilespmem:v27+s10+$0x0], $0xffff;
	v0 =	vadd.s32 v8, v0  }
0x1e6: {  	v8 =	vadd.s32 v38, v15;
	v0 =	vadd.s32 v16, v0;
	v16 =	vld.idx.msk [tilespmem:v50+s10+$0x0], $0xffff  }
0x1e7: {  	v52 =	vadd.s32 v55, v2;
	v4 =	vld.idx.msk [tilespmem:v4+s10+$0x0], $0xffff  }
0x1e8: {  	v53 =	vadd.s32 v37, v15;
	v0 =	vadd.s32 v10, v0;
	v6 =	vld.idx.msk [tilespmem:v6+s10+$0x0], $0xffff  }
0x1e9: {  	v10 =	vadd.s32 v38, v2;
	v0 =	vadd.s32 v11, v0;
	v7 =	vld.idx.msk [tilespmem:v7+s10+$0x0], $0xffff  }
0x1ea: {  	v54 =	vadd.s32 v37, v1;
	v0 =	vadd.s32 v13, v0;
	v13 =	vld.idx.msk [tilespmem:v51+s10+$0x0], $0xffff  }
0x1eb: {  	v18 =	vadd.s32 v18, v20;
	v63 =	vadd.s32 v21, v22;
	v11 =	vadd.s32 v55, v15;
	v8 =	vld.idx.msk [tilespmem:v8+s10+$0x0], $0xffff  }
0x1ec: {  	v18 =	vadd.s32 v25, v18;
	v57 =	vadd.s32 v37, v2;
	v0 =	vadd.s32 v14, v0;
	v14 =	vld.idx.msk [tilespmem:v52+s10+$0x0], $0xffff  }
0x1ed: {  	v20 =	vadd.s32 v26, v63;
	v63 =	vadd.s32 v61, v15;
	v0 =	vadd.s32 v17, v0;
	v17 =	vld.idx.msk [tilespmem:v53+s10+$0x0], $0xffff  }
0x1ee: {  	v31 =	vadd.s32 v39, v15;
	v29 =	vadd.s32 v23, v24;
	v3 =	vadd.s32 v3, v18;
	v10 =	vld.idx.msk [tilespmem:v10+s10+$0x0], $0xffff  }
0x1ef: {  	v32 =	vadd.s32 v39, v1;
	v22 =	vadd.s32 v27, v29;
	v0 =	vadd.s32 v12, v0;
	v12 =	vld.idx.msk [tilespmem:v54+s10+$0x0], $0xffff  }
0x1f0: {  	v5 =	vadd.s32 v5, v20;
	v9 =	vadd.s32 v9, v22;
	v3 =	vadd.s32 v4, v3;
	v11 =	vld.idx.msk [tilespmem:v11+s10+$0x0], $0xffff  }
0x1f1: {  	v4 =	vadd.s32 v39, v2;
	v39 =	vadd.s32 v41, v15;
	v0 =	vadd.s32 v19, v0;
	v19 =	vld.idx.msk [tilespmem:v57+s10+$0x0], $0xffff  }
0x1f2: {  	v54 =	vadd.s32 v41, v2;
	v5 =	vadd.s32 v6, v5;
	v57 =	vadd.s32 v41, v1;
	v41 =	vld.idx.msk [tilespmem:v63+s10+$0x0], $0xffff  }
0x1f3: {  	[tilespmem:s19+$0x10] =	vst v0;
	v0 =	vld.idx.msk [tilespmem:v58+s10+$0x0], $0xffff;
	v6 =	vadd.s32 v7, v9;
	v7 =	vadd.s32 v40, v15  }
0x1f4: {  	v43 =	vadd.s32 v60, v1;
	v9 =	vld.idx.msk [tilespmem:v28+s10+$0x0], $0xffff;
	v3 =	vadd.s32 v8, v3  }
0x1f5: {  	v8 =	vadd.s32 v40, v1;
	v6 =	vadd.s32 v10, v6;
	v10 =	vadd.s32 v40, v2;
	v40 =	vld.idx.msk [tilespmem:v32+s10+$0x0], $0xffff  }
0x1f6: {  	v47 =	vadd.s32 v59, v15;
	v46 =	vadd.s32 v59, v1;
	v5 =	vadd.s32 v16, v5;
	v58 =	vld.idx.msk [tilespmem:v4+s10+$0x0], $0xffff  }
0x1f7: {  	v5 =	vadd.s32 v13, v5;
	v3 =	vadd.s32 v11, v3;
	v11 =	vld.idx.msk [tilespmem:v31+s10+$0x0], $0xffff;
	v6 =	vadd.s32 v14, v6  }
0x1f8: {  	v49 =	vadd.s32 v61, v2;
	v4 =	vadd.s32 v12, v5;
	v5 =	vadd.s32 v19, v6;
	v6 =	vld.idx.msk [tilespmem:v7+s10+$0x0], $0xffff  }
0x1f9: {  	v44 =	vadd.s32 v42, v2;
	v45 =	vadd.s32 v59, v2;
	v50 =	vadd.s32 v61, v1;
	v7 =	vld.idx.msk [tilespmem:v39+s10+$0x0], $0xffff  }
0x1fa: {  	v48 =	vadd.s32 v42, v15;
	v51 =	vadd.s32 v42, v1;
	v3 =	vadd.s32 v17, v3;
	v8 =	vld.idx.msk [tilespmem:v8+s10+$0x0], $0xffff  }
0x1fb: {  	v0 =	vadd.s32 v0, v3;
	v3 =	vadd.s32 v9, v4;
	v9 =	vadd.s32 v33, v5;
	v5 =	vld.idx.msk [tilespmem:v57+s10+$0x0], $0xffff  }
0x1fc: {  	v42 =	vadd.s32 v60, v15;
	v4 =	vld.idx.msk [tilespmem:v10+s10+$0x0], $0xffff;
	v9 =	vadd.s32 v58, v9;
	v0 =	vadd.s32 v11, v0  }
0x1fd: {  	s21 =	simm.s32 $0x0;
	s22 =	simm.s32 $0x40;
	s20 =	simm.s32 $0x11120;
	v11 =	vadd.s32 v40, v3;
	v40 =	vadd.s32 v60, v2;
	v10 =	vadd.s32 v6, v0;
	v6 =	vld.idx.msk [tilespmem:v54+s10+$0x0], $0xffff  }
.LBB2_13:
0x1fe: {  	v2 =	vld.idx.msk [tilespmem:v50+s10+$0x0], $0xffff  }
0x1ff: {  	v1 =	vadd.s32 v8, v11;
	v11 =	vld.idx.msk [tilespmem:v49+s10+$0x0], $0xffff  }
0x200: {  	v39 =	vld.idx.msk [tilespmem:v47+s10+$0x0], $0xffff  }
0x201: {  	v46 =	vld.idx.msk [tilespmem:v46+s10+$0x0], $0xffff  }
0x202: {  	v29 =	vld.idx.msk [tilespmem:v45+s10+$0x0], $0xffff  }
0x203: {  	v26 =	vld.idx.msk [tilespmem:v42+s10+$0x0], $0xffff  }
0x204: {  	s24 =	sadd.s32 $0x20, s22;
	[tilespmem:$0x1FC60] =	vst v11;
	v11 =	vld.idx.msk [tilespmem:v48+s10+$0x0], $0xffff  }
0x205: {  	s23 =	sadd.s32 $0x10, s22;
	s25 =	sadd.s32 $0x30, s22;
	v25 =	vld.idx.msk [tilespmem:v43+s10+$0x0], $0xffff;
	v3 =	vmov s24;
	v7 =	vadd.s32 v7, v10  }
0x206: {  	v33 =	vmov s23;
	v3 =	vmul.u32 $0x11, v3;
	v8 =	vmov s25;
	[tilespmem:$0x1FC40] =	vst v7;
	v7 =	vld.idx.msk [tilespmem:v51+s10+$0x0], $0xffff  }
0x207: {  	v47 =	vld [tilespmem:$0x1FDF0];
	[tilespmem:$0x1FC50] =	vst v2;
	v2 =	vmul.u32 $0x11, v33;
	v8 =	vmul.u32 $0x11, v8  }
0x208: {  	v15 =	vld.idx.msk [tilespmem:v40+s10+$0x0], $0xffff;
	v12 =	vbroadcast v3, $0x0  }
0x209: {  	v0 =	vmov s22;
	v58 =	vld [tilespmem:$0x1FFE0];
	[tilespmem:$0x1FC70] =	vst v11;
	v11 =	vbroadcast v2, $0x0;
	v2 =	vbroadcast v8, $0x0  }
0x20a: {  	v0 =	vmul.u32 $0x11, v0;
	v3 =	vld [tilespmem:$0x1FFA0];
	v16 =	vadd.s32 v34, v12  }
0x20b: {  	[tilespmem:$0x1FC90] =	vst v7;
	v7 =	vld.idx.msk [tilespmem:v44+s10+$0x0], $0xffff;
	v44 =	vadd.s32 v34, v2  }
0x20c: {  	v10 =	vbroadcast v0, $0x0;
	v0 =	vld [tilespmem:$0x1FFB0];
	v27 =	vadd.s32 v5, v1;
	v5 =	vadd.s32 v35, v2  }
0x20d: {  	v4 =	vadd.s32 v4, v9;
	v1 =	vld [tilespmem:$0x1FF90];
	v9 =	vadd.s32 v36, v2  }
0x20e: {  	v54 =	vadd.s32 v6, v4;
	v48 =	vld [tilespmem:$0x1FF70];
	v21 =	vadd.s32 v62, v2  }
0x20f: {  	v17 =	vadd.s32 v35, v12;
	v18 =	vadd.s32 v34, v10;
	v16 =	vld.idx.msk [tilespmem:v16+s10+$0x0], $0xffff;
	v22 =	vadd.s32 v47, v2  }
0x210: {  	v19 =	vadd.s32 v35, v10;
	v63 =	vadd.s32 v38, v10;
	v50 =	vadd.s32 v37, v10;
	v23 =	vld.idx.msk [tilespmem:v44+s10+$0x0], $0xffff  }
0x211: {  	v8 =	vadd.s32 v36, v12;
	[tilespmem:$0x1FC80] =	vst v7;
	v28 =	vadd.s32 v38, v2;
	v5 =	vld.idx.msk [tilespmem:v5+s10+$0x0], $0xffff  }
0x212: {  	v7 =	vadd.s32 v36, v10;
	v4 =	vadd.s32 v34, v11;
	v30 =	vadd.s32 v55, v2;
	v9 =	vld.idx.msk [tilespmem:v9+s10+$0x0], $0xffff  }
0x213: {  	v51 =	vadd.s32 v35, v11;
	v6 =	vadd.s32 v36, v11;
	v31 =	vadd.s32 v37, v2;
	v21 =	vld.idx.msk [tilespmem:v21+s10+$0x0], $0xffff  }
0x214: {  	v35 =	vadd.s32 v38, v11;
	v36 =	vadd.s32 v38, v12;
	v34 =	vadd.s32 v1, v2;
	v38 =	vld.idx.msk [tilespmem:v22+s10+$0x0], $0xffff  }
0x215: {  	[tilespmem:$0x1FCA0] =	vst v39;
	v39 =	vadd.s32 v3, v2;
	v49 =	vadd.s32 v37, v11;
	v22 =	vadd.s32 v37, v12;
	v37 =	vld [tilespmem:$0x1FFC0]  }
0x216: {  	v42 =	vadd.s32 v0, v2;
	v40 =	vld.idx.msk [tilespmem:v28+s10+$0x0], $0xffff  }
0x217: {  	v24 =	vadd.s32 v62, v10;
	v14 =	vadd.s32 v62, v12;
	v32 =	vadd.s32 v47, v12;
	v30 =	vld.idx.msk [tilespmem:v30+s10+$0x0], $0xffff  }
0x218: {  	v33 =	vadd.s32 v47, v10;
	v57 =	vadd.s32 v55, v12;
	v13 =	vadd.s32 v62, v11;
	v31 =	vld.idx.msk [tilespmem:v31+s10+$0x0], $0xffff  }
0x219: {  	v20 =	vadd.s32 v47, v11;
	v52 =	vadd.s32 v55, v11;
	v53 =	vadd.s32 v58, v2;
	v45 =	vld.idx.msk [tilespmem:v34+s10+$0x0], $0xffff  }
0x21a: {  	v55 =	vadd.s32 v48, v10;
	v47 =	vld.idx.msk [tilespmem:v39+s10+$0x0], $0xffff;
	v43 =	vadd.s32 v37, v2;
	v5 =	vadd.s32 v23, v5  }
0x21b: {  	v62 =	vadd.s32 v1, v11;
	v44 =	vadd.s32 v61, v2;
	v42 =	vld.idx.msk [tilespmem:v42+s10+$0x0], $0xffff;
	v5 =	vadd.s32 v9, v5  }
0x21c: {  	v48 =	vadd.s32 v59, v2;
	v28 =	vadd.s32 v1, v10;
	v4 =	vld.idx.msk [tilespmem:v4+s10+$0x0], $0xffff;
	v5 =	vadd.s32 v21, v5  }
0x21d: {  	v39 =	vadd.s32 v3, v11;
	v23 =	vadd.s32 v1, v12;
	v1 =	vld.idx.msk [tilespmem:v51+s10+$0x0], $0xffff;
	v5 =	vadd.s32 v38, v5  }
0x21e: {  	v34 =	vadd.s32 v3, v10;
	v9 =	vadd.s32 v3, v12;
	v3 =	vld.idx.msk [tilespmem:v53+s10+$0x0], $0xffff;
	v21 =	vadd.s32 v40, v5  }
0x21f: {  	[tilespmem:$0x1FCC0] =	vst v49;
	v49 =	vadd.s32 v60, v2;
	v40 =	vld.idx.msk [tilespmem:v43+s10+$0x0], $0xffff;
	v2 =	vadd.s32 v30, v21  }
0x220: {  	v53 =	vadd.s32 v37, v10;
	v38 =	vadd.s32 v0, v12;
	v43 =	vld.idx.msk [tilespmem:v44+s10+$0x0], $0xffff;
	v31 =	vadd.s32 v31, v2  }
0x221: {  	v7 =	vld.idx.msk [tilespmem:v7+s10+$0x0], $0xffff;
	v30 =	vadd.s32 v37, v11;
	v2 =	vadd.s32 v37, v12;
	v37 =	vadd.s32 v45, v31  }
0x222: {  	v5 =	vadd.s32 v0, v11;
	v21 =	vadd.s32 v0, v10;
	v0 =	vld.idx.msk [tilespmem:v48+s10+$0x0], $0xffff;
	v44 =	vadd.s32 v47, v37  }
0x223: {  	v6 =	vld.idx.msk [tilespmem:v6+s10+$0x0], $0xffff;
	v42 =	vadd.s32 v42, v44  }
0x224: {  	v1 =	vadd.s32 v4, v1;
	v4 =	vld.idx.msk [tilespmem:v8+s10+$0x0], $0xffff;
	v40 =	vadd.s32 v40, v42  }
0x225: {  	v45 =	vadd.s32 v59, v10;
	v37 =	vld.idx.msk [tilespmem:v49+s10+$0x0], $0xffff;
	v49 =	vadd.s32 v61, v10;
	v40 =	vadd.s32 v43, v40  }
0x226: {  	v44 =	vadd.s32 v58, v10;
	v3 =	vadd.s32 v3, v40;
	v40 =	vadd.s32 v60, v10;
	v10 =	vld [tilespmem:$0x1FC40]  }
0x227: {  	v0 =	vadd.s32 v0, v3;
	v3 =	vld.idx.msk [tilespmem:v19+s10+$0x0], $0xffff  }
0x228: {  	v19 =	vld [tilespmem:$0x1FC50]  }
0x229: {  	v8 =	vld [tilespmem:$0x1FC80]  }
0x22a: {  	v51 =	vadd.s32 v58, v12;
	v48 =	vadd.s32 v58, v11;
	v58 =	vld [tilespmem:$0x1FC70]  }
0x22b: {  	v31 =	vadd.s32 v61, v11;
	v47 =	vadd.s32 v59, v11;
	v42 =	vadd.s32 v60, v11;
	v11 =	vld.idx.msk [tilespmem:v17+s10+$0x0], $0xffff  }
0x22c: {  	[tilespmem:$0x1FCB0] =	vst v46;
	v46 =	vadd.s32 v59, v12;
	v10 =	vadd.s32 v41, v10;
	v41 =	vld [tilespmem:$0x1FC60]  }
0x22d: {  	[tilespmem:$0x1FCD0] =	vst v50;
	v50 =	vadd.s32 v61, v12;
	v43 =	vadd.s32 v60, v12;
	v12 =	vadd.s32 v19, v27;
	v19 =	vld [tilespmem:$0x1FCA0]  }
0x22e: {  	v17 =	vld.idx.msk [tilespmem:v18+s10+$0x0], $0xffff  }
0x22f: {  	v0 =	vadd.s32 v37, v0;
	v37 =	vld [tilespmem:$0x1FF80]  }
0x230: {  	s19 =	sadd.s32 $0x40, s19;
	v27 =	vld [tilespmem:$0x1FCB0]  }
0x231: {  	[tilespmem:s19+$0x10] =	vst v0;
	v10 =	vadd.s32 v58, v10;
	v0 =	vadd.s32 v41, v54;
	v41 =	vld.idx.msk [tilespmem:v14+s10+$0x0], $0xffff  }
0x232: {  	v0 =	vadd.s32 v8, v0;
	v8 =	vld [tilespmem:$0x1FC90];
	v10 =	vadd.s32 v19, v10  }
0x233: {  	v0 =	vadd.s32 v29, v0;
	v29 =	vld.idx.msk [tilespmem:v13+s10+$0x0], $0xffff;
	v10 =	vadd.s32 v26, v10  }
0x234: {  	[tilespmem:s20+$0xFFFFFFF0] =	vst v10;
	v10 =	vld.idx.msk [tilespmem:v24+s10+$0x0], $0xffff  }
0x235: {  	v1 =	vadd.s32 v6, v1;
	v0 =	vadd.s32 v15, v0;
	v6 =	vld.idx.msk [tilespmem:v20+s10+$0x0], $0xffff  }
0x236: {  	v11 =	vadd.s32 v16, v11;
	v3 =	vadd.s32 v17, v3;
	[tilespmem:s20+$0xFFFFFFE0] =	vst v0;
	v58 =	vld.idx.msk [tilespmem:v5+s10+$0x0], $0xffff  }
0x237: {  	v3 =	vadd.s32 v7, v3;
	v54 =	vadd.s32 v4, v11;
	v7 =	vld.idx.msk [tilespmem:v33+s10+$0x0], $0xffff;
	v8 =	vadd.s32 v8, v12  }
0x238: {  	v0 =	vadd.s32 v41, v54;
	v41 =	vld.idx.msk [tilespmem:v31+s10+$0x0], $0xffff;
	v8 =	vadd.s32 v27, v8  }
0x239: {  	v8 =	vadd.s32 v25, v8;
	v3 =	vadd.s32 v10, v3;
	v10 =	vld.idx.msk [tilespmem:v63+s10+$0x0], $0xffff  }
0x23a: {  	[tilespmem:s20+$0x0] =	vst v8;
	v8 =	vld.idx.msk [tilespmem:v35+s10+$0x0], $0xffff  }
0x23b: {  	v1 =	vadd.s32 v29, v1;
	v35 =	vld [tilespmem:$0x1FF30]  }
0x23c: {  	v1 =	vadd.s32 v6, v1;
	v6 =	vld.idx.msk [tilespmem:v52+s10+$0x0], $0xffff  }
0x23d: {  	v4 =	vld.idx.msk [tilespmem:v32+s10+$0x0], $0xffff  }
0x23e: {  	v11 =	vld.idx.msk [tilespmem:v36+s10+$0x0], $0xffff  }
0x23f: {  	v36 =	vld [tilespmem:$0x1FF40]  }
0x240: {  	v3 =	vadd.s32 v7, v3;
	v7 =	vld.idx.msk [tilespmem:v55+s10+$0x0], $0xffff  }
0x241: {  	v55 =	vld [tilespmem:$0x1FF70]  }
0x242: {  	v9 =	vld.idx.msk [tilespmem:v9+s10+$0x0], $0xffff  }
0x243: {  	v3 =	vadd.s32 v10, v3;
	v10 =	vld [tilespmem:$0x1FCD0]  }
0x244: {  	v1 =	vadd.s32 v8, v1;
	v8 =	vld [tilespmem:$0x1FCC0]  }
0x245: {  	v0 =	vadd.s32 v4, v0;
	v4 =	vld.idx.msk [tilespmem:v57+s10+$0x0], $0xffff  }
0x246: {  	v5 =	vld.idx.msk [tilespmem:v2+s10+$0x0], $0xffff  }
0x247: {  	v1 =	vadd.s32 v6, v1;
	v6 =	vld.idx.msk [tilespmem:v62+s10+$0x0], $0xffff  }
0x248: {  	v3 =	vadd.s32 v7, v3;
	v7 =	vld.idx.msk [tilespmem:v28+s10+$0x0], $0xffff  }
0x249: {  	v0 =	vadd.s32 v11, v0;
	v11 =	vld.idx.msk [tilespmem:v22+s10+$0x0], $0xffff  }
0x24a: {  	v0 =	vadd.s32 v4, v0;
	v4 =	vld.idx.msk [tilespmem:v23+s10+$0x0], $0xffff  }
0x24b: {  	v10 =	vld.idx.msk [tilespmem:v10+s10+$0x0], $0xffff  }
0x24c: {  	v57 =	vld.idx.msk [tilespmem:v39+s10+$0x0], $0xffff  }
0x24d: {  	v8 =	vld.idx.msk [tilespmem:v8+s10+$0x0], $0xffff  }
0x24e: {  	v62 =	vld [tilespmem:$0x1FF50];
	v0 =	vadd.s32 v11, v0  }
0x24f: {  	s21 =	sadd.s32 $0x4, s21;
	v0 =	vadd.s32 v4, v0;
	v4 =	vld.idx.msk [tilespmem:v21+s10+$0x0], $0xffff  }
0x250: {  	p0 =	slt.u32 s21, $0xC;
	v3 =	vadd.s32 v10, v3;
	v10 =	vld.idx.msk [tilespmem:v34+s10+$0x0], $0xffff  }
.Ltmp5:
0x251: {  	v34 =	vld [tilespmem:$0x1FF20];
	(pc) =	sbr.rel @p0 .LBB2_13-.Ltmp5, $4  }
0x252: {  	v1 =	vadd.s32 v8, v1;
	v8 =	vld.idx.msk [tilespmem:v38+s10+$0x0], $0xffff  }
0x253: {  	v38 =	vld [tilespmem:$0x1FF60];
	v1 =	vadd.s32 v6, v1  }
0x254: {  	v3 =	vadd.s32 v7, v3;
	v7 =	vld.idx.msk [tilespmem:v30+s10+$0x0], $0xffff;
	v1 =	vadd.s32 v57, v1  }
0x255: {  	s22 =	sadd.s32 $0x40, s22;
	s20 =	smov.u32 s19;
	v11 =	vadd.s32 v9, v0;
	v6 =	vld.idx.msk [tilespmem:v53+s10+$0x0], $0xffff;
	v9 =	vadd.s32 v10, v3;
	v10 =	vadd.s32 v58, v1  }
0x256: {  	_ =	sdelay $0x3  }
0x257: {  	v0 =	vld.idx.msk [tilespmem:v50+s10+$0x0], $0xffff  }
0x258: {  	v1 =	vld.idx.msk [tilespmem:v49+s10+$0x0], $0xffff  }
0x259: {  	v2 =	vld.idx.msk [tilespmem:v48+s10+$0x0], $0xffff  }
0x25a: {  	v3 =	vld.idx.msk [tilespmem:v51+s10+$0x0], $0xffff  }
0x25b: {  	v12 =	vld.idx.msk [tilespmem:v44+s10+$0x0], $0xffff  }
0x25c: {  	v13 =	vld.idx.msk [tilespmem:v47+s10+$0x0], $0xffff  }
0x25d: {  	v14 =	vld.idx.msk [tilespmem:v46+s10+$0x0], $0xffff  }
0x25e: {  	v15 =	vld.idx.msk [tilespmem:v45+s10+$0x0], $0xffff  }
0x25f: {  	v16 =	vld.idx.msk [tilespmem:v42+s10+$0x0], $0xffff  }
0x260: {  	v50 =	vld.idx.msk [tilespmem:v43+s10+$0x0], $0xffff;
	v8 =	vadd.s32 v8, v11;
	v7 =	vadd.s32 v7, v10  }
0x261: {  	v4 =	vadd.s32 v4, v9;
	v51 =	vld.idx.msk [tilespmem:v40+s10+$0x0], $0xffff;
	v5 =	vadd.s32 v5, v8;
	v7 =	vadd.s32 v41, v7  }
0x262: {  	v4 =	vadd.s32 v6, v4;
	v0 =	vadd.s32 v0, v5;
	v2 =	vadd.s32 v2, v7  }
0x263: {  	v1 =	vadd.s32 v1, v4;
	v0 =	vadd.s32 v3, v0;
	v2 =	vadd.s32 v13, v2  }
0x264: {  	v1 =	vadd.s32 v12, v1;
	v0 =	vadd.s32 v14, v0;
	v2 =	vadd.s32 v16, v2  }
0x265: {  	v1 =	vadd.s32 v15, v1;
	v0 =	vadd.s32 v50, v0;
	[tilespmem:s20+$0xFFFFFFF0] =	vst v2  }
0x266: {  	v1 =	vadd.s32 v51, v1;
	[tilespmem:s20+$0x0] =	vst v0  }
0x267: {  	[tilespmem:s20+$0xFFFFFFE0] =	vst v1  }
0x268: {  	v0 =	vld [tilespmem:$0x1FEF0]  }
0x269: {  	v1 =	vld [tilespmem:$0x1FE10]  }
0x26a: {  	v2 =	vld [tilespmem:$0x1FE20]  }
0x26b: {  	v3 =	vld [tilespmem:$0x1FE30];
	_ =	sdelay $0x4  }
0x26c: {  	v0 =	vld.idx.msk [tilespmem:v0+s11+$0x0], $0xffff  }
0x26d: {  	v1 =	vld.idx.msk [tilespmem:v1+s11+$0x0], $0xffff  }
0x26e: {  	v2 =	vld.idx.msk [tilespmem:v2+s11+$0x0], $0xffff  }
0x26f: {  	v3 =	vld.idx.msk [tilespmem:v3+s11+$0x0], $0xffff  }
0x270: {  	v52 =	vld [tilespmem:$0x1FE40]  }
0x271: {  	v53 =	vld [tilespmem:$0x1FE50]  }
0x272: {  	v0 =	vadd.s32 v0, v1;
	v1 =	vld [tilespmem:$0x1FE60]  }
0x273: {  	v0 =	vadd.s32 v2, v0;
	v2 =	vld [tilespmem:$0x1FE70]  }
0x274: {  	v0 =	vadd.s32 v3, v0;
	v3 =	vld [tilespmem:$0x1FE80];
	_ =	sdelay $0x3  }
0x275: {  	v4 =	vld.idx.msk [tilespmem:v52+s11+$0x0], $0xffff  }
0x276: {  	v5 =	vld.idx.msk [tilespmem:v53+s11+$0x0], $0xffff  }
0x277: {  	v1 =	vld.idx.msk [tilespmem:v1+s11+$0x0], $0xffff  }
0x278: {  	v2 =	vld.idx.msk [tilespmem:v2+s11+$0x0], $0xffff  }
0x279: {  	v3 =	vld.idx.msk [tilespmem:v3+s11+$0x0], $0xffff  }
0x27a: {  	v54 =	vld [tilespmem:$0x1FE90];
	v0 =	vadd.s32 v4, v0  }
0x27b: {  	v57 =	vld [tilespmem:$0x1FEA0];
	v0 =	vadd.s32 v5, v0  }
0x27c: {  	v0 =	vadd.s32 v1, v0;
	v1 =	vld [tilespmem:$0x1FEB0]  }
0x27d: {  	v0 =	vadd.s32 v2, v0;
	v2 =	vld [tilespmem:$0x1FEC0]  }
0x27e: {  	v0 =	vadd.s32 v3, v0;
	v3 =	vld [tilespmem:$0x1FED0]  }
0x27f: {  	v58 =	vld [tilespmem:$0x1FEE0]  }
0x280: {  	v59 =	vld [tilespmem:$0x1FF00];
	_ =	sdelay $0x1  }
0x281: {  	v4 =	vld.idx.msk [tilespmem:v54+s11+$0x0], $0xffff  }
0x282: {  	v5 =	vld.idx.msk [tilespmem:v57+s11+$0x0], $0xffff  }
0x283: {  	v1 =	vld.idx.msk [tilespmem:v1+s11+$0x0], $0xffff  }
0x284: {  	v2 =	vld.idx.msk [tilespmem:v2+s11+$0x0], $0xffff  }
0x285: {  	v3 =	vld.idx.msk [tilespmem:v3+s11+$0x0], $0xffff  }
0x286: {  	v0 =	vadd.s32 v4, v0;
	v4 =	vld.idx.msk [tilespmem:v58+s11+$0x0], $0xffff  }
0x287: {  	v0 =	vadd.s32 v5, v0;
	v5 =	vld.idx.msk [tilespmem:v59+s11+$0x0], $0xffff  }
0x288: {  	v0 =	vadd.s32 v1, v0  }
0x289: {  	v0 =	vadd.s32 v2, v0  }
0x28a: {  	v0 =	vadd.s32 v3, v0  }
0x28b: {  	v0 =	vadd.s32 v4, v0  }
0x28c: {  	v0 =	vadd.s32 v5, v0  }
0x28d: {  	(xrf0) =	vadd.scan.msk.s32 $0xffff, v0;
	_ =	sdelay $0x2  }
0x28e: {  	v2 =	vimm.s32 $0xF;
	_ =	sdelay $0x2  }
0x28f: {  	v60 =	vld [tilespmem:$0x1FCF0];
	v1, _, _ =	vpop (xrf0)  }
0x290: {  	v3 =	vld [tilespmem:$0x1FCE0];
	[tilespmem:$0x11200] =	vst v1  }
0x291: {  	v2 =	vld.idx.msk [tilespmem:v2+s12+$0x0], $0xffff;
	_ =	sdelay $0x4  }
0x292: {  	v3 =	vsub.s32 v60, v3;
	v1 =	vsub.s32 v2, v1  }
0x293: {  	v63 =	vld [tilespmem:$0x1FF10];
	v61 =	vadd.s32 $0x20, v3;
	v1 =	vadd.s32 v0, v1  }
0x294: {  	vm0 =	vge.s32 v1, v61  }
0x295: {  	v2 =	vmpcnt.ones.xlane vm0;
	_ =	sdelay $0x1  }
0x296: {  	v3 =	vshll.u32 v2, $0x4  }
0x297: {  	v4 =	vadd.s32 v63, v3;
	_ =	sdelay $0x2  }
0x298: {  	[tilespmem:$0x11220] =	vst v0  }
0x299: {  	[tilespmem:$0x11210] =	vst v1  }
0x29a: {  	v0 =	vld.idx.msk [tilespmem:v4+s11+$0x0], $0xffff;
	_ =	sdelay $0x1  }
0x29b: {  	v1 =	vadd.s32 $0xF, v2;
	_ =	sdelay $0x2  }
0x29c: {  	(xrf0) =	vadd.scan.msk.s32 $0xffff, v0;
	_ =	sdelay $0x1  }
0x29d: {  	v1 =	vld.idx.msk [tilespmem:v1+s12+$0x0], $0xffff;
	_ =	sdelay $0x3  }
0x29e: {  	v2, _, _ =	vpop (xrf0)  }
0x29f: {  	v1 =	vsub.s32 v1, v2  }
0x2a0: {  	v0 =	vadd.s32 v0, v1  }
0x2a1: {  	vm15 =	vge.s32 v0, v61  }
0x2a2: {  	v1 =	vmpcnt.ones.xlane vm15;
	_ =	sdelay $0x1  }
0x2a3: {  	v2 =	vadd.s32 $0xFFFFFFFF, v1;
	_ =	sdelay $0x3  }
0x2a4: {  	[tilespmem:$0x11200] =	vst v0;
	v1 =	vadd.s32 v2, v3  }
0x2a5: {  	v1 =	vadd.s32 $0xFFFFFFF0, v1;
	v0 =	vld.idx.msk [tilespmem:v2+s12+$0x0], $0xffff;
	_ =	sdelay $0x4  }
0x2a6: {  	[tilespmem:$0x1FC20] =	vst v0;
	v0 =	vld.idx.msk [tilespmem:v1+s11+$0x0], $0xffff;
	_ =	sdelay $0x3  }
0x2a7: {  	[tilespmem:$0x1FC10] =	vst v61  }
0x2a8: {  	s19 =	simm.s32 $0x10040;
	[tilespmem:$0x1FC30] =	vst v0;
	v0 =	vimm.s32 $0x0  }
0x2a9: {  	[tilespmem:s19+$0xFFFFFFC0] =	vst v0  }
0x2aa: {  	[tilespmem:s19+$0x30] =	vst v0  }
0x2ab: {  	[tilespmem:s19+$0x20] =	vst v0  }
0x2ac: {  	[tilespmem:s19+$0x10] =	vst v0  }
0x2ad: {  	[tilespmem:s19+$0x0] =	vst v0  }
0x2ae: {  	[tilespmem:s19+$0xFFFFFFF0] =	vst v0  }
0x2af: {  	s20 =	simm.s32 $0x0;
	[tilespmem:s19+$0xFFFFFFE0] =	vst v0  }
.LBB2_15:
0x2b0: {  	s20 =	sadd.s32 $0x8, s20;
	[tilespmem:s19+$0xFFFFFFD0] =	vst v0;
	s19 =	sadd.s32 $0x80, s19  }
0x2b1: {  	[tilespmem:s19+$0xFFFFFFC0] =	vst v0;
	p0 =	slt.u32 s20, $0x108  }
0x2b2: {  	[tilespmem:s19+$0x30] =	vst v0  }
.Ltmp6:
0x2b3: {  	[tilespmem:s19+$0x20] =	vst v0;
	(pc) =	sbr.rel @p0 .LBB2_15-.Ltmp6, $4  }
0x2b4: {  	[tilespmem:s19+$0x10] =	vst v0  }
0x2b5: {  	[tilespmem:s19+$0x0] =	vst v0  }
0x2b6: {  	[tilespmem:s19+$0xFFFFFFF0] =	vst v0  }
0x2b7: {  	[tilespmem:s19+$0xFFFFFFE0] =	vst v0  }
0x2b8: {  	[tilespmem:s19+$0xFFFFFFD0] =	vst v0  }
0x2b9: {  	v0 =	vld [tilespmem:s17+$0x40]  }
0x2ba: {  	v2 =	vld [tilespmem:s17+$0x60]  }
0x2bb: {  	v3 =	vld [tilespmem:s17+$0xFFFFFFE0]  }
0x2bc: {  	v6 =	vld [tilespmem:s17+$0x20]  }
0x2bd: {  	v46 =	vld [tilespmem:s17+$0x0]  }
0x2be: {  	v7 =	vld [tilespmem:s17+$0xFFFFFFC0]  }
0x2bf: {  	v1 =	vshll.u32 v1, $0xF;
	v9 =	vld [tilespmem:s17+$0xFFFFFFD0]  }
0x2c0: {  	v24 =	vlaneseq.u32;
	v25 =	vimm.s32 $0x1;
	v57 =	vor.u32 v56, v1  }
0x2c1: {  	v4 =	vshrl.u32 v0, $0x7;
	v0 =	vand.u32 $0x7FFF8000, v0;
	v41 =	vand.u32 $0x7FFF8000, v2  }
0x2c2: {  	v5 =	vld [tilespmem:s17+$0xFFFFFFF0];
	v42 =	vand.u32 $0x7FFF8000, v6;
	v49 =	vshrl.u32 v6, $0x7;
	v6 =	vshrl.u32 v46, $0x7  }
0x2c3: {  	v45 =	vand.u32 $0x7FFF8000, v3;
	v12 =	vshrl.u32 v7, $0x7;
	v4 =	vand.u32 $0xFF, v4  }
0x2c4: {  	v1 =	vld [tilespmem:s17+$0x10];
	v13 =	vshrl.u32 v9, $0x7;
	v14 =	vand.u32 $0x7FFF8000, v7;
	v4 =	vmul.u32 $0x11, v4  }
0x2c5: {  	vm1 =	veq.s32 v0, v57;
	v6 =	vand.u32 $0xFF, v6;
	v13 =	vand.u32 $0xFF, v13  }
0x2c6: {  	v10 =	vld [tilespmem:s17+$0xFFFFFFB0];
	vm3 =	veq.s32 v14, v57;
	v8 =	vadd.s32 v24, v4;
	v4 =	vshrl.u32 v2, $0x7  }
0x2c7: {  	v7 =	vmul.u32 $0x11, v6;
	v0 =	vand.u32 $0xFF, v4;
	v4 =	vand.u32 $0x7FFF8000, v5  }
0x2c8: {  	v11 =	vld [tilespmem:s17+$0xFFFFFF90];
	v47 =	vmul.u32 $0x11, v0;
	v0 =	vshrl.u32 v3, $0x7;
	vm0 =	veq.s32 v4, v57  }
0x2c9: {  	v2 =	vld [tilespmem:s17+$0xFFFFFFA0];
	v3 =	vshrl.u32 v1, $0x7;
	v4 =	vand.u32 $0x7FFF8000, v1;
	v1 =	vand.u32 $0xFF, v12  }
0x2ca: {  	v44 =	vadd.s32 v24, v7;
	v5 =	vshrl.u32 v5, $0x7;
	v1 =	vmul.u32 $0x11, v1  }
0x2cb: {  	v20 =	vld [tilespmem:s17+$0x70];
	v5 =	vand.u32 $0xFF, v5;
	v12 =	vand.u32 $0x7FFF8000, v10;
	v3 =	vand.u32 $0xFF, v3  }
0x2cc: {  	v0 =	vand.u32 $0xFF, v0;
	v43 =	vadd.s32 v24, v1;
	v1 =	vand.u32 $0x7FFF8000, v9;
	[tilespmem:v8+s10+$0x0] =	vst.idx.add.s32.msk vm1, v25  }
0x2cd: {  	v9 =	vshrl.u32 v10, $0x7;
	v10 =	vand.u32 $0x7FFF8000, v11;
	vm1 =	veq.s32 v12, v57;
	v12 =	vld [tilespmem:s17+$0x30]  }
0x2ce: {  	v6 =	vand.u32 $0x7FFF8000, v2;
	v2 =	vshrl.u32 v2, $0x7;
	vm2 =	veq.s32 v10, v57;
	v10 =	vld [tilespmem:s17+$0xFFFFFF80]  }
0x2cf: {  	vm4 =	veq.s32 v6, v57;
	v6 =	vmul.u32 $0x11, v5;
	v5 =	vshrl.u32 v11, $0x7;
	v11 =	vld [tilespmem:s17+$0x50]  }
0x2d0: {  	v3 =	vmul.u32 $0x11, v3;
	v2 =	vand.u32 $0xFF, v2;
	v28 =	vld [tilespmem:$0x1FFD0];
	v5 =	vand.u32 $0xFF, v5  }
0x2d1: {  	v8 =	vand.u32 $0xFF, v9;
	v30 =	vld [tilespmem:$0x1FFE0];
	v2 =	vmul.u32 $0x11, v2;
	v5 =	vmul.u32 $0x11, v5  }
0x2d2: {  	v7 =	vmul.u32 $0x11, v0;
	v61 =	vld [tilespmem:$0x1FFF0];
	v48 =	vmul.u32 $0x11, v8;
	v8 =	vadd.s32 v24, v3  }
0x2d3: {  	s20 =	simm.s32 $0x0;
	s21 =	sadd.s32 $0x100, s17;
	v63 =	vld [tilespmem:$0x1FE00];
	v9 =	vadd.s32 v24, v2;
	v15 =	vadd.s32 v24, v5;
	v5 =	vmul.u32 $0x11, v13  }
.LBB2_17:
0x2d4: {  	v0 =	vld [tilespmem:s21+$0x40];
	s20 =	sadd.s32 $0x10, s20;
	v3 =	vadd.s32 v24, v6;
	v6 =	vand.u32 $0x7FFF8000, v46;
	vm7 =	veq.s32 v4, v57  }
0x2d5: {  	v7 =	vadd.s32 v24, v7;
	v4 =	vand.u32 $0xFF, v49;
	v13 =	vadd.s32 v24, v47;
	v2 =	vld [tilespmem:s21+$0xFFFFFF90];
	p0 =	slt.u32 s20, $0x7F0  }
0x2d6: {  	v5 =	vadd.s32 v24, v5;
	vm6 =	veq.s32 v45, v57;
	v14 =	vld [tilespmem:s21+$0xFFFFFFA0];
	v16 =	vshrl.u32 v10, $0x7  }
0x2d7: {  	vm5 =	veq.s32 v1, v57;
	v10 =	vand.u32 $0x7FFF8000, v10;
	v17 =	vld [tilespmem:s21+$0xFFFFFFB0];
	v1 =	vshrl.u32 v11, $0x7  }
0x2d8: {  	v11 =	vand.u32 $0x7FFF8000, v11;
	v18 =	vld [tilespmem:s21+$0xFFFFFFC0];
	v19 =	vand.u32 $0x7FFF8000, v12;
	v12 =	vshrl.u32 v12, $0x7  }
0x2d9: {  	v1 =	vand.u32 $0xFF, v1;
	v21 =	vand.u32 $0x7FFF8000, v0;
	v0 =	vshrl.u32 v0, $0x7;
	[tilespmem:v9+s10+$0x0] =	vst.idx.add.s32.msk vm4, v25  }
0x2da: {  	v9 =	vand.u32 $0xFF, v16;
	v0 =	vand.u32 $0xFF, v0;
	[tilespmem:v8+s10+$0x0] =	vst.idx.add.s32.msk vm7, v25;
	v8 =	vand.u32 $0xFF, v12  }
0x2db: {  	vm4 =	veq.s32 v11, v57;
	v9 =	vmul.u32 $0x11, v9;
	vm7 =	veq.s32 v19, v57;
	v12 =	vld [tilespmem:s21+$0x60]  }
0x2dc: {  	vm9 =	veq.s32 v10, v57;
	v0 =	vmul.u32 $0x11, v0;
	v8 =	vmul.u32 $0x11, v8;
	v11 =	vld [tilespmem:s21+$0xFFFFFFD0]  }
0x2dd: {  	v4 =	vmul.u32 $0x11, v4;
	v1 =	vmul.u32 $0x11, v1;
	v9 =	vadd.s32 v24, v9;
	v10 =	vld [tilespmem:s21+$0xFFFFFFE0]  }
0x2de: {  	vm11 =	veq.s32 v42, v57;
	v0 =	vadd.s32 v24, v0;
	v8 =	vadd.s32 v24, v8;
	v16 =	vld [tilespmem:s21+$0xFFFFFFF0]  }
0x2df: {  	v22 =	vshrl.u32 v20, $0x7;
	v4 =	vadd.s32 v24, v4;
	v1 =	vadd.s32 v24, v1;
	v19 =	vld [tilespmem:s21+$0x20]  }
0x2e0: {  	vm10 =	veq.s32 v6, v57;
	v46 =	vld [tilespmem:s21+$0x0];
	v23 =	vand.u32 $0x7FFF8000, v12;
	v12 =	vshrl.u32 v12, $0x7  }
0x2e1: {  	vm12 =	veq.s32 v41, v57;
	vm8 =	veq.s32 v21, v57;
	v6 =	vld [tilespmem:s21+$0x10];
	v12 =	vand.u32 $0xFF, v12;
	v41 =	vmovc v23  }
0x2e2: {  	v47 =	vmul.u32 $0x11, v12;
	[tilespmem:v3+s10+$0x0] =	vst.idx.add.s32.msk vm0, v25;
	v3 =	vand.u32 $0x7FFF8000, v20;
	v12 =	vand.u32 $0xFF, v22  }
0x2e3: {  	[tilespmem:v15+s10+$0x0] =	vst.idx.add.s32.msk vm2, v25;
	v15 =	vadd.s32 v24, v48;
	vm2 =	veq.s32 v3, v57;
	v3 =	vmul.u32 $0x11, v12  }
0x2e4: {  	v12 =	vshrl.u32 v10, $0x7;
	v42 =	vand.u32 $0x7FFF8000, v19;
	v49 =	vshrl.u32 v19, $0x7;
	[tilespmem:v4+s10+$0x0] =	vst.idx.add.s32.msk vm11, v25  }
0x2e5: {  	v4 =	vand.u32 $0x7FFF8000, v16;
	v19 =	vshrl.u32 v46, $0x7;
	[tilespmem:v43+s10+$0x0] =	vst.idx.add.s32.msk vm3, v25;
	v3 =	vadd.s32 v24, v3  }
0x2e6: {  	v45 =	vand.u32 $0x7FFF8000, v10;
	vm0 =	veq.s32 v4, v57;
	v4 =	vshrl.u32 v6, $0x7;
	[tilespmem:v9+s10+$0x0] =	vst.idx.add.s32.msk vm9, v25  }
0x2e7: {  	v9 =	vshrl.u32 v16, $0x7;
	v10 =	vand.u32 $0xFF, v19;
	v16 =	vand.u32 $0xFF, v4;
	[tilespmem:v13+s10+$0x0] =	vst.idx.add.s32.msk vm12, v25  }
0x2e8: {  	v19 =	vshrl.u32 v11, $0x7;
	v13 =	vshrl.u32 v18, $0x7;
	v4 =	vand.u32 $0x7FFF8000, v6;
	[tilespmem:v44+s10+$0x0] =	vst.idx.add.s32.msk vm10, v25  }
0x2e9: {  	v18 =	vand.u32 $0x7FFF8000, v18;
	v10 =	vmul.u32 $0x11, v10;
	v6 =	vand.u32 $0xFF, v13;
	[tilespmem:v1+s10+$0x0] =	vst.idx.add.s32.msk vm4, v25  }
0x2ea: {  	v1 =	vand.u32 $0x7FFF8000, v14;
	v13 =	vmul.u32 $0x11, v6;
	v6 =	vand.u32 $0xFF, v9;
	[tilespmem:v3+s10+$0x0] =	vst.idx.add.s32.msk vm2, v25  }
0x2eb: {  	vm4 =	veq.s32 v1, v57;
	v3 =	vand.u32 $0x7FFF8000, v17;
	v6 =	vmul.u32 $0x11, v6;
	[tilespmem:v8+s10+$0x0] =	vst.idx.add.s32.msk vm7, v25  }
0x2ec: {  	v8 =	vshrl.u32 v14, $0x7;
	v43 =	vadd.s32 v24, v13;
	v13 =	vmul.u32 $0x11, v16;
	[tilespmem:v7+s10+$0x0] =	vst.idx.add.s32.msk vm6, v25  }
0x2ed: {  	v9 =	vand.u32 $0xFF, v12;
	v1 =	vand.u32 $0x7FFF8000, v11;
	v7 =	vshrl.u32 v2, $0x7;
	[tilespmem:v15+s10+$0x0] =	vst.idx.add.s32.msk vm1, v25  }
0x2ee: {  	v12 =	vand.u32 $0xFF, v19;
	v11 =	vshrl.u32 v17, $0x7;
	v7 =	vand.u32 $0xFF, v7;
	[tilespmem:v5+s10+$0x0] =	vst.idx.add.s32.msk vm5, v25  }
.Ltmp7:
0x2ef: {  	v2 =	vand.u32 $0x7FFF8000, v2;
	v5 =	vmul.u32 $0x11, v7;
	v7 =	vand.u32 $0xFF, v8;
	[tilespmem:v0+s10+$0x0] =	vst.idx.add.s32.msk vm8, v25;
	(pc) =	sbr.rel @p0 .LBB2_17-.Ltmp7, $4  }
0x2f0: {  	v44 =	vadd.s32 v24, v10;
	vm2 =	veq.s32 v2, v57;
	v0 =	vand.u32 $0xFF, v11;
	v20 =	vld [tilespmem:s21+$0x70]  }
0x2f1: {  	vm1 =	veq.s32 v3, v57;
	v2 =	vmul.u32 $0x11, v7;
	v15 =	vadd.s32 v24, v5;
	v10 =	vld [tilespmem:s21+$0xFFFFFF80]  }
0x2f2: {  	v7 =	vmul.u32 $0x11, v9;
	v48 =	vmul.u32 $0x11, v0;
	v5 =	vmul.u32 $0x11, v12;
	v11 =	vld [tilespmem:s21+$0x50]  }
0x2f3: {  	s19 =	simm.s32 $0x11120;
	vm3 =	veq.s32 v18, v57;
	v8 =	vadd.s32 v24, v13;
	v9 =	vadd.s32 v24, v2;
	v12 =	vld [tilespmem:s21+$0x30];
	s21 =	sadd.s32 $0x100, s21  }
0x2f4: {  	v0 =	vadd.s32 v24, v6;
	v2 =	vand.u32 $0x7FFF8000, v46  }
0x2f5: {  	vm5 =	veq.s32 v4, v57;
	v3 =	vand.u32 $0xFF, v49;
	v4 =	vadd.s32 v24, v47  }
0x2f6: {  	vm6 =	veq.s32 v42, v57;
	vm10 =	veq.s32 v41, v57;
	vm15 =	veq.s32 v1, v57  }
0x2f7: {  	s20 =	simm.s32 $0x30;
	v3 =	vmul.u32 $0x11, v3;
	vm7 =	veq.s32 v2, v57;
	v18 =	vand.u32 $0x7FFF8000, v20  }
0x2f8: {  	v19 =	vmov s20;
	v6 =	vshrl.u32 v10, $0x7;
	v10 =	vand.u32 $0x7FFF8000, v10  }
0x2f9: {  	[tilespmem:v9+s10+$0x0] =	vst.idx.add.s32.msk vm4, v25;
	v13 =	vshrl.u32 v11, $0x7;
	v6 =	vand.u32 $0xFF, v6;
	v11 =	vand.u32 $0x7FFF8000, v11  }
0x2fa: {  	[tilespmem:v15+s10+$0x0] =	vst.idx.add.s32.msk vm2, v25;
	v3 =	vadd.s32 v24, v3;
	vm9 =	veq.s32 v10, v57;
	v6 =	vmul.u32 $0x11, v6  }
0x2fb: {  	[tilespmem:v43+s10+$0x0] =	vst.idx.add.s32.msk vm3, v25;
	v14 =	vand.u32 $0x7FFF8000, v12;
	v16 =	vshrl.u32 v12, $0x7;
	v9 =	vand.u32 $0xFF, v13  }
0x2fc: {  	vm11 =	veq.s32 v11, v57;
	v12 =	vand.u32 $0xFF, v16;
	[tilespmem:v0+s10+$0x0] =	vst.idx.add.s32.msk vm0, v25;
	v6 =	vadd.s32 v24, v6  }
0x2fd: {  	v9 =	vmul.u32 $0x11, v9;
	[tilespmem:v8+s10+$0x0] =	vst.idx.add.s32.msk vm5, v25;
	v8 =	vshrl.u32 v20, $0x7;
	v20 =	vadd.s32 v24, v48  }
0x2fe: {  	[tilespmem:v4+s10+$0x0] =	vst.idx.add.s32.msk vm10, v25;
	v4 =	vadd.s32 v24, v5;
	v17 =	vand.u32 $0xFF, v8;
	v8 =	vmul.u32 $0x11, v12  }
0x2ff: {  	vm13 =	veq.s32 v14, v57;
	v9 =	vadd.s32 v24, v9;
	[tilespmem:v44+s10+$0x0] =	vst.idx.add.s32.msk vm7, v25;
	v0 =	vmul.u32 $0x11, v17  }
0x300: {  	vm12 =	veq.s32 v18, v57;
	v2 =	vmul.u32 $0x11, v19;
	[tilespmem:v3+s10+$0x0] =	vst.idx.add.s32.msk vm6, v25;
	v3 =	vadd.s32 v24, v8  }
0x301: {  	vm14 =	veq.s32 v45, v57;
	v0 =	vadd.s32 v24, v0;
	[tilespmem:v6+s10+$0x0] =	vst.idx.add.s32.msk vm9, v25  }
0x302: {  	v2 =	vbroadcast v2, $0x0;
	v6 =	vadd.s32 v24, v7;
	[tilespmem:v20+s10+$0x0] =	vst.idx.add.s32.msk vm1, v25  }
0x303: {  	[tilespmem:v4+s10+$0x0] =	vst.idx.add.s32.msk vm15, v25  }
0x304: {  	v21 =	vadd.s32 v34, v2;
	[tilespmem:v9+s10+$0x0] =	vst.idx.add.s32.msk vm11, v25  }
0x305: {  	v5 =	vadd.s32 v36, v2;
	[tilespmem:v3+s10+$0x0] =	vst.idx.add.s32.msk vm13, v25  }
0x306: {  	v22 =	vadd.s32 v62, v2;
	[tilespmem:v0+s10+$0x0] =	vst.idx.add.s32.msk vm12, v25  }
0x307: {  	[tilespmem:v6+s10+$0x0] =	vst.idx.add.s32.msk vm14, v25  }
0x308: {  	v33 =	vld [tilespmem:$0x1FDF0]  }
0x309: {  	v0 =	vld.idx.msk [tilespmem:v21+s10+$0x0], $0xffff  }
0x30a: {  	v7 =	vadd.s32 v55, v2;
	v5 =	vld.idx.msk [tilespmem:v5+s10+$0x0], $0xffff  }
0x30b: {  	v9 =	vld.idx.msk [tilespmem:v22+s10+$0x0], $0xffff  }
0x30c: {  	v8 =	vadd.s32 v37, v2;
	v39 =	vld [tilespmem:$0x1FF90]  }
0x30d: {  	s29 =	simm.s32 $0x10;
	v26 =	vadd.s32 v28, v2;
	v40 =	vld [tilespmem:$0x1FFA0]  }
0x30e: {  	v17 =	vadd.s32 v30, v2;
	v24 =	vmov s29;
	v41 =	vld [tilespmem:$0x1FFB0]  }
0x30f: {  	s30 =	simm.s32 $0x20;
	v44 =	vadd.s32 v61, v2;
	v12 =	vmul.u32 $0x11, v24;
	v7 =	vld.idx.msk [tilespmem:v7+s10+$0x0], $0xffff  }
0x310: {  	v32 =	vmov s30;
	v19 =	vadd.s32 v63, v2;
	v42 =	vld [tilespmem:$0x1FFC0]  }
0x311: {  	v43 =	vmul.u32 $0x11, v32;
	v3 =	vadd.s32 v35, v2;
	v15 =	vbroadcast v12, $0x0;
	v8 =	vld.idx.msk [tilespmem:v8+s10+$0x0], $0xffff  }
0x312: {  	v6 =	vadd.s32 v38, v2;
	v14 =	vld.idx.msk [tilespmem:v26+s10+$0x0], $0xffff  }
0x313: {  	v1 =	vbroadcast v43, $0x0;
	v46 =	vadd.s32 v34, v15;
	v17 =	vld.idx.msk [tilespmem:v17+s10+$0x0], $0xffff  }
0x314: {  	v47 =	vadd.s32 v35, v15;
	v12 =	vld.idx.msk [tilespmem:v44+s10+$0x0], $0xffff  }
0x315: {  	v21 =	vadd.s32 v34, v1;
	v19 =	vld.idx.msk [tilespmem:v19+s10+$0x0], $0xffff  }
0x316: {  	s31 =	simm.s32 $0x0;
	v22 =	vadd.s32 v35, v1;
	v3 =	vld.idx.msk [tilespmem:v3+s10+$0x0], $0xffff  }
0x317: {  	v18 =	vmov s31;
	v26 =	vadd.s32 v36, v1;
	v6 =	vld.idx.msk [tilespmem:v6+s10+$0x0], $0xffff  }
0x318: {  	v45 =	vmul.u32 $0x11, v18;
	v18 =	vld.idx.msk [tilespmem:v46+s10+$0x0], $0xffff;
	v4 =	vadd.s32 v33, v2  }
0x319: {  	v20 =	vld.idx.msk [tilespmem:v47+s10+$0x0], $0xffff;
	v23 =	vadd.s32 v39, v2  }
0x31a: {  	v10 =	vadd.s32 v40, v2;
	v21 =	vld.idx.msk [tilespmem:v21+s10+$0x0], $0xffff  }
0x31b: {  	v11 =	vadd.s32 v41, v2;
	v22 =	vld.idx.msk [tilespmem:v22+s10+$0x0], $0xffff  }
0x31c: {  	v25 =	vadd.s32 v42, v2;
	v2 =	vbroadcast v45, $0x0;
	v26 =	vld.idx.msk [tilespmem:v26+s10+$0x0], $0xffff  }
0x31d: {  	v49 =	vadd.s32 v36, v15;
	v4 =	vld.idx.msk [tilespmem:v4+s10+$0x0], $0xffff  }
0x31e: {  	v48 =	vadd.s32 v35, v2;
	v16 =	vld.idx.msk [tilespmem:v23+s10+$0x0], $0xffff  }
0x31f: {  	v27 =	vadd.s32 v36, v2;
	v10 =	vld.idx.msk [tilespmem:v10+s10+$0x0], $0xffff  }
0x320: {  	v58 =	vadd.s32 v39, v15;
	v0 =	vadd.s32 v0, v3;
	v3 =	vadd.s32 v62, v15;
	v11 =	vld.idx.msk [tilespmem:v11+s10+$0x0], $0xffff  }
0x321: {  	v60 =	vadd.s32 v39, v1;
	v32 =	vadd.s32 v39, v2;
	v39 =	vadd.s32 v40, v1;
	v13 =	vld.idx.msk [tilespmem:v25+s10+$0x0], $0xffff  }
0x322: {  	v0 =	vadd.s32 v5, v0;
	v5 =	vadd.s32 v62, v1;
	v25 =	vld.idx.msk [tilespmem:v49+s10+$0x0], $0xffff  }
0x323: {  	v0 =	vadd.s32 v9, v0;
	v9 =	vadd.s32 v62, v2;
	v24 =	vld.idx.msk [tilespmem:v48+s10+$0x0], $0xffff  }
0x324: {  	v23 =	vadd.s32 v34, v2;
	v27 =	vld.idx.msk [tilespmem:v27+s10+$0x0], $0xffff  }
0x325: {  	v50 =	vadd.s32 v38, v1;
	v3 =	vld.idx.msk [tilespmem:v3+s10+$0x0], $0xffff  }
0x326: {  	v43 =	vld.idx.msk [tilespmem:v39+s10+$0x0], $0xffff;
	v0 =	vadd.s32 v4, v0;
	v4 =	vadd.s32 v33, v15  }
0x327: {  	v5 =	vld.idx.msk [tilespmem:v5+s10+$0x0], $0xffff;
	v0 =	vadd.s32 v6, v0;
	v6 =	vadd.s32 v33, v1  }
0x328: {  	v9 =	vld.idx.msk [tilespmem:v9+s10+$0x0], $0xffff;
	v0 =	vadd.s32 v7, v0;
	v7 =	vadd.s32 v33, v2  }
0x329: {  	v51 =	vadd.s32 v55, v1;
	v23 =	vld.idx.msk [tilespmem:v23+s10+$0x0], $0xffff;
	v0 =	vadd.s32 v8, v0  }
0x32a: {  	v8 =	vadd.s32 v38, v15;
	v0 =	vadd.s32 v16, v0;
	v16 =	vld.idx.msk [tilespmem:v50+s10+$0x0], $0xffff  }
0x32b: {  	v52 =	vadd.s32 v55, v2;
	v4 =	vld.idx.msk [tilespmem:v4+s10+$0x0], $0xffff  }
0x32c: {  	v53 =	vadd.s32 v37, v15;
	v0 =	vadd.s32 v10, v0;
	v6 =	vld.idx.msk [tilespmem:v6+s10+$0x0], $0xffff  }
0x32d: {  	v10 =	vadd.s32 v38, v2;
	v0 =	vadd.s32 v11, v0;
	v7 =	vld.idx.msk [tilespmem:v7+s10+$0x0], $0xffff  }
0x32e: {  	v54 =	vadd.s32 v37, v1;
	v0 =	vadd.s32 v13, v0;
	v13 =	vld.idx.msk [tilespmem:v51+s10+$0x0], $0xffff  }
0x32f: {  	v44 =	vadd.s32 v63, v1;
	v8 =	vld.idx.msk [tilespmem:v8+s10+$0x0], $0xffff  }
0x330: {  	v56 =	vadd.s32 v37, v2;
	v11 =	vadd.s32 v55, v15;
	v0 =	vadd.s32 v14, v0;
	v14 =	vld.idx.msk [tilespmem:v52+s10+$0x0], $0xffff  }
0x331: {  	v18 =	vadd.s32 v18, v20;
	v59 =	vadd.s32 v21, v22;
	v0 =	vadd.s32 v17, v0;
	v17 =	vld.idx.msk [tilespmem:v53+s10+$0x0], $0xffff  }
0x332: {  	v20 =	vadd.s32 v26, v59;
	v18 =	vadd.s32 v25, v18;
	v33 =	vadd.s32 v40, v15;
	v10 =	vld.idx.msk [tilespmem:v10+s10+$0x0], $0xffff  }
0x333: {  	v3 =	vadd.s32 v3, v18;
	v24 =	vadd.s32 v23, v24;
	v0 =	vadd.s32 v12, v0;
	v12 =	vld.idx.msk [tilespmem:v54+s10+$0x0], $0xffff  }
0x334: {  	v22 =	vadd.s32 v27, v24;
	v3 =	vadd.s32 v4, v3;
	v4 =	vadd.s32 v40, v2;
	v40 =	vld.idx.msk [tilespmem:v32+s10+$0x0], $0xffff  }
0x335: {  	v5 =	vadd.s32 v5, v20;
	v9 =	vadd.s32 v9, v22;
	v0 =	vadd.s32 v19, v0;
	v11 =	vld.idx.msk [tilespmem:v11+s10+$0x0], $0xffff  }
0x336: {  	v19 =	vld.idx.msk [tilespmem:v56+s10+$0x0], $0xffff;
	v5 =	vadd.s32 v6, v5;
	v6 =	vadd.s32 v7, v9;
	v7 =	vadd.s32 v41, v15  }
0x337: {  	v47 =	vadd.s32 v61, v1;
	[tilespmem:s19+$0x10] =	vst v0;
	v9 =	vld.idx.msk [tilespmem:v60+s10+$0x0], $0xffff;
	v60 =	vadd.s32 v28, v15  }
0x338: {  	v0 =	vld.idx.msk [tilespmem:v58+s10+$0x0], $0xffff;
	v5 =	vadd.s32 v16, v5;
	v3 =	vadd.s32 v8, v3;
	v8 =	vadd.s32 v41, v1  }
0x339: {  	v58 =	vadd.s32 v42, v1;
	v5 =	vadd.s32 v13, v5;
	v6 =	vadd.s32 v10, v6;
	v59 =	vld.idx.msk [tilespmem:v4+s10+$0x0], $0xffff  }
0x33a: {  	v10 =	vadd.s32 v41, v2;
	v3 =	vadd.s32 v11, v3;
	v11 =	vld.idx.msk [tilespmem:v33+s10+$0x0], $0xffff;
	v6 =	vadd.s32 v14, v6  }
0x33b: {  	v41 =	vadd.s32 v42, v15;
	v4 =	vadd.s32 v12, v5;
	v5 =	vadd.s32 v19, v6;
	v6 =	vld.idx.msk [tilespmem:v7+s10+$0x0], $0xffff  }
0x33c: {  	v45 =	vadd.s32 v30, v2;
	v46 =	vadd.s32 v61, v2;
	v56 =	vadd.s32 v42, v2;
	v42 =	vld.idx.msk [tilespmem:v60+s10+$0x0], $0xffff  }
0x33d: {  	v49 =	vadd.s32 v30, v15;
	v51 =	vadd.s32 v28, v1;
	v3 =	vadd.s32 v17, v3;
	v8 =	vld.idx.msk [tilespmem:v8+s10+$0x0], $0xffff  }
0x33e: {  	v0 =	vadd.s32 v0, v3;
	v3 =	vadd.s32 v9, v4;
	v9 =	vadd.s32 v40, v5;
	v5 =	vld.idx.msk [tilespmem:v58+s10+$0x0], $0xffff  }
0x33f: {  	v48 =	vadd.s32 v61, v15;
	v50 =	vadd.s32 v28, v2;
	v52 =	vadd.s32 v30, v1;
	v4 =	vld.idx.msk [tilespmem:v10+s10+$0x0], $0xffff  }
0x340: {  	v7 =	vld.idx.msk [tilespmem:v41+s10+$0x0], $0xffff;
	v9 =	vadd.s32 v59, v9;
	v41 =	vadd.s32 v63, v2;
	v0 =	vadd.s32 v11, v0  }
0x341: {  	s21 =	simm.s32 $0x0;
	s22 =	simm.s32 $0x40;
	s20 =	simm.s32 $0x11120;
	v11 =	vadd.s32 v43, v3;
	v43 =	vadd.s32 v63, v15;
	v10 =	vadd.s32 v6, v0;
	v6 =	vld.idx.msk [tilespmem:v56+s10+$0x0], $0xffff  }
.LBB2_19:
0x342: {  	v2 =	vld.idx.msk [tilespmem:v51+s10+$0x0], $0xffff  }
0x343: {  	v33 =	vld.idx.msk [tilespmem:v45+s10+$0x0], $0xffff  }
0x344: {  	v39 =	vld.idx.msk [tilespmem:v48+s10+$0x0], $0xffff  }
0x345: {  	v45 =	vld.idx.msk [tilespmem:v47+s10+$0x0], $0xffff  }
0x346: {  	s25 =	sadd.s32 $0x30, s22;
	v26 =	vld.idx.msk [tilespmem:v46+s10+$0x0], $0xffff  }
0x347: {  	v1 =	vadd.s32 v8, v11;
	v8 =	vmov s25;
	v11 =	vld.idx.msk [tilespmem:v50+s10+$0x0], $0xffff  }
0x348: {  	v0 =	vmov s22;
	s24 =	sadd.s32 $0x20, s22;
	v27 =	vld.idx.msk [tilespmem:v43+s10+$0x0], $0xffff;
	v8 =	vmul.u32 $0x11, v8  }
0x349: {  	v48 =	vld [tilespmem:$0x1FDF0];
	v3 =	vmov s24;
	v0 =	vmul.u32 $0x11, v0  }
0x34a: {  	s23 =	sadd.s32 $0x10, s22;
	v25 =	vld.idx.msk [tilespmem:v44+s10+$0x0], $0xffff;
	v3 =	vmul.u32 $0x11, v3;
	v4 =	vadd.s32 v4, v9;
	v9 =	vbroadcast v8, $0x0  }
0x34b: {  	v15 =	vld.idx.msk [tilespmem:v41+s10+$0x0], $0xffff;
	v32 =	vmov s23;
	v7 =	vadd.s32 v7, v10;
	v10 =	vbroadcast v0, $0x0;
	[tilespmem:$0x1FB80] =	vst v2  }
0x34c: {  	v12 =	vbroadcast v3, $0x0;
	v2 =	vmul.u32 $0x11, v32;
	[tilespmem:$0x1FB90] =	vst v11;
	v11 =	vld.idx.msk [tilespmem:v49+s10+$0x0], $0xffff;
	v40 =	vadd.s32 v34, v9  }
0x34d: {  	v3 =	vld [tilespmem:$0x1FFA0];
	[tilespmem:$0x1FB70] =	vst v7;
	v53 =	vadd.s32 v5, v1;
	v58 =	vadd.s32 v6, v4;
	v47 =	vadd.s32 v35, v9  }
0x34e: {  	v7 =	vld.idx.msk [tilespmem:v52+s10+$0x0], $0xffff;
	v16 =	vadd.s32 v34, v12;
	v17 =	vadd.s32 v35, v12;
	v23 =	vadd.s32 v48, v9  }
0x34f: {  	v0 =	vld [tilespmem:$0x1FFB0];
	[tilespmem:$0x1FBB0] =	vst v33;
	v18 =	vadd.s32 v34, v10;
	v19 =	vadd.s32 v35, v10;
	v22 =	vadd.s32 v62, v10  }
0x350: {  	[tilespmem:$0x1FBD0] =	vst v39;
	v14 =	vadd.s32 v62, v12;
	v59 =	vadd.s32 v38, v10;
	v5 =	vadd.s32 v36, v9;
	v49 =	vld [tilespmem:$0x1FF90]  }
0x351: {  	v39 =	vadd.s32 v38, v12;
	v21 =	vadd.s32 v62, v9;
	[tilespmem:$0x1FBA0] =	vst v11;
	v11 =	vbroadcast v2, $0x0;
	v24 =	vld.idx.msk [tilespmem:v40+s10+$0x0], $0xffff  }
0x352: {  	v51 =	vadd.s32 v37, v10;
	v29 =	vadd.s32 v38, v9;
	v31 =	vadd.s32 v55, v9;
	v2 =	vld.idx.msk [tilespmem:v47+s10+$0x0], $0xffff  }
0x353: {  	v32 =	vadd.s32 v37, v9;
	v52 =	vadd.s32 v35, v11;
	v35 =	vadd.s32 v38, v11;
	v38 =	vld.idx.msk [tilespmem:v23+s10+$0x0], $0xffff  }
0x354: {  	[tilespmem:$0x1FBE0] =	vst v45;
	v13 =	vadd.s32 v62, v11;
	v62 =	vadd.s32 v37, v11;
	v23 =	vadd.s32 v37, v12;
	v37 =	vld [tilespmem:$0x1FFC0]  }
0x355: {  	v33 =	vadd.s32 v48, v12;
	v60 =	vadd.s32 v55, v12;
	v56 =	vadd.s32 v0, v9;
	v5 =	vld.idx.msk [tilespmem:v5+s10+$0x0], $0xffff  }
0x356: {  	v8 =	vadd.s32 v36, v12;
	v45 =	vadd.s32 v28, v9;
	v21 =	vld.idx.msk [tilespmem:v21+s10+$0x0], $0xffff;
	v50 =	vadd.s32 v49, v9  }
0x357: {  	[tilespmem:$0x1FBC0] =	vst v7;
	v7 =	vadd.s32 v36, v10;
	v40 =	vadd.s32 v3, v9;
	v41 =	vld.idx.msk [tilespmem:v29+s10+$0x0], $0xffff  }
0x358: {  	v31 =	vld.idx.msk [tilespmem:v31+s10+$0x0], $0xffff;
	v47 =	vadd.s32 v30, v9;
	v4 =	vadd.s32 v34, v11;
	v6 =	vadd.s32 v36, v11  }
0x359: {  	v32 =	vld.idx.msk [tilespmem:v32+s10+$0x0], $0xffff;
	v20 =	vadd.s32 v48, v11;
	v2 =	vadd.s32 v24, v2;
	v44 =	vadd.s32 v37, v9  }
0x35a: {  	v43 =	vld.idx.msk [tilespmem:v56+s10+$0x0], $0xffff;
	v34 =	vadd.s32 v48, v10;
	v54 =	vadd.s32 v55, v11;
	v2 =	vadd.s32 v5, v2  }
0x35b: {  	v29 =	vadd.s32 v49, v11;
	v36 =	vadd.s32 v3, v10;
	v46 =	vld.idx.msk [tilespmem:v50+s10+$0x0], $0xffff;
	v5 =	vadd.s32 v21, v2  }
0x35c: {  	[tilespmem:$0x1FC00] =	vst v29;
	v29 =	vadd.s32 v49, v10;
	v48 =	vld.idx.msk [tilespmem:v40+s10+$0x0], $0xffff;
	v5 =	vadd.s32 v38, v5  }
0x35d: {  	v55 =	vld [tilespmem:$0x1FF70];
	v24 =	vadd.s32 v49, v12;
	v49 =	vadd.s32 v61, v9;
	v56 =	vadd.s32 v41, v5  }
0x35e: {  	v50 =	vadd.s32 v63, v9;
	v2 =	vadd.s32 v3, v11;
	v1 =	vadd.s32 v31, v56;
	v41 =	vld.idx.msk [tilespmem:v44+s10+$0x0], $0xffff  }
0x35f: {  	v9 =	vadd.s32 v3, v12;
	v38 =	vadd.s32 v37, v12;
	v32 =	vadd.s32 v32, v1;
	v44 =	vld.idx.msk [tilespmem:v45+s10+$0x0], $0xffff  }
0x360: {  	v3 =	vld.idx.msk [tilespmem:v47+s10+$0x0], $0xffff;
	v31 =	vadd.s32 v37, v11;
	v56 =	vadd.s32 v37, v10;
	v37 =	vadd.s32 v46, v32  }
0x361: {  	v45 =	vadd.s32 v48, v37  }
0x362: {  	v43 =	vadd.s32 v43, v45  }
0x363: {  	v55 =	vadd.s32 v55, v10;
	v21 =	vadd.s32 v0, v10;
	v41 =	vadd.s32 v41, v43  }
0x364: {  	v46 =	vadd.s32 v61, v10;
	v37 =	vld.idx.msk [tilespmem:v50+s10+$0x0], $0xffff;
	v50 =	vadd.s32 v28, v10;
	v41 =	vadd.s32 v44, v41  }
0x365: {  	v45 =	vadd.s32 v30, v10;
	v3 =	vadd.s32 v3, v41;
	v41 =	vadd.s32 v63, v10;
	v10 =	vld [tilespmem:$0x1FB70];
	_ =	sdelay $0x2  }
0x366: {  	v16 =	vld.idx.msk [tilespmem:v16+s10+$0x0], $0xffff  }
0x367: {  	v4 =	vld.idx.msk [tilespmem:v4+s10+$0x0], $0xffff  }
0x368: {  	v10 =	vadd.s32 v42, v10;
	v42 =	vld [tilespmem:$0x1FB80]  }
0x369: {  	v1 =	vld.idx.msk [tilespmem:v52+s10+$0x0], $0xffff  }
0x36a: {  	v7 =	vld.idx.msk [tilespmem:v7+s10+$0x0], $0xffff  }
0x36b: {  	v40 =	vadd.s32 v0, v12;
	v5 =	vadd.s32 v0, v11;
	v0 =	vld.idx.msk [tilespmem:v49+s10+$0x0], $0xffff  }
0x36c: {  	[tilespmem:$0x1FBF0] =	vst v51;
	v51 =	vadd.s32 v28, v12;
	v47 =	vadd.s32 v61, v12;
	v6 =	vld.idx.msk [tilespmem:v6+s10+$0x0], $0xffff  }
0x36d: {  	v52 =	vadd.s32 v30, v12;
	v44 =	vadd.s32 v63, v12;
	v12 =	vadd.s32 v42, v53;
	v53 =	vld [tilespmem:$0x1FB90]  }
0x36e: {  	v1 =	vadd.s32 v4, v1;
	v4 =	vld.idx.msk [tilespmem:v8+s10+$0x0], $0xffff  }
0x36f: {  	v49 =	vadd.s32 v30, v11;
	v32 =	vadd.s32 v28, v11;
	v8 =	vld [tilespmem:$0x1FBB0]  }
0x370: {  	v48 =	vadd.s32 v61, v11;
	v43 =	vadd.s32 v63, v11;
	v11 =	vld.idx.msk [tilespmem:v17+s10+$0x0], $0xffff;
	v0 =	vadd.s32 v0, v3  }
0x371: {  	s19 =	sadd.s32 $0x40, s19;
	v3 =	vld.idx.msk [tilespmem:v19+s10+$0x0], $0xffff;
	v0 =	vadd.s32 v37, v0  }
0x372: {  	[tilespmem:s19+$0x10] =	vst v0;
	v0 =	vadd.s32 v53, v58;
	v58 =	vld [tilespmem:$0x1FBA0]  }
0x373: {  	v19 =	vld [tilespmem:$0x1FBD0]  }
0x374: {  	v17 =	vld.idx.msk [tilespmem:v18+s10+$0x0], $0xffff  }
0x375: {  	v37 =	vld [tilespmem:$0x1FF80]  }
0x376: {  	v0 =	vadd.s32 v8, v0;
	v8 =	vld [tilespmem:$0x1FBC0]  }
0x377: {  	v0 =	vadd.s32 v26, v0;
	v26 =	vld [tilespmem:$0x1FBE0];
	v10 =	vadd.s32 v58, v10  }
0x378: {  	v42 =	vld.idx.msk [tilespmem:v13+s10+$0x0], $0xffff;
	v10 =	vadd.s32 v19, v10  }
0x379: {  	v53 =	vld.idx.msk [tilespmem:v14+s10+$0x0], $0xffff;
	v10 =	vadd.s32 v27, v10  }
0x37a: {  	v1 =	vadd.s32 v6, v1;
	v0 =	vadd.s32 v15, v0;
	[tilespmem:s20+$0xFFFFFFF0] =	vst v10;
	v10 =	vld.idx.msk [tilespmem:v22+s10+$0x0], $0xffff  }
0x37b: {  	v3 =	vadd.s32 v17, v3;
	v8 =	vadd.s32 v8, v12;
	[tilespmem:s20+$0xFFFFFFE0] =	vst v0;
	v6 =	vld.idx.msk [tilespmem:v20+s10+$0x0], $0xffff  }
0x37c: {  	v3 =	vadd.s32 v7, v3;
	v8 =	vadd.s32 v26, v8;
	v7 =	vld.idx.msk [tilespmem:v34+s10+$0x0], $0xffff  }
0x37d: {  	v8 =	vadd.s32 v25, v8;
	v34 =	vld [tilespmem:$0x1FF20]  }
0x37e: {  	[tilespmem:s20+$0x0] =	vst v8;
	v8 =	vld.idx.msk [tilespmem:v35+s10+$0x0], $0xffff  }
0x37f: {  	v35 =	vld [tilespmem:$0x1FF30]  }
0x380: {  	v2 =	vld.idx.msk [tilespmem:v2+s10+$0x0], $0xffff  }
0x381: {  	v11 =	vadd.s32 v16, v11;
	v1 =	vadd.s32 v42, v1;
	v42 =	vld.idx.msk [tilespmem:v32+s10+$0x0], $0xffff  }
0x382: {  	v58 =	vadd.s32 v4, v11;
	v4 =	vld.idx.msk [tilespmem:v33+s10+$0x0], $0xffff  }
0x383: {  	v11 =	vld.idx.msk [tilespmem:v39+s10+$0x0], $0xffff  }
0x384: {  	v3 =	vadd.s32 v10, v3;
	v10 =	vld.idx.msk [tilespmem:v59+s10+$0x0], $0xffff  }
0x385: {  	v9 =	vld.idx.msk [tilespmem:v9+s10+$0x0], $0xffff  }
0x386: {  	v59 =	vld.idx.msk [tilespmem:v5+s10+$0x0], $0xffff  }
0x387: {  	v1 =	vadd.s32 v6, v1;
	v6 =	vld.idx.msk [tilespmem:v54+s10+$0x0], $0xffff  }
0x388: {  	v5 =	vld.idx.msk [tilespmem:v38+s10+$0x0], $0xffff;
	v3 =	vadd.s32 v7, v3  }
0x389: {  	v3 =	vadd.s32 v10, v3;
	v10 =	vld [tilespmem:$0x1FBF0]  }
0x38a: {  	v38 =	vld [tilespmem:$0x1FF60]  }
0x38b: {  	v7 =	vld.idx.msk [tilespmem:v55+s10+$0x0], $0xffff;
	v1 =	vadd.s32 v8, v1  }
0x38c: {  	v1 =	vadd.s32 v6, v1;
	v6 =	vld [tilespmem:$0x1FC00]  }
0x38d: {  	v0 =	vadd.s32 v53, v58;
	v55 =	vld [tilespmem:$0x1FF70]  }
0x38e: {  	v0 =	vadd.s32 v4, v0;
	v4 =	vld.idx.msk [tilespmem:v60+s10+$0x0], $0xffff  }
0x38f: {  	v8 =	vld.idx.msk [tilespmem:v62+s10+$0x0], $0xffff  }
0x390: {  	v62 =	vld [tilespmem:$0x1FF50]  }
0x391: {  	v10 =	vld.idx.msk [tilespmem:v10+s10+$0x0], $0xffff  }
0x392: {  	v0 =	vadd.s32 v11, v0;
	v11 =	vld.idx.msk [tilespmem:v23+s10+$0x0], $0xffff  }
0x393: {  	v0 =	vadd.s32 v4, v0;
	v4 =	vld.idx.msk [tilespmem:v24+s10+$0x0], $0xffff  }
0x394: {  	v6 =	vld.idx.msk [tilespmem:v6+s10+$0x0], $0xffff  }
0x395: {  	s21 =	sadd.s32 $0x4, s21;
	v3 =	vadd.s32 v7, v3;
	v7 =	vld.idx.msk [tilespmem:v29+s10+$0x0], $0xffff  }
0x396: {  	p0 =	slt.u32 s21, $0xC;
	v3 =	vadd.s32 v10, v3;
	v10 =	vld.idx.msk [tilespmem:v36+s10+$0x0], $0xffff  }
.Ltmp8:
0x397: {  	v1 =	vadd.s32 v8, v1;
	v8 =	vld.idx.msk [tilespmem:v40+s10+$0x0], $0xffff;
	v0 =	vadd.s32 v11, v0;
	(pc) =	sbr.rel @p0 .LBB2_19-.Ltmp8, $4  }
0x398: {  	v0 =	vadd.s32 v4, v0;
	v4 =	vld.idx.msk [tilespmem:v21+s10+$0x0], $0xffff  }
0x399: {  	v36 =	vld [tilespmem:$0x1FF40];
	v1 =	vadd.s32 v6, v1  }
0x39a: {  	v3 =	vadd.s32 v7, v3;
	v7 =	vld.idx.msk [tilespmem:v31+s10+$0x0], $0xffff;
	v1 =	vadd.s32 v2, v1  }
0x39b: {  	s22 =	sadd.s32 $0x40, s22;
	s20 =	smov.u32 s19;
	v11 =	vadd.s32 v9, v0;
	v6 =	vld.idx.msk [tilespmem:v56+s10+$0x0], $0xffff;
	v9 =	vadd.s32 v10, v3;
	v10 =	vadd.s32 v59, v1  }
0x39c: {  	_ =	sdelay $0x3  }
0x39d: {  	v0 =	vld.idx.msk [tilespmem:v51+s10+$0x0], $0xffff  }
0x39e: {  	v1 =	vld.idx.msk [tilespmem:v50+s10+$0x0], $0xffff  }
0x39f: {  	v2 =	vld.idx.msk [tilespmem:v49+s10+$0x0], $0xffff  }
0x3a0: {  	v3 =	vld.idx.msk [tilespmem:v52+s10+$0x0], $0xffff  }
0x3a1: {  	v12 =	vld.idx.msk [tilespmem:v45+s10+$0x0], $0xffff  }
0x3a2: {  	v13 =	vld.idx.msk [tilespmem:v48+s10+$0x0], $0xffff  }
0x3a3: {  	v14 =	vld.idx.msk [tilespmem:v47+s10+$0x0], $0xffff  }
0x3a4: {  	v15 =	vld.idx.msk [tilespmem:v46+s10+$0x0], $0xffff  }
0x3a5: {  	v16 =	vld.idx.msk [tilespmem:v43+s10+$0x0], $0xffff  }
0x3a6: {  	v8 =	vadd.s32 v8, v11;
	v50 =	vld.idx.msk [tilespmem:v44+s10+$0x0], $0xffff;
	v7 =	vadd.s32 v7, v10  }
0x3a7: {  	v51 =	vld.idx.msk [tilespmem:v41+s10+$0x0], $0xffff;
	v4 =	vadd.s32 v4, v9;
	v5 =	vadd.s32 v5, v8;
	v7 =	vadd.s32 v42, v7  }
0x3a8: {  	v4 =	vadd.s32 v6, v4;
	v0 =	vadd.s32 v0, v5;
	v2 =	vadd.s32 v2, v7  }
0x3a9: {  	v1 =	vadd.s32 v1, v4;
	v0 =	vadd.s32 v3, v0;
	v2 =	vadd.s32 v13, v2  }
0x3aa: {  	v1 =	vadd.s32 v12, v1;
	v0 =	vadd.s32 v14, v0;
	v2 =	vadd.s32 v16, v2  }
0x3ab: {  	v1 =	vadd.s32 v15, v1;
	v0 =	vadd.s32 v50, v0;
	[tilespmem:s20+$0xFFFFFFF0] =	vst v2  }
0x3ac: {  	v1 =	vadd.s32 v51, v1;
	[tilespmem:s20+$0x0] =	vst v0  }
0x3ad: {  	[tilespmem:s20+$0xFFFFFFE0] =	vst v1  }
0x3ae: {  	v0 =	vld [tilespmem:$0x1FEF0]  }
0x3af: {  	v1 =	vld [tilespmem:$0x1FE10]  }
0x3b0: {  	v2 =	vld [tilespmem:$0x1FE20]  }
0x3b1: {  	v3 =	vld [tilespmem:$0x1FE30];
	_ =	sdelay $0x4  }
0x3b2: {  	v0 =	vld.idx.msk [tilespmem:v0+s11+$0x0], $0xffff  }
0x3b3: {  	v1 =	vld.idx.msk [tilespmem:v1+s11+$0x0], $0xffff  }
0x3b4: {  	v2 =	vld.idx.msk [tilespmem:v2+s11+$0x0], $0xffff  }
0x3b5: {  	v3 =	vld.idx.msk [tilespmem:v3+s11+$0x0], $0xffff  }
0x3b6: {  	v52 =	vld [tilespmem:$0x1FE40]  }
0x3b7: {  	v53 =	vld [tilespmem:$0x1FE50]  }
0x3b8: {  	v0 =	vadd.s32 v0, v1;
	v1 =	vld [tilespmem:$0x1FE60]  }
0x3b9: {  	v0 =	vadd.s32 v2, v0;
	v2 =	vld [tilespmem:$0x1FE70]  }
0x3ba: {  	v0 =	vadd.s32 v3, v0;
	v3 =	vld [tilespmem:$0x1FE80];
	_ =	sdelay $0x3  }
0x3bb: {  	v4 =	vld.idx.msk [tilespmem:v52+s11+$0x0], $0xffff  }
0x3bc: {  	v5 =	vld.idx.msk [tilespmem:v53+s11+$0x0], $0xffff  }
0x3bd: {  	v1 =	vld.idx.msk [tilespmem:v1+s11+$0x0], $0xffff  }
0x3be: {  	v2 =	vld.idx.msk [tilespmem:v2+s11+$0x0], $0xffff  }
0x3bf: {  	v3 =	vld.idx.msk [tilespmem:v3+s11+$0x0], $0xffff  }
0x3c0: {  	v54 =	vld [tilespmem:$0x1FE90];
	v0 =	vadd.s32 v4, v0  }
0x3c1: {  	v56 =	vld [tilespmem:$0x1FEA0];
	v0 =	vadd.s32 v5, v0  }
0x3c2: {  	v0 =	vadd.s32 v1, v0;
	v1 =	vld [tilespmem:$0x1FEB0]  }
0x3c3: {  	v0 =	vadd.s32 v2, v0;
	v2 =	vld [tilespmem:$0x1FEC0]  }
0x3c4: {  	v0 =	vadd.s32 v3, v0;
	v3 =	vld [tilespmem:$0x1FED0]  }
0x3c5: {  	v58 =	vld [tilespmem:$0x1FEE0]  }
0x3c6: {  	v59 =	vld [tilespmem:$0x1FF00];
	_ =	sdelay $0x1  }
0x3c7: {  	v4 =	vld.idx.msk [tilespmem:v54+s11+$0x0], $0xffff  }
0x3c8: {  	v5 =	vld.idx.msk [tilespmem:v56+s11+$0x0], $0xffff  }
0x3c9: {  	v1 =	vld.idx.msk [tilespmem:v1+s11+$0x0], $0xffff  }
0x3ca: {  	v2 =	vld.idx.msk [tilespmem:v2+s11+$0x0], $0xffff  }
0x3cb: {  	v3 =	vld.idx.msk [tilespmem:v3+s11+$0x0], $0xffff  }
0x3cc: {  	v0 =	vadd.s32 v4, v0;
	v4 =	vld.idx.msk [tilespmem:v58+s11+$0x0], $0xffff  }
0x3cd: {  	v0 =	vadd.s32 v5, v0;
	v5 =	vld.idx.msk [tilespmem:v59+s11+$0x0], $0xffff  }
0x3ce: {  	v0 =	vadd.s32 v1, v0  }
0x3cf: {  	v0 =	vadd.s32 v2, v0  }
0x3d0: {  	v0 =	vadd.s32 v3, v0  }
0x3d1: {  	v0 =	vadd.s32 v4, v0  }
0x3d2: {  	v0 =	vadd.s32 v5, v0  }
0x3d3: {  	(xrf0) =	vadd.scan.msk.s32 $0xffff, v0;
	_ =	sdelay $0x2  }
0x3d4: {  	v2 =	vimm.s32 $0xF;
	_ =	sdelay $0x2  }
0x3d5: {  	v1, _, _ =	vpop (xrf0)  }
0x3d6: {  	[tilespmem:$0x11200] =	vst v1  }
0x3d7: {  	v2 =	vld.idx.msk [tilespmem:v2+s12+$0x0], $0xffff;
	_ =	sdelay $0x2  }
0x3d8: {  	v60 =	vld [tilespmem:$0x1FC30]  }
0x3d9: {  	v3 =	vld [tilespmem:$0x1FC20]  }
0x3da: {  	v1 =	vsub.s32 v2, v1;
	v2 =	vld [tilespmem:$0x1FC10];
	_ =	sdelay $0x3  }
0x3db: {  	v3 =	vsub.s32 v60, v3  }
0x3dc: {  	v63 =	vld [tilespmem:$0x1FF10];
	v1 =	vadd.s32 v0, v1;
	v61 =	vadd.s32 v2, v3  }
0x3dd: {  	vm0 =	vge.s32 v1, v61  }
0x3de: {  	v2 =	vmpcnt.ones.xlane vm0;
	_ =	sdelay $0x1  }
0x3df: {  	v3 =	vshll.u32 v2, $0x4  }
0x3e0: {  	v4 =	vadd.s32 v63, v3;
	_ =	sdelay $0x2  }
0x3e1: {  	[tilespmem:$0x11220] =	vst v0  }
0x3e2: {  	[tilespmem:$0x11210] =	vst v1  }
0x3e3: {  	v0 =	vld.idx.msk [tilespmem:v4+s11+$0x0], $0xffff;
	_ =	sdelay $0x1  }
0x3e4: {  	v1 =	vadd.s32 $0xF, v2;
	_ =	sdelay $0x2  }
0x3e5: {  	(xrf0) =	vadd.scan.msk.s32 $0xffff, v0;
	_ =	sdelay $0x1  }
0x3e6: {  	v1 =	vld.idx.msk [tilespmem:v1+s12+$0x0], $0xffff;
	_ =	sdelay $0x3  }
0x3e7: {  	v2, _, _ =	vpop (xrf0)  }
0x3e8: {  	v1 =	vsub.s32 v1, v2  }
0x3e9: {  	v0 =	vadd.s32 v0, v1  }
0x3ea: {  	vm15 =	vge.s32 v0, v61  }
0x3eb: {  	v1 =	vmpcnt.ones.xlane vm15;
	_ =	sdelay $0x1  }
0x3ec: {  	v2 =	vadd.s32 $0xFFFFFFFF, v1;
	_ =	sdelay $0x3  }
0x3ed: {  	[tilespmem:$0x11200] =	vst v0;
	v1 =	vadd.s32 v2, v3  }
0x3ee: {  	v1 =	vadd.s32 $0xFFFFFFF0, v1;
	v0 =	vld.idx.msk [tilespmem:v2+s12+$0x0], $0xffff;
	_ =	sdelay $0x4  }
0x3ef: {  	[tilespmem:$0x1FB50] =	vst v0;
	v0 =	vld.idx.msk [tilespmem:v1+s11+$0x0], $0xffff;
	_ =	sdelay $0x3  }
0x3f0: {  	[tilespmem:$0x1FB40] =	vst v61  }
0x3f1: {  	s19 =	simm.s32 $0x10040;
	[tilespmem:$0x1FB60] =	vst v0;
	v0 =	vimm.s32 $0x0  }
0x3f2: {  	[tilespmem:s19+$0xFFFFFFC0] =	vst v0  }
0x3f3: {  	[tilespmem:s19+$0x30] =	vst v0  }
0x3f4: {  	[tilespmem:s19+$0x20] =	vst v0  }
0x3f5: {  	[tilespmem:s19+$0x10] =	vst v0  }
0x3f6: {  	[tilespmem:s19+$0x0] =	vst v0  }
0x3f7: {  	[tilespmem:s19+$0xFFFFFFF0] =	vst v0  }
0x3f8: {  	s20 =	simm.s32 $0x0;
	[tilespmem:s19+$0xFFFFFFE0] =	vst v0  }
.LBB2_21:
0x3f9: {  	s20 =	sadd.s32 $0x8, s20;
	[tilespmem:s19+$0xFFFFFFD0] =	vst v0;
	s19 =	sadd.s32 $0x80, s19  }
0x3fa: {  	[tilespmem:s19+$0xFFFFFFC0] =	vst v0;
	p0 =	slt.u32 s20, $0x108  }
0x3fb: {  	[tilespmem:s19+$0x30] =	vst v0  }
.Ltmp9:
0x3fc: {  	[tilespmem:s19+$0x20] =	vst v0;
	(pc) =	sbr.rel @p0 .LBB2_21-.Ltmp9, $4  }
0x3fd: {  	[tilespmem:s19+$0x10] =	vst v0  }
0x3fe: {  	[tilespmem:s19+$0x0] =	vst v0  }
0x3ff: {  	[tilespmem:s19+$0xFFFFFFF0] =	vst v0  }
0x400: {  	[tilespmem:s19+$0xFFFFFFE0] =	vst v0  }
0x401: {  	[tilespmem:s19+$0xFFFFFFD0] =	vst v0  }
0x402: {  	v0 =	vld [tilespmem:s17+$0x10]  }
0x403: {  	v3 =	vld [tilespmem:s17+$0xFFFFFFF0]  }
0x404: {  	v4 =	vld [tilespmem:s17+$0x40]  }
0x405: {  	v2 =	vld [tilespmem:s17+$0xFFFFFFE0]  }
0x406: {  	v1 =	vshll.u32 v1, $0x7  }
0x407: {  	v19 =	vlaneseq.u32;
	v20 =	vimm.s32 $0x1;
	v37 =	vor.u32 v57, v1;
	v7 =	vld [tilespmem:s17+$0xFFFFFFD0]  }
0x408: {  	v1 =	vld [tilespmem:s17+$0xFFFFFFB0];
	v5 =	vand.u32 $0x7FFFFF80, v0;
	v8 =	vand.u32 $0x7FFFFF80, v3;
	v3 =	vand.u32 $0x7F, v3  }
0x409: {  	v9 =	vld [tilespmem:s17+$0x20];
	v10 =	vand.u32 $0x7FFFFF80, v4;
	v4 =	vand.u32 $0x7F, v4;
	v3 =	vmul.u32 $0x11, v3  }
0x40a: {  	v11 =	vld [tilespmem:s17+$0xFFFFFFA0];
	v6 =	vand.u32 $0x7F, v2;
	v4 =	vmul.u32 $0x11, v4;
	vm4 =	veq.s32 v8, v37  }
0x40b: {  	v12 =	vld [tilespmem:s17+$0x50];
	v41 =	vand.u32 $0x7FFFFF80, v2;
	vm5 =	veq.s32 v10, v37;
	v3 =	vadd.s32 v19, v3  }
0x40c: {  	v2 =	vand.u32 $0x7FFFFF80, v7;
	vm3 =	veq.s32 v5, v37;
	v5 =	vld [tilespmem:s17+$0xFFFFFFC0];
	v4 =	vadd.s32 v19, v4  }
0x40d: {  	v6 =	vmul.u32 $0x11, v6;
	v10 =	vld [tilespmem:s17+$0xFFFFFF90];
	vm1 =	veq.s32 v2, v37;
	v2 =	vand.u32 $0x7FFFFF80, v1  }
0x40e: {  	v0 =	vand.u32 $0x7F, v0;
	v7 =	vand.u32 $0x7F, v7;
	vm0 =	veq.s32 v2, v37;
	v2 =	vld [tilespmem:s17+$0xFFFFFF80]  }
0x40f: {  	v13 =	vand.u32 $0x7FFFFF80, v9;
	v14 =	vand.u32 $0x7F, v11;
	v46 =	vadd.s32 v19, v6;
	v6 =	vld [tilespmem:s17+$0x60]  }
0x410: {  	v9 =	vand.u32 $0x7F, v9;
	v11 =	vand.u32 $0x7FFFFF80, v11;
	v15 =	vand.u32 $0x7F, v12;
	[tilespmem:v3+s10+$0x0] =	vst.idx.add.s32.msk vm4, v20  }
0x411: {  	v0 =	vmul.u32 $0x11, v0;
	v14 =	vmul.u32 $0x11, v14;
	v8 =	vand.u32 $0x7F, v5;
	[tilespmem:v4+s10+$0x0] =	vst.idx.add.s32.msk vm5, v20  }
0x412: {  	v5 =	vand.u32 $0x7FFFFF80, v5;
	vm4 =	veq.s32 v11, v37;
	v11 =	vmul.u32 $0x11, v8;
	v8 =	vld [tilespmem:s17+$0x30]  }
0x413: {  	v3 =	vmul.u32 $0x11, v9;
	v9 =	vand.u32 $0x7F, v1;
	vm5 =	veq.s32 v5, v37;
	v5 =	vld [tilespmem:s17+$0x0]  }
0x414: {  	v61 =	vand.u32 $0x7FFFFF80, v10;
	v10 =	vand.u32 $0x7F, v10;
	v63 =	vmul.u32 $0x11, v9;
	v9 =	vld [tilespmem:s17+$0x70]  }
0x415: {  	vm6 =	veq.s32 v13, v37;
	v1 =	vadd.s32 v19, v0;
	v0 =	vmul.u32 $0x11, v10;
	v28 =	vld [tilespmem:$0x1FFD0]  }
0x416: {  	v42 =	vadd.s32 v19, v14;
	vm2 =	veq.s32 v61, v37;
	v4 =	vmul.u32 $0x11, v7;
	v30 =	vld [tilespmem:$0x1FFE0]  }
0x417: {  	v10 =	vand.u32 $0x7FFFFF80, v12;
	v61 =	vld [tilespmem:$0x1FFF0];
	v43 =	vadd.s32 v19, v0;
	v7 =	vadd.s32 v19, v3  }
0x418: {  	s20 =	simm.s32 $0x0;
	s21 =	sadd.s32 $0x100, s17;
	v45 =	vadd.s32 v19, v11;
	v11 =	vmul.u32 $0x11, v15;
	v44 =	vadd.s32 v19, v63;
	v63 =	vld [tilespmem:$0x1FE00]  }
.LBB2_23:
0x419: {  	v0 =	vld [tilespmem:s21+$0xFFFFFFE0];
	s20 =	sadd.s32 $0x10, s20;
	vm9 =	veq.s32 v10, v37  }
0x41a: {  	v4 =	vadd.s32 v19, v4;
	v3 =	vld [tilespmem:s21+$0x10];
	p0 =	slt.u32 s20, $0x7F0;
	v10 =	vand.u32 $0x7FFFFF80, v8;
	v8 =	vand.u32 $0x7F, v8  }
0x41b: {  	v11 =	vadd.s32 v19, v11;
	v12 =	vld [tilespmem:s21+$0xFFFFFFF0];
	v13 =	vand.u32 $0x7FFFFF80, v9;
	v9 =	vand.u32 $0x7F, v9  }
0x41c: {  	v14 =	vand.u32 $0x7FFFFF80, v2;
	v2 =	vand.u32 $0x7F, v2;
	v15 =	vand.u32 $0x7FFFFF80, v5;
	[tilespmem:v7+s10+$0x0] =	vst.idx.add.s32.msk vm6, v20  }
0x41d: {  	v2 =	vmul.u32 $0x11, v2;
	vm8 =	veq.s32 v13, v37;
	v7 =	vld [tilespmem:s21+$0xFFFFFFA0];
	vm7 =	veq.s32 v15, v37  }
0x41e: {  	vm6 =	veq.s32 v14, v37;
	[tilespmem:v1+s10+$0x0] =	vst.idx.add.s32.msk vm3, v20;
	v1 =	vmul.u32 $0x11, v8;
	v8 =	vand.u32 $0x7FFFFF80, v6  }
0x41f: {  	v2 =	vadd.s32 v19, v2;
	v5 =	vand.u32 $0x7F, v5;
	v14 =	vand.u32 $0x7F, v0;
	v13 =	vld [tilespmem:s21+$0xFFFFFF90]  }
0x420: {  	v9 =	vmul.u32 $0x11, v9;
	v6 =	vand.u32 $0x7F, v6;
	v1 =	vadd.s32 v19, v1;
	[tilespmem:v11+s10+$0x0] =	vst.idx.add.s32.msk vm9, v20  }
0x421: {  	v5 =	vmul.u32 $0x11, v5;
	v6 =	vmul.u32 $0x11, v6;
	vm9 =	veq.s32 v8, v37;
	v11 =	vld [tilespmem:s21+$0xFFFFFFB0]  }
0x422: {  	vm10 =	veq.s32 v10, v37;
	v9 =	vadd.s32 v19, v9;
	v15 =	vand.u32 $0x7FFFFF80, v3;
	v8 =	vld [tilespmem:s21+$0xFFFFFFC0]  }
0x423: {  	v5 =	vadd.s32 v19, v5;
	v6 =	vadd.s32 v19, v6;
	v10 =	vld [tilespmem:s21+$0xFFFFFFD0]  }
0x424: {  	v16 =	vld [tilespmem:s21+$0x50]  }
0x425: {  	v17 =	vld [tilespmem:s21+$0x40]  }
0x426: {  	v18 =	vld [tilespmem:s21+$0x20]  }
0x427: {  	[tilespmem:v9+s10+$0x0] =	vst.idx.add.s32.msk vm8, v20  }
0x428: {  	vm3 =	veq.s32 v15, v37;
	vm8 =	veq.s32 v41, v37;
	[tilespmem:v5+s10+$0x0] =	vst.idx.add.s32.msk vm7, v20  }
0x429: {  	v14 =	vmul.u32 $0x11, v14;
	v9 =	vand.u32 $0x7F, v12;
	v5 =	vand.u32 $0x7FFFFF80, v12;
	[tilespmem:v6+s10+$0x0] =	vst.idx.add.s32.msk vm9, v20  }
0x42a: {  	v6 =	vmul.u32 $0x11, v9;
	v9 =	vand.u32 $0x7FFFFF80, v17;
	v12 =	vand.u32 $0x7F, v17;
	[tilespmem:v1+s10+$0x0] =	vst.idx.add.s32.msk vm10, v20  }
0x42b: {  	v1 =	vand.u32 $0x7F, v3;
	vm7 =	veq.s32 v9, v37;
	v3 =	vmul.u32 $0x11, v12;
	[tilespmem:v2+s10+$0x0] =	vst.idx.add.s32.msk vm6, v20  }
0x42c: {  	v41 =	vand.u32 $0x7FFFFF80, v0;
	vm9 =	veq.s32 v5, v37;
	v0 =	vadd.s32 v19, v6;
	[tilespmem:v42+s10+$0x0] =	vst.idx.add.s32.msk vm4, v20  }
0x42d: {  	v5 =	vand.u32 $0x7F, v10;
	v2 =	vand.u32 $0x7FFFFF80, v10;
	v1 =	vmul.u32 $0x11, v1;
	[tilespmem:v4+s10+$0x0] =	vst.idx.add.s32.msk vm1, v20  }
0x42e: {  	v4 =	vand.u32 $0x7F, v8;
	vm1 =	veq.s32 v2, v37;
	v3 =	vadd.s32 v19, v3;
	[tilespmem:v45+s10+$0x0] =	vst.idx.add.s32.msk vm5, v20  }
0x42f: {  	v6 =	vand.u32 $0x7FFFFF80, v8;
	v2 =	vand.u32 $0x7FFFFF80, v11;
	v8 =	vand.u32 $0x7FFFFF80, v18;
	[tilespmem:v46+s10+$0x0] =	vst.idx.add.s32.msk vm8, v20  }
0x430: {  	v9 =	vand.u32 $0x7F, v7;
	vm6 =	veq.s32 v8, v37;
	[tilespmem:v44+s10+$0x0] =	vst.idx.add.s32.msk vm0, v20;
	vm0 =	veq.s32 v2, v37  }
0x431: {  	v10 =	vand.u32 $0x7F, v18;
	v9 =	vmul.u32 $0x11, v9;
	v8 =	vand.u32 $0x7FFFFF80, v13;
	[tilespmem:v43+s10+$0x0] =	vst.idx.add.s32.msk vm2, v20  }
0x432: {  	v12 =	vand.u32 $0x7F, v13;
	v7 =	vand.u32 $0x7FFFFF80, v7;
	v13 =	vand.u32 $0x7F, v16;
	v2 =	vld [tilespmem:s21+$0xFFFFFF80]  }
0x433: {  	v42 =	vadd.s32 v19, v9;
	vm2 =	veq.s32 v8, v37;
	[tilespmem:v0+s10+$0x0] =	vst.idx.add.s32.msk vm9, v20;
	v0 =	vmul.u32 $0x11, v10  }
.Ltmp10:
0x434: {  	vm4 =	veq.s32 v7, v37;
	v7 =	vand.u32 $0x7F, v11;
	v1 =	vadd.s32 v19, v1;
	[tilespmem:v3+s10+$0x0] =	vst.idx.add.s32.msk vm7, v20;
	(pc) =	sbr.rel @p0 .LBB2_23-.Ltmp10, $4  }
0x435: {  	v11 =	vmul.u32 $0x11, v4;
	v4 =	vmul.u32 $0x11, v5;
	v3 =	vmul.u32 $0x11, v12;
	v8 =	vld [tilespmem:s21+$0x30]  }
0x436: {  	vm5 =	veq.s32 v6, v37;
	v10 =	vand.u32 $0x7FFFFF80, v16;
	v12 =	vmul.u32 $0x11, v7;
	v9 =	vld [tilespmem:s21+$0x70]  }
0x437: {  	v45 =	vadd.s32 v19, v11;
	v7 =	vadd.s32 v19, v0;
	v43 =	vadd.s32 v19, v3;
	v5 =	vld [tilespmem:s21+$0x0]  }
0x438: {  	s19 =	simm.s32 $0x11120;
	v46 =	vadd.s32 v19, v14;
	v11 =	vmul.u32 $0x11, v13;
	v44 =	vadd.s32 v19, v12;
	v6 =	vld [tilespmem:s21+$0x60];
	s21 =	sadd.s32 $0x100, s21  }
0x439: {  	_ =	sdelay $0x3  }
0x43a: {  	vm7 =	veq.s32 v10, v37;
	v16 =	vand.u32 $0x7F, v2  }
0x43b: {  	[tilespmem:v7+s10+$0x0] =	vst.idx.add.s32.msk vm6, v20;
	vm15 =	veq.s32 v41, v37;
	v0 =	vand.u32 $0x7FFFFF80, v8;
	v3 =	vand.u32 $0x7F, v8  }
0x43c: {  	[tilespmem:v1+s10+$0x0] =	vst.idx.add.s32.msk vm3, v20;
	v8 =	vadd.s32 v19, v11;
	v11 =	vand.u32 $0x7FFFFF80, v2;
	v2 =	vmul.u32 $0x11, v16  }
0x43d: {  	[tilespmem:v42+s10+$0x0] =	vst.idx.add.s32.msk vm4, v20;
	v10 =	vand.u32 $0x7FFFFF80, v9;
	v9 =	vand.u32 $0x7F, v9;
	v3 =	vmul.u32 $0x11, v3  }
0x43e: {  	[tilespmem:v45+s10+$0x0] =	vst.idx.add.s32.msk vm5, v20;
	vm13 =	veq.s32 v0, v37;
	vm14 =	veq.s32 v11, v37;
	v12 =	vand.u32 $0x7FFFFF80, v5  }
0x43f: {  	[tilespmem:v44+s10+$0x0] =	vst.idx.add.s32.msk vm0, v20;
	v5 =	vand.u32 $0x7F, v5;
	v9 =	vmul.u32 $0x11, v9;
	v2 =	vadd.s32 v19, v2  }
0x440: {  	vm9 =	veq.s32 v10, v37;
	vm8 =	veq.s32 v12, v37;
	v18 =	vadd.s32 v19, v3  }
0x441: {  	[tilespmem:v43+s10+$0x0] =	vst.idx.add.s32.msk vm2, v20;
	v10 =	vand.u32 $0x7F, v6;
	v5 =	vmul.u32 $0x11, v5;
	v3 =	vadd.s32 v19, v4  }
0x442: {  	v6 =	vand.u32 $0x7FFFFF80, v6;
	v10 =	vmul.u32 $0x11, v10;
	v9 =	vadd.s32 v19, v9;
	[tilespmem:v8+s10+$0x0] =	vst.idx.add.s32.msk vm7, v20  }
0x443: {  	vm10 =	veq.s32 v6, v37;
	v5 =	vadd.s32 v19, v5;
	[tilespmem:v46+s10+$0x0] =	vst.idx.add.s32.msk vm15, v20  }
0x444: {  	v17 =	vadd.s32 v19, v10;
	[tilespmem:v2+s10+$0x0] =	vst.idx.add.s32.msk vm14, v20  }
0x445: {  	s20 =	simm.s32 $0x30;
	[tilespmem:v18+s10+$0x0] =	vst.idx.add.s32.msk vm13, v20  }
0x446: {  	v4 =	vmov s20;
	[tilespmem:v3+s10+$0x0] =	vst.idx.add.s32.msk vm1, v20  }
0x447: {  	v21 =	vmul.u32 $0x11, v4;
	[tilespmem:v9+s10+$0x0] =	vst.idx.add.s32.msk vm9, v20  }
0x448: {  	[tilespmem:v5+s10+$0x0] =	vst.idx.add.s32.msk vm8, v20  }
0x449: {  	v0 =	vbroadcast v21, $0x0;
	[tilespmem:v17+s10+$0x0] =	vst.idx.add.s32.msk vm10, v20  }
0x44a: {  	v33 =	vld [tilespmem:$0x1FDF0]  }
0x44b: {  	v22 =	vadd.s32 v34, v0;
	v39 =	vld [tilespmem:$0x1FF80]  }
0x44c: {  	v23 =	vadd.s32 v35, v0;
	v42 =	vld [tilespmem:$0x1FF90]  }
0x44d: {  	v3 =	vadd.s32 v36, v0;
	v40 =	vld [tilespmem:$0x1FFA0]  }
0x44e: {  	s29 =	simm.s32 $0x10;
	v4 =	vadd.s32 v62, v0;
	v41 =	vld [tilespmem:$0x1FFB0]  }
0x44f: {  	s30 =	simm.s32 $0x20;
	v32 =	vmov s29;
	v24 =	vadd.s32 v38, v0;
	v43 =	vld [tilespmem:$0x1FFC0]  }
0x450: {  	s31 =	simm.s32 $0x0;
	v15 =	vmov s30;
	v12 =	vmul.u32 $0x11, v32;
	v25 =	vadd.s32 v55, v0;
	v6 =	vld.idx.msk [tilespmem:v22+s10+$0x0], $0xffff  }
0x451: {  	v14 =	vadd.s32 v28, v0;
	v16 =	vadd.s32 v30, v0;
	v18 =	vmov s31;
	v7 =	vld.idx.msk [tilespmem:v23+s10+$0x0], $0xffff  }
0x452: {  	v18 =	vmul.u32 $0x11, v18;
	v17 =	vmul.u32 $0x11, v15;
	v15 =	vbroadcast v12, $0x0;
	v3 =	vld.idx.msk [tilespmem:v3+s10+$0x0], $0xffff  }
0x453: {  	v45 =	vadd.s32 v61, v0;
	v4 =	vld.idx.msk [tilespmem:v4+s10+$0x0], $0xffff  }
0x454: {  	v2 =	vbroadcast v18, $0x0;
	v11 =	vld.idx.msk [tilespmem:v24+s10+$0x0], $0xffff;
	v47 =	vadd.s32 v34, v15  }
0x455: {  	v13 =	vld.idx.msk [tilespmem:v25+s10+$0x0], $0xffff;
	v21 =	vadd.s32 v35, v15  }
0x456: {  	v14 =	vld.idx.msk [tilespmem:v14+s10+$0x0], $0xffff;
	v23 =	vadd.s32 v34, v2  }
0x457: {  	v16 =	vld.idx.msk [tilespmem:v16+s10+$0x0], $0xffff;
	v24 =	vadd.s32 v35, v2  }
0x458: {  	v12 =	vld.idx.msk [tilespmem:v45+s10+$0x0], $0xffff;
	v25 =	vadd.s32 v36, v15  }
0x459: {  	v1 =	vbroadcast v17, $0x0;
	v27 =	vadd.s32 v36, v2;
	v17 =	vld.idx.msk [tilespmem:v47+s10+$0x0], $0xffff  }
0x45a: {  	v50 =	vadd.s32 v55, v15;
	v21 =	vld.idx.msk [tilespmem:v21+s10+$0x0], $0xffff  }
0x45b: {  	v48 =	vadd.s32 v34, v1;
	v23 =	vld.idx.msk [tilespmem:v23+s10+$0x0], $0xffff  }
0x45c: {  	v22 =	vadd.s32 v35, v1;
	v24 =	vld.idx.msk [tilespmem:v24+s10+$0x0], $0xffff  }
0x45d: {  	v5 =	vadd.s32 v33, v0;
	v25 =	vld.idx.msk [tilespmem:v25+s10+$0x0], $0xffff  }
0x45e: {  	v8 =	vadd.s32 v39, v0;
	v27 =	vld.idx.msk [tilespmem:v27+s10+$0x0], $0xffff  }
0x45f: {  	v9 =	vadd.s32 v42, v0;
	v19 =	vld.idx.msk [tilespmem:v50+s10+$0x0], $0xffff  }
0x460: {  	v10 =	vadd.s32 v40, v0;
	v18 =	vld.idx.msk [tilespmem:v48+s10+$0x0], $0xffff  }
0x461: {  	v26 =	vadd.s32 v41, v0;
	v22 =	vld.idx.msk [tilespmem:v22+s10+$0x0], $0xffff  }
0x462: {  	v44 =	vadd.s32 v43, v0;
	v5 =	vld.idx.msk [tilespmem:v5+s10+$0x0], $0xffff  }
0x463: {  	v0 =	vadd.s32 v63, v0;
	v8 =	vld.idx.msk [tilespmem:v8+s10+$0x0], $0xffff  }
0x464: {  	v6 =	vadd.s32 v6, v7;
	v7 =	vadd.s32 v62, v15;
	v9 =	vld.idx.msk [tilespmem:v9+s10+$0x0], $0xffff  }
0x465: {  	v3 =	vadd.s32 v3, v6;
	v6 =	vadd.s32 v62, v1;
	v10 =	vld.idx.msk [tilespmem:v10+s10+$0x0], $0xffff  }
0x466: {  	v3 =	vadd.s32 v4, v3;
	v4 =	vadd.s32 v62, v2;
	v46 =	vld.idx.msk [tilespmem:v26+s10+$0x0], $0xffff  }
0x467: {  	v20 =	vld.idx.msk [tilespmem:v44+s10+$0x0], $0xffff;
	v26 =	vadd.s32 v36, v1  }
0x468: {  	v57 =	vadd.s32 v42, v1;
	v0 =	vld.idx.msk [tilespmem:v0+s10+$0x0], $0xffff  }
0x469: {  	v49 =	vadd.s32 v33, v2;
	v7 =	vld.idx.msk [tilespmem:v7+s10+$0x0], $0xffff  }
0x46a: {  	v6 =	vld.idx.msk [tilespmem:v6+s10+$0x0], $0xffff;
	v3 =	vadd.s32 v5, v3;
	v5 =	vadd.s32 v33, v15  }
0x46b: {  	v4 =	vld.idx.msk [tilespmem:v4+s10+$0x0], $0xffff;
	v3 =	vadd.s32 v11, v3;
	v11 =	vadd.s32 v33, v1  }
0x46c: {  	v51 =	vadd.s32 v55, v1;
	v26 =	vld.idx.msk [tilespmem:v26+s10+$0x0], $0xffff;
	v3 =	vadd.s32 v13, v3  }
0x46d: {  	v33 =	vld.idx.msk [tilespmem:v57+s10+$0x0], $0xffff;
	v3 =	vadd.s32 v8, v3;
	v8 =	vadd.s32 v38, v15  }
0x46e: {  	v52 =	vadd.s32 v55, v2;
	v13 =	vld.idx.msk [tilespmem:v49+s10+$0x0], $0xffff;
	v3 =	vadd.s32 v9, v3  }
0x46f: {  	v9 =	vadd.s32 v38, v1;
	v3 =	vadd.s32 v10, v3;
	v5 =	vld.idx.msk [tilespmem:v5+s10+$0x0], $0xffff  }
0x470: {  	v53 =	vadd.s32 v39, v15;
	v54 =	vadd.s32 v39, v1;
	v3 =	vadd.s32 v46, v3;
	v11 =	vld.idx.msk [tilespmem:v11+s10+$0x0], $0xffff  }
0x471: {  	v56 =	vadd.s32 v42, v15;
	v10 =	vadd.s32 v38, v2;
	v3 =	vadd.s32 v20, v3;
	v20 =	vld.idx.msk [tilespmem:v51+s10+$0x0], $0xffff  }
0x472: {  	v59 =	vadd.s32 v42, v2;
	v60 =	vadd.s32 v40, v15;
	v32 =	vadd.s32 v40, v1;
	v8 =	vld.idx.msk [tilespmem:v8+s10+$0x0], $0xffff  }
0x473: {  	v17 =	vadd.s32 v17, v21;
	v58 =	vadd.s32 v23, v24;
	v3 =	vadd.s32 v14, v3;
	v14 =	vld.idx.msk [tilespmem:v52+s10+$0x0], $0xffff  }
0x474: {  	v17 =	vadd.s32 v25, v17;
	v18 =	vadd.s32 v18, v22;
	v22 =	vadd.s32 v27, v58;
	v9 =	vld.idx.msk [tilespmem:v9+s10+$0x0], $0xffff  }
0x475: {  	v4 =	vadd.s32 v4, v22;
	v18 =	vadd.s32 v26, v18;
	v3 =	vadd.s32 v16, v3;
	v16 =	vld.idx.msk [tilespmem:v53+s10+$0x0], $0xffff  }
0x476: {  	v7 =	vadd.s32 v7, v17;
	v6 =	vadd.s32 v6, v18;
	v4 =	vadd.s32 v13, v4;
	v10 =	vld.idx.msk [tilespmem:v10+s10+$0x0], $0xffff  }
0x477: {  	v3 =	vadd.s32 v12, v3;
	v12 =	vld.idx.msk [tilespmem:v54+s10+$0x0], $0xffff;
	v5 =	vadd.s32 v5, v7;
	v7 =	vadd.s32 v40, v2  }
0x478: {  	v40 =	vadd.s32 v43, v15;
	v0 =	vadd.s32 v0, v3;
	v3 =	vadd.s32 v39, v2;
	v39 =	vld.idx.msk [tilespmem:v60+s10+$0x0], $0xffff  }
0x479: {  	v6 =	vadd.s32 v11, v6;
	v11 =	vadd.s32 v41, v15;
	[tilespmem:s19+$0x10] =	vst v0;
	v0 =	vld.idx.msk [tilespmem:v56+s10+$0x0], $0xffff  }
0x47a: {  	v56 =	vadd.s32 v43, v2;
	v5 =	vadd.s32 v8, v5;
	v6 =	vadd.s32 v9, v6;
	v9 =	vld.idx.msk [tilespmem:v59+s10+$0x0], $0xffff  }
0x47b: {  	v8 =	vadd.s32 v41, v1;
	v4 =	vadd.s32 v10, v4;
	v10 =	vadd.s32 v41, v2;
	v41 =	vld.idx.msk [tilespmem:v32+s10+$0x0], $0xffff  }
0x47c: {  	v45 =	vadd.s32 v30, v2;
	v50 =	vadd.s32 v28, v2;
	v58 =	vld.idx.msk [tilespmem:v7+s10+$0x0], $0xffff  }
0x47d: {  	v47 =	vadd.s32 v61, v1;
	v48 =	vadd.s32 v61, v15;
	v57 =	vadd.s32 v43, v1;
	v3 =	vld.idx.msk [tilespmem:v3+s10+$0x0], $0xffff  }
0x47e: {  	v5 =	vadd.s32 v19, v5;
	v59 =	vadd.s32 v28, v15;
	v6 =	vadd.s32 v20, v6;
	v7 =	vld.idx.msk [tilespmem:v40+s10+$0x0], $0xffff  }
0x47f: {  	v44 =	vadd.s32 v63, v1;
	v5 =	vadd.s32 v16, v5;
	v6 =	vadd.s32 v12, v6;
	v60 =	vld.idx.msk [tilespmem:v11+s10+$0x0], $0xffff  }
0x480: {  	v51 =	vadd.s32 v28, v1;
	v0 =	vadd.s32 v0, v5;
	v5 =	vadd.s32 v33, v6;
	v6 =	vld.idx.msk [tilespmem:v56+s10+$0x0], $0xffff  }
0x481: {  	v49 =	vadd.s32 v30, v15;
	v46 =	vadd.s32 v61, v2;
	v4 =	vadd.s32 v14, v4;
	v8 =	vld.idx.msk [tilespmem:v8+s10+$0x0], $0xffff  }
0x482: {  	v52 =	vadd.s32 v30, v1;
	v11 =	vadd.s32 v41, v5;
	v5 =	vld.idx.msk [tilespmem:v57+s10+$0x0], $0xffff;
	v3 =	vadd.s32 v3, v4  }
0x483: {  	v43 =	vadd.s32 v63, v15;
	v0 =	vadd.s32 v39, v0;
	v57 =	vld.idx.msk [tilespmem:v59+s10+$0x0], $0xffff;
	v3 =	vadd.s32 v9, v3  }
0x484: {  	s21 =	simm.s32 $0x0;
	s22 =	simm.s32 $0x40;
	s20 =	simm.s32 $0x11120;
	v41 =	vadd.s32 v63, v2;
	v4 =	vld.idx.msk [tilespmem:v10+s10+$0x0], $0xffff;
	v10 =	vadd.s32 v60, v0;
	v9 =	vadd.s32 v58, v3  }
.LBB2_25:
0x485: {  	v2 =	vld.idx.msk [tilespmem:v51+s10+$0x0], $0xffff  }
0x486: {  	v32 =	vld.idx.msk [tilespmem:v45+s10+$0x0], $0xffff  }
0x487: {  	v33 =	vld.idx.msk [tilespmem:v48+s10+$0x0], $0xffff  }
0x488: {  	v40 =	vld.idx.msk [tilespmem:v47+s10+$0x0], $0xffff  }
0x489: {  	v27 =	vld.idx.msk [tilespmem:v43+s10+$0x0], $0xffff  }
0x48a: {  	v25 =	vld.idx.msk [tilespmem:v44+s10+$0x0], $0xffff  }
0x48b: {  	s24 =	sadd.s32 $0x20, s22;
	s25 =	sadd.s32 $0x30, s22;
	v47 =	vld [tilespmem:$0x1FDF0]  }
0x48c: {  	v15 =	vld.idx.msk [tilespmem:v41+s10+$0x0], $0xffff;
	v3 =	vmov s24;
	v1 =	vadd.s32 v8, v11;
	v8 =	vmov s25  }
0x48d: {  	v0 =	vmov s22;
	v3 =	vmul.u32 $0x11, v3;
	v11 =	vld.idx.msk [tilespmem:v50+s10+$0x0], $0xffff;
	v8 =	vmul.u32 $0x11, v8  }
0x48e: {  	v48 =	vld [tilespmem:$0x1FF80];
	v0 =	vmul.u32 $0x11, v0;
	v4 =	vadd.s32 v4, v9  }
0x48f: {  	s23 =	sadd.s32 $0x10, s22;
	v7 =	vadd.s32 v7, v10;
	v12 =	vbroadcast v3, $0x0;
	v3 =	vld [tilespmem:$0x1FFA0];
	[tilespmem:$0x1FAB0] =	vst v2;
	v9 =	vbroadcast v8, $0x0  }
0x490: {  	v26 =	vmov s23;
	v10 =	vbroadcast v0, $0x0;
	[tilespmem:$0x1FAA0] =	vst v7;
	v7 =	vld.idx.msk [tilespmem:v52+s10+$0x0], $0xffff  }
0x491: {  	v50 =	vld [tilespmem:$0x1FF70];
	[tilespmem:$0x1FAE0] =	vst v32;
	v53 =	vadd.s32 v5, v1;
	v58 =	vadd.s32 v6, v4;
	v39 =	vadd.s32 v34, v9  }
0x492: {  	v2 =	vmul.u32 $0x11, v26;
	v16 =	vadd.s32 v34, v12;
	[tilespmem:$0x1FAC0] =	vst v11;
	v11 =	vld.idx.msk [tilespmem:v49+s10+$0x0], $0xffff;
	v45 =	vadd.s32 v35, v9  }
0x493: {  	v0 =	vld [tilespmem:$0x1FFB0];
	[tilespmem:$0x1FB00] =	vst v33;
	v17 =	vadd.s32 v35, v12;
	v18 =	vadd.s32 v34, v10;
	v5 =	vadd.s32 v36, v9  }
0x494: {  	v26 =	vld.idx.msk [tilespmem:v46+s10+$0x0], $0xffff;
	v19 =	vadd.s32 v35, v10;
	v22 =	vadd.s32 v62, v10;
	v21 =	vadd.s32 v62, v9  }
0x495: {  	[tilespmem:$0x1FB10] =	vst v40;
	v1 =	vld [tilespmem:$0x1FFC0];
	v14 =	vadd.s32 v62, v12;
	v33 =	vadd.s32 v47, v12;
	v29 =	vadd.s32 v38, v9  }
0x496: {  	v60 =	vadd.s32 v38, v10;
	v59 =	vadd.s32 v55, v12;
	v23 =	vadd.s32 v47, v9;
	v24 =	vld.idx.msk [tilespmem:v39+s10+$0x0], $0xffff  }
0x497: {  	v51 =	vadd.s32 v48, v10;
	v49 =	vadd.s32 v42, v9;
	[tilespmem:$0x1FAD0] =	vst v11;
	v11 =	vbroadcast v2, $0x0;
	v2 =	vld.idx.msk [tilespmem:v45+s10+$0x0], $0xffff  }
0x498: {  	v8 =	vadd.s32 v36, v12;
	v31 =	vadd.s32 v55, v9;
	v32 =	vadd.s32 v48, v9;
	v5 =	vld.idx.msk [tilespmem:v5+s10+$0x0], $0xffff  }
0x499: {  	v40 =	vadd.s32 v3, v9;
	v43 =	vadd.s32 v0, v9;
	[tilespmem:$0x1FAF0] =	vst v7;
	v21 =	vld.idx.msk [tilespmem:v21+s10+$0x0], $0xffff  }
0x49a: {  	v7 =	vadd.s32 v36, v10;
	v56 =	vadd.s32 v1, v9;
	v39 =	vadd.s32 v38, v12;
	v41 =	vld.idx.msk [tilespmem:v29+s10+$0x0], $0xffff  }
0x49b: {  	v45 =	vadd.s32 v28, v9;
	v52 =	vadd.s32 v35, v11;
	v35 =	vadd.s32 v38, v11;
	v38 =	vld.idx.msk [tilespmem:v23+s10+$0x0], $0xffff  }
0x49c: {  	v46 =	vld.idx.msk [tilespmem:v49+s10+$0x0], $0xffff;
	v49 =	vadd.s32 v61, v9;
	v4 =	vadd.s32 v34, v11;
	v6 =	vadd.s32 v36, v11  }
0x49d: {  	v31 =	vld.idx.msk [tilespmem:v31+s10+$0x0], $0xffff;
	v13 =	vadd.s32 v62, v11;
	v20 =	vadd.s32 v47, v11;
	v2 =	vadd.s32 v24, v2  }
0x49e: {  	v32 =	vld.idx.msk [tilespmem:v32+s10+$0x0], $0xffff;
	v34 =	vadd.s32 v47, v10;
	v54 =	vadd.s32 v55, v11;
	v2 =	vadd.s32 v5, v2  }
0x49f: {  	[tilespmem:$0x1FB20] =	vst v51;
	v55 =	vadd.s32 v50, v10;
	v47 =	vadd.s32 v30, v9;
	v5 =	vadd.s32 v21, v2  }
0x4a0: {  	v62 =	vadd.s32 v48, v11;
	v23 =	vadd.s32 v48, v12;
	v48 =	vld.idx.msk [tilespmem:v40+s10+$0x0], $0xffff;
	v5 =	vadd.s32 v38, v5  }
0x4a1: {  	v43 =	vld.idx.msk [tilespmem:v43+s10+$0x0], $0xffff;
	v29 =	vadd.s32 v42, v11;
	v50 =	vadd.s32 v63, v9;
	v51 =	vadd.s32 v41, v5  }
0x4a2: {  	v36 =	vadd.s32 v3, v10;
	v9 =	vadd.s32 v3, v12;
	v41 =	vld.idx.msk [tilespmem:v56+s10+$0x0], $0xffff;
	v56 =	vadd.s32 v31, v51  }
0x4a3: {  	[tilespmem:$0x1FB30] =	vst v29;
	v29 =	vadd.s32 v42, v10;
	v44 =	vld.idx.msk [tilespmem:v45+s10+$0x0], $0xffff;
	v32 =	vadd.s32 v32, v56  }
0x4a4: {  	v24 =	vadd.s32 v42, v12;
	v2 =	vadd.s32 v3, v11;
	v3 =	vld.idx.msk [tilespmem:v47+s10+$0x0], $0xffff;
	v42 =	vadd.s32 v46, v32  }
0x4a5: {  	v16 =	vld.idx.msk [tilespmem:v16+s10+$0x0], $0xffff;
	v45 =	vadd.s32 v48, v42  }
0x4a6: {  	v7 =	vld.idx.msk [tilespmem:v7+s10+$0x0], $0xffff;
	v40 =	vadd.s32 v0, v12;
	v21 =	vadd.s32 v0, v10;
	v43 =	vadd.s32 v43, v45  }
0x4a7: {  	v5 =	vadd.s32 v0, v11;
	v0 =	vld.idx.msk [tilespmem:v49+s10+$0x0], $0xffff;
	v56 =	vadd.s32 v1, v10;
	v41 =	vadd.s32 v41, v43  }
0x4a8: {  	v46 =	vadd.s32 v61, v10;
	v42 =	vld.idx.msk [tilespmem:v50+s10+$0x0], $0xffff;
	v50 =	vadd.s32 v28, v10;
	v41 =	vadd.s32 v44, v41  }
0x4a9: {  	v45 =	vadd.s32 v30, v10;
	v3 =	vadd.s32 v3, v41;
	v41 =	vadd.s32 v63, v10;
	v10 =	vld [tilespmem:$0x1FAA0]  }
0x4aa: {  	v4 =	vld.idx.msk [tilespmem:v4+s10+$0x0], $0xffff  }
0x4ab: {  	v6 =	vld.idx.msk [tilespmem:v6+s10+$0x0], $0xffff  }
0x4ac: {  	v38 =	vadd.s32 v1, v12;
	v31 =	vadd.s32 v1, v11;
	v1 =	vld.idx.msk [tilespmem:v52+s10+$0x0], $0xffff  }
0x4ad: {  	v0 =	vadd.s32 v0, v3;
	v3 =	vld.idx.msk [tilespmem:v19+s10+$0x0], $0xffff  }
0x4ae: {  	v10 =	vadd.s32 v57, v10;
	v57 =	vld [tilespmem:$0x1FAC0]  }
0x4af: {  	v49 =	vadd.s32 v30, v11;
	v19 =	vld [tilespmem:$0x1FAB0]  }
0x4b0: {  	v32 =	vadd.s32 v28, v11;
	v48 =	vadd.s32 v61, v11;
	v43 =	vadd.s32 v63, v11;
	v11 =	vld.idx.msk [tilespmem:v17+s10+$0x0], $0xffff  }
0x4b1: {  	v1 =	vadd.s32 v4, v1;
	v4 =	vld.idx.msk [tilespmem:v8+s10+$0x0], $0xffff  }
0x4b2: {  	s19 =	sadd.s32 $0x40, s19;
	v8 =	vld [tilespmem:$0x1FAE0];
	v0 =	vadd.s32 v42, v0  }
0x4b3: {  	v47 =	vadd.s32 v61, v12;
	v51 =	vadd.s32 v28, v12;
	[tilespmem:s19+$0x10] =	vst v0;
	v0 =	vadd.s32 v57, v58;
	v58 =	vld [tilespmem:$0x1FAD0]  }
0x4b4: {  	v52 =	vadd.s32 v30, v12;
	v44 =	vadd.s32 v63, v12;
	v12 =	vadd.s32 v19, v53;
	v19 =	vld [tilespmem:$0x1FB00]  }
0x4b5: {  	v17 =	vld.idx.msk [tilespmem:v18+s10+$0x0], $0xffff  }
0x4b6: {  	v42 =	vld [tilespmem:$0x1FF90]  }
0x4b7: {  	v0 =	vadd.s32 v8, v0;
	v8 =	vld [tilespmem:$0x1FAF0]  }
0x4b8: {  	v0 =	vadd.s32 v26, v0;
	v26 =	vld [tilespmem:$0x1FB10];
	v10 =	vadd.s32 v58, v10  }
0x4b9: {  	v53 =	vld.idx.msk [tilespmem:v13+s10+$0x0], $0xffff;
	v10 =	vadd.s32 v19, v10  }
0x4ba: {  	v57 =	vld.idx.msk [tilespmem:v14+s10+$0x0], $0xffff;
	v10 =	vadd.s32 v27, v10  }
0x4bb: {  	v1 =	vadd.s32 v6, v1;
	v0 =	vadd.s32 v15, v0;
	[tilespmem:s20+$0xFFFFFFF0] =	vst v10;
	v10 =	vld.idx.msk [tilespmem:v22+s10+$0x0], $0xffff  }
0x4bc: {  	v3 =	vadd.s32 v17, v3;
	v8 =	vadd.s32 v8, v12;
	[tilespmem:s20+$0xFFFFFFE0] =	vst v0;
	v6 =	vld.idx.msk [tilespmem:v20+s10+$0x0], $0xffff  }
0x4bd: {  	v3 =	vadd.s32 v7, v3;
	v8 =	vadd.s32 v26, v8;
	v7 =	vld.idx.msk [tilespmem:v34+s10+$0x0], $0xffff  }
0x4be: {  	v8 =	vadd.s32 v25, v8;
	v34 =	vld [tilespmem:$0x1FF20]  }
0x4bf: {  	[tilespmem:s20+$0x0] =	vst v8;
	v8 =	vld.idx.msk [tilespmem:v35+s10+$0x0], $0xffff  }
0x4c0: {  	v11 =	vadd.s32 v16, v11;
	v35 =	vld [tilespmem:$0x1FF30]  }
0x4c1: {  	v58 =	vadd.s32 v4, v11;
	v2 =	vld.idx.msk [tilespmem:v2+s10+$0x0], $0xffff  }
0x4c2: {  	v0 =	vadd.s32 v57, v58;
	v57 =	vld.idx.msk [tilespmem:v32+s10+$0x0], $0xffff  }
0x4c3: {  	v4 =	vld.idx.msk [tilespmem:v33+s10+$0x0], $0xffff  }
0x4c4: {  	v11 =	vld.idx.msk [tilespmem:v39+s10+$0x0], $0xffff  }
0x4c5: {  	v3 =	vadd.s32 v10, v3;
	v10 =	vld.idx.msk [tilespmem:v60+s10+$0x0], $0xffff  }
0x4c6: {  	v1 =	vadd.s32 v53, v1;
	v9 =	vld.idx.msk [tilespmem:v9+s10+$0x0], $0xffff  }
0x4c7: {  	v1 =	vadd.s32 v6, v1;
	v6 =	vld.idx.msk [tilespmem:v54+s10+$0x0], $0xffff  }
0x4c8: {  	v3 =	vadd.s32 v7, v3;
	v7 =	vld.idx.msk [tilespmem:v55+s10+$0x0], $0xffff  }
0x4c9: {  	v55 =	vld [tilespmem:$0x1FF70]  }
0x4ca: {  	v3 =	vadd.s32 v10, v3;
	v10 =	vld [tilespmem:$0x1FB20]  }
0x4cb: {  	v0 =	vadd.s32 v4, v0;
	v4 =	vld.idx.msk [tilespmem:v59+s10+$0x0], $0xffff  }
0x4cc: {  	v1 =	vadd.s32 v8, v1;
	v8 =	vld.idx.msk [tilespmem:v62+s10+$0x0], $0xffff  }
0x4cd: {  	v1 =	vadd.s32 v6, v1;
	v6 =	vld [tilespmem:$0x1FB30]  }
0x4ce: {  	v59 =	vld.idx.msk [tilespmem:v5+s10+$0x0], $0xffff  }
0x4cf: {  	v5 =	vld.idx.msk [tilespmem:v38+s10+$0x0], $0xffff  }
0x4d0: {  	v38 =	vld [tilespmem:$0x1FF60]  }
0x4d1: {  	v62 =	vld [tilespmem:$0x1FF50]  }
0x4d2: {  	v10 =	vld.idx.msk [tilespmem:v10+s10+$0x0], $0xffff  }
0x4d3: {  	v0 =	vadd.s32 v11, v0;
	v11 =	vld.idx.msk [tilespmem:v23+s10+$0x0], $0xffff  }
0x4d4: {  	v0 =	vadd.s32 v4, v0;
	v4 =	vld.idx.msk [tilespmem:v24+s10+$0x0], $0xffff  }
0x4d5: {  	v6 =	vld.idx.msk [tilespmem:v6+s10+$0x0], $0xffff  }
0x4d6: {  	s21 =	sadd.s32 $0x4, s21;
	v3 =	vadd.s32 v7, v3;
	v7 =	vld.idx.msk [tilespmem:v29+s10+$0x0], $0xffff  }
0x4d7: {  	p0 =	slt.u32 s21, $0xC;
	v3 =	vadd.s32 v10, v3;
	v10 =	vld.idx.msk [tilespmem:v36+s10+$0x0], $0xffff  }
.Ltmp11:
0x4d8: {  	v1 =	vadd.s32 v8, v1;
	v8 =	vld.idx.msk [tilespmem:v40+s10+$0x0], $0xffff;
	v0 =	vadd.s32 v11, v0;
	(pc) =	sbr.rel @p0 .LBB2_25-.Ltmp11, $4  }
0x4d9: {  	v0 =	vadd.s32 v4, v0;
	v4 =	vld.idx.msk [tilespmem:v21+s10+$0x0], $0xffff  }
0x4da: {  	v36 =	vld [tilespmem:$0x1FF40];
	v1 =	vadd.s32 v6, v1  }
0x4db: {  	v3 =	vadd.s32 v7, v3;
	v7 =	vld.idx.msk [tilespmem:v31+s10+$0x0], $0xffff;
	v1 =	vadd.s32 v2, v1  }
0x4dc: {  	s22 =	sadd.s32 $0x40, s22;
	s20 =	smov.u32 s19;
	v11 =	vadd.s32 v9, v0;
	v6 =	vld.idx.msk [tilespmem:v56+s10+$0x0], $0xffff;
	v9 =	vadd.s32 v10, v3;
	v10 =	vadd.s32 v59, v1  }
0x4dd: {  	_ =	sdelay $0x3  }
0x4de: {  	v0 =	vld.idx.msk [tilespmem:v51+s10+$0x0], $0xffff  }
0x4df: {  	v1 =	vld.idx.msk [tilespmem:v50+s10+$0x0], $0xffff  }
0x4e0: {  	v2 =	vld.idx.msk [tilespmem:v49+s10+$0x0], $0xffff  }
0x4e1: {  	v3 =	vld.idx.msk [tilespmem:v52+s10+$0x0], $0xffff  }
0x4e2: {  	v12 =	vld.idx.msk [tilespmem:v45+s10+$0x0], $0xffff  }
0x4e3: {  	v13 =	vld.idx.msk [tilespmem:v48+s10+$0x0], $0xffff  }
0x4e4: {  	v14 =	vld.idx.msk [tilespmem:v47+s10+$0x0], $0xffff  }
0x4e5: {  	v15 =	vld.idx.msk [tilespmem:v46+s10+$0x0], $0xffff  }
0x4e6: {  	v16 =	vld.idx.msk [tilespmem:v43+s10+$0x0], $0xffff  }
0x4e7: {  	v8 =	vadd.s32 v8, v11;
	v61 =	vld.idx.msk [tilespmem:v44+s10+$0x0], $0xffff;
	v7 =	vadd.s32 v7, v10  }
0x4e8: {  	v63 =	vld.idx.msk [tilespmem:v41+s10+$0x0], $0xffff;
	v4 =	vadd.s32 v4, v9;
	v5 =	vadd.s32 v5, v8;
	v7 =	vadd.s32 v57, v7  }
0x4e9: {  	v4 =	vadd.s32 v6, v4;
	v0 =	vadd.s32 v0, v5;
	v2 =	vadd.s32 v2, v7  }
0x4ea: {  	v1 =	vadd.s32 v1, v4;
	v0 =	vadd.s32 v3, v0;
	v2 =	vadd.s32 v13, v2  }
0x4eb: {  	v1 =	vadd.s32 v12, v1;
	v0 =	vadd.s32 v14, v0;
	v2 =	vadd.s32 v16, v2  }
0x4ec: {  	v1 =	vadd.s32 v15, v1;
	v0 =	vadd.s32 v61, v0;
	[tilespmem:s20+$0xFFFFFFF0] =	vst v2  }
0x4ed: {  	v1 =	vadd.s32 v63, v1;
	[tilespmem:s20+$0x0] =	vst v0  }
0x4ee: {  	[tilespmem:s20+$0xFFFFFFE0] =	vst v1  }
0x4ef: {  	v0 =	vld [tilespmem:$0x1FEF0]  }
0x4f0: {  	v1 =	vld [tilespmem:$0x1FE10]  }
0x4f1: {  	v2 =	vld [tilespmem:$0x1FE20]  }
0x4f2: {  	v3 =	vld [tilespmem:$0x1FE30]  }
0x4f3: {  	v4 =	vld [tilespmem:$0x1FE40]  }
0x4f4: {  	v5 =	vld [tilespmem:$0x1FE50];
	_ =	sdelay $0x2  }
0x4f5: {  	v0 =	vld.idx.msk [tilespmem:v0+s11+$0x0], $0xffff  }
0x4f6: {  	v1 =	vld.idx.msk [tilespmem:v1+s11+$0x0], $0xffff  }
0x4f7: {  	v2 =	vld.idx.msk [tilespmem:v2+s11+$0x0], $0xffff  }
0x4f8: {  	v3 =	vld.idx.msk [tilespmem:v3+s11+$0x0], $0xffff  }
0x4f9: {  	v4 =	vld.idx.msk [tilespmem:v4+s11+$0x0], $0xffff  }
0x4fa: {  	v5 =	vld.idx.msk [tilespmem:v5+s11+$0x0], $0xffff  }
0x4fb: {  	v0 =	vadd.s32 v0, v1;
	v1 =	vld [tilespmem:$0x1FE60]  }
0x4fc: {  	v0 =	vadd.s32 v2, v0;
	v2 =	vld [tilespmem:$0x1FE70]  }
0x4fd: {  	v0 =	vadd.s32 v3, v0;
	v3 =	vld [tilespmem:$0x1FE80]  }
0x4fe: {  	v0 =	vadd.s32 v4, v0;
	v4 =	vld [tilespmem:$0x1FE90]  }
0x4ff: {  	v0 =	vadd.s32 v5, v0;
	v5 =	vld [tilespmem:$0x1FEA0];
	_ =	sdelay $0x3  }
0x500: {  	v1 =	vld.idx.msk [tilespmem:v1+s11+$0x0], $0xffff  }
0x501: {  	v2 =	vld.idx.msk [tilespmem:v2+s11+$0x0], $0xffff  }
0x502: {  	v3 =	vld.idx.msk [tilespmem:v3+s11+$0x0], $0xffff  }
0x503: {  	v4 =	vld.idx.msk [tilespmem:v4+s11+$0x0], $0xffff  }
0x504: {  	v5 =	vld.idx.msk [tilespmem:v5+s11+$0x0], $0xffff  }
0x505: {  	v0 =	vadd.s32 v1, v0;
	v1 =	vld [tilespmem:$0x1FEB0]  }
0x506: {  	v0 =	vadd.s32 v2, v0;
	v2 =	vld [tilespmem:$0x1FEC0]  }
0x507: {  	v0 =	vadd.s32 v3, v0;
	v3 =	vld [tilespmem:$0x1FED0]  }
0x508: {  	v0 =	vadd.s32 v4, v0;
	v4 =	vld [tilespmem:$0x1FEE0]  }
0x509: {  	v0 =	vadd.s32 v5, v0;
	v5 =	vld [tilespmem:$0x1FF00];
	_ =	sdelay $0x3  }
0x50a: {  	v1 =	vld.idx.msk [tilespmem:v1+s11+$0x0], $0xffff  }
0x50b: {  	v2 =	vld.idx.msk [tilespmem:v2+s11+$0x0], $0xffff  }
0x50c: {  	v3 =	vld.idx.msk [tilespmem:v3+s11+$0x0], $0xffff  }
0x50d: {  	v4 =	vld.idx.msk [tilespmem:v4+s11+$0x0], $0xffff  }
0x50e: {  	v5 =	vld.idx.msk [tilespmem:v5+s11+$0x0], $0xffff  }
0x50f: {  	v0 =	vadd.s32 v1, v0  }
0x510: {  	v0 =	vadd.s32 v2, v0  }
0x511: {  	v0 =	vadd.s32 v3, v0  }
0x512: {  	v0 =	vadd.s32 v4, v0  }
0x513: {  	v0 =	vadd.s32 v5, v0  }
0x514: {  	(xrf0) =	vadd.scan.msk.s32 $0xffff, v0;
	_ =	sdelay $0x2  }
0x515: {  	v2 =	vimm.s32 $0xF;
	_ =	sdelay $0x2  }
0x516: {  	v1, _, _ =	vpop (xrf0)  }
0x517: {  	[tilespmem:$0x11200] =	vst v1  }
0x518: {  	v2 =	vld.idx.msk [tilespmem:v2+s12+$0x0], $0xffff;
	_ =	sdelay $0x2  }
0x519: {  	v3 =	vld [tilespmem:$0x1FB50]  }
0x51a: {  	v4 =	vld [tilespmem:$0x1FB60]  }
0x51b: {  	v2 =	vsub.s32 v2, v1;
	v1 =	vld [tilespmem:$0x1FB40];
	_ =	sdelay $0x3  }
0x51c: {  	v3 =	vsub.s32 v4, v3  }
0x51d: {  	v5 =	vld [tilespmem:$0x1FF10];
	v1 =	vadd.s32 v1, v3;
	v3 =	vadd.s32 v0, v2  }
0x51e: {  	vm0 =	vge.s32 v3, v1  }
0x51f: {  	v4 =	vmpcnt.ones.xlane vm0;
	_ =	sdelay $0x1  }
0x520: {  	v2 =	vshll.u32 v4, $0x4  }
0x521: {  	v5 =	vadd.s32 v5, v2;
	_ =	sdelay $0x2  }
0x522: {  	[tilespmem:$0x11220] =	vst v0  }
0x523: {  	[tilespmem:$0x11210] =	vst v3  }
0x524: {  	v0 =	vld.idx.msk [tilespmem:v5+s11+$0x0], $0xffff;
	_ =	sdelay $0x1  }
0x525: {  	v3 =	vadd.s32 $0xF, v4;
	_ =	sdelay $0x2  }
0x526: {  	(xrf0) =	vadd.scan.msk.s32 $0xffff, v0;
	_ =	sdelay $0x1  }
0x527: {  	v3 =	vld.idx.msk [tilespmem:v3+s12+$0x0], $0xffff;
	_ =	sdelay $0x2  }
0x528: {  	p0 =	seq.s32 s18, $0x0  }
0x529: {  	p1 =	seq.s32 @!p0 s18, $0x2;
	v4, _, _ =	vpop (xrf0)  }
0x52a: {  	p1 =	por p0, !p1;
	v3 =	vsub.s32 v3, v4  }
.Ltmp12:
0x52b: {  	s21 =	sxor.u32 $0x1, s15;
	v4 =	vadd.s32 v0, v3;
	(pc) =	sbr.rel @!p1 .LBB2_28-.Ltmp12, $4  }
0x52c: {  	s19 =	sadd.s32 @!p0 $0x3, s21;
	[tilespmem:$0x11200] =	vst v4  }
0x52d: {  	_ =	swait.ge @!p0 [sflag:s19], $0x8000  }
0x52e: {  	[sflag:s19] =	ssyncset.done @!p0 $0x0  }
0x52f: {  	s20 =	sadd.s32 s5, s18;
	[sflag:s19] =	ssyncadd.s32 @!p0 $0xFFFF8000;
	s19 =	simm.s32 @!p0 $0x3  }
0x530: {  	s19 =	sadd.s32 $0x1, s20  }
0x531: {  	s22 =	sshll.u32 s19, $0x4  }
0x532: {  	s19 =	sshll.u32 s19, $0xC;
	s22 =	sand.u32 $0x70, s22  }
0x533: {  	s19 =	sand.u32 $0xFFF8000, s19;
	s22 =	sadd.s32 s1, s22  }
0x534: {  	s23 =	sshll.u32 s21, $0xF;
	s31 =	sadd.s32 $0x1, s21;
	s19 =	sadd.s32 s19, s22  }
0x535: {  	[tilespmem:s23], [sflag:s31] =	stream.strided.gather [hbm4b:s19+s8], $0x8000, s9, s8, $0x38;
	[tilespmem:$0x11280] =	vst v63  }
0x536: {  	s19 =	sadd.s32 @!p0 $0x1, s18  }
0x537: {  	s19 =	simm.s32 @p0 $0x1  }
.LBB2_28:
0x538: {  	vm0 =	vge.s32 v4, v1  }
0x539: {  	v0 =	vmpcnt.ones.xlane vm0;
	_ =	sdelay $0x1  }
0x53a: {  	v1 =	vld [tilespmem:s17+$0xFFFFFF80];
	v0 =	vadd.s32 v0, v2  }
0x53b: {  	v0 =	vadd.s32 $0xFFFFFFEF, v0  }
0x53c: {  	v2 =	vld [tilespmem:s17+$0xFFFFFF90];
	v0 =	vor.u32 v37, v0  }
0x53d: {  	v37 =	vadd.f32 $1.000000010e-07, v0  }
0x53e: {  	v0 =	vld [tilespmem:s17+$0xFFFFFFA0]  }
0x53f: {  	v1 =	vsub.f32 v1, v37  }
0x540: {  	v3 =	vld [tilespmem:s17+$0xFFFFFFB0]  }
0x541: {  	v4 =	vimm.f32 $0.0e+00;
	v2 =	vsub.f32 v2, v37;
	v1 =	vmax.f32 v1, $0.0e+00  }
0x542: {  	v1 =	vadd.f32 v1, v4;
	v4 =	vld [tilespmem:s17+$0xFFFFFFC0]  }
0x543: {  	v2 =	vmax.f32 v2, $0.0e+00;
	v0 =	vsub.f32 v0, v37  }
0x544: {  	v1 =	vadd.f32 v2, v1;
	v2 =	vld [tilespmem:s17+$0xFFFFFFD0]  }
0x545: {  	v3 =	vsub.f32 v3, v37;
	v0 =	vmax.f32 v0, $0.0e+00  }
0x546: {  	v0 =	vadd.f32 v0, v1;
	v1 =	vld [tilespmem:s17+$0xFFFFFFE0]  }
0x547: {  	v3 =	vmax.f32 v3, $0.0e+00;
	v4 =	vsub.f32 v4, v37  }
0x548: {  	v0 =	vadd.f32 v3, v0;
	v3 =	vld [tilespmem:s17+$0xFFFFFFF0]  }
0x549: {  	v4 =	vmax.f32 v4, $0.0e+00;
	v2 =	vsub.f32 v2, v37  }
0x54a: {  	v0 =	vadd.f32 v4, v0;
	v4 =	vld [tilespmem:s17+$0x0]  }
0x54b: {  	v2 =	vmax.f32 v2, $0.0e+00;
	v1 =	vsub.f32 v1, v37  }
0x54c: {  	v0 =	vadd.f32 v2, v0;
	v2 =	vld [tilespmem:s17+$0x10]  }
0x54d: {  	v1 =	vmax.f32 v1, $0.0e+00;
	v3 =	vsub.f32 v3, v37  }
0x54e: {  	v0 =	vadd.f32 v1, v0;
	v1 =	vld [tilespmem:s17+$0x20]  }
0x54f: {  	v3 =	vmax.f32 v3, $0.0e+00;
	v4 =	vsub.f32 v4, v37  }
0x550: {  	v0 =	vadd.f32 v3, v0;
	v3 =	vld [tilespmem:s17+$0x30]  }
0x551: {  	v4 =	vmax.f32 v4, $0.0e+00;
	v2 =	vsub.f32 v2, v37  }
0x552: {  	v5 =	vld [tilespmem:s17+$0x40];
	v0 =	vadd.f32 v4, v0  }
0x553: {  	v2 =	vmax.f32 v2, $0.0e+00;
	v1 =	vsub.f32 v1, v37  }
0x554: {  	v7 =	vld [tilespmem:s17+$0x50];
	v0 =	vadd.f32 v2, v0  }
0x555: {  	v60 =	vld [tilespmem:$0x1FFD0];
	v1 =	vmax.f32 v1, $0.0e+00;
	v2 =	vsub.f32 v3, v37  }
0x556: {  	v0 =	vadd.f32 v1, v0;
	v1 =	vld [tilespmem:s17+$0x60]  }
0x557: {  	v61 =	vld [tilespmem:$0x1FFE0];
	v3 =	vsub.f32 v5, v37;
	v2 =	vmax.f32 v2, $0.0e+00  }
0x558: {  	s18 =	sshll.u32 s20, $0xC;
	s31 =	sshll.u32 s20, $0x4;
	s21 =	simm.s32 $0x0;
	v16 =	vlaneseq.u32;
	v4 =	vadd.f32 v2, v0;
	v2 =	vld [tilespmem:s17+$0x70]  }
0x559: {  	s22 =	sadd.s32 $0x100, s17;
	v17 =	vimm.s32 $0x1;
	v49 =	vld [tilespmem:$0x1FFF0];
	s18 =	sand.u32 $0xFFF8000, s18;
	s20 =	sand.u32 $0x70, s31;
	v5 =	vsub.f32 v7, v37;
	v6 =	vmax.f32 v3, $0.0e+00  }
.LBB2_29:
0x55a: {  	v0 =	vld [tilespmem:s22+$0xFFFFFF80];
	s21 =	sadd.s32 $0x10, s21;
	v3 =	vadd.f32 v6, v4  }
0x55b: {  	p0 =	slt.u32 s21, $0x7F0;
	v4 =	vmax.f32 v5, $0.0e+00;
	v1 =	vsub.f32 v1, v37  }
0x55c: {  	v5 =	vld [tilespmem:s22+$0xFFFFFF90];
	v3 =	vadd.f32 v4, v3  }
0x55d: {  	v1 =	vmax.f32 v1, $0.0e+00;
	v2 =	vsub.f32 v2, v37  }
0x55e: {  	v4 =	vld [tilespmem:s22+$0xFFFFFFA0];
	v1 =	vadd.f32 v1, v3  }
0x55f: {  	v0 =	vsub.f32 v0, v37;
	v2 =	vmax.f32 v2, $0.0e+00  }
0x560: {  	v3 =	vld [tilespmem:s22+$0xFFFFFFB0];
	v1 =	vadd.f32 v2, v1  }
0x561: {  	v0 =	vmax.f32 v0, $0.0e+00;
	v2 =	vsub.f32 v5, v37  }
0x562: {  	v0 =	vadd.f32 v0, v1;
	v1 =	vld [tilespmem:s22+$0xFFFFFFC0]  }
0x563: {  	v2 =	vmax.f32 v2, $0.0e+00;
	v4 =	vsub.f32 v4, v37  }
0x564: {  	v0 =	vadd.f32 v2, v0;
	v2 =	vld [tilespmem:s22+$0xFFFFFFD0]  }
0x565: {  	v4 =	vmax.f32 v4, $0.0e+00;
	v3 =	vsub.f32 v3, v37  }
0x566: {  	v0 =	vadd.f32 v4, v0;
	v4 =	vld [tilespmem:s22+$0xFFFFFFE0]  }
0x567: {  	v3 =	vmax.f32 v3, $0.0e+00;
	v1 =	vsub.f32 v1, v37  }
0x568: {  	v0 =	vadd.f32 v3, v0;
	v3 =	vld [tilespmem:s22+$0xFFFFFFF0]  }
0x569: {  	v1 =	vmax.f32 v1, $0.0e+00;
	v2 =	vsub.f32 v2, v37  }
0x56a: {  	v0 =	vadd.f32 v1, v0;
	v1 =	vld [tilespmem:s22+$0x0]  }
0x56b: {  	v2 =	vmax.f32 v2, $0.0e+00;
	v4 =	vsub.f32 v4, v37  }
0x56c: {  	v0 =	vadd.f32 v2, v0;
	v2 =	vld [tilespmem:s22+$0x10]  }
0x56d: {  	v4 =	vmax.f32 v4, $0.0e+00;
	v3 =	vsub.f32 v3, v37  }
0x56e: {  	v0 =	vadd.f32 v4, v0;
	v4 =	vld [tilespmem:s22+$0x20]  }
0x56f: {  	v3 =	vmax.f32 v3, $0.0e+00;
	v1 =	vsub.f32 v1, v37  }
0x570: {  	v0 =	vadd.f32 v3, v0;
	v3 =	vld [tilespmem:s22+$0x30]  }
0x571: {  	v1 =	vmax.f32 v1, $0.0e+00;
	v2 =	vsub.f32 v2, v37  }
0x572: {  	v0 =	vadd.f32 v1, v0;
	v5 =	vld [tilespmem:s22+$0x40]  }
0x573: {  	v1 =	vmax.f32 v2, $0.0e+00;
	v2 =	vsub.f32 v4, v37  }
0x574: {  	v0 =	vadd.f32 v1, v0;
	v7 =	vld [tilespmem:s22+$0x50]  }
.Ltmp13:
0x575: {  	v1 =	vmax.f32 v2, $0.0e+00;
	v2 =	vsub.f32 v3, v37;
	(pc) =	sbr.rel @p0 .LBB2_29-.Ltmp13, $4  }
0x576: {  	v0 =	vadd.f32 v1, v0;
	v1 =	vld [tilespmem:s22+$0x60]  }
0x577: {  	v2 =	vmax.f32 v2, $0.0e+00;
	v3 =	vsub.f32 v5, v37  }
0x578: {  	v4 =	vadd.f32 v2, v0;
	v2 =	vld [tilespmem:s22+$0x70]  }
0x579: {  	s22 =	sadd.s32 $0x100, s22;
	v6 =	vmax.f32 v3, $0.0e+00;
	v5 =	vsub.f32 v7, v37  }
0x57a: {  	v0 =	vadd.f32 v6, v4  }
0x57b: {  	v3 =	vmax.f32 v5, $0.0e+00;
	v1 =	vsub.f32 v1, v37  }
0x57c: {  	v0 =	vadd.f32 v3, v0  }
0x57d: {  	v1 =	vmax.f32 v1, $0.0e+00;
	v2 =	vsub.f32 v2, v37  }
0x57e: {  	v0 =	vadd.f32 v1, v0  }
0x57f: {  	v1 =	vmax.f32 v2, $0.0e+00  }
0x580: {  	v0 =	vadd.f32 v1, v0;
	_ =	sdelay $0x1  }
0x581: {  	(xrf2) =	vadd.scan.msk.f32 $0xffff, v0;
	_ =	sdelay $0x9  }
0x582: {  	v0, _, _ =	vpop (xrf2)  }
0x583: {  	(v2sf) =	vpush v0, $0xF;
	_ =	sdelay $0xe  }
0x584: {  	s21 =	spop (v2sf)  }
0x585: {  	s21 =	sadd.f32 $1.000000010e-07, s21;
	_ =	sdelay $0x1  }
0x586: {  	v0 =	vmov s21  }
0x587: {  	(erf) = vrcp.f32 v0;
	_ =	sdelay $0x1  }
0x588: {  	v0 =	vld [tilespmem:s17+$0x70]  }
0x589: {  	v1 =	vld [tilespmem:s17+$0xFFFFFF90]  }
0x58a: {  	v2 =	vld [tilespmem:s17+$0xFFFFFFA0]  }
0x58b: {  	v3 =	vld [tilespmem:s17+$0xFFFFFFB0]  }
0x58c: {  	v4 =	vld [tilespmem:s17+$0xFFFFFFC0]  }
0x58d: {  	v5 =	vld [tilespmem:s17+$0xFFFFFFD0];
	v0 =	vsub.f32 v0, v37  }
0x58e: {  	v6 =	vld [tilespmem:s17+$0xFFFFFFE0];
	v1 =	vsub.f32 v1, v37  }
0x58f: {  	v7 =	vld [tilespmem:s17+$0xFFFFFFF0];
	v2 =	vsub.f32 v2, v37;
	v0 =	vmax.f32 v0, $0.0e+00;
	v38 =	vpop (erf)  }
0x590: {  	v8 =	vld [tilespmem:s17+$0x0];
	v3 =	vsub.f32 v3, v37;
	v1 =	vmax.f32 v1, $0.0e+00;
	v0 =	vmul.f32 v0, v38  }
0x591: {  	v9 =	vld [tilespmem:s17+$0x10];
	v4 =	vsub.f32 v4, v37;
	v2 =	vmax.f32 v2, $0.0e+00;
	v1 =	vmul.f32 v1, v38  }
0x592: {  	v10 =	vld [tilespmem:s17+$0x20];
	v5 =	vsub.f32 v5, v37;
	v3 =	vmax.f32 v3, $0.0e+00;
	v2 =	vmul.f32 v2, v38;
	[tilespmem:s17+$0x70] =	vst v0  }
0x593: {  	[tilespmem:s17+$0xFFFFFF90] =	vst v1;
	v0 =	vmul.f32 v3, v38;
	v3 =	vmax.f32 v4, $0.0e+00;
	v4 =	vsub.f32 v6, v37;
	v1 =	vld [tilespmem:s17+$0x30]  }
0x594: {  	v5 =	vmax.f32 v5, $0.0e+00;
	[tilespmem:s17+$0xFFFFFFA0] =	vst v2;
	v6 =	vsub.f32 v7, v37;
	v2 =	vld [tilespmem:s17+$0x40];
	v3 =	vmul.f32 v3, v38  }
0x595: {  	v11 =	vsub.f32 v8, v37;
	[tilespmem:s17+$0xFFFFFFB0] =	vst v0;
	v0 =	vmul.f32 v5, v38;
	v5 =	vmax.f32 v4, $0.0e+00;
	v4 =	vld [tilespmem:s17+$0x50]  }
0x596: {  	v8 =	vsub.f32 v9, v37;
	[tilespmem:s17+$0xFFFFFFC0] =	vst v3;
	v7 =	vmul.f32 v5, v38;
	v3 =	vmax.f32 v6, $0.0e+00;
	v5 =	vld [tilespmem:s17+$0x60]  }
0x597: {  	s22 =	sadd.s32 $0x100, s17;
	v10 =	vsub.f32 v10, v37;
	v11 =	vmax.f32 v11, $0.0e+00;
	s21 =	simm.s32 $0x0;
	v6 =	vld [tilespmem:s17+$0xFFFFFF80];
	[tilespmem:s17+$0xFFFFFFD0] =	vst v0;
	v9 =	vmul.f32 v3, v38  }
.LBB2_31:
0x598: {  	v0 =	vld [tilespmem:s22+$0x70];
	s21 =	sadd.s32 $0x10, s21;
	[tilespmem:s17+$0xFFFFFFE0] =	vst v7;
	v3 =	vmul.f32 v11, v38;
	v7 =	vmax.f32 v8, $0.0e+00;
	v1 =	vsub.f32 v1, v37  }
0x599: {  	v8 =	vld [tilespmem:s22+$0xFFFFFF90];
	p0 =	slt.u32 s21, $0x7F0;
	[tilespmem:s17+$0xFFFFFFF0] =	vst v9;
	v7 =	vmul.f32 v7, v38;
	v9 =	vmax.f32 v10, $0.0e+00;
	v2 =	vsub.f32 v2, v37  }
0x59a: {  	v10 =	vld [tilespmem:s22+$0xFFFFFFA0];
	[tilespmem:s17+$0x0] =	vst v3;
	v3 =	vmul.f32 v9, v38;
	v1 =	vmax.f32 v1, $0.0e+00;
	v4 =	vsub.f32 v4, v37  }
0x59b: {  	v9 =	vld [tilespmem:s22+$0xFFFFFFB0];
	[tilespmem:s17+$0x10] =	vst v7;
	v1 =	vmul.f32 v1, v38;
	v2 =	vmax.f32 v2, $0.0e+00;
	v5 =	vsub.f32 v5, v37  }
0x59c: {  	v7 =	vld [tilespmem:s22+$0xFFFFFFC0];
	v6 =	vsub.f32 v6, v37;
	[tilespmem:s17+$0x20] =	vst v3;
	v2 =	vmul.f32 v2, v38;
	v3 =	vmax.f32 v4, $0.0e+00  }
0x59d: {  	v4 =	vld [tilespmem:s22+$0xFFFFFFD0];
	v0 =	vsub.f32 v0, v37;
	[tilespmem:s17+$0x30] =	vst v1;
	v1 =	vmul.f32 v3, v38;
	v3 =	vmax.f32 v5, $0.0e+00  }
0x59e: {  	v5 =	vsub.f32 v8, v37;
	v8 =	vld [tilespmem:s22+$0xFFFFFFE0];
	v6 =	vmax.f32 v6, $0.0e+00;
	[tilespmem:s17+$0x40] =	vst v2;
	v2 =	vmul.f32 v3, v38  }
0x59f: {  	v3 =	vsub.f32 v10, v37;
	v10 =	vld [tilespmem:s22+$0xFFFFFFF0];
	v0 =	vmax.f32 v0, $0.0e+00;
	v6 =	vmul.f32 v6, v38;
	[tilespmem:s17+$0x50] =	vst v1  }
0x5a0: {  	v1 =	vmax.f32 v5, $0.0e+00;
	v5 =	vsub.f32 v9, v37;
	v9 =	vld [tilespmem:s22+$0x0];
	v0 =	vmul.f32 v0, v38;
	[tilespmem:s17+$0x60] =	vst v2  }
0x5a1: {  	v1 =	vmul.f32 v1, v38;
	v2 =	vmax.f32 v3, $0.0e+00;
	v3 =	vsub.f32 v7, v37;
	v11 =	vld [tilespmem:s22+$0x10];
	[tilespmem:s17+$0xFFFFFF80] =	vst v6;
	s17 =	smov.u32 s22  }
0x5a2: {  	v2 =	vmul.f32 v2, v38;
	v5 =	vmax.f32 v5, $0.0e+00;
	v4 =	vsub.f32 v4, v37;
	v12 =	vld [tilespmem:s22+$0x20];
	[tilespmem:s22+$0x70] =	vst v0  }
.Ltmp14:
0x5a3: {  	[tilespmem:s22+$0xFFFFFF90] =	vst v1;
	v0 =	vmul.f32 v5, v38;
	v3 =	vmax.f32 v3, $0.0e+00;
	v5 =	vsub.f32 v8, v37;
	v1 =	vld [tilespmem:s22+$0x30];
	(pc) =	sbr.rel @p0 .LBB2_31-.Ltmp14, $4  }
0x5a4: {  	[tilespmem:s22+$0xFFFFFFA0] =	vst v2;
	v3 =	vmul.f32 v3, v38;
	v4 =	vmax.f32 v4, $0.0e+00;
	v6 =	vsub.f32 v10, v37;
	v2 =	vld [tilespmem:s22+$0x40]  }
0x5a5: {  	[tilespmem:s22+$0xFFFFFFB0] =	vst v0;
	v0 =	vmul.f32 v4, v38;
	v5 =	vmax.f32 v5, $0.0e+00;
	v10 =	vsub.f32 v9, v37;
	v4 =	vld [tilespmem:s22+$0x50]  }
0x5a6: {  	[tilespmem:s22+$0xFFFFFFC0] =	vst v3;
	v7 =	vmul.f32 v5, v38;
	v3 =	vmax.f32 v6, $0.0e+00;
	v8 =	vsub.f32 v11, v37;
	v5 =	vld [tilespmem:s22+$0x60]  }
0x5a7: {  	s22 =	sadd.s32 $0x100, s22;
	v6 =	vld [tilespmem:s17+$0xFFFFFF80];
	[tilespmem:s17+$0xFFFFFFD0] =	vst v0;
	v9 =	vmul.f32 v3, v38;
	v11 =	vmax.f32 v10, $0.0e+00;
	v10 =	vsub.f32 v12, v37  }
0x5a8: {  	[tilespmem:s17+$0xFFFFFFE0] =	vst v7;
	v0 =	vmul.f32 v11, v38;
	v3 =	vmax.f32 v8, $0.0e+00;
	v1 =	vsub.f32 v1, v37  }
0x5a9: {  	[tilespmem:s17+$0xFFFFFFF0] =	vst v9;
	v3 =	vmul.f32 v3, v38;
	v59 =	vmax.f32 v10, $0.0e+00;
	v2 =	vsub.f32 v2, v37  }
0x5aa: {  	[tilespmem:s17+$0x0] =	vst v0;
	v0 =	vmul.f32 v59, v38;
	v1 =	vmax.f32 v1, $0.0e+00;
	v4 =	vsub.f32 v4, v37  }
0x5ab: {  	[tilespmem:s17+$0x10] =	vst v3;
	v1 =	vmul.f32 v1, v38;
	v2 =	vmax.f32 v2, $0.0e+00;
	v3 =	vsub.f32 v5, v37  }
0x5ac: {  	v63 =	vsub.f32 v6, v37;
	[tilespmem:s17+$0x20] =	vst v0;
	v0 =	vmul.f32 v2, v38;
	v2 =	vmax.f32 v4, $0.0e+00  }
0x5ad: {  	[tilespmem:s17+$0x30] =	vst v1;
	v1 =	vmul.f32 v2, v38;
	v2 =	vmax.f32 v3, $0.0e+00  }
0x5ae: {  	v3 =	vmax.f32 v63, $0.0e+00;
	[tilespmem:s17+$0x40] =	vst v0;
	v0 =	vmul.f32 v2, v38  }
0x5af: {  	v2 =	vmul.f32 v3, v38;
	[tilespmem:s17+$0x50] =	vst v1  }
0x5b0: {  	[tilespmem:s17+$0x60] =	vst v0  }
0x5b1: {  	p0 =	slt.u32 s19, $0x3;
	[tilespmem:s17+$0xFFFFFF80] =	vst v2  }
.Ltmp15:
0x5b2: {  	v38 =	vld [tilespmem:$0x1FF60];
	(pc) =	sbr.rel @p0 .LBB2_2-.Ltmp15, $4  }
0x5b3: {  	v54 =	vld [tilespmem:$0x1FF80]  }
0x5b4: {  	s20 =	sadd.s32 s3, s20;
	v57 =	vld [tilespmem:$0x1FFA0]  }
0x5b5: {  	s15 =	sadd.s32 $0x3, s15;
	s31 =	sadd.s32 s18, s20;
	s18 =	smov.u32 s19;
	v58 =	vld [tilespmem:$0x1FFB0]  }
0x5b6: {  	v0 =	vimm.s32 $0x0;
	[hbm4b:s31+s8] =	stream.strided.scatter [tilespmem:s16], [sflag:s15], $0x8000, s9, s8, $0x38;
	v59 =	vld [tilespmem:$0x1FFC0]  }
0x5b7: {  	s14 =	sadd.s32 $0x1, s14  }
0x5b8: {  	p0 =	sne.s32 s14, s7  }
.Ltmp16:
0x5b9: {  	_ = 	snop;
	(pc) =	sbr.rel @p0 .LBB2_1-.Ltmp16, $4  }
0x5ba: {  	_ = 	snop  }
0x5bb: {  	_ =	swait.ge [sflag:s13], $0x8000  }
0x5bc: {  	[sflag:s13] =	ssyncset.done $0x0  }
0x5bd: {  	[sflag:s13] =	ssyncadd.s32 $0xFFFF8000  }
0x5be: {  	_ =	sfence.sel $0x180000  }
0x5bf: {  	[bflag:$0x0] =	sbarrier.arrive $0xFFFF  }
0x5c0: {  	p0 =	sne.s32 s0, $0x0;
	_ =	strace $0x90000047  }
0x5c1: {  	s0 =	sadd.s32 @!p0 $0x100000, s2;
	[bflag:$0x2] =	sbarrier.arrive $0xFFFF  }
0x5c2: {  	[sflag:s0] =	ssyncadd.tile.s32 @!p0 $0x1;
	_ =	shalt  }
.Lfunc_end2:
_tile_overlayer_lowered:
.L_overlay_start_2:
0x5c3: {  	(tag) =	ssettag $0x2  }
0x5c4: {  	s0 =	rddreg [dreg:$0x0];
	s2 =	stileid.u32  }
0x5c5: {  	s1 =	rddreg [dreg:$0x1];
	p0 =	sne.s32 s2, $0x0  }
0x5c6: {  	s3 =	rddreg [dreg:$0x2];
	[bflag:$0x3] =	sbarrier.arrive $0xFFFF;
	s2 =	simm.s32 @!p0 $0x1C05  }
0x5c7: {  	[timem:s3], [sflag:s2] =	dma.local @!p0 [hbm:s0], s1  }
0x5c8: {  	s0 =	simm.s32 @!p0 $0x5  }
0x5c9: {  	_ =	swait.ge @!p0 [sflag:s0], s1  }
0x5ca: {  	s1 =	ssub.s32 @!p0 $0x0, s1;
	[sflag:s0] =	ssyncset.done @!p0 $0x0  }
0x5cb: {  	[sflag:s0] =	ssyncadd.s32 @!p0 s1  }
0x5cc: {  	[bflag:$0x3] =	sbarrier.arrive $0xFFFF  }
0x5cd: {  	_ =	shalt  }

</sc_bundles>
